<compile_context>
chip_gen: v7x
topology: tpu7x:2x2x1
jax: 0.10.2.dev20260603
libtpu: 0.0.44.dev20260713+nightly
codegen_flags: <defaults>
</compile_context>

<pallas_src>
import functools

import jax
import jax.numpy as jnp
from jax import lax
from jax.experimental import pallas as pl
from jax.experimental.pallas import tpu as pltpu
from jax.experimental.pallas import tpu_sc as plsc

N = 10000
E = 320000
D = 128
DH = D // 2
NC = 2
NS = 16
NW1 = NC * NS
EPW1 = E // NW1
EPW2 = E // NS
CH = 80
NCH1 = EPW1 // CH
NCH2 = EPW2 // CH
ZB = 80
NZCH = N // ZB
NZIT = -(-NZCH // NS)
NA = 1024
APW = NA // (NC * NS)

_f32 = jnp.float32


def _mesh():
    return plsc.VectorSubcoreMesh(core_axis_name="c", subcore_axis_name="s")



def _alpha_body(xl_h, xr_h, src_h, dst_h, att_h, wexp_h, den_h,
                idx_s, idx_d, rows_l, rows_r, wden, att_v, zb_d,
                acc_d, sem_l, sem_r):
    cid = lax.axis_index("c")
    sid = lax.axis_index("s")
    wid = sid * NC + cid

    z16 = jnp.zeros((16,), _f32)

    def _zrow(r, c):
        zb_d[r, :] = z16
        return c
    lax.fori_loop(0, ZB, _zrow, 0)

    def _zcp(j, c):
        cj = sid + NS * j

        @pl.when(cj < NZCH)
        def _():
            pltpu.sync_copy(zb_d, acc_d.at[pl.ds(cj * ZB, ZB)])
        return c
    lax.fori_loop(0, NZIT, _zcp, 0)

    pltpu.sync_copy(att_h, att_v)
    pltpu.sync_copy(src_h.at[wid], idx_s)
    pltpu.sync_copy(dst_h.at[wid], idx_d)
    plsc.subcore_barrier()

    att_k = [att_v[pl.ds(16 * k, 16)] for k in range(8)]

    perms = [jnp.bitwise_xor(lax.iota(jnp.int32, 16), s) for s in (8, 4, 2, 1)]
    gd = lax.GatherDimensionNumbers(
        offset_dims=(), collapsed_slice_dims=(0,), start_index_map=(0,))

    def _lane_sum(v):
        for p in perms:
            v = v + lax.gather(v, p[:, None], gd, (1,),
                               mode=lax.GatherScatterMode.PROMISE_IN_BOUNDS)
        return v

    def _chunk(j, c):
        gl = pltpu.async_copy(xl_h.at[idx_s.at[j]], rows_l, sem_l)
        gr = pltpu.async_copy(xr_h.at[idx_d.at[j]], rows_r, sem_r)
        gl.wait()
        gr.wait()

        def _edge(i, cc):
            acc = None
            for k in range(8):
                e = rows_l[i, pl.ds(16 * k, 16)] + rows_r[i, pl.ds(16 * k, 16)]
                e = jnp.where(e > 0, e, 0.2 * e)
                t = e * att_k[k]
                acc = t if acc is None else acc + t
            wden[i, :] = jnp.exp(_lane_sum(acc))
            return cc
        lax.fori_loop(0, CH, _edge, 0)

        pltpu.sync_copy(wden, wexp_h.at[pl.ds(wid * EPW1 + j * CH, CH)])
        pltpu.sync_copy(wden, acc_d.at[idx_d.at[j]], add=True)
        return c
    lax.fori_loop(0, NCH1, _chunk, 0)

    plsc.subcore_barrier()

    def _flush(j, c):
        cj = sid + NS * j

        @pl.when(cj < NZCH)
        def _():
            pltpu.sync_copy(acc_d.at[pl.ds(cj * ZB, ZB)],
                            den_h.at[cid, pl.ds(cj * ZB, ZB)])
        return c
    lax.fori_loop(0, NZIT, _flush, 0)


def _sc_alpha(xl, xr, src3d, dst3d, att):
    fn = functools.partial(
        pl.kernel, mesh=_mesh(),
        compiler_params=pltpu.CompilerParams(use_tc_tiling_on_sc=False),
        out_type=[jax.ShapeDtypeStruct((E, 16), _f32),
                  jax.ShapeDtypeStruct((NC, N, 16), _f32)],
        scratch_types=[
            pltpu.VMEM((NCH1, CH), jnp.int32),
            pltpu.VMEM((NCH1, CH), jnp.int32),
            pltpu.VMEM((CH, D), _f32),
            pltpu.VMEM((CH, D), _f32),
            pltpu.VMEM((CH, 16), _f32),
            pltpu.VMEM((D,), _f32),
            pltpu.VMEM((ZB, 16), _f32),
            pltpu.VMEM_SHARED((N, 16), _f32),
            pltpu.SemaphoreType.DMA,
            pltpu.SemaphoreType.DMA,
        ],
    )(_alpha_body)
    return fn(xl, xr, src3d, dst3d, att)



def _scat_body(xh_h, wexp_h, src_h, dst_h, numh_h,
               idx_s, idx_d, rows_h, wbuf, wnum, zb_n,
               acc_h, sem_g):
    cid = lax.axis_index("c")
    sid = lax.axis_index("s")

    z16 = jnp.zeros((16,), _f32)

    def _zrow(r, c):
        for k in range(DH // 16):
            zb_n[r, pl.ds(16 * k, 16)] = z16
        return c
    lax.fori_loop(0, ZB, _zrow, 0)

    def _zcp(j, c):
        cj = sid + NS * j

        @pl.when(cj < NZCH)
        def _():
            pltpu.sync_copy(zb_n, acc_h.at[pl.ds(cj * ZB, ZB)])
        return c
    lax.fori_loop(0, NZIT, _zcp, 0)

    pltpu.sync_copy(src_h.at[sid], idx_s)
    pltpu.sync_copy(dst_h.at[sid], idx_d)
    plsc.subcore_barrier()

    xh = xh_h.at[cid]

    def _chunk(j, c):
        g = pltpu.async_copy(xh.at[idx_s.at[j]], rows_h, sem_g)
        pltpu.sync_copy(wexp_h.at[pl.ds(sid * EPW2 + j * CH, CH)], wbuf)
        g.wait()

        def _edge(i, cc):
            w = wbuf[i, :]
            for k in range(DH // 16):
                wnum[i, pl.ds(16 * k, 16)] = w * rows_h[i, pl.ds(16 * k, 16)]
            return cc
        lax.fori_loop(0, CH, _edge, 0)

        pltpu.sync_copy(wnum, acc_h.at[idx_d.at[j]], add=True)
        return c
    lax.fori_loop(0, NCH2, _chunk, 0)

    plsc.subcore_barrier()

    def _flush(j, c):
        cj = sid + NS * j

        @pl.when(cj < NZCH)
        def _():
            pltpu.sync_copy(acc_h.at[pl.ds(cj * ZB, ZB)],
                            numh_h.at[cid, pl.ds(cj * ZB, ZB)])
        return c
    lax.fori_loop(0, NZIT, _flush, 0)


def _sc_scatter(xh, wexp, src3d, dst3d):
    fn = functools.partial(
        pl.kernel, mesh=_mesh(),
        compiler_params=pltpu.CompilerParams(use_tc_tiling_on_sc=False),
        out_type=jax.ShapeDtypeStruct((NC, N, DH), _f32),
        scratch_types=[
            pltpu.VMEM((NCH2, CH), jnp.int32),
            pltpu.VMEM((NCH2, CH), jnp.int32),
            pltpu.VMEM((CH, DH), _f32),
            pltpu.VMEM((CH, 16), _f32),
            pltpu.VMEM((CH, DH), _f32),
            pltpu.VMEM((ZB, DH), _f32),
            pltpu.VMEM_SHARED((N, DH), _f32),
            pltpu.SemaphoreType.DMA,
        ],
    )(_scat_body)
    return fn(xh, wexp, src3d, dst3d)


def _gat_edge_pass(xl, xlh, xr, src3d_1, dst3d_1, src3d_2, dst3d_2, att):
    wexp, den = _sc_alpha(xl, xr, src3d_1, dst3d_1, att)
    numh = _sc_scatter(xlh, wexp, src3d_2, dst3d_2)
    return numh, den



def _gather_body(h3, tt, ci, pi, ti, hc, hp, te,
                 i1, i2, i3, r1, r2, r3, s1, s2, s3):
    cid = lax.axis_index("c")
    sid = lax.axis_index("s")
    b = (sid * NC + cid) * APW
    pltpu.sync_copy(ci.at[pl.ds(b, APW)], i1)
    pltpu.sync_copy(pi.at[pl.ds(b, APW)], i2)
    pltpu.sync_copy(ti.at[pl.ds(b, APW)], i3)
    c1 = pltpu.async_copy(h3.at[i1], r1, s1)
    c2 = pltpu.async_copy(h3.at[i2], r2, s2)
    c3 = pltpu.async_copy(tt.at[i3], r3, s3)
    c1.wait()
    c2.wait()
    c3.wait()
    pltpu.sync_copy(r1, hc.at[pl.ds(b, APW)])
    pltpu.sync_copy(r2, hp.at[pl.ds(b, APW)])
    pltpu.sync_copy(r3, te.at[pl.ds(b, APW)])


def _sc_gather(h3, tt, ci, pi, ti):
    fn = functools.partial(
        pl.kernel, mesh=_mesh(),
        compiler_params=pltpu.CompilerParams(use_tc_tiling_on_sc=False),
        out_type=[jax.ShapeDtypeStruct((NA, D), _f32)] * 3,
        scratch_types=[
            pltpu.VMEM((APW,), jnp.int32),
            pltpu.VMEM((APW,), jnp.int32),
            pltpu.VMEM((APW,), jnp.int32),
            pltpu.VMEM((APW, D), _f32),
            pltpu.VMEM((APW, D), _f32),
            pltpu.VMEM((APW, D), _f32),
            pltpu.SemaphoreType.DMA,
            pltpu.SemaphoreType.DMA,
            pltpu.SemaphoreType.DMA,
        ],
    )(_gather_body)
    return fn(h3, tt, ci, pi, ti)



TB = 1000


def _split_halves(x_block):
    return x_block[:, :DH], x_block[:, DH:]


def _tc1_body(x_ref, wet, bet, wlt, blt, wrt, brt,
              h_ref, xl_ref, xlh_ref, xr_ref):
    h = jnp.dot(x_ref[...], wet[...], preferred_element_type=_f32) + bet[...]
    h_ref[...] = h
    xl = jnp.dot(h, wlt[...], preferred_element_type=_f32) + blt[...]
    xl_ref[...] = xl
    a, b = _split_halves(xl)
    xlh_ref[0] = a
    xlh_ref[1] = b
    xr_ref[...] = jnp.dot(h, wrt[...], preferred_element_type=_f32) + brt[...]


def _tc1(x, wet, bet, wlt, blt, wrt, brt):
    row = pl.BlockSpec((TB, D), lambda i: (i, 0))
    half = pl.BlockSpec((NC, TB, DH), lambda i: (0, i, 0))
    mat = pl.BlockSpec((D, D), lambda i: (0, 0))
    vec = pl.BlockSpec((1, D), lambda i: (0, 0))
    return pl.pallas_call(
        _tc1_body,
        grid=(N // TB,),
        in_specs=[row, mat, vec, mat, vec, mat, vec],
        out_specs=[row, row, half, row],
        out_shape=[jax.ShapeDtypeStruct((N, D), _f32),
                   jax.ShapeDtypeStruct((N, D), _f32),
                   jax.ShapeDtypeStruct((NC, N, DH), _f32),
                   jax.ShapeDtypeStruct((N, D), _f32)],
    )(x, wet, bet, wlt, blt, wrt, brt)


def _gat_out(numh_ref, den_ref, bias_ref):
    num = jnp.concatenate([numh_ref[0], numh_ref[1]], axis=-1)
    den = den_ref[0] + den_ref[1]
    return num / (den[:, 0:1] + 1e-16) + bias_ref[...]


def _tc2_body(numh_ref, den_ref, h_ref, bias_ref, wlt, blt, wrt, brt,
              h2_ref, xl_ref, xlh_ref, xr_ref):
    g = _gat_out(numh_ref, den_ref, bias_ref)
    h2 = h_ref[...] + jnp.maximum(g, 0.0)
    h2_ref[...] = h2
    xl = jnp.dot(h2, wlt[...], preferred_element_type=_f32) + blt[...]
    xl_ref[...] = xl
    a, b = _split_halves(xl)
    xlh_ref[0] = a
    xlh_ref[1] = b
    xr_ref[...] = jnp.dot(h2, wrt[...], preferred_element_type=_f32) + brt[...]


def _tc2(numh, den, h, bias, wlt, blt, wrt, brt):
    row = pl.BlockSpec((TB, D), lambda i: (i, 0))
    half = pl.BlockSpec((NC, TB, DH), lambda i: (0, i, 0))
    dspec = pl.BlockSpec((NC, TB, 16), lambda i: (0, i, 0))
    mat = pl.BlockSpec((D, D), lambda i: (0, 0))
    vec = pl.BlockSpec((1, D), lambda i: (0, 0))
    return pl.pallas_call(
        _tc2_body,
        grid=(N // TB,),
        in_specs=[half, dspec, row, vec, mat, vec, mat, vec],
        out_specs=[row, row, half, row],
        out_shape=[jax.ShapeDtypeStruct((N, D), _f32),
                   jax.ShapeDtypeStruct((N, D), _f32),
                   jax.ShapeDtypeStruct((NC, N, DH), _f32),
                   jax.ShapeDtypeStruct((N, D), _f32)],
    )(numh, den, h, bias, wlt, blt, wrt, brt)


def _tc3_body(numh_ref, den_ref, h_ref, bias_ref, h3_ref):
    g = _gat_out(numh_ref, den_ref, bias_ref)
    h3_ref[...] = h_ref[...] + jnp.maximum(g, 0.0)


def _tc3(numh, den, h, bias):
    row = pl.BlockSpec((TB, D), lambda i: (i, 0))
    half = pl.BlockSpec((NC, TB, DH), lambda i: (0, i, 0))
    dspec = pl.BlockSpec((NC, TB, 16), lambda i: (0, i, 0))
    vec = pl.BlockSpec((1, D), lambda i: (0, 0))
    return pl.pallas_call(
        _tc3_body,
        grid=(N // TB,),
        in_specs=[half, dspec, row, vec],
        out_specs=row,
        out_shape=jax.ShapeDtypeStruct((N, D), _f32),
    )(numh, den, h, bias)


def _tc4_body(hc_ref, hp_ref, te_ref, focal_ref, wseqt, bseq,
              wcc, wcp, bc, w1a, w1b, w1c, b1, w2, b2, out_ref):
    ctx = jnp.dot(focal_ref[...], wseqt[...], preferred_element_type=_f32) + bseq[...]
    branch = (jnp.dot(hc_ref[...], wcc[...], preferred_element_type=_f32)
              + jnp.dot(hp_ref[...], wcp[...], preferred_element_type=_f32)
              + bc[...])
    pre = (jnp.dot(branch, w1a[...], preferred_element_type=_f32)
           + jnp.dot(te_ref[...], w1b[...], preferred_element_type=_f32)
           + jnp.dot(ctx, w1c[...], preferred_element_type=_f32)
           + b1[...])
    hid = jnp.maximum(pre, 0.0)
    out_ref[...] = jnp.sum(hid * w2[...], axis=1, keepdims=True) + b2[...]


def _tc4(hc, hp, te, focal, wseqt, bseq, wcc, wcp, bc, w1a, w1b, w1c, b1, w2, b2):
    return pl.pallas_call(
        _tc4_body,
        out_shape=jax.ShapeDtypeStruct((NA, 1), _f32),
    )(hc, hp, te, focal, wseqt, bseq, wcc, wcp, bc, w1a, w1b, w1c, b1, w2, b2)



def kernel(x, edge_index, focal_seq, action_child, action_parent, action_time,
           W_embed, b_embed, Wl_bu, bl_bu, Wr_bu, br_bu, att_bu, bias_bu,
           Wl_td, bl_td, Wr_td, br_td, att_td, bias_td, time_table,
           W_comb, b_comb, W_mlp1, b_mlp1, W_mlp2, b_mlp2, W_seq, b_seq):
    ei = edge_index.astype(jnp.int32)
    e0_1 = ei[0].reshape(NW1, NCH1, CH)
    e1_1 = ei[1].reshape(NW1, NCH1, CH)
    e0_2 = ei[0].reshape(NS, NCH2, CH)
    e1_2 = ei[1].reshape(NS, NCH2, CH)

    h, xl1, xl1h, xr1 = _tc1(x, W_embed.T, b_embed.reshape(1, D),
                             Wl_bu.T, bl_bu.reshape(1, D),
                             Wr_bu.T, br_bu.reshape(1, D))
    numh1, den1 = _gat_edge_pass(xl1, xl1h, xr1, e1_1, e0_1, e1_2, e0_2, att_bu)
    h2, xl2, xl2h, xr2 = _tc2(numh1, den1, h, bias_bu.reshape(1, D),
                              Wl_td.T, bl_td.reshape(1, D),
                              Wr_td.T, br_td.reshape(1, D))
    numh2, den2 = _gat_edge_pass(xl2, xl2h, xr2, e0_1, e1_1, e0_2, e1_2, att_td)
    h3 = _tc3(numh2, den2, h2, bias_td.reshape(1, D))

    ci = action_child.astype(jnp.int32)
    pi = jnp.clip(action_parent, 0).astype(jnp.int32)
    ti = action_time.astype(jnp.int32)
    hc, hp, te = _sc_gather(h3, time_table, ci, pi, ti)

    logits = _tc4(hc, hp, te, focal_seq,
                  W_seq.T, b_seq.reshape(1, D),
                  W_comb[:, :D].T, W_comb[:, D:].T, b_comb.reshape(1, D),
                  W_mlp1[:, :D].T, W_mlp1[:, D:2 * D].T, W_mlp1[:, 2 * D:].T,
                  b_mlp1.reshape(1, D), W_mlp2, b_mlp2.reshape(1, 1))
    return logits

# --- scband reference (transcript-rebuilt; emitter-appended) ---
"""Pipeline reference for scband-tree-mpnn-57715770523748 (READ-ONLY COPY).

The authoritative reference and input builder live on the scoring server;
editing this copy changes nothing except your own understanding.
"""

import jax, jax.numpy as jnp
import numpy as np

N_NODES = 10000
N_EDGES = 320000
D_NODE = 128
HIDDEN = 128
NUM_TIME = 64
N_ACTIONS = 1024

def _lin(k, out_d, in_d):
    k1, k2 = jax.random.split(k)
    s = 1.0 / np.sqrt(in_d)
    W = jax.random.uniform(k1, (out_d, in_d), minval=-s, maxval=s, dtype=jnp.float32)
    b = jax.random.uniform(k2, (out_d,), minval=-s, maxval=s, dtype=jnp.float32)
    return W, b

def setup_inputs(seed: int = 0):
    key = jax.random.key(seed)
    ks = jax.random.split(key, 24)
    inp = {}
    inp['x'] = jax.random.normal(ks[0], (N_NODES, D_NODE), dtype=jnp.float32)
    inp['edge_index'] = jax.random.randint(ks[1], (2, N_EDGES), 0, N_NODES)
    inp['focal_seq'] = jax.random.normal(ks[2], (1, D_NODE), dtype=jnp.float32)
    inp['action_child'] = jax.random.randint(ks[3], (N_ACTIONS,), 0, N_NODES)
    inp['action_parent'] = jax.random.randint(ks[4], (N_ACTIONS,), 0, N_NODES)
    inp['action_time'] = jax.random.randint(ks[5], (N_ACTIONS,), 0, NUM_TIME)
    inp['W_embed'], inp['b_embed'] = _lin(ks[6], HIDDEN, D_NODE)
    inp['Wl_bu'], inp['bl_bu'] = _lin(ks[7], HIDDEN, HIDDEN)
    inp['Wr_bu'], inp['br_bu'] = _lin(ks[8], HIDDEN, HIDDEN)
    inp['att_bu'] = jax.random.normal(ks[9], (HIDDEN,), dtype=jnp.float32) * 0.1
    inp['bias_bu'] = jnp.zeros((HIDDEN,), dtype=jnp.float32)
    inp['Wl_td'], inp['bl_td'] = _lin(ks[10], HIDDEN, HIDDEN)
    inp['Wr_td'], inp['br_td'] = _lin(ks[11], HIDDEN, HIDDEN)
    inp['att_td'] = jax.random.normal(ks[12], (HIDDEN,), dtype=jnp.float32) * 0.1
    inp['bias_td'] = jnp.zeros((HIDDEN,), dtype=jnp.float32)
    inp['time_table'] = jax.random.normal(ks[13], (NUM_TIME, HIDDEN), dtype=jnp.float32) * 0.1
    inp['W_comb'], inp['b_comb'] = _lin(ks[14], HIDDEN, 2 * HIDDEN)
    inp['W_mlp1'], inp['b_mlp1'] = _lin(ks[15], HIDDEN, 3 * HIDDEN)
    inp['W_mlp2'], inp['b_mlp2'] = _lin(ks[16], 1, HIDDEN)
    inp['W_seq'], inp['b_seq'] = _lin(ks[17], HIDDEN, D_NODE)
    return inp

def _gatv2(h, src, dst, Wl, bl, Wr, br, att, bias, n):
    # GATv2Conv(heads=1, add_self_loops=False, negative_slope=0.2)
    xl = h @ Wl.T + bl
    xr = h @ Wr.T + br
    e = xl[src] + xr[dst]
    e = jnp.where(e > 0, e, 0.2 * e)
    alpha = jnp.sum(e * att, axis=-1)
    m = jax.lax.stop_gradient(jax.ops.segment_max(alpha, dst, num_segments=n))
    a = jnp.exp(alpha - m[dst])
    denom = jax.ops.segment_sum(a, dst, num_segments=n)
    a = a / (denom[dst] + 1e-16)
    out = jax.ops.segment_sum(a[:, None] * xl[src], dst, num_segments=n)
    return out + bias

def reference(x, edge_index, focal_seq, action_child, action_parent, action_time, W_embed, b_embed, Wl_bu, bl_bu, Wr_bu, br_bu, att_bu, bias_bu, Wl_td, bl_td, Wr_td, br_td, att_td, bias_td, time_table, W_comb, b_comb, W_mlp1, b_mlp1, W_mlp2, b_mlp2, W_seq, b_seq):
    n = x.shape[0]
    src_td, dst_td = edge_index[0], edge_index[1]
    h = x @ W_embed.T + b_embed
    # bottom-up: edge_index.flip([0])
    h_bu = _gatv2(h, dst_td, src_td, Wl_bu, bl_bu, Wr_bu, br_bu, att_bu, bias_bu, n)
    h = h + jax.nn.relu(h_bu)
    h_td = _gatv2(h, src_td, dst_td, Wl_td, bl_td, Wr_td, br_td, att_td, bias_td, n)
    h = h + jax.nn.relu(h_td)
    context = focal_seq @ W_seq.T + b_seq
    h_child = h[action_child]
    h_parent = jnp.where((action_parent == -1)[:, None], 0.0, h[jnp.clip(action_parent, 0)])
    branch = jnp.concatenate([h_child, h_parent], axis=-1) @ W_comb.T + b_comb
    t_emb = time_table[action_time]
    ctx = jnp.broadcast_to(context[0], t_emb.shape)
    combined = jnp.concatenate([branch, t_emb, ctx], axis=-1)
    hid = jax.nn.relu(combined @ W_mlp1.T + b_mlp1)
    logits = hid @ W_mlp2.T + b_mlp2
    return logits

if __name__ == "__main__":
    import jax
    _d = setup_inputs()
    print(jax.jit(kernel)(*tuple(_d.values())))

</pallas_src>

<mosaic_0001>
#map = affine_map<(d0, d1) -> (0, 0, 0)>
#map1 = affine_map<(d0, d1) -> (0, 0)>
module attributes {stable_mosaic.version = 14 : i64} {
  func.func @_scat_body(%arg0: i32, %arg1: i32, %arg2: memref<2x10000x64xf32, #tpu.memory_space<hbm>>, %arg3: memref<320000x16xf32, #tpu.memory_space<hbm>>, %arg4: memref<16x250x80xi32, #tpu.memory_space<hbm>>, %arg5: memref<16x250x80xi32, #tpu.memory_space<hbm>>, %arg6: memref<2x10000x64xf32, #tpu.memory_space<hbm>>, %arg7: memref<250x80xi32, #tpu.memory_space<vmem>>, %arg8: memref<250x80xi32, #tpu.memory_space<vmem>>, %arg9: memref<80x64xf32, #tpu.memory_space<vmem>>, %arg10: memref<80x16xf32, #tpu.memory_space<vmem>>, %arg11: memref<80x64xf32, #tpu.memory_space<vmem>>, %arg12: memref<80x64xf32, #tpu.memory_space<vmem>>, %arg13: memref<10000x64xf32, #tpu.memory_space<vmem_shared>>, %arg14: memref<!tpu.dma_semaphore, #tpu.memory_space<semaphore_mem>>) attributes {dimension_semantics = [#tpu.dimension_semantics<core_parallel>, #tpu.dimension_semantics<subcore_parallel>], iteration_bounds = array<i64: 2, 16>, scalar_prefetch = 0 : i64, scratch_operands = 8 : i64, tpu.core_type = #tpu.core_type<sc_vector_subcore>, window_params = [{transform_indices = #map}, {transform_indices = #map1}, {transform_indices = #map}, {transform_indices = #map}, {transform_indices = #map}]} {
    %broadcast_in_dim3A = arith.constant 0.000000e+00 : f32
    %broadcast_in_dim3A_0 = vector.broadcast %broadcast_in_dim3A : f32 to vector<16xf32>
    %scan3A = arith.constant 0 : i32
    %scan3A_1 = arith.constant 0 : i32
    %scan3A_2 = arith.constant 80 : i32
    %scan3A_3 = arith.addi %scan3A_1, %scan3A_2 : i32
    %scan3A_4 = arith.constant 1 : i32
    scf.for %scan3A_25 = %scan3A_1 to %scan3A_3 step %scan3A_4  : i32 {
      %swap3A = arith.index_cast %scan3A_25 : i32 to index
      %swap3A_26 = arith.constant 0 : index
      %swap3A_27 = tpu.vector_load %arg12[%swap3A, %swap3A_26] {strides = array<i32>} : memref<80x64xf32, #tpu.memory_space<vmem>>, vector<1x16xf32>,
      %swap3A_28 = vector.shape_cast %swap3A_27 : vector<1x16xf32> to vector<16xf32>
      %swap3A_29 = vector.shape_cast %broadcast_in_dim3A_0 : vector<16xf32> to vector<1x16xf32>
      tpu.vector_store %arg12[%swap3A, %swap3A_26], %swap3A_29 {strides = array<i32>} : memref<80x64xf32, #tpu.memory_space<vmem>>, vector<1x16xf32>,
      %swap3A_30 = arith.index_cast %scan3A_25 : i32 to index
      %swap3A_31 = arith.constant 16 : index
      %swap3A_32 = tpu.vector_load %arg12[%swap3A_30, %swap3A_31] {strides = array<i32>} : memref<80x64xf32, #tpu.memory_space<vmem>>, vector<1x16xf32>,
      %swap3A_33 = vector.shape_cast %swap3A_32 : vector<1x16xf32> to vector<16xf32>
      %swap3A_34 = vector.shape_cast %broadcast_in_dim3A_0 : vector<16xf32> to vector<1x16xf32>
      tpu.vector_store %arg12[%swap3A_30, %swap3A_31], %swap3A_34 {strides = array<i32>} : memref<80x64xf32, #tpu.memory_space<vmem>>, vector<1x16xf32>,
      %swap3A_35 = arith.index_cast %scan3A_25 : i32 to index
      %swap3A_36 = arith.constant 32 : index
      %swap3A_37 = tpu.vector_load %arg12[%swap3A_35, %swap3A_36] {strides = array<i32>} : memref<80x64xf32, #tpu.memory_space<vmem>>, vector<1x16xf32>,
      %swap3A_38 = vector.shape_cast %swap3A_37 : vector<1x16xf32> to vector<16xf32>
      %swap3A_39 = vector.shape_cast %broadcast_in_dim3A_0 : vector<16xf32> to vector<1x16xf32>
      tpu.vector_store %arg12[%swap3A_35, %swap3A_36], %swap3A_39 {strides = array<i32>} : memref<80x64xf32, #tpu.memory_space<vmem>>, vector<1x16xf32>,
      %swap3A_40 = arith.index_cast %scan3A_25 : i32 to index
      %swap3A_41 = arith.constant 48 : index
      %swap3A_42 = tpu.vector_load %arg12[%swap3A_40, %swap3A_41] {strides = array<i32>} : memref<80x64xf32, #tpu.memory_space<vmem>>, vector<1x16xf32>,
      %swap3A_43 = vector.shape_cast %swap3A_42 : vector<1x16xf32> to vector<16xf32>
      %swap3A_44 = vector.shape_cast %broadcast_in_dim3A_0 : vector<16xf32> to vector<1x16xf32>
      tpu.vector_store %arg12[%swap3A_40, %swap3A_41], %swap3A_44 {strides = array<i32>} : memref<80x64xf32, #tpu.memory_space<vmem>>, vector<1x16xf32>,
    }
    %scan3A_5 = arith.constant 80 : i32
    %scan3A_6 = arith.constant 0 : i32
    %scan3A_7 = arith.constant 0 : i32
    %scan3A_8 = arith.constant 8 : i32
    %scan3A_9 = arith.addi %scan3A_7, %scan3A_8 : i32
    %scan3A_10 = arith.constant 1 : i32
    scf.for %scan3A_25 = %scan3A_7 to %scan3A_9 step %scan3A_10  : i32 {
      %mul3A = arith.constant 16 : i32
      %mul3A_26 = arith.muli %mul3A, %scan3A_25 : i32
      %add3A = arith.addi %arg1, %mul3A_26 : i32
      %lt3A = arith.constant 125 : i32
      %lt3A_27 = arith.cmpi slt, %add3A, %lt3A : i32
      %convert_element_type3A = arith.extui %lt3A_27 : i1 to i32
      %cond3A = arith.constant 0 : i32
      %cond3A_28 = arith.cmpi ne, %convert_element_type3A, %cond3A : i32
      scf.if %cond3A_28 {
        %mul3A_29 = arith.constant 80 : i32
        %mul3A_30 = arith.muli %add3A, %mul3A_29 : i32
        "tpu.region"() ({
          %run_scoped3A = tpu.sem_alloc : memref<!tpu.dma_semaphore, #tpu.memory_space<semaphore_mem>>
          %dma_start3A = arith.constant 0 : i32
          %dma_start3A_31 = tpu.memref_slice %arg13[%mul3A_30, %dma_start3A] : memref<10000x64xf32, #tpu.memory_space<vmem_shared>> -> memref<80x64xf32, #tpu.memory_space<vmem_shared>>
          %dma_start3A_32 = arith.constant 0 : i32
          %dma_start3A_33 = tpu.memref_slice %arg13[%mul3A_30, %dma_start3A_32] : memref<10000x64xf32, #tpu.memory_space<vmem_shared>> -> memref<80x64xf32, #tpu.memory_space<vmem_shared>>
          tpu.enqueue_dma source(%arg12 : memref<80x64xf32, #tpu.memory_space<vmem>>) target(%dma_start3A_33 : memref<80x64xf32, #tpu.memory_space<vmem_shared>>) target_semaphore(%run_scoped3A : memref<!tpu.dma_semaphore, #tpu.memory_space<semaphore_mem>>)
          %dma_wait3A = arith.constant 0 : i32
          %dma_wait3A_34 = tpu.memref_slice %arg13[%mul3A_30, %dma_wait3A] : memref<10000x64xf32, #tpu.memory_space<vmem_shared>> -> memref<80x64xf32, #tpu.memory_space<vmem_shared>>
          %dma_wait3A_35 = arith.constant 0 : i32
          %dma_wait3A_36 = tpu.memref_slice %arg13[%mul3A_30, %dma_wait3A_35] : memref<10000x64xf32, #tpu.memory_space<vmem_shared>> -> memref<80x64xf32, #tpu.memory_space<vmem_shared>>
          tpu.wait_dma2 semaphore(%run_scoped3A : memref<!tpu.dma_semaphore, #tpu.memory_space<semaphore_mem>>) src(%arg12 : memref<80x64xf32, #tpu.memory_space<vmem>>) dst(%dma_wait3A_36 : memref<80x64xf32, #tpu.memory_space<vmem_shared>>)
          tpu.yield
        }) : () -> ()
      } else {
      }
    }
    %scan3A_11 = arith.constant 8 : i32
    "tpu.region"() ({
      %run_scoped3A = tpu.sem_alloc : memref<!tpu.dma_semaphore, #tpu.memory_space<semaphore_mem>>
      %dma_start3A = arith.constant 0 : i32
      %dma_start3A_25 = arith.constant 0 : i32
      %dma_start3A_26 = tpu.memref_slice %arg4[%arg1, %dma_start3A, %dma_start3A_25] : memref<16x250x80xi32, #tpu.memory_space<hbm>> -> memref<1x250x80xi32, #tpu.memory_space<hbm>>
      %dma_start3A_27 = tpu.memref_squeeze %dma_start3A_26 : memref<1x250x80xi32, #tpu.memory_space<hbm>> -> memref<250x80xi32, #tpu.memory_space<hbm>>
      %dma_start3A_28 = arith.constant 0 : i32
      %dma_start3A_29 = arith.constant 0 : i32
      %dma_start3A_30 = tpu.memref_slice %arg4[%arg1, %dma_start3A_28, %dma_start3A_29] : memref<16x250x80xi32, #tpu.memory_space<hbm>> -> memref<1x250x80xi32, #tpu.memory_space<hbm>>
      %dma_start3A_31 = tpu.memref_squeeze %dma_start3A_30 : memref<1x250x80xi32, #tpu.memory_space<hbm>> -> memref<250x80xi32, #tpu.memory_space<hbm>>
      tpu.enqueue_dma source(%dma_start3A_31 : memref<250x80xi32, #tpu.memory_space<hbm>>) target(%arg7 : memref<250x80xi32, #tpu.memory_space<vmem>>) target_semaphore(%run_scoped3A : memref<!tpu.dma_semaphore, #tpu.memory_space<semaphore_mem>>)
      %dma_wait3A = arith.constant 0 : i32
      %dma_wait3A_32 = arith.constant 0 : i32
      %dma_wait3A_33 = tpu.memref_slice %arg4[%arg1, %dma_wait3A, %dma_wait3A_32] : memref<16x250x80xi32, #tpu.memory_space<hbm>> -> memref<1x250x80xi32, #tpu.memory_space<hbm>>
      %dma_wait3A_34 = tpu.memref_squeeze %dma_wait3A_33 : memref<1x250x80xi32, #tpu.memory_space<hbm>> -> memref<250x80xi32, #tpu.memory_space<hbm>>
      %dma_wait3A_35 = arith.constant 0 : i32
      %dma_wait3A_36 = arith.constant 0 : i32
      %dma_wait3A_37 = tpu.memref_slice %arg4[%arg1, %dma_wait3A_35, %dma_wait3A_36] : memref<16x250x80xi32, #tpu.memory_space<hbm>> -> memref<1x250x80xi32, #tpu.memory_space<hbm>>
      %dma_wait3A_38 = tpu.memref_squeeze %dma_wait3A_37 : memref<1x250x80xi32, #tpu.memory_space<hbm>> -> memref<250x80xi32, #tpu.memory_space<hbm>>
      tpu.wait_dma2 semaphore(%run_scoped3A : memref<!tpu.dma_semaphore, #tpu.memory_space<semaphore_mem>>) src(%dma_wait3A_38 : memref<250x80xi32, #tpu.memory_space<hbm>>) dst(%arg7 : memref<250x80xi32, #tpu.memory_space<vmem>>)
      tpu.yield
    }) : () -> ()
    "tpu.region"() ({
      %run_scoped3A = tpu.sem_alloc : memref<!tpu.dma_semaphore, #tpu.memory_space<semaphore_mem>>
      %dma_start3A = arith.constant 0 : i32
      %dma_start3A_25 = arith.constant 0 : i32
      %dma_start3A_26 = tpu.memref_slice %arg5[%arg1, %dma_start3A, %dma_start3A_25] : memref<16x250x80xi32, #tpu.memory_space<hbm>> -> memref<1x250x80xi32, #tpu.memory_space<hbm>>
      %dma_start3A_27 = tpu.memref_squeeze %dma_start3A_26 : memref<1x250x80xi32, #tpu.memory_space<hbm>> -> memref<250x80xi32, #tpu.memory_space<hbm>>
      %dma_start3A_28 = arith.constant 0 : i32
      %dma_start3A_29 = arith.constant 0 : i32
      %dma_start3A_30 = tpu.memref_slice %arg5[%arg1, %dma_start3A_28, %dma_start3A_29] : memref<16x250x80xi32, #tpu.memory_space<hbm>> -> memref<1x250x80xi32, #tpu.memory_space<hbm>>
      %dma_start3A_31 = tpu.memref_squeeze %dma_start3A_30 : memref<1x250x80xi32, #tpu.memory_space<hbm>> -> memref<250x80xi32, #tpu.memory_space<hbm>>
      tpu.enqueue_dma source(%dma_start3A_31 : memref<250x80xi32, #tpu.memory_space<hbm>>) target(%arg8 : memref<250x80xi32, #tpu.memory_space<vmem>>) target_semaphore(%run_scoped3A : memref<!tpu.dma_semaphore, #tpu.memory_space<semaphore_mem>>)
      %dma_wait3A = arith.constant 0 : i32
      %dma_wait3A_32 = arith.constant 0 : i32
      %dma_wait3A_33 = tpu.memref_slice %arg5[%arg1, %dma_wait3A, %dma_wait3A_32] : memref<16x250x80xi32, #tpu.memory_space<hbm>> -> memref<1x250x80xi32, #tpu.memory_space<hbm>>
      %dma_wait3A_34 = tpu.memref_squeeze %dma_wait3A_33 : memref<1x250x80xi32, #tpu.memory_space<hbm>> -> memref<250x80xi32, #tpu.memory_space<hbm>>
      %dma_wait3A_35 = arith.constant 0 : i32
      %dma_wait3A_36 = arith.constant 0 : i32
      %dma_wait3A_37 = tpu.memref_slice %arg5[%arg1, %dma_wait3A_35, %dma_wait3A_36] : memref<16x250x80xi32, #tpu.memory_space<hbm>> -> memref<1x250x80xi32, #tpu.memory_space<hbm>>
      %dma_wait3A_38 = tpu.memref_squeeze %dma_wait3A_37 : memref<1x250x80xi32, #tpu.memory_space<hbm>> -> memref<250x80xi32, #tpu.memory_space<hbm>>
      tpu.wait_dma2 semaphore(%run_scoped3A : memref<!tpu.dma_semaphore, #tpu.memory_space<semaphore_mem>>) src(%dma_wait3A_38 : memref<250x80xi32, #tpu.memory_space<hbm>>) dst(%arg8 : memref<250x80xi32, #tpu.memory_space<vmem>>)
      tpu.yield
    }) : () -> ()
    %barrier3A = arith.constant 0 : index
    tpu.barrier barrier_id(%barrier3A)
    %scan3A_12 = arith.constant 0 : i32
    %scan3A_13 = arith.constant 0 : i32
    %scan3A_14 = arith.constant 250 : i32
    %scan3A_15 = arith.addi %scan3A_13, %scan3A_14 : i32
    %scan3A_16 = arith.constant 1 : i32
    scf.for %scan3A_25 = %scan3A_13 to %scan3A_15 step %scan3A_16  : i32 {
      %dma_start3A = arith.constant 0 : i32
      %dma_start3A_26 = tpu.memref_slice %arg7[%scan3A_25, %dma_start3A] : memref<250x80xi32, #tpu.memory_space<vmem>> -> memref<1x80xi32, #tpu.memory_space<vmem>>
      %dma_start3A_27 = tpu.memref_squeeze %dma_start3A_26 : memref<1x80xi32, #tpu.memory_space<vmem>> -> memref<80xi32, #tpu.memory_space<vmem>>
      %dma_start3A_28 = arith.constant 0 : i32
      %dma_start3A_29 = arith.constant 0 : i32
      %dma_start3A_30 = tpu.memref_slice %arg2[%arg0, %dma_start3A_28, %dma_start3A_29] : memref<2x10000x64xf32, #tpu.memory_space<hbm>> -> memref<1x10000x64xf32, #tpu.memory_space<hbm>>
      %dma_start3A_31 = tpu.memref_squeeze %dma_start3A_30 : memref<1x10000x64xf32, #tpu.memory_space<hbm>> -> memref<10000x64xf32, #tpu.memory_space<hbm>>
      %dma_start3A_32 = arith.constant 0 : i32
      %dma_start3A_33 = arith.constant 0 : i32
      %dma_start3A_34 = tpu.memref_slice %dma_start3A_31[%dma_start3A_32, %dma_start3A_33] : memref<10000x64xf32, #tpu.memory_space<hbm>> -> memref<10000x64xf32, #tpu.memory_space<hbm>>
      tpu.enqueue_indirect_dma source(%dma_start3A_34 : memref<10000x64xf32, #tpu.memory_space<hbm>>) target(%arg9 : memref<80x64xf32, #tpu.memory_space<vmem>>) offsets(%dma_start3A_27 : memref<80xi32, #tpu.memory_space<vmem>>) semaphore(%arg14 : memref<!tpu.dma_semaphore, #tpu.memory_space<semaphore_mem>>)
      %mul3A = arith.constant 20000 : i32
      %mul3A_35 = arith.muli %arg1, %mul3A : i32
      %mul3A_36 = arith.constant 80 : i32
      %mul3A_37 = arith.muli %scan3A_25, %mul3A_36 : i32
      %add3A = arith.addi %mul3A_35, %mul3A_37 : i32
      "tpu.region"() ({
        %run_scoped3A = tpu.sem_alloc : memref<!tpu.dma_semaphore, #tpu.memory_space<semaphore_mem>>
        %dma_start3A_53 = arith.constant 0 : i32
        %dma_start3A_54 = tpu.memref_slice %arg3[%add3A, %dma_start3A_53] : memref<320000x16xf32, #tpu.memory_space<hbm>> -> memref<80x16xf32, #tpu.memory_space<hbm>>
        %dma_start3A_55 = arith.constant 0 : i32
        %dma_start3A_56 = tpu.memref_slice %arg3[%add3A, %dma_start3A_55] : memref<320000x16xf32, #tpu.memory_space<hbm>> -> memref<80x16xf32, #tpu.memory_space<hbm>>
        tpu.enqueue_dma source(%dma_start3A_56 : memref<80x16xf32, #tpu.memory_space<hbm>>) target(%arg10 : memref<80x16xf32, #tpu.memory_space<vmem>>) target_semaphore(%run_scoped3A : memref<!tpu.dma_semaphore, #tpu.memory_space<semaphore_mem>>)
        %dma_wait3A_57 = arith.constant 0 : i32
        %dma_wait3A_58 = tpu.memref_slice %arg3[%add3A, %dma_wait3A_57] : memref<320000x16xf32, #tpu.memory_space<hbm>> -> memref<80x16xf32, #tpu.memory_space<hbm>>
        %dma_wait3A_59 = arith.constant 0 : i32
        %dma_wait3A_60 = tpu.memref_slice %arg3[%add3A, %dma_wait3A_59] : memref<320000x16xf32, #tpu.memory_space<hbm>> -> memref<80x16xf32, #tpu.memory_space<hbm>>
        tpu.wait_dma2 semaphore(%run_scoped3A : memref<!tpu.dma_semaphore, #tpu.memory_space<semaphore_mem>>) src(%dma_wait3A_60 : memref<80x16xf32, #tpu.memory_space<hbm>>) dst(%arg10 : memref<80x16xf32, #tpu.memory_space<vmem>>)
        tpu.yield
      }) : () -> ()
      %dma_wait3A = arith.constant 0 : i32
      %dma_wait3A_38 = tpu.memref_slice %arg7[%scan3A_25, %dma_wait3A] : memref<250x80xi32, #tpu.memory_space<vmem>> -> memref<1x80xi32, #tpu.memory_space<vmem>>
      %dma_wait3A_39 = tpu.memref_squeeze %dma_wait3A_38 : memref<1x80xi32, #tpu.memory_space<vmem>> -> memref<80xi32, #tpu.memory_space<vmem>>
      %dma_wait3A_40 = arith.constant 0 : i32
      %dma_wait3A_41 = arith.constant 0 : i32
      %dma_wait3A_42 = tpu.memref_slice %arg2[%arg0, %dma_wait3A_40, %dma_wait3A_41] : memref<2x10000x64xf32, #tpu.memory_space<hbm>> -> memref<1x10000x64xf32, #tpu.memory_space<hbm>>
      %dma_wait3A_43 = tpu.memref_squeeze %dma_wait3A_42 : memref<1x10000x64xf32, #tpu.memory_space<hbm>> -> memref<10000x64xf32, #tpu.memory_space<hbm>>
      %dma_wait3A_44 = arith.constant 0 : i32
      %dma_wait3A_45 = arith.constant 0 : i32
      %dma_wait3A_46 = tpu.memref_slice %dma_wait3A_43[%dma_wait3A_44, %dma_wait3A_45] : memref<10000x64xf32, #tpu.memory_space<hbm>> -> memref<10000x64xf32, #tpu.memory_space<hbm>>
      tpu.wait_indirect_dma semaphore(%arg14 : memref<!tpu.dma_semaphore, #tpu.memory_space<semaphore_mem>>) src(%dma_wait3A_46 : memref<10000x64xf32, #tpu.memory_space<hbm>>) dst(%arg9 : memref<80x64xf32, #tpu.memory_space<vmem>>)
      %scan3A_47 = arith.constant 0 : i32
      %scan3A_48 = arith.constant 0 : i32
      %scan3A_49 = arith.constant 80 : i32
      %scan3A_50 = arith.addi %scan3A_48, %scan3A_49 : i32
      %scan3A_51 = arith.constant 1 : i32
      scf.for %scan3A_53 = %scan3A_48 to %scan3A_50 step %scan3A_51  : i32 {
        %get3A = arith.index_cast %scan3A_53 : i32 to index
        %get3A_54 = arith.constant 0 : index
        %get3A_55 = tpu.vector_load %arg10[%get3A, %get3A_54] {strides = array<i32>} : memref<80x16xf32, #tpu.memory_space<vmem>>, vector<1x16xf32>,
        %get3A_56 = vector.shape_cast %get3A_55 : vector<1x16xf32> to vector<16xf32>
        %get3A_57 = arith.index_cast %scan3A_53 : i32 to index
        %get3A_58 = arith.constant 0 : index
        %get3A_59 = tpu.vector_load %arg9[%get3A_57, %get3A_58] {strides = array<i32>} : memref<80x64xf32, #tpu.memory_space<vmem>>, vector<1x16xf32>,
        %get3A_60 = vector.shape_cast %get3A_59 : vector<1x16xf32> to vector<16xf32>
        %mul3A_61 = arith.mulf %get3A_56, %get3A_60 : vector<16xf32>
        %swap3A = arith.index_cast %scan3A_53 : i32 to index
        %swap3A_62 = arith.constant 0 : index
        %swap3A_63 = tpu.vector_load %arg11[%swap3A, %swap3A_62] {strides = array<i32>} : memref<80x64xf32, #tpu.memory_space<vmem>>, vector<1x16xf32>,
        %swap3A_64 = vector.shape_cast %swap3A_63 : vector<1x16xf32> to vector<16xf32>
        %swap3A_65 = vector.shape_cast %mul3A_61 : vector<16xf32> to vector<1x16xf32>
        tpu.vector_store %arg11[%swap3A, %swap3A_62], %swap3A_65 {strides = array<i32>} : memref<80x64xf32, #tpu.memory_space<vmem>>, vector<1x16xf32>,
        %get3A_66 = arith.index_cast %scan3A_53 : i32 to index
        %get3A_67 = arith.constant 16 : index
        %get3A_68 = tpu.vector_load %arg9[%get3A_66, %get3A_67] {strides = array<i32>} : memref<80x64xf32, #tpu.memory_space<vmem>>, vector<1x16xf32>,
        %get3A_69 = vector.shape_cast %get3A_68 : vector<1x16xf32> to vector<16xf32>
        %mul3A_70 = arith.mulf %get3A_56, %get3A_69 : vector<16xf32>
        %swap3A_71 = arith.index_cast %scan3A_53 : i32 to index
        %swap3A_72 = arith.constant 16 : index
        %swap3A_73 = tpu.vector_load %arg11[%swap3A_71, %swap3A_72] {strides = array<i32>} : memref<80x64xf32, #tpu.memory_space<vmem>>, vector<1x16xf32>,
        %swap3A_74 = vector.shape_cast %swap3A_73 : vector<1x16xf32> to vector<16xf32>
        %swap3A_75 = vector.shape_cast %mul3A_70 : vector<16xf32> to vector<1x16xf32>
        tpu.vector_store %arg11[%swap3A_71, %swap3A_72], %swap3A_75 {strides = array<i32>} : memref<80x64xf32, #tpu.memory_space<vmem>>, vector<1x16xf32>,
        %get3A_76 = arith.index_cast %scan3A_53 : i32 to index
        %get3A_77 = arith.constant 32 : index
        %get3A_78 = tpu.vector_load %arg9[%get3A_76, %get3A_77] {strides = array<i32>} : memref<80x64xf32, #tpu.memory_space<vmem>>, vector<1x16xf32>,
        %get3A_79 = vector.shape_cast %get3A_78 : vector<1x16xf32> to vector<16xf32>
        %mul3A_80 = arith.mulf %get3A_56, %get3A_79 : vector<16xf32>
        %swap3A_81 = arith.index_cast %scan3A_53 : i32 to index
        %swap3A_82 = arith.constant 32 : index
        %swap3A_83 = tpu.vector_load %arg11[%swap3A_81, %swap3A_82] {strides = array<i32>} : memref<80x64xf32, #tpu.memory_space<vmem>>, vector<1x16xf32>,
        %swap3A_84 = vector.shape_cast %swap3A_83 : vector<1x16xf32> to vector<16xf32>
        %swap3A_85 = vector.shape_cast %mul3A_80 : vector<16xf32> to vector<1x16xf32>
        tpu.vector_store %arg11[%swap3A_81, %swap3A_82], %swap3A_85 {strides = array<i32>} : memref<80x64xf32, #tpu.memory_space<vmem>>, vector<1x16xf32>,
        %get3A_86 = arith.index_cast %scan3A_53 : i32 to index
        %get3A_87 = arith.constant 48 : index
        %get3A_88 = tpu.vector_load %arg9[%get3A_86, %get3A_87] {strides = array<i32>} : memref<80x64xf32, #tpu.memory_space<vmem>>, vector<1x16xf32>,
        %get3A_89 = vector.shape_cast %get3A_88 : vector<1x16xf32> to vector<16xf32>
        %mul3A_90 = arith.mulf %get3A_56, %get3A_89 : vector<16xf32>
        %swap3A_91 = arith.index_cast %scan3A_53 : i32 to index
        %swap3A_92 = arith.constant 48 : index
        %swap3A_93 = tpu.vector_load %arg11[%swap3A_91, %swap3A_92] {strides = array<i32>} : memref<80x64xf32, #tpu.memory_space<vmem>>, vector<1x16xf32>,
        %swap3A_94 = vector.shape_cast %swap3A_93 : vector<1x16xf32> to vector<16xf32>
        %swap3A_95 = vector.shape_cast %mul3A_90 : vector<16xf32> to vector<1x16xf32>
        tpu.vector_store %arg11[%swap3A_91, %swap3A_92], %swap3A_95 {strides = array<i32>} : memref<80x64xf32, #tpu.memory_space<vmem>>, vector<1x16xf32>,
      }
      %scan3A_52 = arith.constant 80 : i32
      "tpu.region"() ({
        %run_scoped3A = tpu.sem_alloc : memref<!tpu.dma_semaphore, #tpu.memory_space<semaphore_mem>>
        %dma_start3A_53 = arith.constant 0 : i32
        %dma_start3A_54 = tpu.memref_slice %arg8[%scan3A_25, %dma_start3A_53] : memref<250x80xi32, #tpu.memory_space<vmem>> -> memref<1x80xi32, #tpu.memory_space<vmem>>
        %dma_start3A_55 = tpu.memref_squeeze %dma_start3A_54 : memref<1x80xi32, #tpu.memory_space<vmem>> -> memref<80xi32, #tpu.memory_space<vmem>>
        %dma_start3A_56 = arith.constant 0 : i32
        %dma_start3A_57 = arith.constant 0 : i32
        %dma_start3A_58 = tpu.memref_slice %arg13[%dma_start3A_56, %dma_start3A_57] : memref<10000x64xf32, #tpu.memory_space<vmem_shared>> -> memref<10000x64xf32, #tpu.memory_space<vmem_shared>>
        tpu.enqueue_indirect_dma source(%arg11 : memref<80x64xf32, #tpu.memory_space<vmem>>) target(%dma_start3A_58 : memref<10000x64xf32, #tpu.memory_space<vmem_shared>>) offsets(%dma_start3A_55 : memref<80xi32, #tpu.memory_space<vmem>>) semaphore(%run_scoped3A : memref<!tpu.dma_semaphore, #tpu.memory_space<semaphore_mem>>) {add = true}
        %dma_wait3A_59 = arith.constant 0 : i32
        %dma_wait3A_60 = tpu.memref_slice %arg8[%scan3A_25, %dma_wait3A_59] : memref<250x80xi32, #tpu.memory_space<vmem>> -> memref<1x80xi32, #tpu.memory_space<vmem>>
        %dma_wait3A_61 = tpu.memref_squeeze %dma_wait3A_60 : memref<1x80xi32, #tpu.memory_space<vmem>> -> memref<80xi32, #tpu.memory_space<vmem>>
        %dma_wait3A_62 = arith.constant 0 : i32
        %dma_wait3A_63 = arith.constant 0 : i32
        %dma_wait3A_64 = tpu.memref_slice %arg13[%dma_wait3A_62, %dma_wait3A_63] : memref<10000x64xf32, #tpu.memory_space<vmem_shared>> -> memref<10000x64xf32, #tpu.memory_space<vmem_shared>>
        tpu.wait_indirect_dma semaphore(%run_scoped3A : memref<!tpu.dma_semaphore, #tpu.memory_space<semaphore_mem>>) src(%arg11 : memref<80x64xf32, #tpu.memory_space<vmem>>) dst(%dma_wait3A_64 : memref<10000x64xf32, #tpu.memory_space<vmem_shared>>)
        tpu.yield
      }) : () -> ()
    }
    %scan3A_17 = arith.constant 250 : i32
    %barrier3A_18 = arith.constant 0 : index
    tpu.barrier barrier_id(%barrier3A_18)
    %scan3A_19 = arith.constant 0 : i32
    %scan3A_20 = arith.constant 0 : i32
    %scan3A_21 = arith.constant 8 : i32
    %scan3A_22 = arith.addi %scan3A_20, %scan3A_21 : i32
    %scan3A_23 = arith.constant 1 : i32
    scf.for %scan3A_25 = %scan3A_20 to %scan3A_22 step %scan3A_23  : i32 {
      %mul3A = arith.constant 16 : i32
      %mul3A_26 = arith.muli %mul3A, %scan3A_25 : i32
      %add3A = arith.addi %arg1, %mul3A_26 : i32
      %lt3A = arith.constant 125 : i32
      %lt3A_27 = arith.cmpi slt, %add3A, %lt3A : i32
      %convert_element_type3A = arith.extui %lt3A_27 : i1 to i32
      %cond3A = arith.constant 0 : i32
      %cond3A_28 = arith.cmpi ne, %convert_element_type3A, %cond3A : i32
      scf.if %cond3A_28 {
        %mul3A_29 = arith.constant 80 : i32
        %mul3A_30 = arith.muli %add3A, %mul3A_29 : i32
        %mul3A_31 = arith.constant 80 : i32
        %mul3A_32 = arith.muli %add3A, %mul3A_31 : i32
        "tpu.region"() ({
          %run_scoped3A = tpu.sem_alloc : memref<!tpu.dma_semaphore, #tpu.memory_space<semaphore_mem>>
          %dma_start3A = arith.constant 0 : i32
          %dma_start3A_33 = tpu.memref_slice %arg6[%arg0, %mul3A_32, %dma_start3A] : memref<2x10000x64xf32, #tpu.memory_space<hbm>> -> memref<1x80x64xf32, #tpu.memory_space<hbm>>
          %dma_start3A_34 = tpu.memref_squeeze %dma_start3A_33 : memref<1x80x64xf32, #tpu.memory_space<hbm>> -> memref<80x64xf32, #tpu.memory_space<hbm>>
          %dma_start3A_35 = arith.constant 0 : i32
          %dma_start3A_36 = tpu.memref_slice %arg13[%mul3A_30, %dma_start3A_35] : memref<10000x64xf32, #tpu.memory_space<vmem_shared>> -> memref<80x64xf32, #tpu.memory_space<vmem_shared>>
          tpu.enqueue_dma source(%dma_start3A_36 : memref<80x64xf32, #tpu.memory_space<vmem_shared>>) target(%dma_start3A_34 : memref<80x64xf32, #tpu.memory_space<hbm>>) target_semaphore(%run_scoped3A : memref<!tpu.dma_semaphore, #tpu.memory_space<semaphore_mem>>)
          %dma_wait3A = arith.constant 0 : i32
          %dma_wait3A_37 = tpu.memref_slice %arg6[%arg0, %mul3A_32, %dma_wait3A] : memref<2x10000x64xf32, #tpu.memory_space<hbm>> -> memref<1x80x64xf32, #tpu.memory_space<hbm>>
          %dma_wait3A_38 = tpu.memref_squeeze %dma_wait3A_37 : memref<1x80x64xf32, #tpu.memory_space<hbm>> -> memref<80x64xf32, #tpu.memory_space<hbm>>
          %dma_wait3A_39 = arith.constant 0 : i32
          %dma_wait3A_40 = tpu.memref_slice %arg13[%mul3A_30, %dma_wait3A_39] : memref<10000x64xf32, #tpu.memory_space<vmem_shared>> -> memref<80x64xf32, #tpu.memory_space<vmem_shared>>
          tpu.wait_dma2 semaphore(%run_scoped3A : memref<!tpu.dma_semaphore, #tpu.memory_space<semaphore_mem>>) src(%dma_wait3A_40 : memref<80x64xf32, #tpu.memory_space<vmem_shared>>) dst(%dma_wait3A_38 : memref<80x64xf32, #tpu.memory_space<hbm>>)
          tpu.yield
        }) : () -> ()
      } else {
      }
    }
    %scan3A_24 = arith.constant 8 : i32
    return
  }
}

#map = affine_map<(d0, d1) -> (0, 0)>
#map1 = affine_map<(d0, d1) -> (0, 0, 0)>
#map2 = affine_map<(d0, d1) -> (0)>
module attributes {stable_mosaic.version = 14 : i64} {
  func.func @_alpha_body(%arg0: i32, %arg1: i32, %arg2: memref<10000x128xf32, #tpu.memory_space<hbm>>, %arg3: memref<10000x128xf32, #tpu.memory_space<hbm>>, %arg4: memref<32x125x80xi32, #tpu.memory_space<hbm>>, %arg5: memref<32x125x80xi32, #tpu.memory_space<hbm>>, %arg6: memref<128xf32, #tpu.memory_space<hbm>>, %arg7: memref<320000x16xf32, #tpu.memory_space<hbm>>, %arg8: memref<2x10000x16xf32, #tpu.memory_space<hbm>>, %arg9: memref<125x80xi32, #tpu.memory_space<vmem>>, %arg10: memref<125x80xi32, #tpu.memory_space<vmem>>, %arg11: memref<80x128xf32, #tpu.memory_space<vmem>>, %arg12: memref<80x128xf32, #tpu.memory_space<vmem>>, %arg13: memref<80x16xf32, #tpu.memory_space<vmem>>, %arg14: memref<128xf32, #tpu.memory_space<vmem>>, %arg15: memref<80x16xf32, #tpu.memory_space<vmem>>, %arg16: memref<10000x16xf32, #tpu.memory_space<vmem_shared>>, %arg17: memref<!tpu.dma_semaphore, #tpu.memory_space<semaphore_mem>>, %arg18: memref<!tpu.dma_semaphore, #tpu.memory_space<semaphore_mem>>) attributes {dimension_semantics = [#tpu.dimension_semantics<core_parallel>, #tpu.dimension_semantics<subcore_parallel>], iteration_bounds = array<i64: 2, 16>, scalar_prefetch = 0 : i64, scratch_operands = 10 : i64, tpu.core_type = #tpu.core_type<sc_vector_subcore>, window_params = [{transform_indices = #map}, {transform_indices = #map}, {transform_indices = #map1}, {transform_indices = #map1}, {transform_indices = #map2}, {transform_indices = #map}, {transform_indices = #map1}]} {
    %mul3A = arith.constant 2 : i32
    %mul3A_0 = arith.muli %arg1, %mul3A : i32
    %add3A = arith.addi %mul3A_0, %arg0 : i32
    %broadcast_in_dim3A = arith.constant 0.000000e+00 : f32
    %broadcast_in_dim3A_1 = vector.broadcast %broadcast_in_dim3A : f32 to vector<16xf32>
    %scan3A = arith.constant 0 : i32
    %scan3A_2 = arith.constant 0 : i32
    %scan3A_3 = arith.constant 80 : i32
    %scan3A_4 = arith.addi %scan3A_2, %scan3A_3 : i32
    %scan3A_5 = arith.constant 1 : i32
    scf.for %scan3A_63 = %scan3A_2 to %scan3A_4 step %scan3A_5  : i32 {
      %swap3A = arith.index_cast %scan3A_63 : i32 to index
      %swap3A_64 = arith.constant 0 : index
      %swap3A_65 = tpu.vector_load %arg15[%swap3A, %swap3A_64] {strides = array<i32>} : memref<80x16xf32, #tpu.memory_space<vmem>>, vector<1x16xf32>,
      %swap3A_66 = vector.shape_cast %swap3A_65 : vector<1x16xf32> to vector<16xf32>
      %swap3A_67 = vector.shape_cast %broadcast_in_dim3A_1 : vector<16xf32> to vector<1x16xf32>
      tpu.vector_store %arg15[%swap3A, %swap3A_64], %swap3A_67 {strides = array<i32>} : memref<80x16xf32, #tpu.memory_space<vmem>>, vector<1x16xf32>,
    }
    %scan3A_6 = arith.constant 80 : i32
    %scan3A_7 = arith.constant 0 : i32
    %scan3A_8 = arith.constant 0 : i32
    %scan3A_9 = arith.constant 8 : i32
    %scan3A_10 = arith.addi %scan3A_8, %scan3A_9 : i32
    %scan3A_11 = arith.constant 1 : i32
    scf.for %scan3A_63 = %scan3A_8 to %scan3A_10 step %scan3A_11  : i32 {
      %mul3A_64 = arith.constant 16 : i32
      %mul3A_65 = arith.muli %mul3A_64, %scan3A_63 : i32
      %add3A_66 = arith.addi %arg1, %mul3A_65 : i32
      %lt3A = arith.constant 125 : i32
      %lt3A_67 = arith.cmpi slt, %add3A_66, %lt3A : i32
      %convert_element_type3A = arith.extui %lt3A_67 : i1 to i32
      %cond3A = arith.constant 0 : i32
      %cond3A_68 = arith.cmpi ne, %convert_element_type3A, %cond3A : i32
      scf.if %cond3A_68 {
        %mul3A_69 = arith.constant 80 : i32
        %mul3A_70 = arith.muli %add3A_66, %mul3A_69 : i32
        "tpu.region"() ({
          %run_scoped3A = tpu.sem_alloc : memref<!tpu.dma_semaphore, #tpu.memory_space<semaphore_mem>>
          %dma_start3A = arith.constant 0 : i32
          %dma_start3A_71 = tpu.memref_slice %arg16[%mul3A_70, %dma_start3A] : memref<10000x16xf32, #tpu.memory_space<vmem_shared>> -> memref<80x16xf32, #tpu.memory_space<vmem_shared>>
          %dma_start3A_72 = arith.constant 0 : i32
          %dma_start3A_73 = tpu.memref_slice %arg16[%mul3A_70, %dma_start3A_72] : memref<10000x16xf32, #tpu.memory_space<vmem_shared>> -> memref<80x16xf32, #tpu.memory_space<vmem_shared>>
          tpu.enqueue_dma source(%arg15 : memref<80x16xf32, #tpu.memory_space<vmem>>) target(%dma_start3A_73 : memref<80x16xf32, #tpu.memory_space<vmem_shared>>) target_semaphore(%run_scoped3A : memref<!tpu.dma_semaphore, #tpu.memory_space<semaphore_mem>>)
          %dma_wait3A = arith.constant 0 : i32
          %dma_wait3A_74 = tpu.memref_slice %arg16[%mul3A_70, %dma_wait3A] : memref<10000x16xf32, #tpu.memory_space<vmem_shared>> -> memref<80x16xf32, #tpu.memory_space<vmem_shared>>
          %dma_wait3A_75 = arith.constant 0 : i32
          %dma_wait3A_76 = tpu.memref_slice %arg16[%mul3A_70, %dma_wait3A_75] : memref<10000x16xf32, #tpu.memory_space<vmem_shared>> -> memref<80x16xf32, #tpu.memory_space<vmem_shared>>
          tpu.wait_dma2 semaphore(%run_scoped3A : memref<!tpu.dma_semaphore, #tpu.memory_space<semaphore_mem>>) src(%arg15 : memref<80x16xf32, #tpu.memory_space<vmem>>) dst(%dma_wait3A_76 : memref<80x16xf32, #tpu.memory_space<vmem_shared>>)
          tpu.yield
        }) : () -> ()
      } else {
      }
    }
    %scan3A_12 = arith.constant 8 : i32
    "tpu.region"() ({
      %run_scoped3A = tpu.sem_alloc : memref<!tpu.dma_semaphore, #tpu.memory_space<semaphore_mem>>
      tpu.enqueue_dma source(%arg6 : memref<128xf32, #tpu.memory_space<hbm>>) target(%arg14 : memref<128xf32, #tpu.memory_space<vmem>>) target_semaphore(%run_scoped3A : memref<!tpu.dma_semaphore, #tpu.memory_space<semaphore_mem>>)
      tpu.wait_dma2 semaphore(%run_scoped3A : memref<!tpu.dma_semaphore, #tpu.memory_space<semaphore_mem>>) src(%arg6 : memref<128xf32, #tpu.memory_space<hbm>>) dst(%arg14 : memref<128xf32, #tpu.memory_space<vmem>>)
      tpu.yield
    }) : () -> ()
    "tpu.region"() ({
      %run_scoped3A = tpu.sem_alloc : memref<!tpu.dma_semaphore, #tpu.memory_space<semaphore_mem>>
      %dma_start3A = arith.constant 0 : i32
      %dma_start3A_63 = arith.constant 0 : i32
      %dma_start3A_64 = tpu.memref_slice %arg4[%add3A, %dma_start3A, %dma_start3A_63] : memref<32x125x80xi32, #tpu.memory_space<hbm>> -> memref<1x125x80xi32, #tpu.memory_space<hbm>>
      %dma_start3A_65 = tpu.memref_squeeze %dma_start3A_64 : memref<1x125x80xi32, #tpu.memory_space<hbm>> -> memref<125x80xi32, #tpu.memory_space<hbm>>
      %dma_start3A_66 = arith.constant 0 : i32
      %dma_start3A_67 = arith.constant 0 : i32
      %dma_start3A_68 = tpu.memref_slice %arg4[%add3A, %dma_start3A_66, %dma_start3A_67] : memref<32x125x80xi32, #tpu.memory_space<hbm>> -> memref<1x125x80xi32, #tpu.memory_space<hbm>>
      %dma_start3A_69 = tpu.memref_squeeze %dma_start3A_68 : memref<1x125x80xi32, #tpu.memory_space<hbm>> -> memref<125x80xi32, #tpu.memory_space<hbm>>
      tpu.enqueue_dma source(%dma_start3A_69 : memref<125x80xi32, #tpu.memory_space<hbm>>) target(%arg9 : memref<125x80xi32, #tpu.memory_space<vmem>>) target_semaphore(%run_scoped3A : memref<!tpu.dma_semaphore, #tpu.memory_space<semaphore_mem>>)
      %dma_wait3A = arith.constant 0 : i32
      %dma_wait3A_70 = arith.constant 0 : i32
      %dma_wait3A_71 = tpu.memref_slice %arg4[%add3A, %dma_wait3A, %dma_wait3A_70] : memref<32x125x80xi32, #tpu.memory_space<hbm>> -> memref<1x125x80xi32, #tpu.memory_space<hbm>>
      %dma_wait3A_72 = tpu.memref_squeeze %dma_wait3A_71 : memref<1x125x80xi32, #tpu.memory_space<hbm>> -> memref<125x80xi32, #tpu.memory_space<hbm>>
      %dma_wait3A_73 = arith.constant 0 : i32
      %dma_wait3A_74 = arith.constant 0 : i32
      %dma_wait3A_75 = tpu.memref_slice %arg4[%add3A, %dma_wait3A_73, %dma_wait3A_74] : memref<32x125x80xi32, #tpu.memory_space<hbm>> -> memref<1x125x80xi32, #tpu.memory_space<hbm>>
      %dma_wait3A_76 = tpu.memref_squeeze %dma_wait3A_75 : memref<1x125x80xi32, #tpu.memory_space<hbm>> -> memref<125x80xi32, #tpu.memory_space<hbm>>
      tpu.wait_dma2 semaphore(%run_scoped3A : memref<!tpu.dma_semaphore, #tpu.memory_space<semaphore_mem>>) src(%dma_wait3A_76 : memref<125x80xi32, #tpu.memory_space<hbm>>) dst(%arg9 : memref<125x80xi32, #tpu.memory_space<vmem>>)
      tpu.yield
    }) : () -> ()
    "tpu.region"() ({
      %run_scoped3A = tpu.sem_alloc : memref<!tpu.dma_semaphore, #tpu.memory_space<semaphore_mem>>
      %dma_start3A = arith.constant 0 : i32
      %dma_start3A_63 = arith.constant 0 : i32
      %dma_start3A_64 = tpu.memref_slice %arg5[%add3A, %dma_start3A, %dma_start3A_63] : memref<32x125x80xi32, #tpu.memory_space<hbm>> -> memref<1x125x80xi32, #tpu.memory_space<hbm>>
      %dma_start3A_65 = tpu.memref_squeeze %dma_start3A_64 : memref<1x125x80xi32, #tpu.memory_space<hbm>> -> memref<125x80xi32, #tpu.memory_space<hbm>>
      %dma_start3A_66 = arith.constant 0 : i32
      %dma_start3A_67 = arith.constant 0 : i32
      %dma_start3A_68 = tpu.memref_slice %arg5[%add3A, %dma_start3A_66, %dma_start3A_67] : memref<32x125x80xi32, #tpu.memory_space<hbm>> -> memref<1x125x80xi32, #tpu.memory_space<hbm>>
      %dma_start3A_69 = tpu.memref_squeeze %dma_start3A_68 : memref<1x125x80xi32, #tpu.memory_space<hbm>> -> memref<125x80xi32, #tpu.memory_space<hbm>>
      tpu.enqueue_dma source(%dma_start3A_69 : memref<125x80xi32, #tpu.memory_space<hbm>>) target(%arg10 : memref<125x80xi32, #tpu.memory_space<vmem>>) target_semaphore(%run_scoped3A : memref<!tpu.dma_semaphore, #tpu.memory_space<semaphore_mem>>)
      %dma_wait3A = arith.constant 0 : i32
      %dma_wait3A_70 = arith.constant 0 : i32
      %dma_wait3A_71 = tpu.memref_slice %arg5[%add3A, %dma_wait3A, %dma_wait3A_70] : memref<32x125x80xi32, #tpu.memory_space<hbm>> -> memref<1x125x80xi32, #tpu.memory_space<hbm>>
      %dma_wait3A_72 = tpu.memref_squeeze %dma_wait3A_71 : memref<1x125x80xi32, #tpu.memory_space<hbm>> -> memref<125x80xi32, #tpu.memory_space<hbm>>
      %dma_wait3A_73 = arith.constant 0 : i32
      %dma_wait3A_74 = arith.constant 0 : i32
      %dma_wait3A_75 = tpu.memref_slice %arg5[%add3A, %dma_wait3A_73, %dma_wait3A_74] : memref<32x125x80xi32, #tpu.memory_space<hbm>> -> memref<1x125x80xi32, #tpu.memory_space<hbm>>
      %dma_wait3A_76 = tpu.memref_squeeze %dma_wait3A_75 : memref<1x125x80xi32, #tpu.memory_space<hbm>> -> memref<125x80xi32, #tpu.memory_space<hbm>>
      tpu.wait_dma2 semaphore(%run_scoped3A : memref<!tpu.dma_semaphore, #tpu.memory_space<semaphore_mem>>) src(%dma_wait3A_76 : memref<125x80xi32, #tpu.memory_space<hbm>>) dst(%arg10 : memref<125x80xi32, #tpu.memory_space<vmem>>)
      tpu.yield
    }) : () -> ()
    %barrier3A = arith.constant 0 : index
    tpu.barrier barrier_id(%barrier3A)
    %get3A = arith.constant 0 : index
    %get3A_13 = tpu.vector_load %arg14[%get3A] {strides = array<i32>} : memref<128xf32, #tpu.memory_space<vmem>>, vector<16xf32>,
    %get3A_14 = vector.shape_cast %get3A_13 : vector<16xf32> to vector<16xf32>
    %get3A_15 = arith.constant 16 : index
    %get3A_16 = tpu.vector_load %arg14[%get3A_15] {strides = array<i32>} : memref<128xf32, #tpu.memory_space<vmem>>, vector<16xf32>,
    %get3A_17 = vector.shape_cast %get3A_16 : vector<16xf32> to vector<16xf32>
    %get3A_18 = arith.constant 32 : index
    %get3A_19 = tpu.vector_load %arg14[%get3A_18] {strides = array<i32>} : memref<128xf32, #tpu.memory_space<vmem>>, vector<16xf32>,
    %get3A_20 = vector.shape_cast %get3A_19 : vector<16xf32> to vector<16xf32>
    %get3A_21 = arith.constant 48 : index
    %get3A_22 = tpu.vector_load %arg14[%get3A_21] {strides = array<i32>} : memref<128xf32, #tpu.memory_space<vmem>>, vector<16xf32>,
    %get3A_23 = vector.shape_cast %get3A_22 : vector<16xf32> to vector<16xf32>
    %get3A_24 = arith.constant 64 : index
    %get3A_25 = tpu.vector_load %arg14[%get3A_24] {strides = array<i32>} : memref<128xf32, #tpu.memory_space<vmem>>, vector<16xf32>,
    %get3A_26 = vector.shape_cast %get3A_25 : vector<16xf32> to vector<16xf32>
    %get3A_27 = arith.constant 80 : index
    %get3A_28 = tpu.vector_load %arg14[%get3A_27] {strides = array<i32>} : memref<128xf32, #tpu.memory_space<vmem>>, vector<16xf32>,
    %get3A_29 = vector.shape_cast %get3A_28 : vector<16xf32> to vector<16xf32>
    %get3A_30 = arith.constant 96 : index
    %get3A_31 = tpu.vector_load %arg14[%get3A_30] {strides = array<i32>} : memref<128xf32, #tpu.memory_space<vmem>>, vector<16xf32>,
    %get3A_32 = vector.shape_cast %get3A_31 : vector<16xf32> to vector<16xf32>
    %get3A_33 = arith.constant 112 : index
    %get3A_34 = tpu.vector_load %arg14[%get3A_33] {strides = array<i32>} : memref<128xf32, #tpu.memory_space<vmem>>, vector<16xf32>,
    %get3A_35 = vector.shape_cast %get3A_34 : vector<16xf32> to vector<16xf32>
    %iota3A = tpu.iota {dimensions = array<i32: 0>} : vector<16xi32>
    %xor3A = arith.constant 8 : i32
    %xor3A_36 = vector.broadcast %xor3A : i32 to vector<16xi32>
    %xor3A_37 = arith.xori %iota3A, %xor3A_36 : vector<16xi32>
    %iota3A_38 = tpu.iota {dimensions = array<i32: 0>} : vector<16xi32>
    %xor3A_39 = arith.constant 4 : i32
    %xor3A_40 = vector.broadcast %xor3A_39 : i32 to vector<16xi32>
    %xor3A_41 = arith.xori %iota3A_38, %xor3A_40 : vector<16xi32>
    %iota3A_42 = tpu.iota {dimensions = array<i32: 0>} : vector<16xi32>
    %xor3A_43 = arith.constant 2 : i32
    %xor3A_44 = vector.broadcast %xor3A_43 : i32 to vector<16xi32>
    %xor3A_45 = arith.xori %iota3A_42, %xor3A_44 : vector<16xi32>
    %iota3A_46 = tpu.iota {dimensions = array<i32: 0>} : vector<16xi32>
    %xor3A_47 = arith.constant 1 : i32
    %xor3A_48 = vector.broadcast %xor3A_47 : i32 to vector<16xi32>
    %xor3A_49 = arith.xori %iota3A_46, %xor3A_48 : vector<16xi32>
    %scan3A_50 = arith.constant 0 : i32
    %scan3A_51 = arith.constant 0 : i32
    %scan3A_52 = arith.constant 125 : i32
    %scan3A_53 = arith.addi %scan3A_51, %scan3A_52 : i32
    %scan3A_54 = arith.constant 1 : i32
    scf.for %scan3A_63 = %scan3A_51 to %scan3A_53 step %scan3A_54  : i32 {
      %dma_start3A = arith.constant 0 : i32
      %dma_start3A_64 = tpu.memref_slice %arg9[%scan3A_63, %dma_start3A] : memref<125x80xi32, #tpu.memory_space<vmem>> -> memref<1x80xi32, #tpu.memory_space<vmem>>
      %dma_start3A_65 = tpu.memref_squeeze %dma_start3A_64 : memref<1x80xi32, #tpu.memory_space<vmem>> -> memref<80xi32, #tpu.memory_space<vmem>>
      %dma_start3A_66 = arith.constant 0 : i32
      %dma_start3A_67 = arith.constant 0 : i32
      %dma_start3A_68 = tpu.memref_slice %arg2[%dma_start3A_66, %dma_start3A_67] : memref<10000x128xf32, #tpu.memory_space<hbm>> -> memref<10000x128xf32, #tpu.memory_space<hbm>>
      tpu.enqueue_indirect_dma source(%dma_start3A_68 : memref<10000x128xf32, #tpu.memory_space<hbm>>) target(%arg11 : memref<80x128xf32, #tpu.memory_space<vmem>>) offsets(%dma_start3A_65 : memref<80xi32, #tpu.memory_space<vmem>>) semaphore(%arg17 : memref<!tpu.dma_semaphore, #tpu.memory_space<semaphore_mem>>)
      %dma_start3A_69 = arith.constant 0 : i32
      %dma_start3A_70 = tpu.memref_slice %arg10[%scan3A_63, %dma_start3A_69] : memref<125x80xi32, #tpu.memory_space<vmem>> -> memref<1x80xi32, #tpu.memory_space<vmem>>
      %dma_start3A_71 = tpu.memref_squeeze %dma_start3A_70 : memref<1x80xi32, #tpu.memory_space<vmem>> -> memref<80xi32, #tpu.memory_space<vmem>>
      %dma_start3A_72 = arith.constant 0 : i32
      %dma_start3A_73 = arith.constant 0 : i32
      %dma_start3A_74 = tpu.memref_slice %arg3[%dma_start3A_72, %dma_start3A_73] : memref<10000x128xf32, #tpu.memory_space<hbm>> -> memref<10000x128xf32, #tpu.memory_space<hbm>>
      tpu.enqueue_indirect_dma source(%dma_start3A_74 : memref<10000x128xf32, #tpu.memory_space<hbm>>) target(%arg12 : memref<80x128xf32, #tpu.memory_space<vmem>>) offsets(%dma_start3A_71 : memref<80xi32, #tpu.memory_space<vmem>>) semaphore(%arg18 : memref<!tpu.dma_semaphore, #tpu.memory_space<semaphore_mem>>)
      %dma_wait3A = arith.constant 0 : i32
      %dma_wait3A_75 = tpu.memref_slice %arg9[%scan3A_63, %dma_wait3A] : memref<125x80xi32, #tpu.memory_space<vmem>> -> memref<1x80xi32, #tpu.memory_space<vmem>>
      %dma_wait3A_76 = tpu.memref_squeeze %dma_wait3A_75 : memref<1x80xi32, #tpu.memory_space<vmem>> -> memref<80xi32, #tpu.memory_space<vmem>>
      %dma_wait3A_77 = arith.constant 0 : i32
      %dma_wait3A_78 = arith.constant 0 : i32
      %dma_wait3A_79 = tpu.memref_slice %arg2[%dma_wait3A_77, %dma_wait3A_78] : memref<10000x128xf32, #tpu.memory_space<hbm>> -> memref<10000x128xf32, #tpu.memory_space<hbm>>
      tpu.wait_indirect_dma semaphore(%arg17 : memref<!tpu.dma_semaphore, #tpu.memory_space<semaphore_mem>>) src(%dma_wait3A_79 : memref<10000x128xf32, #tpu.memory_space<hbm>>) dst(%arg11 : memref<80x128xf32, #tpu.memory_space<vmem>>)
      %dma_wait3A_80 = arith.constant 0 : i32
      %dma_wait3A_81 = tpu.memref_slice %arg10[%scan3A_63, %dma_wait3A_80] : memref<125x80xi32, #tpu.memory_space<vmem>> -> memref<1x80xi32, #tpu.memory_space<vmem>>
      %dma_wait3A_82 = tpu.memref_squeeze %dma_wait3A_81 : memref<1x80xi32, #tpu.memory_space<vmem>> -> memref<80xi32, #tpu.memory_space<vmem>>
      %dma_wait3A_83 = arith.constant 0 : i32
      %dma_wait3A_84 = arith.constant 0 : i32
      %dma_wait3A_85 = tpu.memref_slice %arg3[%dma_wait3A_83, %dma_wait3A_84] : memref<10000x128xf32, #tpu.memory_space<hbm>> -> memref<10000x128xf32, #tpu.memory_space<hbm>>
      tpu.wait_indirect_dma semaphore(%arg18 : memref<!tpu.dma_semaphore, #tpu.memory_space<semaphore_mem>>) src(%dma_wait3A_85 : memref<10000x128xf32, #tpu.memory_space<hbm>>) dst(%arg12 : memref<80x128xf32, #tpu.memory_space<vmem>>)
      %scan3A_86 = arith.constant 0 : i32
      %scan3A_87 = arith.constant 0 : i32
      %scan3A_88 = arith.constant 80 : i32
      %scan3A_89 = arith.addi %scan3A_87, %scan3A_88 : i32
      %scan3A_90 = arith.constant 1 : i32
      scf.for %scan3A_97 = %scan3A_87 to %scan3A_89 step %scan3A_90  : i32 {
        %get3A_98 = arith.index_cast %scan3A_97 : i32 to index
        %get3A_99 = arith.constant 0 : index
        %get3A_100 = tpu.vector_load %arg11[%get3A_98, %get3A_99] {strides = array<i32>} : memref<80x128xf32, #tpu.memory_space<vmem>>, vector<1x16xf32>,
        %get3A_101 = vector.shape_cast %get3A_100 : vector<1x16xf32> to vector<16xf32>
        %get3A_102 = arith.index_cast %scan3A_97 : i32 to index
        %get3A_103 = arith.constant 0 : index
        %get3A_104 = tpu.vector_load %arg12[%get3A_102, %get3A_103] {strides = array<i32>} : memref<80x128xf32, #tpu.memory_space<vmem>>, vector<1x16xf32>,
        %get3A_105 = vector.shape_cast %get3A_104 : vector<1x16xf32> to vector<16xf32>
        %add3A_106 = arith.addf %get3A_101, %get3A_105 : vector<16xf32>
        %gt3A = arith.constant 0.000000e+00 : f32
        %gt3A_107 = vector.broadcast %gt3A : f32 to vector<16xf32>
        %gt3A_108 = arith.cmpf ogt, %add3A_106, %gt3A_107 : vector<16xf32>
        %mul3A_109 = arith.constant 2.000000e-01 : f32
        %mul3A_110 = vector.broadcast %mul3A_109 : f32 to vector<16xf32>
        %mul3A_111 = arith.mulf %mul3A_110, %add3A_106 : vector<16xf32>
        %select_n3A = arith.select %gt3A_108, %add3A_106, %mul3A_111 : vector<16xi1>, vector<16xf32>
        %mul3A_112 = arith.mulf %select_n3A, %get3A_14 : vector<16xf32>
        %get3A_113 = arith.index_cast %scan3A_97 : i32 to index
        %get3A_114 = arith.constant 16 : index
        %get3A_115 = tpu.vector_load %arg11[%get3A_113, %get3A_114] {strides = array<i32>} : memref<80x128xf32, #tpu.memory_space<vmem>>, vector<1x16xf32>,
        %get3A_116 = vector.shape_cast %get3A_115 : vector<1x16xf32> to vector<16xf32>
        %get3A_117 = arith.index_cast %scan3A_97 : i32 to index
        %get3A_118 = arith.constant 16 : index
        %get3A_119 = tpu.vector_load %arg12[%get3A_117, %get3A_118] {strides = array<i32>} : memref<80x128xf32, #tpu.memory_space<vmem>>, vector<1x16xf32>,
        %get3A_120 = vector.shape_cast %get3A_119 : vector<1x16xf32> to vector<16xf32>
        %add3A_121 = arith.addf %get3A_116, %get3A_120 : vector<16xf32>
        %gt3A_122 = arith.constant 0.000000e+00 : f32
        %gt3A_123 = vector.broadcast %gt3A_122 : f32 to vector<16xf32>
        %gt3A_124 = arith.cmpf ogt, %add3A_121, %gt3A_123 : vector<16xf32>
        %mul3A_125 = arith.constant 2.000000e-01 : f32
        %mul3A_126 = vector.broadcast %mul3A_125 : f32 to vector<16xf32>
        %mul3A_127 = arith.mulf %mul3A_126, %add3A_121 : vector<16xf32>
        %select_n3A_128 = arith.select %gt3A_124, %add3A_121, %mul3A_127 : vector<16xi1>, vector<16xf32>
        %mul3A_129 = arith.mulf %select_n3A_128, %get3A_17 : vector<16xf32>
        %add3A_130 = arith.addf %mul3A_112, %mul3A_129 : vector<16xf32>
        %get3A_131 = arith.index_cast %scan3A_97 : i32 to index
        %get3A_132 = arith.constant 32 : index
        %get3A_133 = tpu.vector_load %arg11[%get3A_131, %get3A_132] {strides = array<i32>} : memref<80x128xf32, #tpu.memory_space<vmem>>, vector<1x16xf32>,
        %get3A_134 = vector.shape_cast %get3A_133 : vector<1x16xf32> to vector<16xf32>
        %get3A_135 = arith.index_cast %scan3A_97 : i32 to index
        %get3A_136 = arith.constant 32 : index
        %get3A_137 = tpu.vector_load %arg12[%get3A_135, %get3A_136] {strides = array<i32>} : memref<80x128xf32, #tpu.memory_space<vmem>>, vector<1x16xf32>,
        %get3A_138 = vector.shape_cast %get3A_137 : vector<1x16xf32> to vector<16xf32>
        %add3A_139 = arith.addf %get3A_134, %get3A_138 : vector<16xf32>
        %gt3A_140 = arith.constant 0.000000e+00 : f32
        %gt3A_141 = vector.broadcast %gt3A_140 : f32 to vector<16xf32>
        %gt3A_142 = arith.cmpf ogt, %add3A_139, %gt3A_141 : vector<16xf32>
        %mul3A_143 = arith.constant 2.000000e-01 : f32
        %mul3A_144 = vector.broadcast %mul3A_143 : f32 to vector<16xf32>
        %mul3A_145 = arith.mulf %mul3A_144, %add3A_139 : vector<16xf32>
        %select_n3A_146 = arith.select %gt3A_142, %add3A_139, %mul3A_145 : vector<16xi1>, vector<16xf32>
        %mul3A_147 = arith.mulf %select_n3A_146, %get3A_20 : vector<16xf32>
        %add3A_148 = arith.addf %add3A_130, %mul3A_147 : vector<16xf32>
        %get3A_149 = arith.index_cast %scan3A_97 : i32 to index
        %get3A_150 = arith.constant 48 : index
        %get3A_151 = tpu.vector_load %arg11[%get3A_149, %get3A_150] {strides = array<i32>} : memref<80x128xf32, #tpu.memory_space<vmem>>, vector<1x16xf32>,
        %get3A_152 = vector.shape_cast %get3A_151 : vector<1x16xf32> to vector<16xf32>
        %get3A_153 = arith.index_cast %scan3A_97 : i32 to index
        %get3A_154 = arith.constant 48 : index
        %get3A_155 = tpu.vector_load %arg12[%get3A_153, %get3A_154] {strides = array<i32>} : memref<80x128xf32, #tpu.memory_space<vmem>>, vector<1x16xf32>,
        %get3A_156 = vector.shape_cast %get3A_155 : vector<1x16xf32> to vector<16xf32>
        %add3A_157 = arith.addf %get3A_152, %get3A_156 : vector<16xf32>
        %gt3A_158 = arith.constant 0.000000e+00 : f32
        %gt3A_159 = vector.broadcast %gt3A_158 : f32 to vector<16xf32>
        %gt3A_160 = arith.cmpf ogt, %add3A_157, %gt3A_159 : vector<16xf32>
        %mul3A_161 = arith.constant 2.000000e-01 : f32
        %mul3A_162 = vector.broadcast %mul3A_161 : f32 to vector<16xf32>
        %mul3A_163 = arith.mulf %mul3A_162, %add3A_157 : vector<16xf32>
        %select_n3A_164 = arith.select %gt3A_160, %add3A_157, %mul3A_163 : vector<16xi1>, vector<16xf32>
        %mul3A_165 = arith.mulf %select_n3A_164, %get3A_23 : vector<16xf32>
        %add3A_166 = arith.addf %add3A_148, %mul3A_165 : vector<16xf32>
        %get3A_167 = arith.index_cast %scan3A_97 : i32 to index
        %get3A_168 = arith.constant 64 : index
        %get3A_169 = tpu.vector_load %arg11[%get3A_167, %get3A_168] {strides = array<i32>} : memref<80x128xf32, #tpu.memory_space<vmem>>, vector<1x16xf32>,
        %get3A_170 = vector.shape_cast %get3A_169 : vector<1x16xf32> to vector<16xf32>
        %get3A_171 = arith.index_cast %scan3A_97 : i32 to index
        %get3A_172 = arith.constant 64 : index
        %get3A_173 = tpu.vector_load %arg12[%get3A_171, %get3A_172] {strides = array<i32>} : memref<80x128xf32, #tpu.memory_space<vmem>>, vector<1x16xf32>,
        %get3A_174 = vector.shape_cast %get3A_173 : vector<1x16xf32> to vector<16xf32>
        %add3A_175 = arith.addf %get3A_170, %get3A_174 : vector<16xf32>
        %gt3A_176 = arith.constant 0.000000e+00 : f32
        %gt3A_177 = vector.broadcast %gt3A_176 : f32 to vector<16xf32>
        %gt3A_178 = arith.cmpf ogt, %add3A_175, %gt3A_177 : vector<16xf32>
        %mul3A_179 = arith.constant 2.000000e-01 : f32
        %mul3A_180 = vector.broadcast %mul3A_179 : f32 to vector<16xf32>
        %mul3A_181 = arith.mulf %mul3A_180, %add3A_175 : vector<16xf32>
        %select_n3A_182 = arith.select %gt3A_178, %add3A_175, %mul3A_181 : vector<16xi1>, vector<16xf32>
        %mul3A_183 = arith.mulf %select_n3A_182, %get3A_26 : vector<16xf32>
        %add3A_184 = arith.addf %add3A_166, %mul3A_183 : vector<16xf32>
        %get3A_185 = arith.index_cast %scan3A_97 : i32 to index
        %get3A_186 = arith.constant 80 : index
        %get3A_187 = tpu.vector_load %arg11[%get3A_185, %get3A_186] {strides = array<i32>} : memref<80x128xf32, #tpu.memory_space<vmem>>, vector<1x16xf32>,
        %get3A_188 = vector.shape_cast %get3A_187 : vector<1x16xf32> to vector<16xf32>
        %get3A_189 = arith.index_cast %scan3A_97 : i32 to index
        %get3A_190 = arith.constant 80 : index
        %get3A_191 = tpu.vector_load %arg12[%get3A_189, %get3A_190] {strides = array<i32>} : memref<80x128xf32, #tpu.memory_space<vmem>>, vector<1x16xf32>,
        %get3A_192 = vector.shape_cast %get3A_191 : vector<1x16xf32> to vector<16xf32>
        %add3A_193 = arith.addf %get3A_188, %get3A_192 : vector<16xf32>
        %gt3A_194 = arith.constant 0.000000e+00 : f32
        %gt3A_195 = vector.broadcast %gt3A_194 : f32 to vector<16xf32>
        %gt3A_196 = arith.cmpf ogt, %add3A_193, %gt3A_195 : vector<16xf32>
        %mul3A_197 = arith.constant 2.000000e-01 : f32
        %mul3A_198 = vector.broadcast %mul3A_197 : f32 to vector<16xf32>
        %mul3A_199 = arith.mulf %mul3A_198, %add3A_193 : vector<16xf32>
        %select_n3A_200 = arith.select %gt3A_196, %add3A_193, %mul3A_199 : vector<16xi1>, vector<16xf32>
        %mul3A_201 = arith.mulf %select_n3A_200, %get3A_29 : vector<16xf32>
        %add3A_202 = arith.addf %add3A_184, %mul3A_201 : vector<16xf32>
        %get3A_203 = arith.index_cast %scan3A_97 : i32 to index
        %get3A_204 = arith.constant 96 : index
        %get3A_205 = tpu.vector_load %arg11[%get3A_203, %get3A_204] {strides = array<i32>} : memref<80x128xf32, #tpu.memory_space<vmem>>, vector<1x16xf32>,
        %get3A_206 = vector.shape_cast %get3A_205 : vector<1x16xf32> to vector<16xf32>
        %get3A_207 = arith.index_cast %scan3A_97 : i32 to index
        %get3A_208 = arith.constant 96 : index
        %get3A_209 = tpu.vector_load %arg12[%get3A_207, %get3A_208] {strides = array<i32>} : memref<80x128xf32, #tpu.memory_space<vmem>>, vector<1x16xf32>,
        %get3A_210 = vector.shape_cast %get3A_209 : vector<1x16xf32> to vector<16xf32>
        %add3A_211 = arith.addf %get3A_206, %get3A_210 : vector<16xf32>
        %gt3A_212 = arith.constant 0.000000e+00 : f32
        %gt3A_213 = vector.broadcast %gt3A_212 : f32 to vector<16xf32>
        %gt3A_214 = arith.cmpf ogt, %add3A_211, %gt3A_213 : vector<16xf32>
        %mul3A_215 = arith.constant 2.000000e-01 : f32
        %mul3A_216 = vector.broadcast %mul3A_215 : f32 to vector<16xf32>
        %mul3A_217 = arith.mulf %mul3A_216, %add3A_211 : vector<16xf32>
        %select_n3A_218 = arith.select %gt3A_214, %add3A_211, %mul3A_217 : vector<16xi1>, vector<16xf32>
        %mul3A_219 = arith.mulf %select_n3A_218, %get3A_32 : vector<16xf32>
        %add3A_220 = arith.addf %add3A_202, %mul3A_219 : vector<16xf32>
        %get3A_221 = arith.index_cast %scan3A_97 : i32 to index
        %get3A_222 = arith.constant 112 : index
        %get3A_223 = tpu.vector_load %arg11[%get3A_221, %get3A_222] {strides = array<i32>} : memref<80x128xf32, #tpu.memory_space<vmem>>, vector<1x16xf32>,
        %get3A_224 = vector.shape_cast %get3A_223 : vector<1x16xf32> to vector<16xf32>
        %get3A_225 = arith.index_cast %scan3A_97 : i32 to index
        %get3A_226 = arith.constant 112 : index
        %get3A_227 = tpu.vector_load %arg12[%get3A_225, %get3A_226] {strides = array<i32>} : memref<80x128xf32, #tpu.memory_space<vmem>>, vector<1x16xf32>,
        %get3A_228 = vector.shape_cast %get3A_227 : vector<1x16xf32> to vector<16xf32>
        %add3A_229 = arith.addf %get3A_224, %get3A_228 : vector<16xf32>
        %gt3A_230 = arith.constant 0.000000e+00 : f32
        %gt3A_231 = vector.broadcast %gt3A_230 : f32 to vector<16xf32>
        %gt3A_232 = arith.cmpf ogt, %add3A_229, %gt3A_231 : vector<16xf32>
        %mul3A_233 = arith.constant 2.000000e-01 : f32
        %mul3A_234 = vector.broadcast %mul3A_233 : f32 to vector<16xf32>
        %mul3A_235 = arith.mulf %mul3A_234, %add3A_229 : vector<16xf32>
        %select_n3A_236 = arith.select %gt3A_232, %add3A_229, %mul3A_235 : vector<16xi1>, vector<16xf32>
        %mul3A_237 = arith.mulf %select_n3A_236, %get3A_35 : vector<16xf32>
        %add3A_238 = arith.addf %add3A_220, %mul3A_237 : vector<16xf32>
        %broadcast_in_dim3A_239 = vector.shape_cast %xor3A_37 : vector<16xi32> to vector<16x1xi32>
        %gather3A = vector.shape_cast %broadcast_in_dim3A_239 : vector<16x1xi32> to vector<16xi32>
        %gather3A_240 = tpu.dynamic_gather %add3A_238[%gather3A] in [0] : vector<16xf32>, vector<16xi32> -> vector<16xf32>
        %add3A_241 = arith.addf %add3A_238, %gather3A_240 : vector<16xf32>
        %broadcast_in_dim3A_242 = vector.shape_cast %xor3A_41 : vector<16xi32> to vector<16x1xi32>
        %gather3A_243 = vector.shape_cast %broadcast_in_dim3A_242 : vector<16x1xi32> to vector<16xi32>
        %gather3A_244 = tpu.dynamic_gather %add3A_241[%gather3A_243] in [0] : vector<16xf32>, vector<16xi32> -> vector<16xf32>
        %add3A_245 = arith.addf %add3A_241, %gather3A_244 : vector<16xf32>
        %broadcast_in_dim3A_246 = vector.shape_cast %xor3A_45 : vector<16xi32> to vector<16x1xi32>
        %gather3A_247 = vector.shape_cast %broadcast_in_dim3A_246 : vector<16x1xi32> to vector<16xi32>
        %gather3A_248 = tpu.dynamic_gather %add3A_245[%gather3A_247] in [0] : vector<16xf32>, vector<16xi32> -> vector<16xf32>
        %add3A_249 = arith.addf %add3A_245, %gather3A_248 : vector<16xf32>
        %broadcast_in_dim3A_250 = vector.shape_cast %xor3A_49 : vector<16xi32> to vector<16x1xi32>
        %gather3A_251 = vector.shape_cast %broadcast_in_dim3A_250 : vector<16x1xi32> to vector<16xi32>
        %gather3A_252 = tpu.dynamic_gather %add3A_249[%gather3A_251] in [0] : vector<16xf32>, vector<16xi32> -> vector<16xf32>
        %add3A_253 = arith.addf %add3A_249, %gather3A_252 : vector<16xf32>
        %exp3A = math.exp %add3A_253 : vector<16xf32>
        %swap3A = arith.index_cast %scan3A_97 : i32 to index
        %swap3A_254 = arith.constant 0 : index
        %swap3A_255 = tpu.vector_load %arg13[%swap3A, %swap3A_254] {strides = array<i32>} : memref<80x16xf32, #tpu.memory_space<vmem>>, vector<1x16xf32>,
        %swap3A_256 = vector.shape_cast %swap3A_255 : vector<1x16xf32> to vector<16xf32>
        %swap3A_257 = vector.shape_cast %exp3A : vector<16xf32> to vector<1x16xf32>
        tpu.vector_store %arg13[%swap3A, %swap3A_254], %swap3A_257 {strides = array<i32>} : memref<80x16xf32, #tpu.memory_space<vmem>>, vector<1x16xf32>,
      }
      %scan3A_91 = arith.constant 80 : i32
      %mul3A_92 = arith.constant 10000 : i32
      %mul3A_93 = arith.muli %add3A, %mul3A_92 : i32
      %mul3A_94 = arith.constant 80 : i32
      %mul3A_95 = arith.muli %scan3A_63, %mul3A_94 : i32
      %add3A_96 = arith.addi %mul3A_93, %mul3A_95 : i32
      "tpu.region"() ({
        %run_scoped3A = tpu.sem_alloc : memref<!tpu.dma_semaphore, #tpu.memory_space<semaphore_mem>>
        %dma_start3A_97 = arith.constant 0 : i32
        %dma_start3A_98 = tpu.memref_slice %arg7[%add3A_96, %dma_start3A_97] : memref<320000x16xf32, #tpu.memory_space<hbm>> -> memref<80x16xf32, #tpu.memory_space<hbm>>
        %dma_start3A_99 = arith.constant 0 : i32
        %dma_start3A_100 = tpu.memref_slice %arg7[%add3A_96, %dma_start3A_99] : memref<320000x16xf32, #tpu.memory_space<hbm>> -> memref<80x16xf32, #tpu.memory_space<hbm>>
        tpu.enqueue_dma source(%arg13 : memref<80x16xf32, #tpu.memory_space<vmem>>) target(%dma_start3A_100 : memref<80x16xf32, #tpu.memory_space<hbm>>) target_semaphore(%run_scoped3A : memref<!tpu.dma_semaphore, #tpu.memory_space<semaphore_mem>>)
        %dma_wait3A_101 = arith.constant 0 : i32
        %dma_wait3A_102 = tpu.memref_slice %arg7[%add3A_96, %dma_wait3A_101] : memref<320000x16xf32, #tpu.memory_space<hbm>> -> memref<80x16xf32, #tpu.memory_space<hbm>>
        %dma_wait3A_103 = arith.constant 0 : i32
        %dma_wait3A_104 = tpu.memref_slice %arg7[%add3A_96, %dma_wait3A_103] : memref<320000x16xf32, #tpu.memory_space<hbm>> -> memref<80x16xf32, #tpu.memory_space<hbm>>
        tpu.wait_dma2 semaphore(%run_scoped3A : memref<!tpu.dma_semaphore, #tpu.memory_space<semaphore_mem>>) src(%arg13 : memref<80x16xf32, #tpu.memory_space<vmem>>) dst(%dma_wait3A_104 : memref<80x16xf32, #tpu.memory_space<hbm>>)
        tpu.yield
      }) : () -> ()
      "tpu.region"() ({
        %run_scoped3A = tpu.sem_alloc : memref<!tpu.dma_semaphore, #tpu.memory_space<semaphore_mem>>
        %dma_start3A_97 = arith.constant 0 : i32
        %dma_start3A_98 = tpu.memref_slice %arg10[%scan3A_63, %dma_start3A_97] : memref<125x80xi32, #tpu.memory_space<vmem>> -> memref<1x80xi32, #tpu.memory_space<vmem>>
        %dma_start3A_99 = tpu.memref_squeeze %dma_start3A_98 : memref<1x80xi32, #tpu.memory_space<vmem>> -> memref<80xi32, #tpu.memory_space<vmem>>
        %dma_start3A_100 = arith.constant 0 : i32
        %dma_start3A_101 = arith.constant 0 : i32
        %dma_start3A_102 = tpu.memref_slice %arg16[%dma_start3A_100, %dma_start3A_101] : memref<10000x16xf32, #tpu.memory_space<vmem_shared>> -> memref<10000x16xf32, #tpu.memory_space<vmem_shared>>
        tpu.enqueue_indirect_dma source(%arg13 : memref<80x16xf32, #tpu.memory_space<vmem>>) target(%dma_start3A_102 : memref<10000x16xf32, #tpu.memory_space<vmem_shared>>) offsets(%dma_start3A_99 : memref<80xi32, #tpu.memory_space<vmem>>) semaphore(%run_scoped3A : memref<!tpu.dma_semaphore, #tpu.memory_space<semaphore_mem>>) {add = true}
        %dma_wait3A_103 = arith.constant 0 : i32
        %dma_wait3A_104 = tpu.memref_slice %arg10[%scan3A_63, %dma_wait3A_103] : memref<125x80xi32, #tpu.memory_space<vmem>> -> memref<1x80xi32, #tpu.memory_space<vmem>>
        %dma_wait3A_105 = tpu.memref_squeeze %dma_wait3A_104 : memref<1x80xi32, #tpu.memory_space<vmem>> -> memref<80xi32, #tpu.memory_space<vmem>>
        %dma_wait3A_106 = arith.constant 0 : i32
        %dma_wait3A_107 = arith.constant 0 : i32
        %dma_wait3A_108 = tpu.memref_slice %arg16[%dma_wait3A_106, %dma_wait3A_107] : memref<10000x16xf32, #tpu.memory_space<vmem_shared>> -> memref<10000x16xf32, #tpu.memory_space<vmem_shared>>
        tpu.wait_indirect_dma semaphore(%run_scoped3A : memref<!tpu.dma_semaphore, #tpu.memory_space<semaphore_mem>>) src(%arg13 : memref<80x16xf32, #tpu.memory_space<vmem>>) dst(%dma_wait3A_108 : memref<10000x16xf32, #tpu.memory_space<vmem_shared>>)
        tpu.yield
      }) : () -> ()
    }
    %scan3A_55 = arith.constant 125 : i32
    %barrier3A_56 = arith.constant 0 : index
    tpu.barrier barrier_id(%barrier3A_56)
    %scan3A_57 = arith.constant 0 : i32
    %scan3A_58 = arith.constant 0 : i32
    %scan3A_59 = arith.constant 8 : i32
    %scan3A_60 = arith.addi %scan3A_58, %scan3A_59 : i32
    %scan3A_61 = arith.constant 1 : i32
    scf.for %scan3A_63 = %scan3A_58 to %scan3A_60 step %scan3A_61  : i32 {
      %mul3A_64 = arith.constant 16 : i32
      %mul3A_65 = arith.muli %mul3A_64, %scan3A_63 : i32
      %add3A_66 = arith.addi %arg1, %mul3A_65 : i32
      %lt3A = arith.constant 125 : i32
      %lt3A_67 = arith.cmpi slt, %add3A_66, %lt3A : i32
      %convert_element_type3A = arith.extui %lt3A_67 : i1 to i32
      %cond3A = arith.constant 0 : i32
      %cond3A_68 = arith.cmpi ne, %convert_element_type3A, %cond3A : i32
      scf.if %cond3A_68 {
        %mul3A_69 = arith.constant 80 : i32
        %mul3A_70 = arith.muli %add3A_66, %mul3A_69 : i32
        %mul3A_71 = arith.constant 80 : i32
        %mul3A_72 = arith.muli %add3A_66, %mul3A_71 : i32
        "tpu.region"() ({
          %run_scoped3A = tpu.sem_alloc : memref<!tpu.dma_semaphore, #tpu.memory_space<semaphore_mem>>
          %dma_start3A = arith.constant 0 : i32
          %dma_start3A_73 = tpu.memref_slice %arg8[%arg0, %mul3A_72, %dma_start3A] : memref<2x10000x16xf32, #tpu.memory_space<hbm>> -> memref<1x80x16xf32, #tpu.memory_space<hbm>>
          %dma_start3A_74 = tpu.memref_squeeze %dma_start3A_73 : memref<1x80x16xf32, #tpu.memory_space<hbm>> -> memref<80x16xf32, #tpu.memory_space<hbm>>
          %dma_start3A_75 = arith.constant 0 : i32
          %dma_start3A_76 = tpu.memref_slice %arg16[%mul3A_70, %dma_start3A_75] : memref<10000x16xf32, #tpu.memory_space<vmem_shared>> -> memref<80x16xf32, #tpu.memory_space<vmem_shared>>
          tpu.enqueue_dma source(%dma_start3A_76 : memref<80x16xf32, #tpu.memory_space<vmem_shared>>) target(%dma_start3A_74 : memref<80x16xf32, #tpu.memory_space<hbm>>) target_semaphore(%run_scoped3A : memref<!tpu.dma_semaphore, #tpu.memory_space<semaphore_mem>>)
          %dma_wait3A = arith.constant 0 : i32
          %dma_wait3A_77 = tpu.memref_slice %arg8[%arg0, %mul3A_72, %dma_wait3A] : memref<2x10000x16xf32, #tpu.memory_space<hbm>> -> memref<1x80x16xf32, #tpu.memory_space<hbm>>
          %dma_wait3A_78 = tpu.memref_squeeze %dma_wait3A_77 : memref<1x80x16xf32, #tpu.memory_space<hbm>> -> memref<80x16xf32, #tpu.memory_space<hbm>>
          %dma_wait3A_79 = arith.constant 0 : i32
          %dma_wait3A_80 = tpu.memref_slice %arg16[%mul3A_70, %dma_wait3A_79] : memref<10000x16xf32, #tpu.memory_space<vmem_shared>> -> memref<80x16xf32, #tpu.memory_space<vmem_shared>>
          tpu.wait_dma2 semaphore(%run_scoped3A : memref<!tpu.dma_semaphore, #tpu.memory_space<semaphore_mem>>) src(%dma_wait3A_80 : memref<80x16xf32, #tpu.memory_space<vmem_shared>>) dst(%dma_wait3A_78 : memref<80x16xf32, #tpu.memory_space<hbm>>)
          tpu.yield
        }) : () -> ()
      } else {
      }
    }
    %scan3A_62 = arith.constant 8 : i32
    return
  }
}

#map = affine_map<(d0, d1) -> (0, 0, 0)>
#map1 = affine_map<(d0, d1) -> (0, 0)>
module attributes {stable_mosaic.version = 14 : i64} {
  func.func @_scat_body(%arg0: i32, %arg1: i32, %arg2: memref<2x10000x64xf32, #tpu.memory_space<hbm>>, %arg3: memref<320000x16xf32, #tpu.memory_space<hbm>>, %arg4: memref<16x250x80xi32, #tpu.memory_space<hbm>>, %arg5: memref<16x250x80xi32, #tpu.memory_space<hbm>>, %arg6: memref<2x10000x64xf32, #tpu.memory_space<hbm>>, %arg7: memref<250x80xi32, #tpu.memory_space<vmem>>, %arg8: memref<250x80xi32, #tpu.memory_space<vmem>>, %arg9: memref<80x64xf32, #tpu.memory_space<vmem>>, %arg10: memref<80x16xf32, #tpu.memory_space<vmem>>, %arg11: memref<80x64xf32, #tpu.memory_space<vmem>>, %arg12: memref<80x64xf32, #tpu.memory_space<vmem>>, %arg13: memref<10000x64xf32, #tpu.memory_space<vmem_shared>>, %arg14: memref<!tpu.dma_semaphore, #tpu.memory_space<semaphore_mem>>) attributes {dimension_semantics = [#tpu.dimension_semantics<core_parallel>, #tpu.dimension_semantics<subcore_parallel>], iteration_bounds = array<i64: 2, 16>, scalar_prefetch = 0 : i64, scratch_operands = 8 : i64, tpu.core_type = #tpu.core_type<sc_vector_subcore>, window_params = [{transform_indices = #map}, {transform_indices = #map1}, {transform_indices = #map}, {transform_indices = #map}, {transform_indices = #map}]} {
    %broadcast_in_dim3A = arith.constant 0.000000e+00 : f32
    %broadcast_in_dim3A_0 = vector.broadcast %broadcast_in_dim3A : f32 to vector<16xf32>
    %scan3A = arith.constant 0 : i32
    %scan3A_1 = arith.constant 0 : i32
    %scan3A_2 = arith.constant 80 : i32
    %scan3A_3 = arith.addi %scan3A_1, %scan3A_2 : i32
    %scan3A_4 = arith.constant 1 : i32
    scf.for %scan3A_25 = %scan3A_1 to %scan3A_3 step %scan3A_4  : i32 {
      %swap3A = arith.index_cast %scan3A_25 : i32 to index
      %swap3A_26 = arith.constant 0 : index
      %swap3A_27 = tpu.vector_load %arg12[%swap3A, %swap3A_26] {strides = array<i32>} : memref<80x64xf32, #tpu.memory_space<vmem>>, vector<1x16xf32>,
      %swap3A_28 = vector.shape_cast %swap3A_27 : vector<1x16xf32> to vector<16xf32>
      %swap3A_29 = vector.shape_cast %broadcast_in_dim3A_0 : vector<16xf32> to vector<1x16xf32>
      tpu.vector_store %arg12[%swap3A, %swap3A_26], %swap3A_29 {strides = array<i32>} : memref<80x64xf32, #tpu.memory_space<vmem>>, vector<1x16xf32>,
      %swap3A_30 = arith.index_cast %scan3A_25 : i32 to index
      %swap3A_31 = arith.constant 16 : index
      %swap3A_32 = tpu.vector_load %arg12[%swap3A_30, %swap3A_31] {strides = array<i32>} : memref<80x64xf32, #tpu.memory_space<vmem>>, vector<1x16xf32>,
      %swap3A_33 = vector.shape_cast %swap3A_32 : vector<1x16xf32> to vector<16xf32>
      %swap3A_34 = vector.shape_cast %broadcast_in_dim3A_0 : vector<16xf32> to vector<1x16xf32>
      tpu.vector_store %arg12[%swap3A_30, %swap3A_31], %swap3A_34 {strides = array<i32>} : memref<80x64xf32, #tpu.memory_space<vmem>>, vector<1x16xf32>,
      %swap3A_35 = arith.index_cast %scan3A_25 : i32 to index
      %swap3A_36 = arith.constant 32 : index
      %swap3A_37 = tpu.vector_load %arg12[%swap3A_35, %swap3A_36] {strides = array<i32>} : memref<80x64xf32, #tpu.memory_space<vmem>>, vector<1x16xf32>,
      %swap3A_38 = vector.shape_cast %swap3A_37 : vector<1x16xf32> to vector<16xf32>
      %swap3A_39 = vector.shape_cast %broadcast_in_dim3A_0 : vector<16xf32> to vector<1x16xf32>
      tpu.vector_store %arg12[%swap3A_35, %swap3A_36], %swap3A_39 {strides = array<i32>} : memref<80x64xf32, #tpu.memory_space<vmem>>, vector<1x16xf32>,
      %swap3A_40 = arith.index_cast %scan3A_25 : i32 to index
      %swap3A_41 = arith.constant 48 : index
      %swap3A_42 = tpu.vector_load %arg12[%swap3A_40, %swap3A_41] {strides = array<i32>} : memref<80x64xf32, #tpu.memory_space<vmem>>, vector<1x16xf32>,
      %swap3A_43 = vector.shape_cast %swap3A_42 : vector<1x16xf32> to vector<16xf32>
      %swap3A_44 = vector.shape_cast %broadcast_in_dim3A_0 : vector<16xf32> to vector<1x16xf32>
      tpu.vector_store %arg12[%swap3A_40, %swap3A_41], %swap3A_44 {strides = array<i32>} : memref<80x64xf32, #tpu.memory_space<vmem>>, vector<1x16xf32>,
    }
    %scan3A_5 = arith.constant 80 : i32
    %scan3A_6 = arith.constant 0 : i32
    %scan3A_7 = arith.constant 0 : i32
    %scan3A_8 = arith.constant 8 : i32
    %scan3A_9 = arith.addi %scan3A_7, %scan3A_8 : i32
    %scan3A_10 = arith.constant 1 : i32
    scf.for %scan3A_25 = %scan3A_7 to %scan3A_9 step %scan3A_10  : i32 {
      %mul3A = arith.constant 16 : i32
      %mul3A_26 = arith.muli %mul3A, %scan3A_25 : i32
      %add3A = arith.addi %arg1, %mul3A_26 : i32
      %lt3A = arith.constant 125 : i32
      %lt3A_27 = arith.cmpi slt, %add3A, %lt3A : i32
      %convert_element_type3A = arith.extui %lt3A_27 : i1 to i32
      %cond3A = arith.constant 0 : i32
      %cond3A_28 = arith.cmpi ne, %convert_element_type3A, %cond3A : i32
      scf.if %cond3A_28 {
        %mul3A_29 = arith.constant 80 : i32
        %mul3A_30 = arith.muli %add3A, %mul3A_29 : i32
        "tpu.region"() ({
          %run_scoped3A = tpu.sem_alloc : memref<!tpu.dma_semaphore, #tpu.memory_space<semaphore_mem>>
          %dma_start3A = arith.constant 0 : i32
          %dma_start3A_31 = tpu.memref_slice %arg13[%mul3A_30, %dma_start3A] : memref<10000x64xf32, #tpu.memory_space<vmem_shared>> -> memref<80x64xf32, #tpu.memory_space<vmem_shared>>
          %dma_start3A_32 = arith.constant 0 : i32
          %dma_start3A_33 = tpu.memref_slice %arg13[%mul3A_30, %dma_start3A_32] : memref<10000x64xf32, #tpu.memory_space<vmem_shared>> -> memref<80x64xf32, #tpu.memory_space<vmem_shared>>
          tpu.enqueue_dma source(%arg12 : memref<80x64xf32, #tpu.memory_space<vmem>>) target(%dma_start3A_33 : memref<80x64xf32, #tpu.memory_space<vmem_shared>>) target_semaphore(%run_scoped3A : memref<!tpu.dma_semaphore, #tpu.memory_space<semaphore_mem>>)
          %dma_wait3A = arith.constant 0 : i32
          %dma_wait3A_34 = tpu.memref_slice %arg13[%mul3A_30, %dma_wait3A] : memref<10000x64xf32, #tpu.memory_space<vmem_shared>> -> memref<80x64xf32, #tpu.memory_space<vmem_shared>>
          %dma_wait3A_35 = arith.constant 0 : i32
          %dma_wait3A_36 = tpu.memref_slice %arg13[%mul3A_30, %dma_wait3A_35] : memref<10000x64xf32, #tpu.memory_space<vmem_shared>> -> memref<80x64xf32, #tpu.memory_space<vmem_shared>>
          tpu.wait_dma2 semaphore(%run_scoped3A : memref<!tpu.dma_semaphore, #tpu.memory_space<semaphore_mem>>) src(%arg12 : memref<80x64xf32, #tpu.memory_space<vmem>>) dst(%dma_wait3A_36 : memref<80x64xf32, #tpu.memory_space<vmem_shared>>)
          tpu.yield
        }) : () -> ()
      } else {
      }
    }
    %scan3A_11 = arith.constant 8 : i32
    "tpu.region"() ({
      %run_scoped3A = tpu.sem_alloc : memref<!tpu.dma_semaphore, #tpu.memory_space<semaphore_mem>>
      %dma_start3A = arith.constant 0 : i32
      %dma_start3A_25 = arith.constant 0 : i32
      %dma_start3A_26 = tpu.memref_slice %arg4[%arg1, %dma_start3A, %dma_start3A_25] : memref<16x250x80xi32, #tpu.memory_space<hbm>> -> memref<1x250x80xi32, #tpu.memory_space<hbm>>
      %dma_start3A_27 = tpu.memref_squeeze %dma_start3A_26 : memref<1x250x80xi32, #tpu.memory_space<hbm>> -> memref<250x80xi32, #tpu.memory_space<hbm>>
      %dma_start3A_28 = arith.constant 0 : i32
      %dma_start3A_29 = arith.constant 0 : i32
      %dma_start3A_30 = tpu.memref_slice %arg4[%arg1, %dma_start3A_28, %dma_start3A_29] : memref<16x250x80xi32, #tpu.memory_space<hbm>> -> memref<1x250x80xi32, #tpu.memory_space<hbm>>
      %dma_start3A_31 = tpu.memref_squeeze %dma_start3A_30 : memref<1x250x80xi32, #tpu.memory_space<hbm>> -> memref<250x80xi32, #tpu.memory_space<hbm>>
      tpu.enqueue_dma source(%dma_start3A_31 : memref<250x80xi32, #tpu.memory_space<hbm>>) target(%arg7 : memref<250x80xi32, #tpu.memory_space<vmem>>) target_semaphore(%run_scoped3A : memref<!tpu.dma_semaphore, #tpu.memory_space<semaphore_mem>>)
      %dma_wait3A = arith.constant 0 : i32
      %dma_wait3A_32 = arith.constant 0 : i32
      %dma_wait3A_33 = tpu.memref_slice %arg4[%arg1, %dma_wait3A, %dma_wait3A_32] : memref<16x250x80xi32, #tpu.memory_space<hbm>> -> memref<1x250x80xi32, #tpu.memory_space<hbm>>
      %dma_wait3A_34 = tpu.memref_squeeze %dma_wait3A_33 : memref<1x250x80xi32, #tpu.memory_space<hbm>> -> memref<250x80xi32, #tpu.memory_space<hbm>>
      %dma_wait3A_35 = arith.constant 0 : i32
      %dma_wait3A_36 = arith.constant 0 : i32
      %dma_wait3A_37 = tpu.memref_slice %arg4[%arg1, %dma_wait3A_35, %dma_wait3A_36] : memref<16x250x80xi32, #tpu.memory_space<hbm>> -> memref<1x250x80xi32, #tpu.memory_space<hbm>>
      %dma_wait3A_38 = tpu.memref_squeeze %dma_wait3A_37 : memref<1x250x80xi32, #tpu.memory_space<hbm>> -> memref<250x80xi32, #tpu.memory_space<hbm>>
      tpu.wait_dma2 semaphore(%run_scoped3A : memref<!tpu.dma_semaphore, #tpu.memory_space<semaphore_mem>>) src(%dma_wait3A_38 : memref<250x80xi32, #tpu.memory_space<hbm>>) dst(%arg7 : memref<250x80xi32, #tpu.memory_space<vmem>>)
      tpu.yield
    }) : () -> ()
    "tpu.region"() ({
      %run_scoped3A = tpu.sem_alloc : memref<!tpu.dma_semaphore, #tpu.memory_space<semaphore_mem>>
      %dma_start3A = arith.constant 0 : i32
      %dma_start3A_25 = arith.constant 0 : i32
      %dma_start3A_26 = tpu.memref_slice %arg5[%arg1, %dma_start3A, %dma_start3A_25] : memref<16x250x80xi32, #tpu.memory_space<hbm>> -> memref<1x250x80xi32, #tpu.memory_space<hbm>>
      %dma_start3A_27 = tpu.memref_squeeze %dma_start3A_26 : memref<1x250x80xi32, #tpu.memory_space<hbm>> -> memref<250x80xi32, #tpu.memory_space<hbm>>
      %dma_start3A_28 = arith.constant 0 : i32
      %dma_start3A_29 = arith.constant 0 : i32
      %dma_start3A_30 = tpu.memref_slice %arg5[%arg1, %dma_start3A_28, %dma_start3A_29] : memref<16x250x80xi32, #tpu.memory_space<hbm>> -> memref<1x250x80xi32, #tpu.memory_space<hbm>>
      %dma_start3A_31 = tpu.memref_squeeze %dma_start3A_30 : memref<1x250x80xi32, #tpu.memory_space<hbm>> -> memref<250x80xi32, #tpu.memory_space<hbm>>
      tpu.enqueue_dma source(%dma_start3A_31 : memref<250x80xi32, #tpu.memory_space<hbm>>) target(%arg8 : memref<250x80xi32, #tpu.memory_space<vmem>>) target_semaphore(%run_scoped3A : memref<!tpu.dma_semaphore, #tpu.memory_space<semaphore_mem>>)
      %dma_wait3A = arith.constant 0 : i32
      %dma_wait3A_32 = arith.constant 0 : i32
      %dma_wait3A_33 = tpu.memref_slice %arg5[%arg1, %dma_wait3A, %dma_wait3A_32] : memref<16x250x80xi32, #tpu.memory_space<hbm>> -> memref<1x250x80xi32, #tpu.memory_space<hbm>>
      %dma_wait3A_34 = tpu.memref_squeeze %dma_wait3A_33 : memref<1x250x80xi32, #tpu.memory_space<hbm>> -> memref<250x80xi32, #tpu.memory_space<hbm>>
      %dma_wait3A_35 = arith.constant 0 : i32
      %dma_wait3A_36 = arith.constant 0 : i32
      %dma_wait3A_37 = tpu.memref_slice %arg5[%arg1, %dma_wait3A_35, %dma_wait3A_36] : memref<16x250x80xi32, #tpu.memory_space<hbm>> -> memref<1x250x80xi32, #tpu.memory_space<hbm>>
      %dma_wait3A_38 = tpu.memref_squeeze %dma_wait3A_37 : memref<1x250x80xi32, #tpu.memory_space<hbm>> -> memref<250x80xi32, #tpu.memory_space<hbm>>
      tpu.wait_dma2 semaphore(%run_scoped3A : memref<!tpu.dma_semaphore, #tpu.memory_space<semaphore_mem>>) src(%dma_wait3A_38 : memref<250x80xi32, #tpu.memory_space<hbm>>) dst(%arg8 : memref<250x80xi32, #tpu.memory_space<vmem>>)
      tpu.yield
    }) : () -> ()
    %barrier3A = arith.constant 0 : index
    tpu.barrier barrier_id(%barrier3A)
    %scan3A_12 = arith.constant 0 : i32
    %scan3A_13 = arith.constant 0 : i32
    %scan3A_14 = arith.constant 250 : i32
    %scan3A_15 = arith.addi %scan3A_13, %scan3A_14 : i32
    %scan3A_16 = arith.constant 1 : i32
    scf.for %scan3A_25 = %scan3A_13 to %scan3A_15 step %scan3A_16  : i32 {
      %dma_start3A = arith.constant 0 : i32
      %dma_start3A_26 = tpu.memref_slice %arg7[%scan3A_25, %dma_start3A] : memref<250x80xi32, #tpu.memory_space<vmem>> -> memref<1x80xi32, #tpu.memory_space<vmem>>
      %dma_start3A_27 = tpu.memref_squeeze %dma_start3A_26 : memref<1x80xi32, #tpu.memory_space<vmem>> -> memref<80xi32, #tpu.memory_space<vmem>>
      %dma_start3A_28 = arith.constant 0 : i32
      %dma_start3A_29 = arith.constant 0 : i32
      %dma_start3A_30 = tpu.memref_slice %arg2[%arg0, %dma_start3A_28, %dma_start3A_29] : memref<2x10000x64xf32, #tpu.memory_space<hbm>> -> memref<1x10000x64xf32, #tpu.memory_space<hbm>>
      %dma_start3A_31 = tpu.memref_squeeze %dma_start3A_30 : memref<1x10000x64xf32, #tpu.memory_space<hbm>> -> memref<10000x64xf32, #tpu.memory_space<hbm>>
      %dma_start3A_32 = arith.constant 0 : i32
      %dma_start3A_33 = arith.constant 0 : i32
      %dma_start3A_34 = tpu.memref_slice %dma_start3A_31[%dma_start3A_32, %dma_start3A_33] : memref<10000x64xf32, #tpu.memory_space<hbm>> -> memref<10000x64xf32, #tpu.memory_space<hbm>>
      tpu.enqueue_indirect_dma source(%dma_start3A_34 : memref<10000x64xf32, #tpu.memory_space<hbm>>) target(%arg9 : memref<80x64xf32, #tpu.memory_space<vmem>>) offsets(%dma_start3A_27 : memref<80xi32, #tpu.memory_space<vmem>>) semaphore(%arg14 : memref<!tpu.dma_semaphore, #tpu.memory_space<semaphore_mem>>)
      %mul3A = arith.constant 20000 : i32
      %mul3A_35 = arith.muli %arg1, %mul3A : i32
      %mul3A_36 = arith.constant 80 : i32
      %mul3A_37 = arith.muli %scan3A_25, %mul3A_36 : i32
      %add3A = arith.addi %mul3A_35, %mul3A_37 : i32
      "tpu.region"() ({
        %run_scoped3A = tpu.sem_alloc : memref<!tpu.dma_semaphore, #tpu.memory_space<semaphore_mem>>
        %dma_start3A_53 = arith.constant 0 : i32
        %dma_start3A_54 = tpu.memref_slice %arg3[%add3A, %dma_start3A_53] : memref<320000x16xf32, #tpu.memory_space<hbm>> -> memref<80x16xf32, #tpu.memory_space<hbm>>
        %dma_start3A_55 = arith.constant 0 : i32
        %dma_start3A_56 = tpu.memref_slice %arg3[%add3A, %dma_start3A_55] : memref<320000x16xf32, #tpu.memory_space<hbm>> -> memref<80x16xf32, #tpu.memory_space<hbm>>
        tpu.enqueue_dma source(%dma_start3A_56 : memref<80x16xf32, #tpu.memory_space<hbm>>) target(%arg10 : memref<80x16xf32, #tpu.memory_space<vmem>>) target_semaphore(%run_scoped3A : memref<!tpu.dma_semaphore, #tpu.memory_space<semaphore_mem>>)
        %dma_wait3A_57 = arith.constant 0 : i32
        %dma_wait3A_58 = tpu.memref_slice %arg3[%add3A, %dma_wait3A_57] : memref<320000x16xf32, #tpu.memory_space<hbm>> -> memref<80x16xf32, #tpu.memory_space<hbm>>
        %dma_wait3A_59 = arith.constant 0 : i32
        %dma_wait3A_60 = tpu.memref_slice %arg3[%add3A, %dma_wait3A_59] : memref<320000x16xf32, #tpu.memory_space<hbm>> -> memref<80x16xf32, #tpu.memory_space<hbm>>
        tpu.wait_dma2 semaphore(%run_scoped3A : memref<!tpu.dma_semaphore, #tpu.memory_space<semaphore_mem>>) src(%dma_wait3A_60 : memref<80x16xf32, #tpu.memory_space<hbm>>) dst(%arg10 : memref<80x16xf32, #tpu.memory_space<vmem>>)
        tpu.yield
      }) : () -> ()
      %dma_wait3A = arith.constant 0 : i32
      %dma_wait3A_38 = tpu.memref_slice %arg7[%scan3A_25, %dma_wait3A] : memref<250x80xi32, #tpu.memory_space<vmem>> -> memref<1x80xi32, #tpu.memory_space<vmem>>
      %dma_wait3A_39 = tpu.memref_squeeze %dma_wait3A_38 : memref<1x80xi32, #tpu.memory_space<vmem>> -> memref<80xi32, #tpu.memory_space<vmem>>
      %dma_wait3A_40 = arith.constant 0 : i32
      %dma_wait3A_41 = arith.constant 0 : i32
      %dma_wait3A_42 = tpu.memref_slice %arg2[%arg0, %dma_wait3A_40, %dma_wait3A_41] : memref<2x10000x64xf32, #tpu.memory_space<hbm>> -> memref<1x10000x64xf32, #tpu.memory_space<hbm>>
      %dma_wait3A_43 = tpu.memref_squeeze %dma_wait3A_42 : memref<1x10000x64xf32, #tpu.memory_space<hbm>> -> memref<10000x64xf32, #tpu.memory_space<hbm>>
      %dma_wait3A_44 = arith.constant 0 : i32
      %dma_wait3A_45 = arith.constant 0 : i32
      %dma_wait3A_46 = tpu.memref_slice %dma_wait3A_43[%dma_wait3A_44, %dma_wait3A_45] : memref<10000x64xf32, #tpu.memory_space<hbm>> -> memref<10000x64xf32, #tpu.memory_space<hbm>>
      tpu.wait_indirect_dma semaphore(%arg14 : memref<!tpu.dma_semaphore, #tpu.memory_space<semaphore_mem>>) src(%dma_wait3A_46 : memref<10000x64xf32, #tpu.memory_space<hbm>>) dst(%arg9 : memref<80x64xf32, #tpu.memory_space<vmem>>)
      %scan3A_47 = arith.constant 0 : i32
      %scan3A_48 = arith.constant 0 : i32
      %scan3A_49 = arith.constant 80 : i32
      %scan3A_50 = arith.addi %scan3A_48, %scan3A_49 : i32
      %scan3A_51 = arith.constant 1 : i32
      scf.for %scan3A_53 = %scan3A_48 to %scan3A_50 step %scan3A_51  : i32 {
        %get3A = arith.index_cast %scan3A_53 : i32 to index
        %get3A_54 = arith.constant 0 : index
        %get3A_55 = tpu.vector_load %arg10[%get3A, %get3A_54] {strides = array<i32>} : memref<80x16xf32, #tpu.memory_space<vmem>>, vector<1x16xf32>,
        %get3A_56 = vector.shape_cast %get3A_55 : vector<1x16xf32> to vector<16xf32>
        %get3A_57 = arith.index_cast %scan3A_53 : i32 to index
        %get3A_58 = arith.constant 0 : index
        %get3A_59 = tpu.vector_load %arg9[%get3A_57, %get3A_58] {strides = array<i32>} : memref<80x64xf32, #tpu.memory_space<vmem>>, vector<1x16xf32>,
        %get3A_60 = vector.shape_cast %get3A_59 : vector<1x16xf32> to vector<16xf32>
        %mul3A_61 = arith.mulf %get3A_56, %get3A_60 : vector<16xf32>
        %swap3A = arith.index_cast %scan3A_53 : i32 to index
        %swap3A_62 = arith.constant 0 : index
        %swap3A_63 = tpu.vector_load %arg11[%swap3A, %swap3A_62] {strides = array<i32>} : memref<80x64xf32, #tpu.memory_space<vmem>>, vector<1x16xf32>,
        %swap3A_64 = vector.shape_cast %swap3A_63 : vector<1x16xf32> to vector<16xf32>
        %swap3A_65 = vector.shape_cast %mul3A_61 : vector<16xf32> to vector<1x16xf32>
        tpu.vector_store %arg11[%swap3A, %swap3A_62], %swap3A_65 {strides = array<i32>} : memref<80x64xf32, #tpu.memory_space<vmem>>, vector<1x16xf32>,
        %get3A_66 = arith.index_cast %scan3A_53 : i32 to index
        %get3A_67 = arith.constant 16 : index
        %get3A_68 = tpu.vector_load %arg9[%get3A_66, %get3A_67] {strides = array<i32>} : memref<80x64xf32, #tpu.memory_space<vmem>>, vector<1x16xf32>,
        %get3A_69 = vector.shape_cast %get3A_68 : vector<1x16xf32> to vector<16xf32>
        %mul3A_70 = arith.mulf %get3A_56, %get3A_69 : vector<16xf32>
        %swap3A_71 = arith.index_cast %scan3A_53 : i32 to index
        %swap3A_72 = arith.constant 16 : index
        %swap3A_73 = tpu.vector_load %arg11[%swap3A_71, %swap3A_72] {strides = array<i32>} : memref<80x64xf32, #tpu.memory_space<vmem>>, vector<1x16xf32>,
        %swap3A_74 = vector.shape_cast %swap3A_73 : vector<1x16xf32> to vector<16xf32>
        %swap3A_75 = vector.shape_cast %mul3A_70 : vector<16xf32> to vector<1x16xf32>
        tpu.vector_store %arg11[%swap3A_71, %swap3A_72], %swap3A_75 {strides = array<i32>} : memref<80x64xf32, #tpu.memory_space<vmem>>, vector<1x16xf32>,
        %get3A_76 = arith.index_cast %scan3A_53 : i32 to index
        %get3A_77 = arith.constant 32 : index
        %get3A_78 = tpu.vector_load %arg9[%get3A_76, %get3A_77] {strides = array<i32>} : memref<80x64xf32, #tpu.memory_space<vmem>>, vector<1x16xf32>,
        %get3A_79 = vector.shape_cast %get3A_78 : vector<1x16xf32> to vector<16xf32>
        %mul3A_80 = arith.mulf %get3A_56, %get3A_79 : vector<16xf32>
        %swap3A_81 = arith.index_cast %scan3A_53 : i32 to index
        %swap3A_82 = arith.constant 32 : index
        %swap3A_83 = tpu.vector_load %arg11[%swap3A_81, %swap3A_82] {strides = array<i32>} : memref<80x64xf32, #tpu.memory_space<vmem>>, vector<1x16xf32>,
        %swap3A_84 = vector.shape_cast %swap3A_83 : vector<1x16xf32> to vector<16xf32>
        %swap3A_85 = vector.shape_cast %mul3A_80 : vector<16xf32> to vector<1x16xf32>
        tpu.vector_store %arg11[%swap3A_81, %swap3A_82], %swap3A_85 {strides = array<i32>} : memref<80x64xf32, #tpu.memory_space<vmem>>, vector<1x16xf32>,
        %get3A_86 = arith.index_cast %scan3A_53 : i32 to index
        %get3A_87 = arith.constant 48 : index
        %get3A_88 = tpu.vector_load %arg9[%get3A_86, %get3A_87] {strides = array<i32>} : memref<80x64xf32, #tpu.memory_space<vmem>>, vector<1x16xf32>,
        %get3A_89 = vector.shape_cast %get3A_88 : vector<1x16xf32> to vector<16xf32>
        %mul3A_90 = arith.mulf %get3A_56, %get3A_89 : vector<16xf32>
        %swap3A_91 = arith.index_cast %scan3A_53 : i32 to index
        %swap3A_92 = arith.constant 48 : index
        %swap3A_93 = tpu.vector_load %arg11[%swap3A_91, %swap3A_92] {strides = array<i32>} : memref<80x64xf32, #tpu.memory_space<vmem>>, vector<1x16xf32>,
        %swap3A_94 = vector.shape_cast %swap3A_93 : vector<1x16xf32> to vector<16xf32>
        %swap3A_95 = vector.shape_cast %mul3A_90 : vector<16xf32> to vector<1x16xf32>
        tpu.vector_store %arg11[%swap3A_91, %swap3A_92], %swap3A_95 {strides = array<i32>} : memref<80x64xf32, #tpu.memory_space<vmem>>, vector<1x16xf32>,
      }
      %scan3A_52 = arith.constant 80 : i32
      "tpu.region"() ({
        %run_scoped3A = tpu.sem_alloc : memref<!tpu.dma_semaphore, #tpu.memory_space<semaphore_mem>>
        %dma_start3A_53 = arith.constant 0 : i32
        %dma_start3A_54 = tpu.memref_slice %arg8[%scan3A_25, %dma_start3A_53] : memref<250x80xi32, #tpu.memory_space<vmem>> -> memref<1x80xi32, #tpu.memory_space<vmem>>
        %dma_start3A_55 = tpu.memref_squeeze %dma_start3A_54 : memref<1x80xi32, #tpu.memory_space<vmem>> -> memref<80xi32, #tpu.memory_space<vmem>>
        %dma_start3A_56 = arith.constant 0 : i32
        %dma_start3A_57 = arith.constant 0 : i32
        %dma_start3A_58 = tpu.memref_slice %arg13[%dma_start3A_56, %dma_start3A_57] : memref<10000x64xf32, #tpu.memory_space<vmem_shared>> -> memref<10000x64xf32, #tpu.memory_space<vmem_shared>>
        tpu.enqueue_indirect_dma source(%arg11 : memref<80x64xf32, #tpu.memory_space<vmem>>) target(%dma_start3A_58 : memref<10000x64xf32, #tpu.memory_space<vmem_shared>>) offsets(%dma_start3A_55 : memref<80xi32, #tpu.memory_space<vmem>>) semaphore(%run_scoped3A : memref<!tpu.dma_semaphore, #tpu.memory_space<semaphore_mem>>) {add = true}
        %dma_wait3A_59 = arith.constant 0 : i32
        %dma_wait3A_60 = tpu.memref_slice %arg8[%scan3A_25, %dma_wait3A_59] : memref<250x80xi32, #tpu.memory_space<vmem>> -> memref<1x80xi32, #tpu.memory_space<vmem>>
        %dma_wait3A_61 = tpu.memref_squeeze %dma_wait3A_60 : memref<1x80xi32, #tpu.memory_space<vmem>> -> memref<80xi32, #tpu.memory_space<vmem>>
        %dma_wait3A_62 = arith.constant 0 : i32
        %dma_wait3A_63 = arith.constant 0 : i32
        %dma_wait3A_64 = tpu.memref_slice %arg13[%dma_wait3A_62, %dma_wait3A_63] : memref<10000x64xf32, #tpu.memory_space<vmem_shared>> -> memref<10000x64xf32, #tpu.memory_space<vmem_shared>>
        tpu.wait_indirect_dma semaphore(%run_scoped3A : memref<!tpu.dma_semaphore, #tpu.memory_space<semaphore_mem>>) src(%arg11 : memref<80x64xf32, #tpu.memory_space<vmem>>) dst(%dma_wait3A_64 : memref<10000x64xf32, #tpu.memory_space<vmem_shared>>)
        tpu.yield
      }) : () -> ()
    }
    %scan3A_17 = arith.constant 250 : i32
    %barrier3A_18 = arith.constant 0 : index
    tpu.barrier barrier_id(%barrier3A_18)
    %scan3A_19 = arith.constant 0 : i32
    %scan3A_20 = arith.constant 0 : i32
    %scan3A_21 = arith.constant 8 : i32
    %scan3A_22 = arith.addi %scan3A_20, %scan3A_21 : i32
    %scan3A_23 = arith.constant 1 : i32
    scf.for %scan3A_25 = %scan3A_20 to %scan3A_22 step %scan3A_23  : i32 {
      %mul3A = arith.constant 16 : i32
      %mul3A_26 = arith.muli %mul3A, %scan3A_25 : i32
      %add3A = arith.addi %arg1, %mul3A_26 : i32
      %lt3A = arith.constant 125 : i32
      %lt3A_27 = arith.cmpi slt, %add3A, %lt3A : i32
      %convert_element_type3A = arith.extui %lt3A_27 : i1 to i32
      %cond3A = arith.constant 0 : i32
      %cond3A_28 = arith.cmpi ne, %convert_element_type3A, %cond3A : i32
      scf.if %cond3A_28 {
        %mul3A_29 = arith.constant 80 : i32
        %mul3A_30 = arith.muli %add3A, %mul3A_29 : i32
        %mul3A_31 = arith.constant 80 : i32
        %mul3A_32 = arith.muli %add3A, %mul3A_31 : i32
        "tpu.region"() ({
          %run_scoped3A = tpu.sem_alloc : memref<!tpu.dma_semaphore, #tpu.memory_space<semaphore_mem>>
          %dma_start3A = arith.constant 0 : i32
          %dma_start3A_33 = tpu.memref_slice %arg6[%arg0, %mul3A_32, %dma_start3A] : memref<2x10000x64xf32, #tpu.memory_space<hbm>> -> memref<1x80x64xf32, #tpu.memory_space<hbm>>
          %dma_start3A_34 = tpu.memref_squeeze %dma_start3A_33 : memref<1x80x64xf32, #tpu.memory_space<hbm>> -> memref<80x64xf32, #tpu.memory_space<hbm>>
          %dma_start3A_35 = arith.constant 0 : i32
          %dma_start3A_36 = tpu.memref_slice %arg13[%mul3A_30, %dma_start3A_35] : memref<10000x64xf32, #tpu.memory_space<vmem_shared>> -> memref<80x64xf32, #tpu.memory_space<vmem_shared>>
          tpu.enqueue_dma source(%dma_start3A_36 : memref<80x64xf32, #tpu.memory_space<vmem_shared>>) target(%dma_start3A_34 : memref<80x64xf32, #tpu.memory_space<hbm>>) target_semaphore(%run_scoped3A : memref<!tpu.dma_semaphore, #tpu.memory_space<semaphore_mem>>)
          %dma_wait3A = arith.constant 0 : i32
          %dma_wait3A_37 = tpu.memref_slice %arg6[%arg0, %mul3A_32, %dma_wait3A] : memref<2x10000x64xf32, #tpu.memory_space<hbm>> -> memref<1x80x64xf32, #tpu.memory_space<hbm>>
          %dma_wait3A_38 = tpu.memref_squeeze %dma_wait3A_37 : memref<1x80x64xf32, #tpu.memory_space<hbm>> -> memref<80x64xf32, #tpu.memory_space<hbm>>
          %dma_wait3A_39 = arith.constant 0 : i32
          %dma_wait3A_40 = tpu.memref_slice %arg13[%mul3A_30, %dma_wait3A_39] : memref<10000x64xf32, #tpu.memory_space<vmem_shared>> -> memref<80x64xf32, #tpu.memory_space<vmem_shared>>
          tpu.wait_dma2 semaphore(%run_scoped3A : memref<!tpu.dma_semaphore, #tpu.memory_space<semaphore_mem>>) src(%dma_wait3A_40 : memref<80x64xf32, #tpu.memory_space<vmem_shared>>) dst(%dma_wait3A_38 : memref<80x64xf32, #tpu.memory_space<hbm>>)
          tpu.yield
        }) : () -> ()
      } else {
      }
    }
    %scan3A_24 = arith.constant 8 : i32
    return
  }
}

#map = affine_map<(d0, d1) -> (0, 0)>
#map1 = affine_map<(d0, d1) -> (0, 0, 0)>
#map2 = affine_map<(d0, d1) -> (0)>
module attributes {stable_mosaic.version = 14 : i64} {
  func.func @_alpha_body(%arg0: i32, %arg1: i32, %arg2: memref<10000x128xf32, #tpu.memory_space<hbm>>, %arg3: memref<10000x128xf32, #tpu.memory_space<hbm>>, %arg4: memref<32x125x80xi32, #tpu.memory_space<hbm>>, %arg5: memref<32x125x80xi32, #tpu.memory_space<hbm>>, %arg6: memref<128xf32, #tpu.memory_space<hbm>>, %arg7: memref<320000x16xf32, #tpu.memory_space<hbm>>, %arg8: memref<2x10000x16xf32, #tpu.memory_space<hbm>>, %arg9: memref<125x80xi32, #tpu.memory_space<vmem>>, %arg10: memref<125x80xi32, #tpu.memory_space<vmem>>, %arg11: memref<80x128xf32, #tpu.memory_space<vmem>>, %arg12: memref<80x128xf32, #tpu.memory_space<vmem>>, %arg13: memref<80x16xf32, #tpu.memory_space<vmem>>, %arg14: memref<128xf32, #tpu.memory_space<vmem>>, %arg15: memref<80x16xf32, #tpu.memory_space<vmem>>, %arg16: memref<10000x16xf32, #tpu.memory_space<vmem_shared>>, %arg17: memref<!tpu.dma_semaphore, #tpu.memory_space<semaphore_mem>>, %arg18: memref<!tpu.dma_semaphore, #tpu.memory_space<semaphore_mem>>) attributes {dimension_semantics = [#tpu.dimension_semantics<core_parallel>, #tpu.dimension_semantics<subcore_parallel>], iteration_bounds = array<i64: 2, 16>, scalar_prefetch = 0 : i64, scratch_operands = 10 : i64, tpu.core_type = #tpu.core_type<sc_vector_subcore>, window_params = [{transform_indices = #map}, {transform_indices = #map}, {transform_indices = #map1}, {transform_indices = #map1}, {transform_indices = #map2}, {transform_indices = #map}, {transform_indices = #map1}]} {
    %mul3A = arith.constant 2 : i32
    %mul3A_0 = arith.muli %arg1, %mul3A : i32
    %add3A = arith.addi %mul3A_0, %arg0 : i32
    %broadcast_in_dim3A = arith.constant 0.000000e+00 : f32
    %broadcast_in_dim3A_1 = vector.broadcast %broadcast_in_dim3A : f32 to vector<16xf32>
    %scan3A = arith.constant 0 : i32
    %scan3A_2 = arith.constant 0 : i32
    %scan3A_3 = arith.constant 80 : i32
    %scan3A_4 = arith.addi %scan3A_2, %scan3A_3 : i32
    %scan3A_5 = arith.constant 1 : i32
    scf.for %scan3A_63 = %scan3A_2 to %scan3A_4 step %scan3A_5  : i32 {
      %swap3A = arith.index_cast %scan3A_63 : i32 to index
      %swap3A_64 = arith.constant 0 : index
      %swap3A_65 = tpu.vector_load %arg15[%swap3A, %swap3A_64] {strides = array<i32>} : memref<80x16xf32, #tpu.memory_space<vmem>>, vector<1x16xf32>,
      %swap3A_66 = vector.shape_cast %swap3A_65 : vector<1x16xf32> to vector<16xf32>
      %swap3A_67 = vector.shape_cast %broadcast_in_dim3A_1 : vector<16xf32> to vector<1x16xf32>
      tpu.vector_store %arg15[%swap3A, %swap3A_64], %swap3A_67 {strides = array<i32>} : memref<80x16xf32, #tpu.memory_space<vmem>>, vector<1x16xf32>,
    }
    %scan3A_6 = arith.constant 80 : i32
    %scan3A_7 = arith.constant 0 : i32
    %scan3A_8 = arith.constant 0 : i32
    %scan3A_9 = arith.constant 8 : i32
    %scan3A_10 = arith.addi %scan3A_8, %scan3A_9 : i32
    %scan3A_11 = arith.constant 1 : i32
    scf.for %scan3A_63 = %scan3A_8 to %scan3A_10 step %scan3A_11  : i32 {
      %mul3A_64 = arith.constant 16 : i32
      %mul3A_65 = arith.muli %mul3A_64, %scan3A_63 : i32
      %add3A_66 = arith.addi %arg1, %mul3A_65 : i32
      %lt3A = arith.constant 125 : i32
      %lt3A_67 = arith.cmpi slt, %add3A_66, %lt3A : i32
      %convert_element_type3A = arith.extui %lt3A_67 : i1 to i32
      %cond3A = arith.constant 0 : i32
      %cond3A_68 = arith.cmpi ne, %convert_element_type3A, %cond3A : i32
      scf.if %cond3A_68 {
        %mul3A_69 = arith.constant 80 : i32
        %mul3A_70 = arith.muli %add3A_66, %mul3A_69 : i32
        "tpu.region"() ({
          %run_scoped3A = tpu.sem_alloc : memref<!tpu.dma_semaphore, #tpu.memory_space<semaphore_mem>>
          %dma_start3A = arith.constant 0 : i32
          %dma_start3A_71 = tpu.memref_slice %arg16[%mul3A_70, %dma_start3A] : memref<10000x16xf32, #tpu.memory_space<vmem_shared>> -> memref<80x16xf32, #tpu.memory_space<vmem_shared>>
          %dma_start3A_72 = arith.constant 0 : i32
          %dma_start3A_73 = tpu.memref_slice %arg16[%mul3A_70, %dma_start3A_72] : memref<10000x16xf32, #tpu.memory_space<vmem_shared>> -> memref<80x16xf32, #tpu.memory_space<vmem_shared>>
          tpu.enqueue_dma source(%arg15 : memref<80x16xf32, #tpu.memory_space<vmem>>) target(%dma_start3A_73 : memref<80x16xf32, #tpu.memory_space<vmem_shared>>) target_semaphore(%run_scoped3A : memref<!tpu.dma_semaphore, #tpu.memory_space<semaphore_mem>>)
          %dma_wait3A = arith.constant 0 : i32
          %dma_wait3A_74 = tpu.memref_slice %arg16[%mul3A_70, %dma_wait3A] : memref<10000x16xf32, #tpu.memory_space<vmem_shared>> -> memref<80x16xf32, #tpu.memory_space<vmem_shared>>
          %dma_wait3A_75 = arith.constant 0 : i32
          %dma_wait3A_76 = tpu.memref_slice %arg16[%mul3A_70, %dma_wait3A_75] : memref<10000x16xf32, #tpu.memory_space<vmem_shared>> -> memref<80x16xf32, #tpu.memory_space<vmem_shared>>
          tpu.wait_dma2 semaphore(%run_scoped3A : memref<!tpu.dma_semaphore, #tpu.memory_space<semaphore_mem>>) src(%arg15 : memref<80x16xf32, #tpu.memory_space<vmem>>) dst(%dma_wait3A_76 : memref<80x16xf32, #tpu.memory_space<vmem_shared>>)
          tpu.yield
        }) : () -> ()
      } else {
      }
    }
    %scan3A_12 = arith.constant 8 : i32
    "tpu.region"() ({
      %run_scoped3A = tpu.sem_alloc : memref<!tpu.dma_semaphore, #tpu.memory_space<semaphore_mem>>
      tpu.enqueue_dma source(%arg6 : memref<128xf32, #tpu.memory_space<hbm>>) target(%arg14 : memref<128xf32, #tpu.memory_space<vmem>>) target_semaphore(%run_scoped3A : memref<!tpu.dma_semaphore, #tpu.memory_space<semaphore_mem>>)
      tpu.wait_dma2 semaphore(%run_scoped3A : memref<!tpu.dma_semaphore, #tpu.memory_space<semaphore_mem>>) src(%arg6 : memref<128xf32, #tpu.memory_space<hbm>>) dst(%arg14 : memref<128xf32, #tpu.memory_space<vmem>>)
      tpu.yield
    }) : () -> ()
    "tpu.region"() ({
      %run_scoped3A = tpu.sem_alloc : memref<!tpu.dma_semaphore, #tpu.memory_space<semaphore_mem>>
      %dma_start3A = arith.constant 0 : i32
      %dma_start3A_63 = arith.constant 0 : i32
      %dma_start3A_64 = tpu.memref_slice %arg4[%add3A, %dma_start3A, %dma_start3A_63] : memref<32x125x80xi32, #tpu.memory_space<hbm>> -> memref<1x125x80xi32, #tpu.memory_space<hbm>>
      %dma_start3A_65 = tpu.memref_squeeze %dma_start3A_64 : memref<1x125x80xi32, #tpu.memory_space<hbm>> -> memref<125x80xi32, #tpu.memory_space<hbm>>
      %dma_start3A_66 = arith.constant 0 : i32
      %dma_start3A_67 = arith.constant 0 : i32
      %dma_start3A_68 = tpu.memref_slice %arg4[%add3A, %dma_start3A_66, %dma_start3A_67] : memref<32x125x80xi32, #tpu.memory_space<hbm>> -> memref<1x125x80xi32, #tpu.memory_space<hbm>>
      %dma_start3A_69 = tpu.memref_squeeze %dma_start3A_68 : memref<1x125x80xi32, #tpu.memory_space<hbm>> -> memref<125x80xi32, #tpu.memory_space<hbm>>
      tpu.enqueue_dma source(%dma_start3A_69 : memref<125x80xi32, #tpu.memory_space<hbm>>) target(%arg9 : memref<125x80xi32, #tpu.memory_space<vmem>>) target_semaphore(%run_scoped3A : memref<!tpu.dma_semaphore, #tpu.memory_space<semaphore_mem>>)
      %dma_wait3A = arith.constant 0 : i32
      %dma_wait3A_70 = arith.constant 0 : i32
      %dma_wait3A_71 = tpu.memref_slice %arg4[%add3A, %dma_wait3A, %dma_wait3A_70] : memref<32x125x80xi32, #tpu.memory_space<hbm>> -> memref<1x125x80xi32, #tpu.memory_space<hbm>>
      %dma_wait3A_72 = tpu.memref_squeeze %dma_wait3A_71 : memref<1x125x80xi32, #tpu.memory_space<hbm>> -> memref<125x80xi32, #tpu.memory_space<hbm>>
      %dma_wait3A_73 = arith.constant 0 : i32
      %dma_wait3A_74 = arith.constant 0 : i32
      %dma_wait3A_75 = tpu.memref_slice %arg4[%add3A, %dma_wait3A_73, %dma_wait3A_74] : memref<32x125x80xi32, #tpu.memory_space<hbm>> -> memref<1x125x80xi32, #tpu.memory_space<hbm>>
      %dma_wait3A_76 = tpu.memref_squeeze %dma_wait3A_75 : memref<1x125x80xi32, #tpu.memory_space<hbm>> -> memref<125x80xi32, #tpu.memory_space<hbm>>
      tpu.wait_dma2 semaphore(%run_scoped3A : memref<!tpu.dma_semaphore, #tpu.memory_space<semaphore_mem>>) src(%dma_wait3A_76 : memref<125x80xi32, #tpu.memory_space<hbm>>) dst(%arg9 : memref<125x80xi32, #tpu.memory_space<vmem>>)
      tpu.yield
    }) : () -> ()
    "tpu.region"() ({
      %run_scoped3A = tpu.sem_alloc : memref<!tpu.dma_semaphore, #tpu.memory_space<semaphore_mem>>
      %dma_start3A = arith.constant 0 : i32
      %dma_start3A_63 = arith.constant 0 : i32
      %dma_start3A_64 = tpu.memref_slice %arg5[%add3A, %dma_start3A, %dma_start3A_63] : memref<32x125x80xi32, #tpu.memory_space<hbm>> -> memref<1x125x80xi32, #tpu.memory_space<hbm>>
      %dma_start3A_65 = tpu.memref_squeeze %dma_start3A_64 : memref<1x125x80xi32, #tpu.memory_space<hbm>> -> memref<125x80xi32, #tpu.memory_space<hbm>>
      %dma_start3A_66 = arith.constant 0 : i32
      %dma_start3A_67 = arith.constant 0 : i32
      %dma_start3A_68 = tpu.memref_slice %arg5[%add3A, %dma_start3A_66, %dma_start3A_67] : memref<32x125x80xi32, #tpu.memory_space<hbm>> -> memref<1x125x80xi32, #tpu.memory_space<hbm>>
      %dma_start3A_69 = tpu.memref_squeeze %dma_start3A_68 : memref<1x125x80xi32, #tpu.memory_space<hbm>> -> memref<125x80xi32, #tpu.memory_space<hbm>>
      tpu.enqueue_dma source(%dma_start3A_69 : memref<125x80xi32, #tpu.memory_space<hbm>>) target(%arg10 : memref<125x80xi32, #tpu.memory_space<vmem>>) target_semaphore(%run_scoped3A : memref<!tpu.dma_semaphore, #tpu.memory_space<semaphore_mem>>)
      %dma_wait3A = arith.constant 0 : i32
      %dma_wait3A_70 = arith.constant 0 : i32
      %dma_wait3A_71 = tpu.memref_slice %arg5[%add3A, %dma_wait3A, %dma_wait3A_70] : memref<32x125x80xi32, #tpu.memory_space<hbm>> -> memref<1x125x80xi32, #tpu.memory_space<hbm>>
      %dma_wait3A_72 = tpu.memref_squeeze %dma_wait3A_71 : memref<1x125x80xi32, #tpu.memory_space<hbm>> -> memref<125x80xi32, #tpu.memory_space<hbm>>
      %dma_wait3A_73 = arith.constant 0 : i32
      %dma_wait3A_74 = arith.constant 0 : i32
      %dma_wait3A_75 = tpu.memref_slice %arg5[%add3A, %dma_wait3A_73, %dma_wait3A_74] : memref<32x125x80xi32, #tpu.memory_space<hbm>> -> memref<1x125x80xi32, #tpu.memory_space<hbm>>
      %dma_wait3A_76 = tpu.memref_squeeze %dma_wait3A_75 : memref<1x125x80xi32, #tpu.memory_space<hbm>> -> memref<125x80xi32, #tpu.memory_space<hbm>>
      tpu.wait_dma2 semaphore(%run_scoped3A : memref<!tpu.dma_semaphore, #tpu.memory_space<semaphore_mem>>) src(%dma_wait3A_76 : memref<125x80xi32, #tpu.memory_space<hbm>>) dst(%arg10 : memref<125x80xi32, #tpu.memory_space<vmem>>)
      tpu.yield
    }) : () -> ()
    %barrier3A = arith.constant 0 : index
    tpu.barrier barrier_id(%barrier3A)
    %get3A = arith.constant 0 : index
    %get3A_13 = tpu.vector_load %arg14[%get3A] {strides = array<i32>} : memref<128xf32, #tpu.memory_space<vmem>>, vector<16xf32>,
    %get3A_14 = vector.shape_cast %get3A_13 : vector<16xf32> to vector<16xf32>
    %get3A_15 = arith.constant 16 : index
    %get3A_16 = tpu.vector_load %arg14[%get3A_15] {strides = array<i32>} : memref<128xf32, #tpu.memory_space<vmem>>, vector<16xf32>,
    %get3A_17 = vector.shape_cast %get3A_16 : vector<16xf32> to vector<16xf32>
    %get3A_18 = arith.constant 32 : index
    %get3A_19 = tpu.vector_load %arg14[%get3A_18] {strides = array<i32>} : memref<128xf32, #tpu.memory_space<vmem>>, vector<16xf32>,
    %get3A_20 = vector.shape_cast %get3A_19 : vector<16xf32> to vector<16xf32>
    %get3A_21 = arith.constant 48 : index
    %get3A_22 = tpu.vector_load %arg14[%get3A_21] {strides = array<i32>} : memref<128xf32, #tpu.memory_space<vmem>>, vector<16xf32>,
    %get3A_23 = vector.shape_cast %get3A_22 : vector<16xf32> to vector<16xf32>
    %get3A_24 = arith.constant 64 : index
    %get3A_25 = tpu.vector_load %arg14[%get3A_24] {strides = array<i32>} : memref<128xf32, #tpu.memory_space<vmem>>, vector<16xf32>,
    %get3A_26 = vector.shape_cast %get3A_25 : vector<16xf32> to vector<16xf32>
    %get3A_27 = arith.constant 80 : index
    %get3A_28 = tpu.vector_load %arg14[%get3A_27] {strides = array<i32>} : memref<128xf32, #tpu.memory_space<vmem>>, vector<16xf32>,
    %get3A_29 = vector.shape_cast %get3A_28 : vector<16xf32> to vector<16xf32>
    %get3A_30 = arith.constant 96 : index
    %get3A_31 = tpu.vector_load %arg14[%get3A_30] {strides = array<i32>} : memref<128xf32, #tpu.memory_space<vmem>>, vector<16xf32>,
    %get3A_32 = vector.shape_cast %get3A_31 : vector<16xf32> to vector<16xf32>
    %get3A_33 = arith.constant 112 : index
    %get3A_34 = tpu.vector_load %arg14[%get3A_33] {strides = array<i32>} : memref<128xf32, #tpu.memory_space<vmem>>, vector<16xf32>,
    %get3A_35 = vector.shape_cast %get3A_34 : vector<16xf32> to vector<16xf32>
    %iota3A = tpu.iota {dimensions = array<i32: 0>} : vector<16xi32>
    %xor3A = arith.constant 8 : i32
    %xor3A_36 = vector.broadcast %xor3A : i32 to vector<16xi32>
    %xor3A_37 = arith.xori %iota3A, %xor3A_36 : vector<16xi32>
    %iota3A_38 = tpu.iota {dimensions = array<i32: 0>} : vector<16xi32>
    %xor3A_39 = arith.constant 4 : i32
    %xor3A_40 = vector.broadcast %xor3A_39 : i32 to vector<16xi32>
    %xor3A_41 = arith.xori %iota3A_38, %xor3A_40 : vector<16xi32>
    %iota3A_42 = tpu.iota {dimensions = array<i32: 0>} : vector<16xi32>
    %xor3A_43 = arith.constant 2 : i32
    %xor3A_44 = vector.broadcast %xor3A_43 : i32 to vector<16xi32>
    %xor3A_45 = arith.xori %iota3A_42, %xor3A_44 : vector<16xi32>
    %iota3A_46 = tpu.iota {dimensions = array<i32: 0>} : vector<16xi32>
    %xor3A_47 = arith.constant 1 : i32
    %xor3A_48 = vector.broadcast %xor3A_47 : i32 to vector<16xi32>
    %xor3A_49 = arith.xori %iota3A_46, %xor3A_48 : vector<16xi32>
    %scan3A_50 = arith.constant 0 : i32
    %scan3A_51 = arith.constant 0 : i32
    %scan3A_52 = arith.constant 125 : i32
    %scan3A_53 = arith.addi %scan3A_51, %scan3A_52 : i32
    %scan3A_54 = arith.constant 1 : i32
    scf.for %scan3A_63 = %scan3A_51 to %scan3A_53 step %scan3A_54  : i32 {
      %dma_start3A = arith.constant 0 : i32
      %dma_start3A_64 = tpu.memref_slice %arg9[%scan3A_63, %dma_start3A] : memref<125x80xi32, #tpu.memory_space<vmem>> -> memref<1x80xi32, #tpu.memory_space<vmem>>
      %dma_start3A_65 = tpu.memref_squeeze %dma_start3A_64 : memref<1x80xi32, #tpu.memory_space<vmem>> -> memref<80xi32, #tpu.memory_space<vmem>>
      %dma_start3A_66 = arith.constant 0 : i32
      %dma_start3A_67 = arith.constant 0 : i32
      %dma_start3A_68 = tpu.memref_slice %arg2[%dma_start3A_66, %dma_start3A_67] : memref<10000x128xf32, #tpu.memory_space<hbm>> -> memref<10000x128xf32, #tpu.memory_space<hbm>>
      tpu.enqueue_indirect_dma source(%dma_start3A_68 : memref<10000x128xf32, #tpu.memory_space<hbm>>) target(%arg11 : memref<80x128xf32, #tpu.memory_space<vmem>>) offsets(%dma_start3A_65 : memref<80xi32, #tpu.memory_space<vmem>>) semaphore(%arg17 : memref<!tpu.dma_semaphore, #tpu.memory_space<semaphore_mem>>)
      %dma_start3A_69 = arith.constant 0 : i32
      %dma_start3A_70 = tpu.memref_slice %arg10[%scan3A_63, %dma_start3A_69] : memref<125x80xi32, #tpu.memory_space<vmem>> -> memref<1x80xi32, #tpu.memory_space<vmem>>
      %dma_start3A_71 = tpu.memref_squeeze %dma_start3A_70 : memref<1x80xi32, #tpu.memory_space<vmem>> -> memref<80xi32, #tpu.memory_space<vmem>>
      %dma_start3A_72 = arith.constant 0 : i32
      %dma_start3A_73 = arith.constant 0 : i32
      %dma_start3A_74 = tpu.memref_slice %arg3[%dma_start3A_72, %dma_start3A_73] : memref<10000x128xf32, #tpu.memory_space<hbm>> -> memref<10000x128xf32, #tpu.memory_space<hbm>>
      tpu.enqueue_indirect_dma source(%dma_start3A_74 : memref<10000x128xf32, #tpu.memory_space<hbm>>) target(%arg12 : memref<80x128xf32, #tpu.memory_space<vmem>>) offsets(%dma_start3A_71 : memref<80xi32, #tpu.memory_space<vmem>>) semaphore(%arg18 : memref<!tpu.dma_semaphore, #tpu.memory_space<semaphore_mem>>)
      %dma_wait3A = arith.constant 0 : i32
      %dma_wait3A_75 = tpu.memref_slice %arg9[%scan3A_63, %dma_wait3A] : memref<125x80xi32, #tpu.memory_space<vmem>> -> memref<1x80xi32, #tpu.memory_space<vmem>>
      %dma_wait3A_76 = tpu.memref_squeeze %dma_wait3A_75 : memref<1x80xi32, #tpu.memory_space<vmem>> -> memref<80xi32, #tpu.memory_space<vmem>>
      %dma_wait3A_77 = arith.constant 0 : i32
      %dma_wait3A_78 = arith.constant 0 : i32
      %dma_wait3A_79 = tpu.memref_slice %arg2[%dma_wait3A_77, %dma_wait3A_78] : memref<10000x128xf32, #tpu.memory_space<hbm>> -> memref<10000x128xf32, #tpu.memory_space<hbm>>
      tpu.wait_indirect_dma semaphore(%arg17 : memref<!tpu.dma_semaphore, #tpu.memory_space<semaphore_mem>>) src(%dma_wait3A_79 : memref<10000x128xf32, #tpu.memory_space<hbm>>) dst(%arg11 : memref<80x128xf32, #tpu.memory_space<vmem>>)
      %dma_wait3A_80 = arith.constant 0 : i32
      %dma_wait3A_81 = tpu.memref_slice %arg10[%scan3A_63, %dma_wait3A_80] : memref<125x80xi32, #tpu.memory_space<vmem>> -> memref<1x80xi32, #tpu.memory_space<vmem>>
      %dma_wait3A_82 = tpu.memref_squeeze %dma_wait3A_81 : memref<1x80xi32, #tpu.memory_space<vmem>> -> memref<80xi32, #tpu.memory_space<vmem>>
      %dma_wait3A_83 = arith.constant 0 : i32
      %dma_wait3A_84 = arith.constant 0 : i32
      %dma_wait3A_85 = tpu.memref_slice %arg3[%dma_wait3A_83, %dma_wait3A_84] : memref<10000x128xf32, #tpu.memory_space<hbm>> -> memref<10000x128xf32, #tpu.memory_space<hbm>>
      tpu.wait_indirect_dma semaphore(%arg18 : memref<!tpu.dma_semaphore, #tpu.memory_space<semaphore_mem>>) src(%dma_wait3A_85 : memref<10000x128xf32, #tpu.memory_space<hbm>>) dst(%arg12 : memref<80x128xf32, #tpu.memory_space<vmem>>)
      %scan3A_86 = arith.constant 0 : i32
      %scan3A_87 = arith.constant 0 : i32
      %scan3A_88 = arith.constant 80 : i32
      %scan3A_89 = arith.addi %scan3A_87, %scan3A_88 : i32
      %scan3A_90 = arith.constant 1 : i32
      scf.for %scan3A_97 = %scan3A_87 to %scan3A_89 step %scan3A_90  : i32 {
        %get3A_98 = arith.index_cast %scan3A_97 : i32 to index
        %get3A_99 = arith.constant 0 : index
        %get3A_100 = tpu.vector_load %arg11[%get3A_98, %get3A_99] {strides = array<i32>} : memref<80x128xf32, #tpu.memory_space<vmem>>, vector<1x16xf32>,
        %get3A_101 = vector.shape_cast %get3A_100 : vector<1x16xf32> to vector<16xf32>
        %get3A_102 = arith.index_cast %scan3A_97 : i32 to index
        %get3A_103 = arith.constant 0 : index
        %get3A_104 = tpu.vector_load %arg12[%get3A_102, %get3A_103] {strides = array<i32>} : memref<80x128xf32, #tpu.memory_space<vmem>>, vector<1x16xf32>,
        %get3A_105 = vector.shape_cast %get3A_104 : vector<1x16xf32> to vector<16xf32>
        %add3A_106 = arith.addf %get3A_101, %get3A_105 : vector<16xf32>
        %gt3A = arith.constant 0.000000e+00 : f32
        %gt3A_107 = vector.broadcast %gt3A : f32 to vector<16xf32>
        %gt3A_108 = arith.cmpf ogt, %add3A_106, %gt3A_107 : vector<16xf32>
        %mul3A_109 = arith.constant 2.000000e-01 : f32
        %mul3A_110 = vector.broadcast %mul3A_109 : f32 to vector<16xf32>
        %mul3A_111 = arith.mulf %mul3A_110, %add3A_106 : vector<16xf32>
        %select_n3A = arith.select %gt3A_108, %add3A_106, %mul3A_111 : vector<16xi1>, vector<16xf32>
        %mul3A_112 = arith.mulf %select_n3A, %get3A_14 : vector<16xf32>
        %get3A_113 = arith.index_cast %scan3A_97 : i32 to index
        %get3A_114 = arith.constant 16 : index
        %get3A_115 = tpu.vector_load %arg11[%get3A_113, %get3A_114] {strides = array<i32>} : memref<80x128xf32, #tpu.memory_space<vmem>>, vector<1x16xf32>,
        %get3A_116 = vector.shape_cast %get3A_115 : vector<1x16xf32> to vector<16xf32>
        %get3A_117 = arith.index_cast %scan3A_97 : i32 to index
        %get3A_118 = arith.constant 16 : index
        %get3A_119 = tpu.vector_load %arg12[%get3A_117, %get3A_118] {strides = array<i32>} : memref<80x128xf32, #tpu.memory_space<vmem>>, vector<1x16xf32>,
        %get3A_120 = vector.shape_cast %get3A_119 : vector<1x16xf32> to vector<16xf32>
        %add3A_121 = arith.addf %get3A_116, %get3A_120 : vector<16xf32>
        %gt3A_122 = arith.constant 0.000000e+00 : f32
        %gt3A_123 = vector.broadcast %gt3A_122 : f32 to vector<16xf32>
        %gt3A_124 = arith.cmpf ogt, %add3A_121, %gt3A_123 : vector<16xf32>
        %mul3A_125 = arith.constant 2.000000e-01 : f32
        %mul3A_126 = vector.broadcast %mul3A_125 : f32 to vector<16xf32>
        %mul3A_127 = arith.mulf %mul3A_126, %add3A_121 : vector<16xf32>
        %select_n3A_128 = arith.select %gt3A_124, %add3A_121, %mul3A_127 : vector<16xi1>, vector<16xf32>
        %mul3A_129 = arith.mulf %select_n3A_128, %get3A_17 : vector<16xf32>
        %add3A_130 = arith.addf %mul3A_112, %mul3A_129 : vector<16xf32>
        %get3A_131 = arith.index_cast %scan3A_97 : i32 to index
        %get3A_132 = arith.constant 32 : index
        %get3A_133 = tpu.vector_load %arg11[%get3A_131, %get3A_132] {strides = array<i32>} : memref<80x128xf32, #tpu.memory_space<vmem>>, vector<1x16xf32>,
        %get3A_134 = vector.shape_cast %get3A_133 : vector<1x16xf32> to vector<16xf32>
        %get3A_135 = arith.index_cast %scan3A_97 : i32 to index
        %get3A_136 = arith.constant 32 : index
        %get3A_137 = tpu.vector_load %arg12[%get3A_135, %get3A_136] {strides = array<i32>} : memref<80x128xf32, #tpu.memory_space<vmem>>, vector<1x16xf32>,
        %get3A_138 = vector.shape_cast %get3A_137 : vector<1x16xf32> to vector<16xf32>
        %add3A_139 = arith.addf %get3A_134, %get3A_138 : vector<16xf32>
        %gt3A_140 = arith.constant 0.000000e+00 : f32
        %gt3A_141 = vector.broadcast %gt3A_140 : f32 to vector<16xf32>
        %gt3A_142 = arith.cmpf ogt, %add3A_139, %gt3A_141 : vector<16xf32>
        %mul3A_143 = arith.constant 2.000000e-01 : f32
        %mul3A_144 = vector.broadcast %mul3A_143 : f32 to vector<16xf32>
        %mul3A_145 = arith.mulf %mul3A_144, %add3A_139 : vector<16xf32>
        %select_n3A_146 = arith.select %gt3A_142, %add3A_139, %mul3A_145 : vector<16xi1>, vector<16xf32>
        %mul3A_147 = arith.mulf %select_n3A_146, %get3A_20 : vector<16xf32>
        %add3A_148 = arith.addf %add3A_130, %mul3A_147 : vector<16xf32>
        %get3A_149 = arith.index_cast %scan3A_97 : i32 to index
        %get3A_150 = arith.constant 48 : index
        %get3A_151 = tpu.vector_load %arg11[%get3A_149, %get3A_150] {strides = array<i32>} : memref<80x128xf32, #tpu.memory_space<vmem>>, vector<1x16xf32>,
        %get3A_152 = vector.shape_cast %get3A_151 : vector<1x16xf32> to vector<16xf32>
        %get3A_153 = arith.index_cast %scan3A_97 : i32 to index
        %get3A_154 = arith.constant 48 : index
        %get3A_155 = tpu.vector_load %arg12[%get3A_153, %get3A_154] {strides = array<i32>} : memref<80x128xf32, #tpu.memory_space<vmem>>, vector<1x16xf32>,
        %get3A_156 = vector.shape_cast %get3A_155 : vector<1x16xf32> to vector<16xf32>
        %add3A_157 = arith.addf %get3A_152, %get3A_156 : vector<16xf32>
        %gt3A_158 = arith.constant 0.000000e+00 : f32
        %gt3A_159 = vector.broadcast %gt3A_158 : f32 to vector<16xf32>
        %gt3A_160 = arith.cmpf ogt, %add3A_157, %gt3A_159 : vector<16xf32>
        %mul3A_161 = arith.constant 2.000000e-01 : f32
        %mul3A_162 = vector.broadcast %mul3A_161 : f32 to vector<16xf32>
        %mul3A_163 = arith.mulf %mul3A_162, %add3A_157 : vector<16xf32>
        %select_n3A_164 = arith.select %gt3A_160, %add3A_157, %mul3A_163 : vector<16xi1>, vector<16xf32>
        %mul3A_165 = arith.mulf %select_n3A_164, %get3A_23 : vector<16xf32>
        %add3A_166 = arith.addf %add3A_148, %mul3A_165 : vector<16xf32>
        %get3A_167 = arith.index_cast %scan3A_97 : i32 to index
        %get3A_168 = arith.constant 64 : index
        %get3A_169 = tpu.vector_load %arg11[%get3A_167, %get3A_168] {strides = array<i32>} : memref<80x128xf32, #tpu.memory_space<vmem>>, vector<1x16xf32>,
        %get3A_170 = vector.shape_cast %get3A_169 : vector<1x16xf32> to vector<16xf32>
        %get3A_171 = arith.index_cast %scan3A_97 : i32 to index
        %get3A_172 = arith.constant 64 : index
        %get3A_173 = tpu.vector_load %arg12[%get3A_171, %get3A_172] {strides = array<i32>} : memref<80x128xf32, #tpu.memory_space<vmem>>, vector<1x16xf32>,
        %get3A_174 = vector.shape_cast %get3A_173 : vector<1x16xf32> to vector<16xf32>
        %add3A_175 = arith.addf %get3A_170, %get3A_174 : vector<16xf32>
        %gt3A_176 = arith.constant 0.000000e+00 : f32
        %gt3A_177 = vector.broadcast %gt3A_176 : f32 to vector<16xf32>
        %gt3A_178 = arith.cmpf ogt, %add3A_175, %gt3A_177 : vector<16xf32>
        %mul3A_179 = arith.constant 2.000000e-01 : f32
        %mul3A_180 = vector.broadcast %mul3A_179 : f32 to vector<16xf32>
        %mul3A_181 = arith.mulf %mul3A_180, %add3A_175 : vector<16xf32>
        %select_n3A_182 = arith.select %gt3A_178, %add3A_175, %mul3A_181 : vector<16xi1>, vector<16xf32>
        %mul3A_183 = arith.mulf %select_n3A_182, %get3A_26 : vector<16xf32>
        %add3A_184 = arith.addf %add3A_166, %mul3A_183 : vector<16xf32>
        %get3A_185 = arith.index_cast %scan3A_97 : i32 to index
        %get3A_186 = arith.constant 80 : index
        %get3A_187 = tpu.vector_load %arg11[%get3A_185, %get3A_186] {strides = array<i32>} : memref<80x128xf32, #tpu.memory_space<vmem>>, vector<1x16xf32>,
        %get3A_188 = vector.shape_cast %get3A_187 : vector<1x16xf32> to vector<16xf32>
        %get3A_189 = arith.index_cast %scan3A_97 : i32 to index
        %get3A_190 = arith.constant 80 : index
        %get3A_191 = tpu.vector_load %arg12[%get3A_189, %get3A_190] {strides = array<i32>} : memref<80x128xf32, #tpu.memory_space<vmem>>, vector<1x16xf32>,
        %get3A_192 = vector.shape_cast %get3A_191 : vector<1x16xf32> to vector<16xf32>
        %add3A_193 = arith.addf %get3A_188, %get3A_192 : vector<16xf32>
        %gt3A_194 = arith.constant 0.000000e+00 : f32
        %gt3A_195 = vector.broadcast %gt3A_194 : f32 to vector<16xf32>
        %gt3A_196 = arith.cmpf ogt, %add3A_193, %gt3A_195 : vector<16xf32>
        %mul3A_197 = arith.constant 2.000000e-01 : f32
        %mul3A_198 = vector.broadcast %mul3A_197 : f32 to vector<16xf32>
        %mul3A_199 = arith.mulf %mul3A_198, %add3A_193 : vector<16xf32>
        %select_n3A_200 = arith.select %gt3A_196, %add3A_193, %mul3A_199 : vector<16xi1>, vector<16xf32>
        %mul3A_201 = arith.mulf %select_n3A_200, %get3A_29 : vector<16xf32>
        %add3A_202 = arith.addf %add3A_184, %mul3A_201 : vector<16xf32>
        %get3A_203 = arith.index_cast %scan3A_97 : i32 to index
        %get3A_204 = arith.constant 96 : index
        %get3A_205 = tpu.vector_load %arg11[%get3A_203, %get3A_204] {strides = array<i32>} : memref<80x128xf32, #tpu.memory_space<vmem>>, vector<1x16xf32>,
        %get3A_206 = vector.shape_cast %get3A_205 : vector<1x16xf32> to vector<16xf32>
        %get3A_207 = arith.index_cast %scan3A_97 : i32 to index
        %get3A_208 = arith.constant 96 : index
        %get3A_209 = tpu.vector_load %arg12[%get3A_207, %get3A_208] {strides = array<i32>} : memref<80x128xf32, #tpu.memory_space<vmem>>, vector<1x16xf32>,
        %get3A_210 = vector.shape_cast %get3A_209 : vector<1x16xf32> to vector<16xf32>
        %add3A_211 = arith.addf %get3A_206, %get3A_210 : vector<16xf32>
        %gt3A_212 = arith.constant 0.000000e+00 : f32
        %gt3A_213 = vector.broadcast %gt3A_212 : f32 to vector<16xf32>
        %gt3A_214 = arith.cmpf ogt, %add3A_211, %gt3A_213 : vector<16xf32>
        %mul3A_215 = arith.constant 2.000000e-01 : f32
        %mul3A_216 = vector.broadcast %mul3A_215 : f32 to vector<16xf32>
        %mul3A_217 = arith.mulf %mul3A_216, %add3A_211 : vector<16xf32>
        %select_n3A_218 = arith.select %gt3A_214, %add3A_211, %mul3A_217 : vector<16xi1>, vector<16xf32>
        %mul3A_219 = arith.mulf %select_n3A_218, %get3A_32 : vector<16xf32>
        %add3A_220 = arith.addf %add3A_202, %mul3A_219 : vector<16xf32>
        %get3A_221 = arith.index_cast %scan3A_97 : i32 to index
        %get3A_222 = arith.constant 112 : index
        %get3A_223 = tpu.vector_load %arg11[%get3A_221, %get3A_222] {strides = array<i32>} : memref<80x128xf32, #tpu.memory_space<vmem>>, vector<1x16xf32>,
        %get3A_224 = vector.shape_cast %get3A_223 : vector<1x16xf32> to vector<16xf32>
        %get3A_225 = arith.index_cast %scan3A_97 : i32 to index
        %get3A_226 = arith.constant 112 : index
        %get3A_227 = tpu.vector_load %arg12[%get3A_225, %get3A_226] {strides = array<i32>} : memref<80x128xf32, #tpu.memory_space<vmem>>, vector<1x16xf32>,
        %get3A_228 = vector.shape_cast %get3A_227 : vector<1x16xf32> to vector<16xf32>
        %add3A_229 = arith.addf %get3A_224, %get3A_228 : vector<16xf32>
        %gt3A_230 = arith.constant 0.000000e+00 : f32
        %gt3A_231 = vector.broadcast %gt3A_230 : f32 to vector<16xf32>
        %gt3A_232 = arith.cmpf ogt, %add3A_229, %gt3A_231 : vector<16xf32>
        %mul3A_233 = arith.constant 2.000000e-01 : f32
        %mul3A_234 = vector.broadcast %mul3A_233 : f32 to vector<16xf32>
        %mul3A_235 = arith.mulf %mul3A_234, %add3A_229 : vector<16xf32>
        %select_n3A_236 = arith.select %gt3A_232, %add3A_229, %mul3A_235 : vector<16xi1>, vector<16xf32>
        %mul3A_237 = arith.mulf %select_n3A_236, %get3A_35 : vector<16xf32>
        %add3A_238 = arith.addf %add3A_220, %mul3A_237 : vector<16xf32>
        %broadcast_in_dim3A_239 = vector.shape_cast %xor3A_37 : vector<16xi32> to vector<16x1xi32>
        %gather3A = vector.shape_cast %broadcast_in_dim3A_239 : vector<16x1xi32> to vector<16xi32>
        %gather3A_240 = tpu.dynamic_gather %add3A_238[%gather3A] in [0] : vector<16xf32>, vector<16xi32> -> vector<16xf32>
        %add3A_241 = arith.addf %add3A_238, %gather3A_240 : vector<16xf32>
        %broadcast_in_dim3A_242 = vector.shape_cast %xor3A_41 : vector<16xi32> to vector<16x1xi32>
        %gather3A_243 = vector.shape_cast %broadcast_in_dim3A_242 : vector<16x1xi32> to vector<16xi32>
        %gather3A_244 = tpu.dynamic_gather %add3A_241[%gather3A_243] in [0] : vector<16xf32>, vector<16xi32> -> vector<16xf32>
        %add3A_245 = arith.addf %add3A_241, %gather3A_244 : vector<16xf32>
        %broadcast_in_dim3A_246 = vector.shape_cast %xor3A_45 : vector<16xi32> to vector<16x1xi32>
        %gather3A_247 = vector.shape_cast %broadcast_in_dim3A_246 : vector<16x1xi32> to vector<16xi32>
        %gather3A_248 = tpu.dynamic_gather %add3A_245[%gather3A_247] in [0] : vector<16xf32>, vector<16xi32> -> vector<16xf32>
        %add3A_249 = arith.addf %add3A_245, %gather3A_248 : vector<16xf32>
        %broadcast_in_dim3A_250 = vector.shape_cast %xor3A_49 : vector<16xi32> to vector<16x1xi32>
        %gather3A_251 = vector.shape_cast %broadcast_in_dim3A_250 : vector<16x1xi32> to vector<16xi32>
        %gather3A_252 = tpu.dynamic_gather %add3A_249[%gather3A_251] in [0] : vector<16xf32>, vector<16xi32> -> vector<16xf32>
        %add3A_253 = arith.addf %add3A_249, %gather3A_252 : vector<16xf32>
        %exp3A = math.exp %add3A_253 : vector<16xf32>
        %swap3A = arith.index_cast %scan3A_97 : i32 to index
        %swap3A_254 = arith.constant 0 : index
        %swap3A_255 = tpu.vector_load %arg13[%swap3A, %swap3A_254] {strides = array<i32>} : memref<80x16xf32, #tpu.memory_space<vmem>>, vector<1x16xf32>,
        %swap3A_256 = vector.shape_cast %swap3A_255 : vector<1x16xf32> to vector<16xf32>
        %swap3A_257 = vector.shape_cast %exp3A : vector<16xf32> to vector<1x16xf32>
        tpu.vector_store %arg13[%swap3A, %swap3A_254], %swap3A_257 {strides = array<i32>} : memref<80x16xf32, #tpu.memory_space<vmem>>, vector<1x16xf32>,
      }
      %scan3A_91 = arith.constant 80 : i32
      %mul3A_92 = arith.constant 10000 : i32
      %mul3A_93 = arith.muli %add3A, %mul3A_92 : i32
      %mul3A_94 = arith.constant 80 : i32
      %mul3A_95 = arith.muli %scan3A_63, %mul3A_94 : i32
      %add3A_96 = arith.addi %mul3A_93, %mul3A_95 : i32
      "tpu.region"() ({
        %run_scoped3A = tpu.sem_alloc : memref<!tpu.dma_semaphore, #tpu.memory_space<semaphore_mem>>
        %dma_start3A_97 = arith.constant 0 : i32
        %dma_start3A_98 = tpu.memref_slice %arg7[%add3A_96, %dma_start3A_97] : memref<320000x16xf32, #tpu.memory_space<hbm>> -> memref<80x16xf32, #tpu.memory_space<hbm>>
        %dma_start3A_99 = arith.constant 0 : i32
        %dma_start3A_100 = tpu.memref_slice %arg7[%add3A_96, %dma_start3A_99] : memref<320000x16xf32, #tpu.memory_space<hbm>> -> memref<80x16xf32, #tpu.memory_space<hbm>>
        tpu.enqueue_dma source(%arg13 : memref<80x16xf32, #tpu.memory_space<vmem>>) target(%dma_start3A_100 : memref<80x16xf32, #tpu.memory_space<hbm>>) target_semaphore(%run_scoped3A : memref<!tpu.dma_semaphore, #tpu.memory_space<semaphore_mem>>)
        %dma_wait3A_101 = arith.constant 0 : i32
        %dma_wait3A_102 = tpu.memref_slice %arg7[%add3A_96, %dma_wait3A_101] : memref<320000x16xf32, #tpu.memory_space<hbm>> -> memref<80x16xf32, #tpu.memory_space<hbm>>
        %dma_wait3A_103 = arith.constant 0 : i32
        %dma_wait3A_104 = tpu.memref_slice %arg7[%add3A_96, %dma_wait3A_103] : memref<320000x16xf32, #tpu.memory_space<hbm>> -> memref<80x16xf32, #tpu.memory_space<hbm>>
        tpu.wait_dma2 semaphore(%run_scoped3A : memref<!tpu.dma_semaphore, #tpu.memory_space<semaphore_mem>>) src(%arg13 : memref<80x16xf32, #tpu.memory_space<vmem>>) dst(%dma_wait3A_104 : memref<80x16xf32, #tpu.memory_space<hbm>>)
        tpu.yield
      }) : () -> ()
      "tpu.region"() ({
        %run_scoped3A = tpu.sem_alloc : memref<!tpu.dma_semaphore, #tpu.memory_space<semaphore_mem>>
        %dma_start3A_97 = arith.constant 0 : i32
        %dma_start3A_98 = tpu.memref_slice %arg10[%scan3A_63, %dma_start3A_97] : memref<125x80xi32, #tpu.memory_space<vmem>> -> memref<1x80xi32, #tpu.memory_space<vmem>>
        %dma_start3A_99 = tpu.memref_squeeze %dma_start3A_98 : memref<1x80xi32, #tpu.memory_space<vmem>> -> memref<80xi32, #tpu.memory_space<vmem>>
        %dma_start3A_100 = arith.constant 0 : i32
        %dma_start3A_101 = arith.constant 0 : i32
        %dma_start3A_102 = tpu.memref_slice %arg16[%dma_start3A_100, %dma_start3A_101] : memref<10000x16xf32, #tpu.memory_space<vmem_shared>> -> memref<10000x16xf32, #tpu.memory_space<vmem_shared>>
        tpu.enqueue_indirect_dma source(%arg13 : memref<80x16xf32, #tpu.memory_space<vmem>>) target(%dma_start3A_102 : memref<10000x16xf32, #tpu.memory_space<vmem_shared>>) offsets(%dma_start3A_99 : memref<80xi32, #tpu.memory_space<vmem>>) semaphore(%run_scoped3A : memref<!tpu.dma_semaphore, #tpu.memory_space<semaphore_mem>>) {add = true}
        %dma_wait3A_103 = arith.constant 0 : i32
        %dma_wait3A_104 = tpu.memref_slice %arg10[%scan3A_63, %dma_wait3A_103] : memref<125x80xi32, #tpu.memory_space<vmem>> -> memref<1x80xi32, #tpu.memory_space<vmem>>
        %dma_wait3A_105 = tpu.memref_squeeze %dma_wait3A_104 : memref<1x80xi32, #tpu.memory_space<vmem>> -> memref<80xi32, #tpu.memory_space<vmem>>
        %dma_wait3A_106 = arith.constant 0 : i32
        %dma_wait3A_107 = arith.constant 0 : i32
        %dma_wait3A_108 = tpu.memref_slice %arg16[%dma_wait3A_106, %dma_wait3A_107] : memref<10000x16xf32, #tpu.memory_space<vmem_shared>> -> memref<10000x16xf32, #tpu.memory_space<vmem_shared>>
        tpu.wait_indirect_dma semaphore(%run_scoped3A : memref<!tpu.dma_semaphore, #tpu.memory_space<semaphore_mem>>) src(%arg13 : memref<80x16xf32, #tpu.memory_space<vmem>>) dst(%dma_wait3A_108 : memref<10000x16xf32, #tpu.memory_space<vmem_shared>>)
        tpu.yield
      }) : () -> ()
    }
    %scan3A_55 = arith.constant 125 : i32
    %barrier3A_56 = arith.constant 0 : index
    tpu.barrier barrier_id(%barrier3A_56)
    %scan3A_57 = arith.constant 0 : i32
    %scan3A_58 = arith.constant 0 : i32
    %scan3A_59 = arith.constant 8 : i32
    %scan3A_60 = arith.addi %scan3A_58, %scan3A_59 : i32
    %scan3A_61 = arith.constant 1 : i32
    scf.for %scan3A_63 = %scan3A_58 to %scan3A_60 step %scan3A_61  : i32 {
      %mul3A_64 = arith.constant 16 : i32
      %mul3A_65 = arith.muli %mul3A_64, %scan3A_63 : i32
      %add3A_66 = arith.addi %arg1, %mul3A_65 : i32
      %lt3A = arith.constant 125 : i32
      %lt3A_67 = arith.cmpi slt, %add3A_66, %lt3A : i32
      %convert_element_type3A = arith.extui %lt3A_67 : i1 to i32
      %cond3A = arith.constant 0 : i32
      %cond3A_68 = arith.cmpi ne, %convert_element_type3A, %cond3A : i32
      scf.if %cond3A_68 {
        %mul3A_69 = arith.constant 80 : i32
        %mul3A_70 = arith.muli %add3A_66, %mul3A_69 : i32
        %mul3A_71 = arith.constant 80 : i32
        %mul3A_72 = arith.muli %add3A_66, %mul3A_71 : i32
        "tpu.region"() ({
          %run_scoped3A = tpu.sem_alloc : memref<!tpu.dma_semaphore, #tpu.memory_space<semaphore_mem>>
          %dma_start3A = arith.constant 0 : i32
          %dma_start3A_73 = tpu.memref_slice %arg8[%arg0, %mul3A_72, %dma_start3A] : memref<2x10000x16xf32, #tpu.memory_space<hbm>> -> memref<1x80x16xf32, #tpu.memory_space<hbm>>
          %dma_start3A_74 = tpu.memref_squeeze %dma_start3A_73 : memref<1x80x16xf32, #tpu.memory_space<hbm>> -> memref<80x16xf32, #tpu.memory_space<hbm>>
          %dma_start3A_75 = arith.constant 0 : i32
          %dma_start3A_76 = tpu.memref_slice %arg16[%mul3A_70, %dma_start3A_75] : memref<10000x16xf32, #tpu.memory_space<vmem_shared>> -> memref<80x16xf32, #tpu.memory_space<vmem_shared>>
          tpu.enqueue_dma source(%dma_start3A_76 : memref<80x16xf32, #tpu.memory_space<vmem_shared>>) target(%dma_start3A_74 : memref<80x16xf32, #tpu.memory_space<hbm>>) target_semaphore(%run_scoped3A : memref<!tpu.dma_semaphore, #tpu.memory_space<semaphore_mem>>)
          %dma_wait3A = arith.constant 0 : i32
          %dma_wait3A_77 = tpu.memref_slice %arg8[%arg0, %mul3A_72, %dma_wait3A] : memref<2x10000x16xf32, #tpu.memory_space<hbm>> -> memref<1x80x16xf32, #tpu.memory_space<hbm>>
          %dma_wait3A_78 = tpu.memref_squeeze %dma_wait3A_77 : memref<1x80x16xf32, #tpu.memory_space<hbm>> -> memref<80x16xf32, #tpu.memory_space<hbm>>
          %dma_wait3A_79 = arith.constant 0 : i32
          %dma_wait3A_80 = tpu.memref_slice %arg16[%mul3A_70, %dma_wait3A_79] : memref<10000x16xf32, #tpu.memory_space<vmem_shared>> -> memref<80x16xf32, #tpu.memory_space<vmem_shared>>
          tpu.wait_dma2 semaphore(%run_scoped3A : memref<!tpu.dma_semaphore, #tpu.memory_space<semaphore_mem>>) src(%dma_wait3A_80 : memref<80x16xf32, #tpu.memory_space<vmem_shared>>) dst(%dma_wait3A_78 : memref<80x16xf32, #tpu.memory_space<hbm>>)
          tpu.yield
        }) : () -> ()
      } else {
      }
    }
    %scan3A_62 = arith.constant 8 : i32
    return
  }
}

#map = affine_map<(d0, d1) -> (0, 0)>
#map1 = affine_map<(d0, d1) -> (0)>
module attributes {stable_mosaic.version = 14 : i64} {
  func.func @_gather_body(%arg0: i32, %arg1: i32, %arg2: memref<10000x128xf32, #tpu.memory_space<hbm>>, %arg3: memref<64x128xf32, #tpu.memory_space<hbm>>, %arg4: memref<1024xi32, #tpu.memory_space<hbm>>, %arg5: memref<1024xi32, #tpu.memory_space<hbm>>, %arg6: memref<1024xi32, #tpu.memory_space<hbm>>, %arg7: memref<1024x128xf32, #tpu.memory_space<hbm>>, %arg8: memref<1024x128xf32, #tpu.memory_space<hbm>>, %arg9: memref<1024x128xf32, #tpu.memory_space<hbm>>, %arg10: memref<32xi32, #tpu.memory_space<vmem>>, %arg11: memref<32xi32, #tpu.memory_space<vmem>>, %arg12: memref<32xi32, #tpu.memory_space<vmem>>, %arg13: memref<32x128xf32, #tpu.memory_space<vmem>>, %arg14: memref<32x128xf32, #tpu.memory_space<vmem>>, %arg15: memref<32x128xf32, #tpu.memory_space<vmem>>, %arg16: memref<!tpu.dma_semaphore, #tpu.memory_space<semaphore_mem>>, %arg17: memref<!tpu.dma_semaphore, #tpu.memory_space<semaphore_mem>>, %arg18: memref<!tpu.dma_semaphore, #tpu.memory_space<semaphore_mem>>) attributes {dimension_semantics = [#tpu.dimension_semantics<core_parallel>, #tpu.dimension_semantics<subcore_parallel>], iteration_bounds = array<i64: 2, 16>, scalar_prefetch = 0 : i64, scratch_operands = 9 : i64, tpu.core_type = #tpu.core_type<sc_vector_subcore>, window_params = [{transform_indices = #map}, {transform_indices = #map}, {transform_indices = #map1}, {transform_indices = #map1}, {transform_indices = #map1}, {transform_indices = #map}, {transform_indices = #map}, {transform_indices = #map}]} {
    %mul3A = arith.constant 2 : i32
    %mul3A_0 = arith.muli %arg1, %mul3A : i32
    %add3A = arith.addi %mul3A_0, %arg0 : i32
    %mul3A_1 = arith.constant 32 : i32
    %mul3A_2 = arith.muli %add3A, %mul3A_1 : i32
    "tpu.region"() ({
      %run_scoped3A = tpu.sem_alloc : memref<!tpu.dma_semaphore, #tpu.memory_space<semaphore_mem>>
      %dma_start3A_19 = tpu.memref_slice %arg4[%mul3A_2] : memref<1024xi32, #tpu.memory_space<hbm>> -> memref<32xi32, #tpu.memory_space<hbm>>
      %dma_start3A_20 = tpu.memref_slice %arg4[%mul3A_2] : memref<1024xi32, #tpu.memory_space<hbm>> -> memref<32xi32, #tpu.memory_space<hbm>>
      tpu.enqueue_dma source(%dma_start3A_20 : memref<32xi32, #tpu.memory_space<hbm>>) target(%arg10 : memref<32xi32, #tpu.memory_space<vmem>>) target_semaphore(%run_scoped3A : memref<!tpu.dma_semaphore, #tpu.memory_space<semaphore_mem>>)
      %dma_wait3A_21 = tpu.memref_slice %arg4[%mul3A_2] : memref<1024xi32, #tpu.memory_space<hbm>> -> memref<32xi32, #tpu.memory_space<hbm>>
      %dma_wait3A_22 = tpu.memref_slice %arg4[%mul3A_2] : memref<1024xi32, #tpu.memory_space<hbm>> -> memref<32xi32, #tpu.memory_space<hbm>>
      tpu.wait_dma2 semaphore(%run_scoped3A : memref<!tpu.dma_semaphore, #tpu.memory_space<semaphore_mem>>) src(%dma_wait3A_22 : memref<32xi32, #tpu.memory_space<hbm>>) dst(%arg10 : memref<32xi32, #tpu.memory_space<vmem>>)
      tpu.yield
    }) : () -> ()
    "tpu.region"() ({
      %run_scoped3A = tpu.sem_alloc : memref<!tpu.dma_semaphore, #tpu.memory_space<semaphore_mem>>
      %dma_start3A_19 = tpu.memref_slice %arg5[%mul3A_2] : memref<1024xi32, #tpu.memory_space<hbm>> -> memref<32xi32, #tpu.memory_space<hbm>>
      %dma_start3A_20 = tpu.memref_slice %arg5[%mul3A_2] : memref<1024xi32, #tpu.memory_space<hbm>> -> memref<32xi32, #tpu.memory_space<hbm>>
      tpu.enqueue_dma source(%dma_start3A_20 : memref<32xi32, #tpu.memory_space<hbm>>) target(%arg11 : memref<32xi32, #tpu.memory_space<vmem>>) target_semaphore(%run_scoped3A : memref<!tpu.dma_semaphore, #tpu.memory_space<semaphore_mem>>)
      %dma_wait3A_21 = tpu.memref_slice %arg5[%mul3A_2] : memref<1024xi32, #tpu.memory_space<hbm>> -> memref<32xi32, #tpu.memory_space<hbm>>
      %dma_wait3A_22 = tpu.memref_slice %arg5[%mul3A_2] : memref<1024xi32, #tpu.memory_space<hbm>> -> memref<32xi32, #tpu.memory_space<hbm>>
      tpu.wait_dma2 semaphore(%run_scoped3A : memref<!tpu.dma_semaphore, #tpu.memory_space<semaphore_mem>>) src(%dma_wait3A_22 : memref<32xi32, #tpu.memory_space<hbm>>) dst(%arg11 : memref<32xi32, #tpu.memory_space<vmem>>)
      tpu.yield
    }) : () -> ()
    "tpu.region"() ({
      %run_scoped3A = tpu.sem_alloc : memref<!tpu.dma_semaphore, #tpu.memory_space<semaphore_mem>>
      %dma_start3A_19 = tpu.memref_slice %arg6[%mul3A_2] : memref<1024xi32, #tpu.memory_space<hbm>> -> memref<32xi32, #tpu.memory_space<hbm>>
      %dma_start3A_20 = tpu.memref_slice %arg6[%mul3A_2] : memref<1024xi32, #tpu.memory_space<hbm>> -> memref<32xi32, #tpu.memory_space<hbm>>
      tpu.enqueue_dma source(%dma_start3A_20 : memref<32xi32, #tpu.memory_space<hbm>>) target(%arg12 : memref<32xi32, #tpu.memory_space<vmem>>) target_semaphore(%run_scoped3A : memref<!tpu.dma_semaphore, #tpu.memory_space<semaphore_mem>>)
      %dma_wait3A_21 = tpu.memref_slice %arg6[%mul3A_2] : memref<1024xi32, #tpu.memory_space<hbm>> -> memref<32xi32, #tpu.memory_space<hbm>>
      %dma_wait3A_22 = tpu.memref_slice %arg6[%mul3A_2] : memref<1024xi32, #tpu.memory_space<hbm>> -> memref<32xi32, #tpu.memory_space<hbm>>
      tpu.wait_dma2 semaphore(%run_scoped3A : memref<!tpu.dma_semaphore, #tpu.memory_space<semaphore_mem>>) src(%dma_wait3A_22 : memref<32xi32, #tpu.memory_space<hbm>>) dst(%arg12 : memref<32xi32, #tpu.memory_space<vmem>>)
      tpu.yield
    }) : () -> ()
    %dma_start3A = arith.constant 0 : i32
    %dma_start3A_3 = arith.constant 0 : i32
    %dma_start3A_4 = tpu.memref_slice %arg2[%dma_start3A, %dma_start3A_3] : memref<10000x128xf32, #tpu.memory_space<hbm>> -> memref<10000x128xf32, #tpu.memory_space<hbm>>
    tpu.enqueue_indirect_dma source(%dma_start3A_4 : memref<10000x128xf32, #tpu.memory_space<hbm>>) target(%arg13 : memref<32x128xf32, #tpu.memory_space<vmem>>) offsets(%arg10 : memref<32xi32, #tpu.memory_space<vmem>>) semaphore(%arg16 : memref<!tpu.dma_semaphore, #tpu.memory_space<semaphore_mem>>)
    %dma_start3A_5 = arith.constant 0 : i32
    %dma_start3A_6 = arith.constant 0 : i32
    %dma_start3A_7 = tpu.memref_slice %arg2[%dma_start3A_5, %dma_start3A_6] : memref<10000x128xf32, #tpu.memory_space<hbm>> -> memref<10000x128xf32, #tpu.memory_space<hbm>>
    tpu.enqueue_indirect_dma source(%dma_start3A_7 : memref<10000x128xf32, #tpu.memory_space<hbm>>) target(%arg14 : memref<32x128xf32, #tpu.memory_space<vmem>>) offsets(%arg11 : memref<32xi32, #tpu.memory_space<vmem>>) semaphore(%arg17 : memref<!tpu.dma_semaphore, #tpu.memory_space<semaphore_mem>>)
    %dma_start3A_8 = arith.constant 0 : i32
    %dma_start3A_9 = arith.constant 0 : i32
    %dma_start3A_10 = tpu.memref_slice %arg3[%dma_start3A_8, %dma_start3A_9] : memref<64x128xf32, #tpu.memory_space<hbm>> -> memref<64x128xf32, #tpu.memory_space<hbm>>
    tpu.enqueue_indirect_dma source(%dma_start3A_10 : memref<64x128xf32, #tpu.memory_space<hbm>>) target(%arg15 : memref<32x128xf32, #tpu.memory_space<vmem>>) offsets(%arg12 : memref<32xi32, #tpu.memory_space<vmem>>) semaphore(%arg18 : memref<!tpu.dma_semaphore, #tpu.memory_space<semaphore_mem>>)
    %dma_wait3A = arith.constant 0 : i32
    %dma_wait3A_11 = arith.constant 0 : i32
    %dma_wait3A_12 = tpu.memref_slice %arg2[%dma_wait3A, %dma_wait3A_11] : memref<10000x128xf32, #tpu.memory_space<hbm>> -> memref<10000x128xf32, #tpu.memory_space<hbm>>
    tpu.wait_indirect_dma semaphore(%arg16 : memref<!tpu.dma_semaphore, #tpu.memory_space<semaphore_mem>>) src(%dma_wait3A_12 : memref<10000x128xf32, #tpu.memory_space<hbm>>) dst(%arg13 : memref<32x128xf32, #tpu.memory_space<vmem>>)
    %dma_wait3A_13 = arith.constant 0 : i32
    %dma_wait3A_14 = arith.constant 0 : i32
    %dma_wait3A_15 = tpu.memref_slice %arg2[%dma_wait3A_13, %dma_wait3A_14] : memref<10000x128xf32, #tpu.memory_space<hbm>> -> memref<10000x128xf32, #tpu.memory_space<hbm>>
    tpu.wait_indirect_dma semaphore(%arg17 : memref<!tpu.dma_semaphore, #tpu.memory_space<semaphore_mem>>) src(%dma_wait3A_15 : memref<10000x128xf32, #tpu.memory_space<hbm>>) dst(%arg14 : memref<32x128xf32, #tpu.memory_space<vmem>>)
    %dma_wait3A_16 = arith.constant 0 : i32
    %dma_wait3A_17 = arith.constant 0 : i32
    %dma_wait3A_18 = tpu.memref_slice %arg3[%dma_wait3A_16, %dma_wait3A_17] : memref<64x128xf32, #tpu.memory_space<hbm>> -> memref<64x128xf32, #tpu.memory_space<hbm>>
    tpu.wait_indirect_dma semaphore(%arg18 : memref<!tpu.dma_semaphore, #tpu.memory_space<semaphore_mem>>) src(%dma_wait3A_18 : memref<64x128xf32, #tpu.memory_space<hbm>>) dst(%arg15 : memref<32x128xf32, #tpu.memory_space<vmem>>)
    "tpu.region"() ({
      %run_scoped3A = tpu.sem_alloc : memref<!tpu.dma_semaphore, #tpu.memory_space<semaphore_mem>>
      %dma_start3A_19 = arith.constant 0 : i32
      %dma_start3A_20 = tpu.memref_slice %arg7[%mul3A_2, %dma_start3A_19] : memref<1024x128xf32, #tpu.memory_space<hbm>> -> memref<32x128xf32, #tpu.memory_space<hbm>>
      %dma_start3A_21 = arith.constant 0 : i32
      %dma_start3A_22 = tpu.memref_slice %arg7[%mul3A_2, %dma_start3A_21] : memref<1024x128xf32, #tpu.memory_space<hbm>> -> memref<32x128xf32, #tpu.memory_space<hbm>>
      tpu.enqueue_dma source(%arg13 : memref<32x128xf32, #tpu.memory_space<vmem>>) target(%dma_start3A_22 : memref<32x128xf32, #tpu.memory_space<hbm>>) target_semaphore(%run_scoped3A : memref<!tpu.dma_semaphore, #tpu.memory_space<semaphore_mem>>)
      %dma_wait3A_23 = arith.constant 0 : i32
      %dma_wait3A_24 = tpu.memref_slice %arg7[%mul3A_2, %dma_wait3A_23] : memref<1024x128xf32, #tpu.memory_space<hbm>> -> memref<32x128xf32, #tpu.memory_space<hbm>>
      %dma_wait3A_25 = arith.constant 0 : i32
      %dma_wait3A_26 = tpu.memref_slice %arg7[%mul3A_2, %dma_wait3A_25] : memref<1024x128xf32, #tpu.memory_space<hbm>> -> memref<32x128xf32, #tpu.memory_space<hbm>>
      tpu.wait_dma2 semaphore(%run_scoped3A : memref<!tpu.dma_semaphore, #tpu.memory_space<semaphore_mem>>) src(%arg13 : memref<32x128xf32, #tpu.memory_space<vmem>>) dst(%dma_wait3A_26 : memref<32x128xf32, #tpu.memory_space<hbm>>)
      tpu.yield
    }) : () -> ()
    "tpu.region"() ({
      %run_scoped3A = tpu.sem_alloc : memref<!tpu.dma_semaphore, #tpu.memory_space<semaphore_mem>>
      %dma_start3A_19 = arith.constant 0 : i32
      %dma_start3A_20 = tpu.memref_slice %arg8[%mul3A_2, %dma_start3A_19] : memref<1024x128xf32, #tpu.memory_space<hbm>> -> memref<32x128xf32, #tpu.memory_space<hbm>>
      %dma_start3A_21 = arith.constant 0 : i32
      %dma_start3A_22 = tpu.memref_slice %arg8[%mul3A_2, %dma_start3A_21] : memref<1024x128xf32, #tpu.memory_space<hbm>> -> memref<32x128xf32, #tpu.memory_space<hbm>>
      tpu.enqueue_dma source(%arg14 : memref<32x128xf32, #tpu.memory_space<vmem>>) target(%dma_start3A_22 : memref<32x128xf32, #tpu.memory_space<hbm>>) target_semaphore(%run_scoped3A : memref<!tpu.dma_semaphore, #tpu.memory_space<semaphore_mem>>)
      %dma_wait3A_23 = arith.constant 0 : i32
      %dma_wait3A_24 = tpu.memref_slice %arg8[%mul3A_2, %dma_wait3A_23] : memref<1024x128xf32, #tpu.memory_space<hbm>> -> memref<32x128xf32, #tpu.memory_space<hbm>>
      %dma_wait3A_25 = arith.constant 0 : i32
      %dma_wait3A_26 = tpu.memref_slice %arg8[%mul3A_2, %dma_wait3A_25] : memref<1024x128xf32, #tpu.memory_space<hbm>> -> memref<32x128xf32, #tpu.memory_space<hbm>>
      tpu.wait_dma2 semaphore(%run_scoped3A : memref<!tpu.dma_semaphore, #tpu.memory_space<semaphore_mem>>) src(%arg14 : memref<32x128xf32, #tpu.memory_space<vmem>>) dst(%dma_wait3A_26 : memref<32x128xf32, #tpu.memory_space<hbm>>)
      tpu.yield
    }) : () -> ()
    "tpu.region"() ({
      %run_scoped3A = tpu.sem_alloc : memref<!tpu.dma_semaphore, #tpu.memory_space<semaphore_mem>>
      %dma_start3A_19 = arith.constant 0 : i32
      %dma_start3A_20 = tpu.memref_slice %arg9[%mul3A_2, %dma_start3A_19] : memref<1024x128xf32, #tpu.memory_space<hbm>> -> memref<32x128xf32, #tpu.memory_space<hbm>>
      %dma_start3A_21 = arith.constant 0 : i32
      %dma_start3A_22 = tpu.memref_slice %arg9[%mul3A_2, %dma_start3A_21] : memref<1024x128xf32, #tpu.memory_space<hbm>> -> memref<32x128xf32, #tpu.memory_space<hbm>>
      tpu.enqueue_dma source(%arg15 : memref<32x128xf32, #tpu.memory_space<vmem>>) target(%dma_start3A_22 : memref<32x128xf32, #tpu.memory_space<hbm>>) target_semaphore(%run_scoped3A : memref<!tpu.dma_semaphore, #tpu.memory_space<semaphore_mem>>)
      %dma_wait3A_23 = arith.constant 0 : i32
      %dma_wait3A_24 = tpu.memref_slice %arg9[%mul3A_2, %dma_wait3A_23] : memref<1024x128xf32, #tpu.memory_space<hbm>> -> memref<32x128xf32, #tpu.memory_space<hbm>>
      %dma_wait3A_25 = arith.constant 0 : i32
      %dma_wait3A_26 = tpu.memref_slice %arg9[%mul3A_2, %dma_wait3A_25] : memref<1024x128xf32, #tpu.memory_space<hbm>> -> memref<32x128xf32, #tpu.memory_space<hbm>>
      tpu.wait_dma2 semaphore(%run_scoped3A : memref<!tpu.dma_semaphore, #tpu.memory_space<semaphore_mem>>) src(%arg15 : memref<32x128xf32, #tpu.memory_space<vmem>>) dst(%dma_wait3A_26 : memref<32x128xf32, #tpu.memory_space<hbm>>)
      tpu.yield
    }) : () -> ()
    return
  }
}

module attributes {stable_mosaic.version = 14 : i64} {
  func.func @_tc1_body(%arg0: i32, %arg1: memref<1000x128xf32, #tpu.memory_space<vmem>>, %arg2: memref<128x128xf32, #tpu.memory_space<vmem>>, %arg3: memref<1x128xf32, #tpu.memory_space<vmem>>, %arg4: memref<128x128xf32, #tpu.memory_space<vmem>>, %arg5: memref<1x128xf32, #tpu.memory_space<vmem>>, %arg6: memref<128x128xf32, #tpu.memory_space<vmem>>, %arg7: memref<1x128xf32, #tpu.memory_space<vmem>>, %arg8: memref<1000x128xf32, #tpu.memory_space<vmem>>, %arg9: memref<1000x128xf32, #tpu.memory_space<vmem>>, %arg10: memref<2x1000x64xf32, #tpu.memory_space<vmem>>, %arg11: memref<1000x128xf32, #tpu.memory_space<vmem>>) attributes {dimension_semantics = [#tpu.dimension_semantics<arbitrary>], iteration_bounds = array<i64: 10>, scalar_prefetch = 0 : i64, scratch_operands = 0 : i64, tpu.core_type = #tpu.core_type<tc>, window_params = [{transform_indices = @transform_0, window_bounds = array<i64: 1000, 128>}, {pipeline_mode = #tpu.pipeline_mode<synchronous>, transform_indices = @transform_1, window_bounds = array<i64: 128, 128>}, {pipeline_mode = #tpu.pipeline_mode<synchronous>, transform_indices = @transform_2, window_bounds = array<i64: 1, 128>}, {pipeline_mode = #tpu.pipeline_mode<synchronous>, transform_indices = @transform_3, window_bounds = array<i64: 128, 128>}, {pipeline_mode = #tpu.pipeline_mode<synchronous>, transform_indices = @transform_4, window_bounds = array<i64: 1, 128>}, {pipeline_mode = #tpu.pipeline_mode<synchronous>, transform_indices = @transform_5, window_bounds = array<i64: 128, 128>}, {pipeline_mode = #tpu.pipeline_mode<synchronous>, transform_indices = @transform_6, window_bounds = array<i64: 1, 128>}, {transform_indices = @transform_7, window_bounds = array<i64: 1000, 128>}, {transform_indices = @transform_8, window_bounds = array<i64: 1000, 128>}, {transform_indices = @transform_9, window_bounds = array<i64: 2, 1000, 64>}, {transform_indices = @transform_10, window_bounds = array<i64: 1000, 128>}]} {
    %get3A = arith.constant 0 : index
    %get3A_0 = arith.constant 0 : index
    %get3A_1 = vector.load %arg1[%get3A, %get3A_0] : memref<1000x128xf32, #tpu.memory_space<vmem>>, vector<1000x128xf32>
    %get3A_2 = arith.constant 0 : index
    %get3A_3 = arith.constant 0 : index
    %get3A_4 = vector.load %arg2[%get3A_2, %get3A_3] : memref<128x128xf32, #tpu.memory_space<vmem>>, vector<128x128xf32>
    %dot_general3A = arith.constant dense<0.000000e+00> : vector<1000x128xf32>
    %dot_general3A_5 = tpu.matmul %get3A_1, %get3A_4, %dot_general3A {dimension_numbers = #tpu.dot_dimension_numbers<[1], [0], [0], [1], [0, 0, 1, 1], [], []>, transpose_lhs_hint = false} : vector<1000x128xf32>, vector<128x128xf32>, vector<1000x128xf32> -> vector<1000x128xf32>
    %get3A_6 = arith.constant 0 : index
    %get3A_7 = arith.constant 0 : index
    %get3A_8 = vector.load %arg3[%get3A_6, %get3A_7] : memref<1x128xf32, #tpu.memory_space<vmem>>, vector<1x128xf32>
    %add3A = vector.broadcast %get3A_8 : vector<1x128xf32> to vector<1000x128xf32>
    %add3A_9 = arith.addf %dot_general3A_5, %add3A : vector<1000x128xf32>
    %swap3A = arith.constant 0 : index
    %swap3A_10 = arith.constant 0 : index
    %swap3A_11 = vector.load %arg8[%swap3A, %swap3A_10] : memref<1000x128xf32, #tpu.memory_space<vmem>>, vector<1000x128xf32>
    tpu.vector_store %arg8[%swap3A, %swap3A_10], %add3A_9 {strides = array<i32>} : memref<1000x128xf32, #tpu.memory_space<vmem>>, vector<1000x128xf32>,
    %get3A_12 = arith.constant 0 : index
    %get3A_13 = arith.constant 0 : index
    %get3A_14 = vector.load %arg4[%get3A_12, %get3A_13] : memref<128x128xf32, #tpu.memory_space<vmem>>, vector<128x128xf32>
    %dot_general3A_15 = arith.constant dense<0.000000e+00> : vector<1000x128xf32>
    %dot_general3A_16 = tpu.matmul %add3A_9, %get3A_14, %dot_general3A_15 {dimension_numbers = #tpu.dot_dimension_numbers<[1], [0], [0], [1], [0, 0, 1, 1], [], []>, transpose_lhs_hint = false} : vector<1000x128xf32>, vector<128x128xf32>, vector<1000x128xf32> -> vector<1000x128xf32>
    %get3A_17 = arith.constant 0 : index
    %get3A_18 = arith.constant 0 : index
    %get3A_19 = vector.load %arg5[%get3A_17, %get3A_18] : memref<1x128xf32, #tpu.memory_space<vmem>>, vector<1x128xf32>
    %add3A_20 = vector.broadcast %get3A_19 : vector<1x128xf32> to vector<1000x128xf32>
    %add3A_21 = arith.addf %dot_general3A_16, %add3A_20 : vector<1000x128xf32>
    %swap3A_22 = arith.constant 0 : index
    %swap3A_23 = arith.constant 0 : index
    %swap3A_24 = vector.load %arg9[%swap3A_22, %swap3A_23] : memref<1000x128xf32, #tpu.memory_space<vmem>>, vector<1000x128xf32>
    tpu.vector_store %arg9[%swap3A_22, %swap3A_23], %add3A_21 {strides = array<i32>} : memref<1000x128xf32, #tpu.memory_space<vmem>>, vector<1000x128xf32>,
    %slice3A = vector.extract_strided_slice %add3A_21 {offsets = [0, 0], sizes = [1000, 64], strides = [1, 1]} : vector<1000x128xf32> to vector<1000x64xf32>
    %slice3A_25 = vector.extract_strided_slice %add3A_21 {offsets = [0, 64], sizes = [1000, 64], strides = [1, 1]} : vector<1000x128xf32> to vector<1000x64xf32>
    %swap3A_26 = arith.constant 0 : index
    %swap3A_27 = arith.constant 0 : index
    %swap3A_28 = arith.constant 0 : index
    %swap3A_29 = vector.load %arg10[%swap3A_26, %swap3A_27, %swap3A_28] : memref<2x1000x64xf32, #tpu.memory_space<vmem>>, vector<1x1000x64xf32>
    %swap3A_30 = vector.shape_cast %swap3A_29 : vector<1x1000x64xf32> to vector<1000x64xf32>
    %swap3A_31 = vector.shape_cast %slice3A : vector<1000x64xf32> to vector<1x1000x64xf32>
    tpu.vector_store %arg10[%swap3A_26, %swap3A_27, %swap3A_28], %swap3A_31 {strides = array<i32>} : memref<2x1000x64xf32, #tpu.memory_space<vmem>>, vector<1x1000x64xf32>,
    %swap3A_32 = arith.constant 1 : index
    %swap3A_33 = arith.constant 0 : index
    %swap3A_34 = arith.constant 0 : index
    %swap3A_35 = vector.load %arg10[%swap3A_32, %swap3A_33, %swap3A_34] : memref<2x1000x64xf32, #tpu.memory_space<vmem>>, vector<1x1000x64xf32>
    %swap3A_36 = vector.shape_cast %swap3A_35 : vector<1x1000x64xf32> to vector<1000x64xf32>
    %swap3A_37 = vector.shape_cast %slice3A_25 : vector<1000x64xf32> to vector<1x1000x64xf32>
    tpu.vector_store %arg10[%swap3A_32, %swap3A_33, %swap3A_34], %swap3A_37 {strides = array<i32>} : memref<2x1000x64xf32, #tpu.memory_space<vmem>>, vector<1x1000x64xf32>,
    %get3A_38 = arith.constant 0 : index
    %get3A_39 = arith.constant 0 : index
    %get3A_40 = vector.load %arg6[%get3A_38, %get3A_39] : memref<128x128xf32, #tpu.memory_space<vmem>>, vector<128x128xf32>
    %dot_general3A_41 = arith.constant dense<0.000000e+00> : vector<1000x128xf32>
    %dot_general3A_42 = tpu.matmul %add3A_9, %get3A_40, %dot_general3A_41 {dimension_numbers = #tpu.dot_dimension_numbers<[1], [0], [0], [1], [0, 0, 1, 1], [], []>, transpose_lhs_hint = false} : vector<1000x128xf32>, vector<128x128xf32>, vector<1000x128xf32> -> vector<1000x128xf32>
    %get3A_43 = arith.constant 0 : index
    %get3A_44 = arith.constant 0 : index
    %get3A_45 = vector.load %arg7[%get3A_43, %get3A_44] : memref<1x128xf32, #tpu.memory_space<vmem>>, vector<1x128xf32>
    %add3A_46 = vector.broadcast %get3A_45 : vector<1x128xf32> to vector<1000x128xf32>
    %add3A_47 = arith.addf %dot_general3A_42, %add3A_46 : vector<1000x128xf32>
    %swap3A_48 = arith.constant 0 : index
    %swap3A_49 = arith.constant 0 : index
    %swap3A_50 = vector.load %arg11[%swap3A_48, %swap3A_49] : memref<1000x128xf32, #tpu.memory_space<vmem>>, vector<1000x128xf32>
    tpu.vector_store %arg11[%swap3A_48, %swap3A_49], %add3A_47 {strides = array<i32>} : memref<1000x128xf32, #tpu.memory_space<vmem>>, vector<1000x128xf32>,
    return
  }
  func.func @transform_0(%arg0: i32) -> (i32, i32) {
    %c0_i32 = arith.constant 0 : i32
    %c0_i32_0 = arith.constant 0 : i32
    return %arg0, %c0_i32 : i32, i32
  }
  func.func @transform_1(%arg0: i32) -> (i32, i32) {
    %c0_i32 = arith.constant 0 : i32
    %c0_i32_0 = arith.constant 0 : i32
    %c0_i32_1 = arith.constant 0 : i32
    return %c0_i32, %c0_i32_0 : i32, i32
  }
  func.func @transform_2(%arg0: i32) -> (i32, i32) {
    %c0_i32 = arith.constant 0 : i32
    %c0_i32_0 = arith.constant 0 : i32
    %c0_i32_1 = arith.constant 0 : i32
    return %c0_i32, %c0_i32_0 : i32, i32
  }
  func.func @transform_3(%arg0: i32) -> (i32, i32) {
    %c0_i32 = arith.constant 0 : i32
    %c0_i32_0 = arith.constant 0 : i32
    %c0_i32_1 = arith.constant 0 : i32
    return %c0_i32, %c0_i32_0 : i32, i32
  }
  func.func @transform_4(%arg0: i32) -> (i32, i32) {
    %c0_i32 = arith.constant 0 : i32
    %c0_i32_0 = arith.constant 0 : i32
    %c0_i32_1 = arith.constant 0 : i32
    return %c0_i32, %c0_i32_0 : i32, i32
  }
  func.func @transform_5(%arg0: i32) -> (i32, i32) {
    %c0_i32 = arith.constant 0 : i32
    %c0_i32_0 = arith.constant 0 : i32
    %c0_i32_1 = arith.constant 0 : i32
    return %c0_i32, %c0_i32_0 : i32, i32
  }
  func.func @transform_6(%arg0: i32) -> (i32, i32) {
    %c0_i32 = arith.constant 0 : i32
    %c0_i32_0 = arith.constant 0 : i32
    %c0_i32_1 = arith.constant 0 : i32
    return %c0_i32, %c0_i32_0 : i32, i32
  }
  func.func @transform_7(%arg0: i32) -> (i32, i32) {
    %c0_i32 = arith.constant 0 : i32
    %c0_i32_0 = arith.constant 0 : i32
    return %arg0, %c0_i32 : i32, i32
  }
  func.func @transform_8(%arg0: i32) -> (i32, i32) {
    %c0_i32 = arith.constant 0 : i32
    %c0_i32_0 = arith.constant 0 : i32
    return %arg0, %c0_i32 : i32, i32
  }
  func.func @transform_9(%arg0: i32) -> (i32, i32, i32) {
    %c0_i32 = arith.constant 0 : i32
    %c0_i32_0 = arith.constant 0 : i32
    %c0_i32_1 = arith.constant 0 : i32
    return %c0_i32, %arg0, %c0_i32_0 : i32, i32, i32
  }
  func.func @transform_10(%arg0: i32) -> (i32, i32) {
    %c0_i32 = arith.constant 0 : i32
    %c0_i32_0 = arith.constant 0 : i32
    return %arg0, %c0_i32 : i32, i32
  }
}

module attributes {stable_mosaic.version = 14 : i64} {
  func.func @_tc2_body(%arg0: i32, %arg1: memref<2x1000x64xf32, #tpu.memory_space<vmem>>, %arg2: memref<2x1000x16xf32, #tpu.memory_space<vmem>>, %arg3: memref<1000x128xf32, #tpu.memory_space<vmem>>, %arg4: memref<1x128xf32, #tpu.memory_space<vmem>>, %arg5: memref<128x128xf32, #tpu.memory_space<vmem>>, %arg6: memref<1x128xf32, #tpu.memory_space<vmem>>, %arg7: memref<128x128xf32, #tpu.memory_space<vmem>>, %arg8: memref<1x128xf32, #tpu.memory_space<vmem>>, %arg9: memref<1000x128xf32, #tpu.memory_space<vmem>>, %arg10: memref<1000x128xf32, #tpu.memory_space<vmem>>, %arg11: memref<2x1000x64xf32, #tpu.memory_space<vmem>>, %arg12: memref<1000x128xf32, #tpu.memory_space<vmem>>) attributes {dimension_semantics = [#tpu.dimension_semantics<arbitrary>], iteration_bounds = array<i64: 10>, scalar_prefetch = 0 : i64, scratch_operands = 0 : i64, tpu.core_type = #tpu.core_type<tc>, window_params = [{transform_indices = @transform_0, window_bounds = array<i64: 2, 1000, 64>}, {transform_indices = @transform_1, window_bounds = array<i64: 2, 1000, 16>}, {transform_indices = @transform_2, window_bounds = array<i64: 1000, 128>}, {pipeline_mode = #tpu.pipeline_mode<synchronous>, transform_indices = @transform_3, window_bounds = array<i64: 1, 128>}, {pipeline_mode = #tpu.pipeline_mode<synchronous>, transform_indices = @transform_4, window_bounds = array<i64: 128, 128>}, {pipeline_mode = #tpu.pipeline_mode<synchronous>, transform_indices = @transform_5, window_bounds = array<i64: 1, 128>}, {pipeline_mode = #tpu.pipeline_mode<synchronous>, transform_indices = @transform_6, window_bounds = array<i64: 128, 128>}, {pipeline_mode = #tpu.pipeline_mode<synchronous>, transform_indices = @transform_7, window_bounds = array<i64: 1, 128>}, {transform_indices = @transform_8, window_bounds = array<i64: 1000, 128>}, {transform_indices = @transform_9, window_bounds = array<i64: 1000, 128>}, {transform_indices = @transform_10, window_bounds = array<i64: 2, 1000, 64>}, {transform_indices = @transform_11, window_bounds = array<i64: 1000, 128>}]} {
    %get3A = arith.constant 0 : index
    %get3A_0 = arith.constant 0 : index
    %get3A_1 = arith.constant 0 : index
    %get3A_2 = vector.load %arg1[%get3A, %get3A_0, %get3A_1] : memref<2x1000x64xf32, #tpu.memory_space<vmem>>, vector<1x1000x64xf32>
    %get3A_3 = vector.shape_cast %get3A_2 : vector<1x1000x64xf32> to vector<1000x64xf32>
    %get3A_4 = arith.constant 1 : index
    %get3A_5 = arith.constant 0 : index
    %get3A_6 = arith.constant 0 : index
    %get3A_7 = vector.load %arg1[%get3A_4, %get3A_5, %get3A_6] : memref<2x1000x64xf32, #tpu.memory_space<vmem>>, vector<1x1000x64xf32>
    %get3A_8 = vector.shape_cast %get3A_7 : vector<1x1000x64xf32> to vector<1000x64xf32>
    %concatenate3A = tpu.concatenate %get3A_3, %get3A_8 in 1 : vector<1000x64xf32>, vector<1000x64xf32> -> vector<1000x128xf32>
    %get3A_9 = arith.constant 0 : index
    %get3A_10 = arith.constant 0 : index
    %get3A_11 = arith.constant 0 : index
    %get3A_12 = vector.load %arg2[%get3A_9, %get3A_10, %get3A_11] : memref<2x1000x16xf32, #tpu.memory_space<vmem>>, vector<1x1000x16xf32>
    %get3A_13 = vector.shape_cast %get3A_12 : vector<1x1000x16xf32> to vector<1000x16xf32>
    %get3A_14 = arith.constant 1 : index
    %get3A_15 = arith.constant 0 : index
    %get3A_16 = arith.constant 0 : index
    %get3A_17 = vector.load %arg2[%get3A_14, %get3A_15, %get3A_16] : memref<2x1000x16xf32, #tpu.memory_space<vmem>>, vector<1x1000x16xf32>
    %get3A_18 = vector.shape_cast %get3A_17 : vector<1x1000x16xf32> to vector<1000x16xf32>
    %add3A = arith.addf %get3A_13, %get3A_18 : vector<1000x16xf32>
    %slice3A = vector.extract_strided_slice %add3A {offsets = [0, 0], sizes = [1000, 1], strides = [1, 1]} : vector<1000x16xf32> to vector<1000x1xf32>
    %add3A_19 = arith.constant 1.000000e-16 : f32
    %add3A_20 = vector.broadcast %add3A_19 : f32 to vector<1000x1xf32>
    %add3A_21 = arith.addf %slice3A, %add3A_20 : vector<1000x1xf32>
    %div3A = vector.broadcast %add3A_21 : vector<1000x1xf32> to vector<1000x128xf32>
    %div3A_22 = arith.divf %concatenate3A, %div3A : vector<1000x128xf32>
    %get3A_23 = arith.constant 0 : index
    %get3A_24 = arith.constant 0 : index
    %get3A_25 = vector.load %arg4[%get3A_23, %get3A_24] : memref<1x128xf32, #tpu.memory_space<vmem>>, vector<1x128xf32>
    %add3A_26 = vector.broadcast %get3A_25 : vector<1x128xf32> to vector<1000x128xf32>
    %add3A_27 = arith.addf %div3A_22, %add3A_26 : vector<1000x128xf32>
    %get3A_28 = arith.constant 0 : index
    %get3A_29 = arith.constant 0 : index
    %get3A_30 = vector.load %arg3[%get3A_28, %get3A_29] : memref<1000x128xf32, #tpu.memory_space<vmem>>, vector<1000x128xf32>
    %max3A = arith.constant 0.000000e+00 : f32
    %max3A_31 = vector.broadcast %max3A : f32 to vector<1000x128xf32>
    %max3A_32 = arith.maximumf %add3A_27, %max3A_31 : vector<1000x128xf32>
    %add3A_33 = arith.addf %get3A_30, %max3A_32 : vector<1000x128xf32>
    %swap3A = arith.constant 0 : index
    %swap3A_34 = arith.constant 0 : index
    %swap3A_35 = vector.load %arg9[%swap3A, %swap3A_34] : memref<1000x128xf32, #tpu.memory_space<vmem>>, vector<1000x128xf32>
    tpu.vector_store %arg9[%swap3A, %swap3A_34], %add3A_33 {strides = array<i32>} : memref<1000x128xf32, #tpu.memory_space<vmem>>, vector<1000x128xf32>,
    %get3A_36 = arith.constant 0 : index
    %get3A_37 = arith.constant 0 : index
    %get3A_38 = vector.load %arg5[%get3A_36, %get3A_37] : memref<128x128xf32, #tpu.memory_space<vmem>>, vector<128x128xf32>
    %dot_general3A = arith.constant dense<0.000000e+00> : vector<1000x128xf32>
    %dot_general3A_39 = tpu.matmul %add3A_33, %get3A_38, %dot_general3A {dimension_numbers = #tpu.dot_dimension_numbers<[1], [0], [0], [1], [0, 0, 1, 1], [], []>, transpose_lhs_hint = false} : vector<1000x128xf32>, vector<128x128xf32>, vector<1000x128xf32> -> vector<1000x128xf32>
    %get3A_40 = arith.constant 0 : index
    %get3A_41 = arith.constant 0 : index
    %get3A_42 = vector.load %arg6[%get3A_40, %get3A_41] : memref<1x128xf32, #tpu.memory_space<vmem>>, vector<1x128xf32>
    %add3A_43 = vector.broadcast %get3A_42 : vector<1x128xf32> to vector<1000x128xf32>
    %add3A_44 = arith.addf %dot_general3A_39, %add3A_43 : vector<1000x128xf32>
    %swap3A_45 = arith.constant 0 : index
    %swap3A_46 = arith.constant 0 : index
    %swap3A_47 = vector.load %arg10[%swap3A_45, %swap3A_46] : memref<1000x128xf32, #tpu.memory_space<vmem>>, vector<1000x128xf32>
    tpu.vector_store %arg10[%swap3A_45, %swap3A_46], %add3A_44 {strides = array<i32>} : memref<1000x128xf32, #tpu.memory_space<vmem>>, vector<1000x128xf32>,
    %slice3A_48 = vector.extract_strided_slice %add3A_44 {offsets = [0, 0], sizes = [1000, 64], strides = [1, 1]} : vector<1000x128xf32> to vector<1000x64xf32>
    %slice3A_49 = vector.extract_strided_slice %add3A_44 {offsets = [0, 64], sizes = [1000, 64], strides = [1, 1]} : vector<1000x128xf32> to vector<1000x64xf32>
    %swap3A_50 = arith.constant 0 : index
    %swap3A_51 = arith.constant 0 : index
    %swap3A_52 = arith.constant 0 : index
    %swap3A_53 = vector.load %arg11[%swap3A_50, %swap3A_51, %swap3A_52] : memref<2x1000x64xf32, #tpu.memory_space<vmem>>, vector<1x1000x64xf32>
    %swap3A_54 = vector.shape_cast %swap3A_53 : vector<1x1000x64xf32> to vector<1000x64xf32>
    %swap3A_55 = vector.shape_cast %slice3A_48 : vector<1000x64xf32> to vector<1x1000x64xf32>
    tpu.vector_store %arg11[%swap3A_50, %swap3A_51, %swap3A_52], %swap3A_55 {strides = array<i32>} : memref<2x1000x64xf32, #tpu.memory_space<vmem>>, vector<1x1000x64xf32>,
    %swap3A_56 = arith.constant 1 : index
    %swap3A_57 = arith.constant 0 : index
    %swap3A_58 = arith.constant 0 : index
    %swap3A_59 = vector.load %arg11[%swap3A_56, %swap3A_57, %swap3A_58] : memref<2x1000x64xf32, #tpu.memory_space<vmem>>, vector<1x1000x64xf32>
    %swap3A_60 = vector.shape_cast %swap3A_59 : vector<1x1000x64xf32> to vector<1000x64xf32>
    %swap3A_61 = vector.shape_cast %slice3A_49 : vector<1000x64xf32> to vector<1x1000x64xf32>
    tpu.vector_store %arg11[%swap3A_56, %swap3A_57, %swap3A_58], %swap3A_61 {strides = array<i32>} : memref<2x1000x64xf32, #tpu.memory_space<vmem>>, vector<1x1000x64xf32>,
    %get3A_62 = arith.constant 0 : index
    %get3A_63 = arith.constant 0 : index
    %get3A_64 = vector.load %arg7[%get3A_62, %get3A_63] : memref<128x128xf32, #tpu.memory_space<vmem>>, vector<128x128xf32>
    %dot_general3A_65 = arith.constant dense<0.000000e+00> : vector<1000x128xf32>
    %dot_general3A_66 = tpu.matmul %add3A_33, %get3A_64, %dot_general3A_65 {dimension_numbers = #tpu.dot_dimension_numbers<[1], [0], [0], [1], [0, 0, 1, 1], [], []>, transpose_lhs_hint = false} : vector<1000x128xf32>, vector<128x128xf32>, vector<1000x128xf32> -> vector<1000x128xf32>
    %get3A_67 = arith.constant 0 : index
    %get3A_68 = arith.constant 0 : index
    %get3A_69 = vector.load %arg8[%get3A_67, %get3A_68] : memref<1x128xf32, #tpu.memory_space<vmem>>, vector<1x128xf32>
    %add3A_70 = vector.broadcast %get3A_69 : vector<1x128xf32> to vector<1000x128xf32>
    %add3A_71 = arith.addf %dot_general3A_66, %add3A_70 : vector<1000x128xf32>
    %swap3A_72 = arith.constant 0 : index
    %swap3A_73 = arith.constant 0 : index
    %swap3A_74 = vector.load %arg12[%swap3A_72, %swap3A_73] : memref<1000x128xf32, #tpu.memory_space<vmem>>, vector<1000x128xf32>
    tpu.vector_store %arg12[%swap3A_72, %swap3A_73], %add3A_71 {strides = array<i32>} : memref<1000x128xf32, #tpu.memory_space<vmem>>, vector<1000x128xf32>,
    return
  }
  func.func @transform_0(%arg0: i32) -> (i32, i32, i32) {
    %c0_i32 = arith.constant 0 : i32
    %c0_i32_0 = arith.constant 0 : i32
    %c0_i32_1 = arith.constant 0 : i32
    return %c0_i32, %arg0, %c0_i32_0 : i32, i32, i32
  }
  func.func @transform_1(%arg0: i32) -> (i32, i32, i32) {
    %c0_i32 = arith.constant 0 : i32
    %c0_i32_0 = arith.constant 0 : i32
    %c0_i32_1 = arith.constant 0 : i32
    return %c0_i32, %arg0, %c0_i32_0 : i32, i32, i32
  }
  func.func @transform_2(%arg0: i32) -> (i32, i32) {
    %c0_i32 = arith.constant 0 : i32
    %c0_i32_0 = arith.constant 0 : i32
    return %arg0, %c0_i32 : i32, i32
  }
  func.func @transform_3(%arg0: i32) -> (i32, i32) {
    %c0_i32 = arith.constant 0 : i32
    %c0_i32_0 = arith.constant 0 : i32
    %c0_i32_1 = arith.constant 0 : i32
    return %c0_i32, %c0_i32_0 : i32, i32
  }
  func.func @transform_4(%arg0: i32) -> (i32, i32) {
    %c0_i32 = arith.constant 0 : i32
    %c0_i32_0 = arith.constant 0 : i32
    %c0_i32_1 = arith.constant 0 : i32
    return %c0_i32, %c0_i32_0 : i32, i32
  }
  func.func @transform_5(%arg0: i32) -> (i32, i32) {
    %c0_i32 = arith.constant 0 : i32
    %c0_i32_0 = arith.constant 0 : i32
    %c0_i32_1 = arith.constant 0 : i32
    return %c0_i32, %c0_i32_0 : i32, i32
  }
  func.func @transform_6(%arg0: i32) -> (i32, i32) {
    %c0_i32 = arith.constant 0 : i32
    %c0_i32_0 = arith.constant 0 : i32
    %c0_i32_1 = arith.constant 0 : i32
    return %c0_i32, %c0_i32_0 : i32, i32
  }
  func.func @transform_7(%arg0: i32) -> (i32, i32) {
    %c0_i32 = arith.constant 0 : i32
    %c0_i32_0 = arith.constant 0 : i32
    %c0_i32_1 = arith.constant 0 : i32
    return %c0_i32, %c0_i32_0 : i32, i32
  }
  func.func @transform_8(%arg0: i32) -> (i32, i32) {
    %c0_i32 = arith.constant 0 : i32
    %c0_i32_0 = arith.constant 0 : i32
    return %arg0, %c0_i32 : i32, i32
  }
  func.func @transform_9(%arg0: i32) -> (i32, i32) {
    %c0_i32 = arith.constant 0 : i32
    %c0_i32_0 = arith.constant 0 : i32
    return %arg0, %c0_i32 : i32, i32
  }
  func.func @transform_10(%arg0: i32) -> (i32, i32, i32) {
    %c0_i32 = arith.constant 0 : i32
    %c0_i32_0 = arith.constant 0 : i32
    %c0_i32_1 = arith.constant 0 : i32
    return %c0_i32, %arg0, %c0_i32_0 : i32, i32, i32
  }
  func.func @transform_11(%arg0: i32) -> (i32, i32) {
    %c0_i32 = arith.constant 0 : i32
    %c0_i32_0 = arith.constant 0 : i32
    return %arg0, %c0_i32 : i32, i32
  }
}

module attributes {stable_mosaic.version = 14 : i64} {
  func.func @_tc3_body(%arg0: i32, %arg1: memref<2x1000x64xf32, #tpu.memory_space<vmem>>, %arg2: memref<2x1000x16xf32, #tpu.memory_space<vmem>>, %arg3: memref<1000x128xf32, #tpu.memory_space<vmem>>, %arg4: memref<1x128xf32, #tpu.memory_space<vmem>>, %arg5: memref<1000x128xf32, #tpu.memory_space<vmem>>) attributes {dimension_semantics = [#tpu.dimension_semantics<arbitrary>], iteration_bounds = array<i64: 10>, scalar_prefetch = 0 : i64, scratch_operands = 0 : i64, tpu.core_type = #tpu.core_type<tc>, window_params = [{transform_indices = @transform_0, window_bounds = array<i64: 2, 1000, 64>}, {transform_indices = @transform_1, window_bounds = array<i64: 2, 1000, 16>}, {transform_indices = @transform_2, window_bounds = array<i64: 1000, 128>}, {pipeline_mode = #tpu.pipeline_mode<synchronous>, transform_indices = @transform_3, window_bounds = array<i64: 1, 128>}, {transform_indices = @transform_4, window_bounds = array<i64: 1000, 128>}]} {
    %get3A = arith.constant 0 : index
    %get3A_0 = arith.constant 0 : index
    %get3A_1 = arith.constant 0 : index
    %get3A_2 = vector.load %arg1[%get3A, %get3A_0, %get3A_1] : memref<2x1000x64xf32, #tpu.memory_space<vmem>>, vector<1x1000x64xf32>
    %get3A_3 = vector.shape_cast %get3A_2 : vector<1x1000x64xf32> to vector<1000x64xf32>
    %get3A_4 = arith.constant 1 : index
    %get3A_5 = arith.constant 0 : index
    %get3A_6 = arith.constant 0 : index
    %get3A_7 = vector.load %arg1[%get3A_4, %get3A_5, %get3A_6] : memref<2x1000x64xf32, #tpu.memory_space<vmem>>, vector<1x1000x64xf32>
    %get3A_8 = vector.shape_cast %get3A_7 : vector<1x1000x64xf32> to vector<1000x64xf32>
    %concatenate3A = tpu.concatenate %get3A_3, %get3A_8 in 1 : vector<1000x64xf32>, vector<1000x64xf32> -> vector<1000x128xf32>
    %get3A_9 = arith.constant 0 : index
    %get3A_10 = arith.constant 0 : index
    %get3A_11 = arith.constant 0 : index
    %get3A_12 = vector.load %arg2[%get3A_9, %get3A_10, %get3A_11] : memref<2x1000x16xf32, #tpu.memory_space<vmem>>, vector<1x1000x16xf32>
    %get3A_13 = vector.shape_cast %get3A_12 : vector<1x1000x16xf32> to vector<1000x16xf32>
    %get3A_14 = arith.constant 1 : index
    %get3A_15 = arith.constant 0 : index
    %get3A_16 = arith.constant 0 : index
    %get3A_17 = vector.load %arg2[%get3A_14, %get3A_15, %get3A_16] : memref<2x1000x16xf32, #tpu.memory_space<vmem>>, vector<1x1000x16xf32>
    %get3A_18 = vector.shape_cast %get3A_17 : vector<1x1000x16xf32> to vector<1000x16xf32>
    %add3A = arith.addf %get3A_13, %get3A_18 : vector<1000x16xf32>
    %slice3A = vector.extract_strided_slice %add3A {offsets = [0, 0], sizes = [1000, 1], strides = [1, 1]} : vector<1000x16xf32> to vector<1000x1xf32>
    %add3A_19 = arith.constant 1.000000e-16 : f32
    %add3A_20 = vector.broadcast %add3A_19 : f32 to vector<1000x1xf32>
    %add3A_21 = arith.addf %slice3A, %add3A_20 : vector<1000x1xf32>
    %div3A = vector.broadcast %add3A_21 : vector<1000x1xf32> to vector<1000x128xf32>
    %div3A_22 = arith.divf %concatenate3A, %div3A : vector<1000x128xf32>
    %get3A_23 = arith.constant 0 : index
    %get3A_24 = arith.constant 0 : index
    %get3A_25 = vector.load %arg4[%get3A_23, %get3A_24] : memref<1x128xf32, #tpu.memory_space<vmem>>, vector<1x128xf32>
    %add3A_26 = vector.broadcast %get3A_25 : vector<1x128xf32> to vector<1000x128xf32>
    %add3A_27 = arith.addf %div3A_22, %add3A_26 : vector<1000x128xf32>
    %get3A_28 = arith.constant 0 : index
    %get3A_29 = arith.constant 0 : index
    %get3A_30 = vector.load %arg3[%get3A_28, %get3A_29] : memref<1000x128xf32, #tpu.memory_space<vmem>>, vector<1000x128xf32>
    %max3A = arith.constant 0.000000e+00 : f32
    %max3A_31 = vector.broadcast %max3A : f32 to vector<1000x128xf32>
    %max3A_32 = arith.maximumf %add3A_27, %max3A_31 : vector<1000x128xf32>
    %add3A_33 = arith.addf %get3A_30, %max3A_32 : vector<1000x128xf32>
    %swap3A = arith.constant 0 : index
    %swap3A_34 = arith.constant 0 : index
    %swap3A_35 = vector.load %arg5[%swap3A, %swap3A_34] : memref<1000x128xf32, #tpu.memory_space<vmem>>, vector<1000x128xf32>
    tpu.vector_store %arg5[%swap3A, %swap3A_34], %add3A_33 {strides = array<i32>} : memref<1000x128xf32, #tpu.memory_space<vmem>>, vector<1000x128xf32>,
    return
  }
  func.func @transform_0(%arg0: i32) -> (i32, i32, i32) {
    %c0_i32 = arith.constant 0 : i32
    %c0_i32_0 = arith.constant 0 : i32
    %c0_i32_1 = arith.constant 0 : i32
    return %c0_i32, %arg0, %c0_i32_0 : i32, i32, i32
  }
  func.func @transform_1(%arg0: i32) -> (i32, i32, i32) {
    %c0_i32 = arith.constant 0 : i32
    %c0_i32_0 = arith.constant 0 : i32
    %c0_i32_1 = arith.constant 0 : i32
    return %c0_i32, %arg0, %c0_i32_0 : i32, i32, i32
  }
  func.func @transform_2(%arg0: i32) -> (i32, i32) {
    %c0_i32 = arith.constant 0 : i32
    %c0_i32_0 = arith.constant 0 : i32
    return %arg0, %c0_i32 : i32, i32
  }
  func.func @transform_3(%arg0: i32) -> (i32, i32) {
    %c0_i32 = arith.constant 0 : i32
    %c0_i32_0 = arith.constant 0 : i32
    %c0_i32_1 = arith.constant 0 : i32
    return %c0_i32, %c0_i32_0 : i32, i32
  }
  func.func @transform_4(%arg0: i32) -> (i32, i32) {
    %c0_i32 = arith.constant 0 : i32
    %c0_i32_0 = arith.constant 0 : i32
    return %arg0, %c0_i32 : i32, i32
  }
}

module attributes {stable_mosaic.version = 14 : i64} {
  func.func @_tc4_body(%arg0: memref<1024x128xf32, #tpu.memory_space<vmem>>, %arg1: memref<1024x128xf32, #tpu.memory_space<vmem>>, %arg2: memref<1024x128xf32, #tpu.memory_space<vmem>>, %arg3: memref<1x128xf32, #tpu.memory_space<vmem>>, %arg4: memref<128x128xf32, #tpu.memory_space<vmem>>, %arg5: memref<1x128xf32, #tpu.memory_space<vmem>>, %arg6: memref<128x128xf32, #tpu.memory_space<vmem>>, %arg7: memref<128x128xf32, #tpu.memory_space<vmem>>, %arg8: memref<1x128xf32, #tpu.memory_space<vmem>>, %arg9: memref<128x128xf32, #tpu.memory_space<vmem>>, %arg10: memref<128x128xf32, #tpu.memory_space<vmem>>, %arg11: memref<128x128xf32, #tpu.memory_space<vmem>>, %arg12: memref<1x128xf32, #tpu.memory_space<vmem>>, %arg13: memref<1x128xf32, #tpu.memory_space<vmem>>, %arg14: memref<1x1xf32, #tpu.memory_space<vmem>>, %arg15: memref<1024x1xf32, #tpu.memory_space<vmem>>) attributes {dimension_semantics = [], scalar_prefetch = 0 : i64, scratch_operands = 0 : i64, tpu.core_type = #tpu.core_type<tc>} {
    %get3A = arith.constant 0 : index
    %get3A_0 = arith.constant 0 : index
    %get3A_1 = vector.load %arg3[%get3A, %get3A_0] : memref<1x128xf32, #tpu.memory_space<vmem>>, vector<1x128xf32>
    %get3A_2 = arith.constant 0 : index
    %get3A_3 = arith.constant 0 : index
    %get3A_4 = vector.load %arg4[%get3A_2, %get3A_3] : memref<128x128xf32, #tpu.memory_space<vmem>>, vector<128x128xf32>
    %dot_general3A = arith.constant dense<0.000000e+00> : vector<1x128xf32>
    %dot_general3A_5 = tpu.matmul %get3A_1, %get3A_4, %dot_general3A {dimension_numbers = #tpu.dot_dimension_numbers<[1], [0], [0], [1], [0, 0, 1, 1], [], []>, transpose_lhs_hint = false} : vector<1x128xf32>, vector<128x128xf32>, vector<1x128xf32> -> vector<1x128xf32>
    %get3A_6 = arith.constant 0 : index
    %get3A_7 = arith.constant 0 : index
    %get3A_8 = vector.load %arg5[%get3A_6, %get3A_7] : memref<1x128xf32, #tpu.memory_space<vmem>>, vector<1x128xf32>
    %add3A = arith.addf %dot_general3A_5, %get3A_8 : vector<1x128xf32>
    %get3A_9 = arith.constant 0 : index
    %get3A_10 = arith.constant 0 : index
    %get3A_11 = vector.load %arg0[%get3A_9, %get3A_10] : memref<1024x128xf32, #tpu.memory_space<vmem>>, vector<1024x128xf32>
    %get3A_12 = arith.constant 0 : index
    %get3A_13 = arith.constant 0 : index
    %get3A_14 = vector.load %arg6[%get3A_12, %get3A_13] : memref<128x128xf32, #tpu.memory_space<vmem>>, vector<128x128xf32>
    %dot_general3A_15 = arith.constant dense<0.000000e+00> : vector<1024x128xf32>
    %dot_general3A_16 = tpu.matmul %get3A_11, %get3A_14, %dot_general3A_15 {dimension_numbers = #tpu.dot_dimension_numbers<[1], [0], [0], [1], [0, 0, 1, 1], [], []>, transpose_lhs_hint = false} : vector<1024x128xf32>, vector<128x128xf32>, vector<1024x128xf32> -> vector<1024x128xf32>
    %get3A_17 = arith.constant 0 : index
    %get3A_18 = arith.constant 0 : index
    %get3A_19 = vector.load %arg1[%get3A_17, %get3A_18] : memref<1024x128xf32, #tpu.memory_space<vmem>>, vector<1024x128xf32>
    %get3A_20 = arith.constant 0 : index
    %get3A_21 = arith.constant 0 : index
    %get3A_22 = vector.load %arg7[%get3A_20, %get3A_21] : memref<128x128xf32, #tpu.memory_space<vmem>>, vector<128x128xf32>
    %dot_general3A_23 = arith.constant dense<0.000000e+00> : vector<1024x128xf32>
    %dot_general3A_24 = tpu.matmul %get3A_19, %get3A_22, %dot_general3A_23 {dimension_numbers = #tpu.dot_dimension_numbers<[1], [0], [0], [1], [0, 0, 1, 1], [], []>, transpose_lhs_hint = false} : vector<1024x128xf32>, vector<128x128xf32>, vector<1024x128xf32> -> vector<1024x128xf32>
    %add3A_25 = arith.addf %dot_general3A_16, %dot_general3A_24 : vector<1024x128xf32>
    %get3A_26 = arith.constant 0 : index
    %get3A_27 = arith.constant 0 : index
    %get3A_28 = vector.load %arg8[%get3A_26, %get3A_27] : memref<1x128xf32, #tpu.memory_space<vmem>>, vector<1x128xf32>
    %add3A_29 = vector.broadcast %get3A_28 : vector<1x128xf32> to vector<1024x128xf32>
    %add3A_30 = arith.addf %add3A_25, %add3A_29 : vector<1024x128xf32>
    %get3A_31 = arith.constant 0 : index
    %get3A_32 = arith.constant 0 : index
    %get3A_33 = vector.load %arg9[%get3A_31, %get3A_32] : memref<128x128xf32, #tpu.memory_space<vmem>>, vector<128x128xf32>
    %dot_general3A_34 = arith.constant dense<0.000000e+00> : vector<1024x128xf32>
    %dot_general3A_35 = tpu.matmul %add3A_30, %get3A_33, %dot_general3A_34 {dimension_numbers = #tpu.dot_dimension_numbers<[1], [0], [0], [1], [0, 0, 1, 1], [], []>, transpose_lhs_hint = false} : vector<1024x128xf32>, vector<128x128xf32>, vector<1024x128xf32> -> vector<1024x128xf32>
    %get3A_36 = arith.constant 0 : index
    %get3A_37 = arith.constant 0 : index
    %get3A_38 = vector.load %arg2[%get3A_36, %get3A_37] : memref<1024x128xf32, #tpu.memory_space<vmem>>, vector<1024x128xf32>
    %get3A_39 = arith.constant 0 : index
    %get3A_40 = arith.constant 0 : index
    %get3A_41 = vector.load %arg10[%get3A_39, %get3A_40] : memref<128x128xf32, #tpu.memory_space<vmem>>, vector<128x128xf32>
    %dot_general3A_42 = arith.constant dense<0.000000e+00> : vector<1024x128xf32>
    %dot_general3A_43 = tpu.matmul %get3A_38, %get3A_41, %dot_general3A_42 {dimension_numbers = #tpu.dot_dimension_numbers<[1], [0], [0], [1], [0, 0, 1, 1], [], []>, transpose_lhs_hint = false} : vector<1024x128xf32>, vector<128x128xf32>, vector<1024x128xf32> -> vector<1024x128xf32>
    %add3A_44 = arith.addf %dot_general3A_35, %dot_general3A_43 : vector<1024x128xf32>
    %get3A_45 = arith.constant 0 : index
    %get3A_46 = arith.constant 0 : index
    %get3A_47 = vector.load %arg11[%get3A_45, %get3A_46] : memref<128x128xf32, #tpu.memory_space<vmem>>, vector<128x128xf32>
    %dot_general3A_48 = arith.constant dense<0.000000e+00> : vector<1x128xf32>
    %dot_general3A_49 = tpu.matmul %add3A, %get3A_47, %dot_general3A_48 {dimension_numbers = #tpu.dot_dimension_numbers<[1], [0], [0], [1], [0, 0, 1, 1], [], []>, transpose_lhs_hint = false} : vector<1x128xf32>, vector<128x128xf32>, vector<1x128xf32> -> vector<1x128xf32>
    %add3A_50 = vector.broadcast %dot_general3A_49 : vector<1x128xf32> to vector<1024x128xf32>
    %add3A_51 = arith.addf %add3A_44, %add3A_50 : vector<1024x128xf32>
    %get3A_52 = arith.constant 0 : index
    %get3A_53 = arith.constant 0 : index
    %get3A_54 = vector.load %arg12[%get3A_52, %get3A_53] : memref<1x128xf32, #tpu.memory_space<vmem>>, vector<1x128xf32>
    %add3A_55 = vector.broadcast %get3A_54 : vector<1x128xf32> to vector<1024x128xf32>
    %add3A_56 = arith.addf %add3A_51, %add3A_55 : vector<1024x128xf32>
    %max3A = arith.constant 0.000000e+00 : f32
    %max3A_57 = vector.broadcast %max3A : f32 to vector<1024x128xf32>
    %max3A_58 = arith.maximumf %add3A_56, %max3A_57 : vector<1024x128xf32>
    %get3A_59 = arith.constant 0 : index
    %get3A_60 = arith.constant 0 : index
    %get3A_61 = vector.load %arg13[%get3A_59, %get3A_60] : memref<1x128xf32, #tpu.memory_space<vmem>>, vector<1x128xf32>
    %mul3A = vector.broadcast %get3A_61 : vector<1x128xf32> to vector<1024x128xf32>
    %mul3A_62 = arith.mulf %max3A_58, %mul3A : vector<1024x128xf32>
    %reduce_sum3A = arith.constant dense<0.000000e+00> : vector<1024xf32>
    %reduce_sum3A_63 = vector.multi_reduction <add>, %mul3A_62, %reduce_sum3A [1] : vector<1024x128xf32> to vector<1024xf32>
    %broadcast_in_dim3A = vector.shape_cast %reduce_sum3A_63 : vector<1024xf32> to vector<1024x1xf32>
    %get3A_64 = arith.constant 0 : index
    %get3A_65 = arith.constant 0 : index
    %get3A_66 = vector.load %arg14[%get3A_64, %get3A_65] : memref<1x1xf32, #tpu.memory_space<vmem>>, vector<1x1xf32>
    %add3A_67 = vector.broadcast %get3A_66 : vector<1x1xf32> to vector<1024x1xf32>
    %add3A_68 = arith.addf %broadcast_in_dim3A, %add3A_67 : vector<1024x1xf32>
    %swap3A = arith.constant 0 : index
    %swap3A_69 = arith.constant 0 : index
    %swap3A_70 = vector.load %arg15[%swap3A, %swap3A_69] : memref<1024x1xf32, #tpu.memory_space<vmem>>, vector<1024x1xf32>
    tpu.vector_store %arg15[%swap3A, %swap3A_69], %add3A_68 {strides = array<i32>} : memref<1024x1xf32, #tpu.memory_space<vmem>>, vector<1024x1xf32>,
    return
  }
}

</mosaic_0001>

<sc_bundles>
// kernel: kernel.11.cloned.1.call-start
scs
__scs_entry_jumppad:
0x0: {  	(pc) =	sbr.rel $0x88, $3  }
0x1: {  	(tag) =	ssettag $0x0;
	lr =	simm.s32 $0x1  }
0x2: {  	[smem:$0x3F84] =	sst lr;
	_ =	strace $0xD0000000  }
0x3: {  	_ = 	snop  }
0x4: {  	_ = 	snop  }
0x5: {  	_ = 	snop  }
0x6: {  	_ = 	snop  }
0x7: {  	_ = 	snop  }
__scs_overlays_trampoline_lowered:
0x8: {  	[smem:$0x3F93] =	sst s0  }
0x9: {  	[smem:$0x3F94] =	sst s1  }
0xa: {  	[smem:$0x3F95] =	sst s2  }
0xb: {  	[smem:$0x3F96] =	sst s3  }
0xc: {  	[smem:$0x3F97] =	sst s4  }
0xd: {  	[smem:$0x3F98] =	sst s5  }
0xe: {  	[smem:$0x3F99] =	sst s6  }
0xf: {  	[smem:$0x3F9A] =	sst s7  }
0x10: {  	[smem:$0x3F9B] =	sst s8  }
0x11: {  	[smem:$0x3F9C] =	sst s9;
	s0 =	simm.s32 @!p0 $0x0  }
0x12: {  	s1 =	sld [smem:$0x3F82];
	s0 =	simm.s32 @p0 $0x1  }
0x13: {  	[smem:$0x3F9D] =	sst s0;
	s0 =	simm.s32 @!p1 $0x0  }
0x14: {  	s2 =	sld [smem:$0x3F81];
	s0 =	simm.s32 @p1 $0x1  }
0x15: {  	[smem:$0x3F9E] =	sst s0;
	s0 =	simm.s32 @!p2 $0x0  }
0x16: {  	s3 =	sld [smem:$0x3FDB];
	s0 =	simm.s32 @p2 $0x1  }
0x17: {  	s4 =	simm.s32 $0x1BF5;
	[smem:$0x3FA0] =	sst s0  }
0x18: {  	s0 =	sld [smem:$0x3F83];
	_ =	swait.ge [sflag:s4], $0x0  }
0x19: {  	s7 =	sld [smem:$0x3F84]  }
0x1a: {  	s8 =	sadd.s32 $0xFFFFE003, lr  }
0x1b: {  	s9 =	sadd.s32 $0xFFFFFEF7, lr;
	s5 =	simm.s32 $0xFFFFFFFF;
	p2 =	slt.u32 s8, $0xFFFFF086  }
0x1c: {  	p1 =	slt.u32 s9, $0xF7A;
	s5 =	simm.s32 @!p2 $0x0  }
0x1d: {  	s5 =	simm.s32 @p1 $0x1;
	p0 =	seq.s32 s7, s2  }
0x1e: {  	s7 =	smul.u32 @!p0 $0xF7A, s2;
	p2 =	seq.s32 @!p0 s5, $0x0  }
0x1f: {  	s9 =	smul.u32 $0xF7A, s1;
	s8 =	simm.s32 @!p0 $0x1BF5;
	p2 =	por !p2, p0  }
0x20: {  	[sflag:s8] =	ssyncset.s32 @!p0 $0xFFFFF086;
	s6 =	sadd.s32 @!p0 s3, s7;
	s7 =	simm.s32 @!p0 $0x108  }
0x21: {  	s3 =	sadd.s32 s3, s9;
	s6 =	sadd.s32 @!p0 $0x88, s6;
	s7 =	simm.s32 @p2 $0x1082  }
0x22: {  	[simem:s7], [sflag:s8] =	dma.local @!p0 [hbm:s6], $0xF7A  }
0x23: {  	s9 =	sor.u32 $0xD0000000, s2;
	s6 =	simm.s32 $0x108;
	_ =	swait.ge @!p0 [sflag:s8], $0x0  }
0x24: {  	s3 =	sadd.s32 $0x88, s3;
	s6 =	simm.s32 @!p1 $0x1082;
	[sflag:s4] =	ssyncset.s32 $0xFFFFF086  }
0x25: {  	[simem:s6], [sflag:s4] =	dma.local [hbm:s3], $0xF7A  }
0x26: {  	[smem:$0x3F84] =	sst s1;
	(tag) =	ssettag s2;
	_ =	strace s9  }
0x27: {  	s1 =	sld [smem:$0x3F94]  }
0x28: {  	s2 =	sld [smem:$0x3F95]  }
0x29: {  	s4 =	sld [smem:$0x3F97]  }
0x2a: {  	p0 =	seq.s32 s5, $0x0;
	s5 =	sld [smem:$0x3F98]  }
0x2b: {  	s6 =	sld [smem:$0x3F99]  }
0x2c: {  	s7 =	sld [smem:$0x3F9A]  }
0x2d: {  	s3 =	simm.s32 $0x108;
	s8 =	sld [smem:$0x3F9B]  }
0x2e: {  	s3 =	simm.s32 @!p0 $0x1082;
	s9 =	sld [smem:$0x3F9C]  }
0x2f: {  	lr =	sadd.s32 s0, s3;
	s0 =	sld [smem:$0x3F93]  }
0x30: {  	s3 =	sld [smem:$0x3F96]  }
0x31: {  	[smem:$0x3F9F] =	sst s10  }
0x32: {  	s10 =	sld [smem:$0x3F9D];
	_ =	sdelay $0x3  }
0x33: {  	p0 =	seq.s32 s10, $0x1;
	s10 =	sld [smem:$0x3F9F];
	_ =	sdelay $0x3  }
0x34: {  	[smem:$0x3F9F] =	sst s10  }
0x35: {  	s10 =	sld [smem:$0x3F9E];
	_ =	sdelay $0x3  }
0x36: {  	p1 =	seq.s32 s10, $0x1;
	s10 =	sld [smem:$0x3F9F];
	_ =	sdelay $0x3  }
0x37: {  	[smem:$0x3F9F] =	sst s10  }
0x38: {  	s10 =	sld [smem:$0x3FA0]  }
0x39: {  	_ = 	snop;
	(pc) =	sbr.ind lr, $3  }
0x3a: {  	_ = 	snop  }
0x3b: {  	_ = 	snop  }
0x3c: {  	p2 =	seq.s32 s10, $0x1;
	s10 =	sld [smem:$0x3F9F]  }
0x3d: {  	_ =	shalt  }
0x3e: {  	_ =	shalt  }
0x3f: {  	_ =	shalt  }
0x40: {  	_ =	shalt  }
0x41: {  	_ =	shalt  }
0x42: {  	_ =	shalt  }
0x43: {  	_ =	shalt  }
0x44: {  	_ =	shalt  }
0x45: {  	_ =	shalt  }
0x46: {  	_ =	shalt  }
0x47: {  	_ =	shalt  }
0x48: {  	_ =	shalt  }
0x49: {  	_ =	shalt  }
0x4a: {  	_ =	shalt  }
0x4b: {  	_ =	shalt  }
0x4c: {  	_ =	shalt  }
0x4d: {  	_ =	shalt  }
0x4e: {  	_ =	shalt  }
0x4f: {  	_ =	shalt  }
0x50: {  	_ =	shalt  }
0x51: {  	_ =	shalt  }
0x52: {  	_ =	shalt  }
0x53: {  	_ =	shalt  }
0x54: {  	_ =	shalt  }
0x55: {  	_ =	shalt  }
0x56: {  	_ =	shalt  }
0x57: {  	_ =	shalt  }
0x58: {  	_ =	shalt  }
0x59: {  	_ =	shalt  }
0x5a: {  	_ =	shalt  }
0x5b: {  	_ =	shalt  }
0x5c: {  	_ =	shalt  }
0x5d: {  	_ =	shalt  }
0x5e: {  	_ =	shalt  }
0x5f: {  	_ =	shalt  }
0x60: {  	_ =	shalt  }
0x61: {  	_ =	shalt  }
0x62: {  	_ =	shalt  }
0x63: {  	_ =	shalt  }
0x64: {  	_ =	shalt  }
0x65: {  	_ =	shalt  }
0x66: {  	_ =	shalt  }
0x67: {  	_ =	shalt  }
0x68: {  	_ =	shalt  }
0x69: {  	_ =	shalt  }
0x6a: {  	_ =	shalt  }
0x6b: {  	_ =	shalt  }
0x6c: {  	_ =	shalt  }
0x6d: {  	_ =	shalt  }
0x6e: {  	_ =	shalt  }
0x6f: {  	_ =	shalt  }
0x70: {  	_ =	shalt  }
0x71: {  	_ =	shalt  }
0x72: {  	_ =	shalt  }
0x73: {  	_ =	shalt  }
0x74: {  	_ =	shalt  }
0x75: {  	_ =	shalt  }
0x76: {  	_ =	shalt  }
0x77: {  	_ =	shalt  }
0x78: {  	_ =	shalt  }
0x79: {  	_ =	shalt  }
0x7a: {  	_ =	shalt  }
0x7b: {  	_ =	shalt  }
0x7c: {  	_ =	shalt  }
0x7d: {  	_ =	shalt  }
0x7e: {  	_ =	shalt  }
0x7f: {  	_ =	shalt  }
0x80: {  	_ =	shalt  }
0x81: {  	_ =	shalt  }
0x82: {  	_ =	shalt  }
0x83: {  	_ =	shalt  }
0x84: {  	_ =	shalt  }
0x85: {  	_ =	shalt  }
0x86: {  	_ =	shalt  }
0x87: {  	_ =	shalt  }
.Lfunc_end0:
.L_simem_size_0:
called_computation_lowered:
.L_overlay_start_0:
0x88: {  	s2 =	sld [smem:$0x3FD9]  }
0x89: {  	s3 =	sld [smem:$0x3FFE];
	_ =	sdelay $0x1  }
0x8a: {  	s1 =	srdreg.scid  }
0x8b: {  	s0 =	sand.u32 $0x1, s1  }
0x8c: {  	s17 =	sshll.u32 s0, $0xA;
	s2 =	sadd.s32 s3, s2  }
0x8d: {  	s2 =	sadd.s32 s2, s17  }
0x8e: {  	[smem:$0x3FAB] =	sst s2  }
0x8f: {  	_ = 	snop  }
0x90: {  	s2 =	sld [smem:$0x3FBD];
	(tm) =	ssettm $0x1  }
0x91: {  	s18 =	sld [smem:$0x3FFB];
	_ =	sdelay $0x3  }
0x92: {  	_ =	strace s18  }
0x93: {  	s3 =	sld [smem:$0x3FFC];
	_ =	sdelay $0x3  }
0x94: {  	_ =	strace s3  }
0x95: {  	s3 =	sld [smem:$0x3FFD];
	_ =	sdelay $0x3  }
0x96: {  	_ =	strace s3  }
0x97: {  	_ =	strace $0x8FFFFFFF  }
0x98: {  	s19 =	sld [smem:$0x3FDB];
	_ =	sdelay $0x1  }
0x99: {  	s4 =	simm.s32 $_scs_section_size  }
0x9a: {  	s5 =	simm.s32 $_size__tile_overlayer_lowered;
	s6 =	simm.s32 $_tile_overlayer_lowered  }
0x9b: {  	s22 =	simm.s32 $0x1BFF;
	s21 =	sshll.u32 s6, $0x1;
	s3 =	sadd.s32 s4, s19  }
0x9c: {  	s7 =	simm.s32 $0x0;
	s20 =	sshll.u32 s5, $0x1;
	s5 =	sadd.s32 s21, s3  }
0x9d: {  	[timem:s7], [sflag:s22] =	dma.local [hbm:s5], s20  }
0x9e: {  	_ =	swait.ge [sflag:s22], s20  }
0x9f: {  	s4 =	ssub.s32 $0x0, s20;
	[sflag:s22] =	ssyncset.done $0x0  }
0xa0: {  	[sflag:s22] =	ssyncadd.s32 s4;
	_ =	sdelay $0x1  }
0xa1: {  	s23 =	simm.s32 $0x1B8B  }
0xa2: {  	_ =	swait.ge [sflag:s23], $0x1  }
0xa3: {  	[sflag:s23] =	ssyncset.done $0x0  }
0xa4: {  	s25 =	simm.s32 $0x1B8E;
	s24 =	sld [smem:$0x3FFE];
	[sflag:s23] =	ssyncadd.s32 $0xFFFFFFFF  }
0xa5: {  	s26 =	simm.s32 $execute0_lowered;
	[smem:$0x3FD2] =	sst s25  }
0xa6: {  	s5 =	sshll.u32 s26, $0x1;
	_ =	strace $0x80000046;
	[dreg:$0x1] =	wrdreg $0xFFFFFFFF  }
0xa7: {  	s28 =	simm.s32 $_size_execute0_lowered;
	s3 =	sadd.s32 s3, s5;
	[dreg:$0x0] =	wrdreg $0x0  }
0xa8: {  	s5 =	sshll.u32 s28, $0x1;
	[dreg:$0x2] =	wrdreg s3  }
0xa9: {  	[dreg:$0x3] =	wrdreg s5  }
0xaa: {  	[dreg:$0x4] =	wrdreg $0xC0  }
0xab: {  	_ =	task [dreg:s7], $0x5FFFF  }
0xac: {  	[dreg:$0x1] =	wrdreg $0xFFFFFFFF  }
0xad: {  	[dreg:$0x0] =	wrdreg $0x60  }
0xae: {  	[dreg:$0x2] =	wrdreg s24  }
0xaf: {  	[dreg:$0x3] =	wrdreg s2  }
0xb0: {  	[dreg:$0x4] =	wrdreg $0xA8A00  }
0xb1: {  	[dreg:$0x5] =	wrdreg $0x9  }
0xb2: {  	_ =	task.clear_ibuf [dreg:s7], $0x6FFFF;
	_ =	strace $0x90000046  }
0xb3: {  	s29 =	simm.s32 $0x9;
	_ =	strace $0x80000048  }
0xb4: {  	_ =	swait.ge [sflag:s29], $0x1  }
0xb5: {  	[sflag:s29] =	ssyncadd.s32 $0xFFFFFFFF  }
0xb6: {  	_ =	strace $0x90000048  }
0xb7: {  	_ =	sfence  }
0xb8: {  	s30 =	sld [smem:$0x0];
	_ =	sdelay $0x2  }
0xb9: {  	s31 =	sshll.u32 s1, $0xD;
	s1 =	sshrl.u32 s1, $0x2  }
0xba: {  	s3 =	sand.u32 $0x4000, s31;
	s1 =	sadd.s32 s1, s30  }
0xbb: {  	s0 =	sor.u32 s3, s0;
	s1 =	sshll.u32 s1, $0x11  }
0xbc: {  	s0 =	sor.u32 s1, s0  }
0xbd: {  	s0 =	sadd.s32 $0x8F2B, s0  }
0xbe: {  	[sflag:s0] =	ssyncadd.remote.s32 $0x1  }
0xbf: {  	_ =	sfence.sel $0xFFFF  }
0xc0: {  	[dreg:$0x0] =	wrdreg $0xFFFFFFFF;
	(pc) =	sbr.abs _section_cstart, $3  }
0xc1: {  	[dreg:$0x1] =	wrdreg $0xFFFFFFFF  }
0xc2: {  	_ =	task.clear_ibuf [dreg:s7], $0x2FFFF;
	_ =	strace $0x9FFFFFFF  }
0xc3: {  	(tm) =	ssettm $0x7FFFFFFF  }
tec
execute0_lowered:
.L_overlay_start_1:
0x0: {  	(tag) =	ssettag $0x1  }
0x1: {  	s9 =	rddreg [dreg:$0x0]  }
0x2: {  	s0 =	srdreg.scid;
	s24 =	stileid.u32;
	s1 =	simm.s32 $0x0  }
0x3: {  	s0 =	sand.u32 $0x1, s0;
	s2 =	sshll.u32 s24, $0x1;
	[smem:$0x7FF] =	sst s1  }
0x4: {  	s11 =	sadd.s32 $0xB7400, s9;
	s14 =	sor.u32 $0x10, s24;
	s15 =	sor.u32 $0x20, s24  }
0x5: {  	s17 =	sor.u32 $0x30, s24;
	s18 =	sor.u32 $0x40, s24;
	s12 =	smul.u32 $0x27100, s0  }
0x6: {  	s2 =	sor.u32 s0, s2;
	s3 =	ssub.s32 $0x2, s0;
	s0 =	smul.u32 $0x500, s24  }
0x7: {  	s19 =	sor.u32 $0x50, s24;
	s2 =	smul.u32 $0x2710, s2;
	s4 =	sshrl.u32 s3, $0x1  }
0x8: {  	s20 =	sor.u32 $0x60, s24;
	s13 =	ssub.s32 s3, s4;
	s3 =	smul.u32 $0x500, s14  }
0x9: {  	s21 =	sor.u32 $0x70, s24;
	s5 =	sadd.s32 s12, s0;
	s4 =	smul.u32 $0x500, s15  }
0xa: {  	p0 =	sgt.u32 s21, $0x7C;
	s6 =	sshrl.u32 s5, $0x3;
	s5 =	smul.u32 $0x500, s17  }
0xb: {  	s13 =	smax.u32 s13, $0x1;
	s7 =	sadd.s32 s12, s3;
	s6 =	sadd.s32 s11, s6  }
0xc: {  	s26 =	sadd.s32 s12, s4;
	[dreg:$0x4] =	wrdreg s6;
	s8 =	sshrl.u32 s7, $0x3  }
0xd: {  	s10 =	sadd.s32 s12, s5;
	s6 =	smul.u32 $0x500, s18;
	s16 =	sshrl.u32 s26, $0x3  }
0xe: {  	s7 =	smul.u32 $0x500, s19;
	s10 =	sshrl.u32 s10, $0x3;
	s8 =	sadd.s32 s11, s8  }
0xf: {  	s16 =	sadd.s32 s11, s16;
	[dreg:$0x5] =	wrdreg s8;
	s8 =	smul.u32 $0x500, s20  }
0x10: {  	[dreg:$0x6] =	wrdreg s16;
	s22 =	sadd.s32 s11, s10;
	s10 =	smul.u32 $0x500, s21  }
0x11: {  	s23 =	sadd.s32 s12, s6;
	s25 =	sadd.s32 s12, s7;
	s20 =	smul.u32 $0x1400, s20  }
0x12: {  	[dreg:$0x7] =	wrdreg s22;
	s22 =	sshrl.u32 s23, $0x3;
	s16 =	sshrl.u32 s25, $0x3  }
0x13: {  	s23 =	sshrl.u32 s2, $0x3;
	s22 =	sadd.s32 s11, s22;
	s16 =	sadd.s32 s11, s16  }
0x14: {  	s26 =	sadd.s32 s12, s8;
	s12 =	sadd.s32 s12, s10;
	[dreg:$0x8] =	wrdreg s22  }
0x15: {  	[dreg:$0x9] =	wrdreg s16;
	s16 =	sshrl.u32 s26, $0x3;
	s26 =	smul.u32 $0x1400, s24  }
0x16: {  	s22 =	sshrl.u32 s12, $0x3;
	s12 =	rddreg [dreg:$0x2];
	s24 =	smul.u32 $0x1400, s17  }
0x17: {  	s16 =	sadd.s32 s11, s16;
	s11 =	sadd.s32 s11, s22;
	s22 =	smul.u32 $0x1400, s14  }
0x18: {  	s14 =	sadd.s32 $0x69000, s9;
	s0 =	sadd.s32 s0, s12;
	s3 =	sadd.s32 s3, s12  }
0x19: {  	s4 =	sadd.s32 s4, s12;
	s5 =	sadd.s32 s5, s12;
	[dreg:$0xa] =	wrdreg s16  }
0x1a: {  	s6 =	sadd.s32 s6, s12;
	s7 =	sadd.s32 s7, s12;
	[dreg:$0xb] =	wrdreg s11  }
0x1b: {  	s11 =	sadd.s32 s23, s9;
	s23 =	smul.u32 $0x1400, s15;
	s15 =	sadd.s32 $0x90200, s9  }
0x1c: {  	s16 =	sadd.s32 $0xC1200, s9;
	s9 =	sshrl.u32 s26, $0x2;
	s26 =	smul.u32 $0x1400, s18  }
0x1d: {  	s8 =	sadd.s32 s8, s12;
	s18 =	smul.u32 $0x1400, s19;
	s29 =	sshrl.u32 s0, $0x3  }
0x1e: {  	s30 =	sshrl.u32 s3, $0x3;
	s31 =	sshrl.u32 s4, $0x3;
	s0 =	sshrl.u32 s7, $0x3  }
0x1f: {  	_ =	strace $0x80000047;
	s25 =	sadd.s32 $0x11000, s11;
	[dreg:$0xe] =	wrdreg s13  }
0x20: {  	s3 =	sshrl.u32 s8, $0x3;
	s11 =	sadd.s32 $0x7200, s11;
	[dreg:$0xc] =	wrdreg s25  }
0x21: {  	s7 =	simm.s32 $0x50;
	s9 =	sadd.s32 s9, s12;
	[dreg:$0xd] =	wrdreg s11  }
0x22: {  	v0 =	vimm.s32 $0xFEDCBA98;
	v1 =	vimm.s32 $0x76543210;
	s8 =	simm.s32 $0x4E20;
	s25 =	sshrl.u32 s22, $0x2;
	[dreg:$0xf] =	wrdreg s9  }
0x23: {  	v2 =	vimm.s32 $0xBA98FEDC;
	v3 =	vimm.s32 $0x32107654;
	v4 =	vimm.s32 $0xDCFE98BA;
	s19 =	sshrl.u32 s23, $0x2;
	s11 =	sshrl.u32 s24, $0x2;
	s17 =	sshrl.u32 s26, $0x2  }
0x24: {  	v5 =	vimm.s32 $0x54761032;
	v6 =	vimm.s32 $0xEFCDAB89;
	s22 =	smul.u32 $0x1400, s21;
	s9 =	sshrl.u32 s18, $0x2;
	s24 =	sshrl.u32 s20, $0x2  }
0x25: {  	v7 =	vimm.s32 $0x67452301;
	v0 =	vunpack.c.l.s4.s8 v0;
	v1 =	vunpack.c.l.s4.s8 v1;
	s18 =	simm.s32 $0x9E20;
	s13 =	sadd.s32 s25, s12;
	s11 =	sadd.s32 s11, s12  }
0x26: {  	v2 =	vunpack.c.l.s4.s8 v2;
	v3 =	vunpack.c.l.s4.s8 v3;
	v4 =	vunpack.c.l.s4.s8 v4;
	s23 =	sadd.s32 s17, s12;
	s9 =	sadd.s32 s9, s12;
	[dreg:$0x10] =	wrdreg s13  }
0x27: {  	v5 =	vunpack.c.l.s4.s8 v5;
	v6 =	vunpack.c.l.s4.s8 v6;
	v7 =	vunpack.c.l.s4.s8 v7;
	s26 =	sadd.s32 s24, s12;
	s17 =	simm.s32 $0x2;
	[dreg:$0x12] =	wrdreg s11  }
0x28: {  	v0 =	vunpack.c.0.s8.s32 v0;
	v1 =	vunpack.c.0.s8.s32 v1;
	v2 =	vunpack.c.0.s8.s32 v2;
	s13 =	sadd.s32 s19, s12;
	[dreg:$0x13] =	wrdreg s23;
	s25 =	sshrl.u32 s22, $0x2  }
0x29: {  	v3 =	vunpack.c.0.s8.s32 v3;
	v4 =	vunpack.c.0.s8.s32 v4;
	v5 =	vunpack.c.0.s8.s32 v5;
	[dreg:$0x14] =	wrdreg s9;
	s11 =	sadd.s32 s10, s12;
	s9 =	sshrl.u32 s5, $0x3  }
0x2a: {  	v6 =	vunpack.c.0.s8.s32 v6;
	v7 =	vunpack.c.0.s8.s32 v7;
	v0 =	vand.u32 $0xF, v0;
	s10 =	sshrl.u32 s6, $0x3;
	s5 =	simm.s32 $0xA3A0;
	s6 =	simm.s32 $0x3  }
0x2b: {  	v0 =	vcombine.low v0, v1;
	v1 =	vcombine.low v3, v2;
	s19 =	simm.s32 $0x0;
	[dreg:$0x11] =	wrdreg s13;
	s28 =	sadd.s32 s25, s12  }
0x2c: {  	v2 =	vcombine.low v5, v4;
	v3 =	vimm.f32 $0.0e+00;
	v4 =	vcombine.low v7, v6;
	s4 =	sshrl.u32 @!p0 s11, $0x3;
	s11 =	simm.s32 $0x7620;
	s13 =	simm.s32 $0x1  }
.LBB2_1:
0x2d: {  	s20 =	simm.s32 $0x40;
	s21 =	simm.s32 $0x0  }
.LBB2_2:
0x2e: {  	p1 =	sne.s32 s20, $0x13C0;
	[tilespmem:s21+$0xA3A0] =	vst v3;
	s21 =	smov.u32 s20;
	s20 =	sadd.s32 $0x40, s20  }
.Ltmp0:
0x2f: {  	(pc) =	sbr.rel @p1 .LBB2_2-.Ltmp0, $2  }
0x30: {  	_ =	sdelay $0x2  }
0x31: {  	s21 =	sshra.s32 s21, $0x2  }
0x32: {  	[tilespmem:s21+$0xA3A0] =	vst v3;
	s20 =	rddreg [dreg:$0xf]  }
0x33: {  	[spmem:s20] =	stream.linear.scatter [tilespmem:s5], [sflag:$0x3], $0x500, $0x38;
	[tilespmem:$0xCFB0] =	vst v63  }
0x34: {  	_ =	swait.ge [sflag:s6], $0x500  }
0x35: {  	[sflag:s6] =	ssyncset.done $0x0  }
0x36: {  	s25 =	rddreg [dreg:$0x10];
	[sflag:s6] =	ssyncadd.s32 $0xFFFFFB00  }
0x37: {  	[spmem:s25] =	stream.linear.scatter [tilespmem:s5], [sflag:$0x3], $0x500, $0x38;
	[tilespmem:$0xCFB0] =	vst v63  }
0x38: {  	_ =	swait.ge [sflag:s6], $0x500  }
0x39: {  	[sflag:s6] =	ssyncset.done $0x0  }
0x3a: {  	s21 =	rddreg [dreg:$0x11];
	[sflag:s6] =	ssyncadd.s32 $0xFFFFFB00  }
0x3b: {  	[spmem:s21] =	stream.linear.scatter [tilespmem:s5], [sflag:$0x3], $0x500, $0x38;
	[tilespmem:$0xCFB0] =	vst v63  }
0x3c: {  	_ =	swait.ge [sflag:s6], $0x500  }
0x3d: {  	[sflag:s6] =	ssyncset.done $0x0  }
0x3e: {  	s22 =	rddreg [dreg:$0x12];
	[sflag:s6] =	ssyncadd.s32 $0xFFFFFB00  }
0x3f: {  	[spmem:s22] =	stream.linear.scatter [tilespmem:s5], [sflag:$0x3], $0x500, $0x38;
	[tilespmem:$0xCFB0] =	vst v63  }
0x40: {  	_ =	swait.ge [sflag:s6], $0x500  }
0x41: {  	[sflag:s6] =	ssyncset.done $0x0  }
0x42: {  	s23 =	rddreg [dreg:$0x13];
	[sflag:s6] =	ssyncadd.s32 $0xFFFFFB00  }
0x43: {  	[spmem:s23] =	stream.linear.scatter [tilespmem:s5], [sflag:$0x3], $0x500, $0x38;
	[tilespmem:$0xCFB0] =	vst v63  }
0x44: {  	_ =	swait.ge [sflag:s6], $0x500  }
0x45: {  	[sflag:s6] =	ssyncset.done $0x0  }
0x46: {  	s24 =	rddreg [dreg:$0x14];
	[sflag:s6] =	ssyncadd.s32 $0xFFFFFB00  }
0x47: {  	[spmem:s24] =	stream.linear.scatter [tilespmem:s5], [sflag:$0x3], $0x500, $0x38;
	[tilespmem:$0xCFB0] =	vst v63  }
0x48: {  	_ =	swait.ge [sflag:s6], $0x500  }
0x49: {  	[sflag:s6] =	ssyncset.done $0x0  }
0x4a: {  	[sflag:s6] =	ssyncadd.s32 $0xFFFFFB00  }
0x4b: {  	[spmem:s26] =	stream.linear.scatter [tilespmem:s5], [sflag:$0x3], $0x500, $0x38;
	[tilespmem:$0xCFB0] =	vst v63  }
0x4c: {  	_ =	swait.ge [sflag:s6], $0x500  }
0x4d: {  	[sflag:s6] =	ssyncset.done $0x0  }
0x4e: {  	s20 =	simm.s32 @!p0 $0xA3A0;
	[sflag:s6] =	ssyncadd.s32 $0xFFFFFB00  }
0x4f: {  	[spmem:s28] =	stream.linear.scatter @!p0 [tilespmem:s20], [sflag:$0x3], $0x500, $0x38;
	[tilespmem:$0xCFB0] =	vst v63  }
0x50: {  	s20 =	simm.s32 @!p0 $0x3  }
0x51: {  	_ =	swait.ge @!p0 [sflag:s20], $0x500  }
0x52: {  	[sflag:s20] =	ssyncset.done @!p0 $0x0  }
0x53: {  	[sflag:s20] =	ssyncadd.s32 @!p0 $0xFFFFFB00  }
0x54: {  	s22 =	simm.s32 $0xA320;
	s20 =	simm.s32 $0x0;
	s25 =	rddreg [dreg:$0x1]  }
0x55: {  	[tilespmem:s22], [sflag:$0x3] =	stream.linear.gather [hbm4b:s25+s20], $0x80, $0x38;
	[tilespmem:$0xCFB0] =	vst v63  }
0x56: {  	_ =	swait.ge [sflag:s6], $0x80  }
0x57: {  	[sflag:s6] =	ssyncset.done $0x0  }
0x58: {  	s23 =	rddreg [dreg:$0xc];
	[sflag:s6] =	ssyncadd.s32 $0xFFFFFF80  }
0x59: {  	[tilespmem:s20], [sflag:$0x3] =	stream.linear.gather [hbm4b:s23+s20], $0x2710, $0x38;
	[tilespmem:$0xCFB0] =	vst v63  }
0x5a: {  	_ =	swait.ge [sflag:s6], $0x2710  }
0x5b: {  	[sflag:s6] =	ssyncset.done $0x0  }
0x5c: {  	s25 =	simm.s32 $0x2710;
	s24 =	rddreg [dreg:$0xd];
	[sflag:s6] =	ssyncadd.s32 $0xFFFFD8F0  }
0x5d: {  	[tilespmem:s25], [sflag:$0x3] =	stream.linear.gather [hbm4b:s24+s20], $0x2710, $0x38;
	[tilespmem:$0xCFB0] =	vst v63  }
0x5e: {  	_ =	swait.ge [sflag:s6], $0x2710  }
0x5f: {  	[sflag:s6] =	ssyncset.done $0x0  }
0x60: {  	[sflag:s6] =	ssyncadd.s32 $0xFFFFD8F0  }
0x61: {  	[bflag:$0x0] =	sbarrier.arrive $0xFFFF  }
0x62: {  	v5 =	vld [tilespmem:$0xA320]  }
0x63: {  	v6 =	vld [tilespmem:$0xA330]  }
0x64: {  	v7 =	vld [tilespmem:$0xA340]  }
0x65: {  	v8 =	vld [tilespmem:$0xA350]  }
0x66: {  	v9 =	vld [tilespmem:$0xA360]  }
0x67: {  	v10 =	vld [tilespmem:$0xA370]  }
0x68: {  	v11 =	vld [tilespmem:$0xA380]  }
0x69: {  	v12 =	vld [tilespmem:$0xA390]  }
.LBB2_4:
0x6a: {  	s22 =	smul.u32 $0x50, s20;
	_ =	sdelay $0x1  }
0x6b: {  	[tilespmem:s8], [sflag:$0x1] =	stream.indirect.gather [hbm4b:s14+s7], $0x80, s22, s7, $0xb8;
	[tilespmem:$0xCFB0] =	vst v63  }
0x6c: {  	s21 =	sadd.s32 $0x2710, s22  }
0x6d: {  	[tilespmem:s11], [sflag:$0x2] =	stream.indirect.gather [hbm4b:s15+s7], $0x80, s21, s7, $0xb8;
	[tilespmem:$0xCFB0] =	vst v63  }
0x6e: {  	_ =	swait.ge [sflag:s13], $0x2800  }
0x6f: {  	[sflag:s13] =	ssyncset.done $0x0  }
0x70: {  	[sflag:s13] =	ssyncadd.s32 $0xFFFFD800  }
0x71: {  	_ =	swait.ge [sflag:s17], $0x2800  }
0x72: {  	[sflag:s17] =	ssyncset.done $0x0  }
0x73: {  	s23 =	simm.s32 $0x0;
	[sflag:s17] =	ssyncadd.s32 $0xFFFFD800  }
0x74: {  	v13 =	vld [tilespmem:s23+$0x7650]  }
0x75: {  	v14 =	vld [tilespmem:s23+$0x7620]  }
0x76: {  	v15 =	vld [tilespmem:s23+$0x4E20]  }
0x77: {  	v16 =	vld [tilespmem:s23+$0x7630]  }
0x78: {  	v17 =	vld [tilespmem:s23+$0x4E30]  }
0x79: {  	v18 =	vld [tilespmem:s23+$0x7640]  }
0x7a: {  	v19 =	vld [tilespmem:s23+$0x4E40]  }
0x7b: {  	v20 =	vld [tilespmem:s23+$0x4E50];
	_ =	sdelay $0x1  }
0x7c: {  	v14 =	vadd.f32 v14, v15;
	v15 =	vadd.f32 v16, v17;
	v16 =	vld [tilespmem:s23+$0x7660]  }
0x7d: {  	v17 =	vld [tilespmem:s23+$0x4E60]  }
0x7e: {  	v58 =	vld [tilespmem:s23+$0x4E70];
	v18 =	vadd.f32 v18, v19;
	v21 =	vmul.f32 $2.000000030e-01, v14;
	v22 =	vmul.f32 $2.000000030e-01, v15  }
0x7f: {  	v19 =	vld [tilespmem:s23+$0x7670];
	v13 =	vadd.f32 v13, v20;
	vm0 =	vgt.f32 v14, $0.0e+00;
	vm1 =	vgt.f32 v15, $0.0e+00  }
0x80: {  	v60 =	vld [tilespmem:s23+$0x7680];
	v59 =	vmul.f32 $2.000000030e-01, v18;
	v14 =	vsel vm0, v14, v21;
	v15 =	vsel vm1, v15, v22  }
0x81: {  	v23 =	vld [tilespmem:s23+$0x4E80];
	vm10 =	vgt.f32 v18, $0.0e+00;
	v14 =	vmul.f32 v14, v5;
	v15 =	vmul.f32 v15, v6  }
0x82: {  	v61 =	vmul.f32 $2.000000030e-01, v13;
	v18 =	vsel vm10, v18, v59;
	v16 =	vadd.f32 v16, v17;
	v17 =	vld [tilespmem:s23+$0x7690]  }
0x83: {  	vm11 =	vgt.f32 v13, $0.0e+00;
	v14 =	vadd.f32 v15, v14;
	v15 =	vmul.f32 v18, v7;
	v18 =	vld [tilespmem:s23+$0x4E90]  }
0x84: {  	v13 =	vsel vm11, v13, v61;
	v19 =	vadd.f32 v19, v58;
	v62 =	vmul.f32 $2.000000030e-01, v16  }
0x85: {  	v13 =	vmul.f32 v13, v8;
	vm12 =	vgt.f32 v16, $0.0e+00;
	v14 =	vadd.f32 v15, v14  }
0x86: {  	v63 =	vadd.f32 v60, v23;
	v15 =	vsel vm12, v16, v62;
	v16 =	vmul.f32 $2.000000030e-01, v19  }
0x87: {  	vm13 =	vgt.f32 v19, $0.0e+00;
	v13 =	vadd.f32 v13, v14;
	v14 =	vmul.f32 v15, v9  }
0x88: {  	v15 =	vsel vm13, v19, v16;
	v16 =	vmul.f32 $2.000000030e-01, v63;
	v17 =	vadd.f32 v17, v18  }
0x89: {  	vm14 =	vgt.f32 v63, $0.0e+00;
	v13 =	vadd.f32 v14, v13;
	v14 =	vmul.f32 v15, v10  }
0x8a: {  	v15 =	vsel vm14, v63, v16;
	v16 =	vmul.f32 $2.000000030e-01, v17  }
0x8b: {  	vm15 =	vgt.f32 v17, $0.0e+00;
	v13 =	vadd.f32 v14, v13;
	v14 =	vmul.f32 v15, v11  }
0x8c: {  	v15 =	vsel vm15, v17, v16  }
0x8d: {  	v13 =	vadd.f32 v14, v13;
	v14 =	vmul.f32 v15, v12;
	_ =	sdelay $0x1  }
0x8e: {  	v13 =	vadd.f32 v14, v13;
	_ =	sdelay $0x1  }
0x8f: {  	v14 =	vperm.xlane v13, v0;
	_ =	sdelay $0x1  }
0x90: {  	v13 =	vadd.f32 v13, v14;
	_ =	sdelay $0x1  }
0x91: {  	v14 =	vperm.xlane v13, v1;
	_ =	sdelay $0x1  }
0x92: {  	v13 =	vadd.f32 v13, v14;
	_ =	sdelay $0x1  }
0x93: {  	v14 =	vperm.xlane v13, v2;
	_ =	sdelay $0x1  }
0x94: {  	v13 =	vadd.f32 v13, v14;
	_ =	sdelay $0x1  }
0x95: {  	v14 =	vperm.xlane v13, v4;
	_ =	sdelay $0x1  }
0x96: {  	v13 =	vadd.f32 v13, v14;
	_ =	sdelay $0x1  }
0x97: {  	v13 =	vmul.f32 $1.442695020e+00, v13;
	_ =	sdelay $0x1  }
0x98: {  	(erf) = vpow2.f32 v13;
	_ =	sdelay $0x8  }
0x99: {  	s23 =	simm.s32 $0x9E20;
	v13 =	vpop (erf)  }
0x9a: {  	s25 =	simm.s32 $0x80;
	[tilespmem:s23+$0x0] =	vst v13  }
0x9b: {  	v13 =	vld [tilespmem:s25+$0x7650]  }
0x9c: {  	v14 =	vld [tilespmem:s25+$0x7620]  }
0x9d: {  	v15 =	vld [tilespmem:s25+$0x4E20]  }
0x9e: {  	s24 =	simm.s32 $0x400;
	v16 =	vld [tilespmem:s25+$0x7630]  }
.LBB2_5:
0x9f: {  	p1 =	sne.s32 s24, $0x9E00;
	v17 =	vld [tilespmem:s25+$0x4E30]  }
0xa0: {  	v18 =	vld [tilespmem:s25+$0x7640]  }
0xa1: {  	v19 =	vld [tilespmem:s25+$0x4E40]  }
0xa2: {  	v20 =	vld [tilespmem:s25+$0x4E50];
	_ =	sdelay $0x1  }
0xa3: {  	v14 =	vadd.f32 v14, v15;
	v15 =	vadd.f32 v16, v17;
	v16 =	vld [tilespmem:s25+$0x7660]  }
0xa4: {  	v17 =	vld [tilespmem:s25+$0x4E60]  }
0xa5: {  	v21 =	vmul.f32 $2.000000030e-01, v14;
	v22 =	vmul.f32 $2.000000030e-01, v15;
	v18 =	vadd.f32 v18, v19;
	v19 =	vld [tilespmem:s25+$0x7670]  }
0xa6: {  	vm0 =	vgt.f32 v14, $0.0e+00;
	vm1 =	vgt.f32 v15, $0.0e+00;
	v13 =	vadd.f32 v13, v20;
	v20 =	vld [tilespmem:s25+$0x4E70]  }
0xa7: {  	v14 =	vsel vm0, v14, v21;
	v15 =	vsel vm1, v15, v22;
	v21 =	vmul.f32 $2.000000030e-01, v18;
	v22 =	vld [tilespmem:s25+$0x7680]  }
0xa8: {  	v14 =	vmul.f32 v14, v5;
	vm0 =	vgt.f32 v18, $0.0e+00;
	v15 =	vmul.f32 v15, v6;
	v23 =	vld [tilespmem:s25+$0x4E80]  }
0xa9: {  	v18 =	vsel vm0, v18, v21;
	v21 =	vmul.f32 $2.000000030e-01, v13;
	v16 =	vadd.f32 v16, v17;
	v17 =	vld [tilespmem:s25+$0x7690]  }
0xaa: {  	vm0 =	vgt.f32 v13, $0.0e+00;
	v14 =	vadd.f32 v15, v14;
	v15 =	vmul.f32 v18, v7;
	v18 =	vld [tilespmem:s25+$0x4E90]  }
0xab: {  	v13 =	vsel vm0, v13, v21;
	v21 =	vmul.f32 $2.000000030e-01, v16;
	v19 =	vadd.f32 v19, v20  }
0xac: {  	vm0 =	vgt.f32 v16, $0.0e+00;
	v14 =	vadd.f32 v15, v14;
	v13 =	vmul.f32 v13, v8  }
0xad: {  	v15 =	vsel vm0, v16, v21;
	v16 =	vmul.f32 $2.000000030e-01, v19;
	v20 =	vadd.f32 v22, v23  }
0xae: {  	vm0 =	vgt.f32 v19, $0.0e+00;
	v13 =	vadd.f32 v13, v14;
	v14 =	vmul.f32 v15, v9  }
0xaf: {  	v15 =	vsel vm0, v19, v16;
	v16 =	vmul.f32 $2.000000030e-01, v20;
	v17 =	vadd.f32 v17, v18  }
0xb0: {  	vm0 =	vgt.f32 v20, $0.0e+00;
	v13 =	vadd.f32 v14, v13;
	v14 =	vmul.f32 v15, v10  }
0xb1: {  	v15 =	vsel vm0, v20, v16;
	v16 =	vmul.f32 $2.000000030e-01, v17  }
0xb2: {  	vm0 =	vgt.f32 v17, $0.0e+00;
	v13 =	vadd.f32 v14, v13;
	v14 =	vmul.f32 v15, v11  }
0xb3: {  	v15 =	vsel vm0, v17, v16  }
0xb4: {  	v13 =	vadd.f32 v14, v13;
	v14 =	vmul.f32 v15, v12;
	_ =	sdelay $0x1  }
0xb5: {  	v13 =	vadd.f32 v14, v13;
	_ =	sdelay $0x1  }
0xb6: {  	v14 =	vperm.xlane v13, v0;
	_ =	sdelay $0x1  }
0xb7: {  	v13 =	vadd.f32 v13, v14;
	_ =	sdelay $0x1  }
0xb8: {  	v14 =	vperm.xlane v13, v1;
	_ =	sdelay $0x1  }
0xb9: {  	v13 =	vadd.f32 v13, v14;
	_ =	sdelay $0x1  }
0xba: {  	v14 =	vperm.xlane v13, v2;
	_ =	sdelay $0x1  }
0xbb: {  	v13 =	vadd.f32 v13, v14;
	_ =	sdelay $0x1  }
0xbc: {  	v14 =	vperm.xlane v13, v4;
	_ =	sdelay $0x1  }
0xbd: {  	v13 =	vadd.f32 v13, v14;
	_ =	sdelay $0x1  }
0xbe: {  	v13 =	vmul.f32 $1.442695020e+00, v13;
	_ =	sdelay $0x1  }
0xbf: {  	(erf) = vpow2.f32 v13;
	_ =	sdelay $0x8  }
0xc0: {  	s23 =	sadd.s32 $0x10, s23;
	v13 =	vpop (erf)  }
.Ltmp1:
0xc1: {  	s25 =	sshra.s32 s24, $0x2;
	[tilespmem:s23+$0x0] =	vst v13;
	(pc) =	sbr.rel @p1 .LBB2_5-.Ltmp1, $4  }
0xc2: {  	v13 =	vld [tilespmem:s25+$0x7650]  }
0xc3: {  	v14 =	vld [tilespmem:s25+$0x7620]  }
0xc4: {  	v15 =	vld [tilespmem:s25+$0x4E20]  }
0xc5: {  	s24 =	sadd.s32 $0x200, s24;
	v16 =	vld [tilespmem:s25+$0x7630]  }
0xc6: {  	v17 =	vld [tilespmem:s25+$0x4E30]  }
0xc7: {  	v18 =	vld [tilespmem:s25+$0x7640]  }
0xc8: {  	v19 =	vld [tilespmem:s25+$0x4E40]  }
0xc9: {  	v20 =	vld [tilespmem:s25+$0x4E50];
	_ =	sdelay $0x1  }
0xca: {  	v50 =	vld [tilespmem:s25+$0x7660];
	v14 =	vadd.f32 v14, v15;
	v15 =	vadd.f32 v16, v17  }
0xcb: {  	v51 =	vld [tilespmem:s25+$0x4E60]  }
0xcc: {  	v52 =	vld [tilespmem:s25+$0x7670];
	v21 =	vmul.f32 $2.000000030e-01, v14;
	v18 =	vadd.f32 v18, v19;
	v22 =	vmul.f32 $2.000000030e-01, v15  }
0xcd: {  	v53 =	vld [tilespmem:s25+$0x4E70];
	vm0 =	vgt.f32 v14, $0.0e+00;
	v13 =	vadd.f32 v13, v20;
	vm1 =	vgt.f32 v15, $0.0e+00  }
0xce: {  	v55 =	vld [tilespmem:s25+$0x7680];
	v14 =	vsel vm0, v14, v21;
	v54 =	vmul.f32 $2.000000030e-01, v18;
	v15 =	vsel vm1, v15, v22  }
0xcf: {  	v23 =	vld [tilespmem:s25+$0x4E80];
	vm10 =	vgt.f32 v18, $0.0e+00;
	v14 =	vmul.f32 v14, v5;
	v15 =	vmul.f32 v15, v6  }
0xd0: {  	v57 =	vld [tilespmem:s25+$0x7690];
	v16 =	vadd.f32 v50, v51;
	v56 =	vmul.f32 $2.000000030e-01, v13;
	v18 =	vsel vm10, v18, v54  }
0xd1: {  	v58 =	vld [tilespmem:s25+$0x4E90];
	vm11 =	vgt.f32 v13, $0.0e+00;
	v14 =	vadd.f32 v15, v14;
	v15 =	vmul.f32 v18, v7  }
0xd2: {  	v19 =	vadd.f32 v52, v53;
	v59 =	vmul.f32 $2.000000030e-01, v16;
	v13 =	vsel vm11, v13, v56  }
0xd3: {  	vm12 =	vgt.f32 v16, $0.0e+00;
	v13 =	vmul.f32 v13, v8;
	v14 =	vadd.f32 v15, v14  }
0xd4: {  	v61 =	vadd.f32 v55, v23;
	v60 =	vmul.f32 $2.000000030e-01, v19;
	v15 =	vsel vm12, v16, v59  }
0xd5: {  	vm13 =	vgt.f32 v19, $0.0e+00;
	v13 =	vadd.f32 v13, v14;
	v14 =	vmul.f32 v15, v9  }
0xd6: {  	v17 =	vadd.f32 v57, v58;
	v62 =	vmul.f32 $2.000000030e-01, v61;
	v15 =	vsel vm13, v19, v60  }
0xd7: {  	vm14 =	vgt.f32 v61, $0.0e+00;
	v13 =	vadd.f32 v14, v13;
	v14 =	vmul.f32 v15, v10  }
0xd8: {  	v63 =	vmul.f32 $2.000000030e-01, v17;
	v15 =	vsel vm14, v61, v62  }
0xd9: {  	vm15 =	vgt.f32 v17, $0.0e+00;
	v13 =	vadd.f32 v14, v13;
	v14 =	vmul.f32 v15, v11  }
0xda: {  	v15 =	vsel vm15, v17, v63  }
0xdb: {  	v13 =	vadd.f32 v14, v13;
	v14 =	vmul.f32 v15, v12;
	_ =	sdelay $0x1  }
0xdc: {  	v13 =	vadd.f32 v14, v13;
	_ =	sdelay $0x1  }
0xdd: {  	v14 =	vperm.xlane v13, v0;
	_ =	sdelay $0x1  }
0xde: {  	v13 =	vadd.f32 v13, v14;
	_ =	sdelay $0x1  }
0xdf: {  	v14 =	vperm.xlane v13, v1;
	_ =	sdelay $0x1  }
0xe0: {  	v13 =	vadd.f32 v13, v14;
	_ =	sdelay $0x1  }
0xe1: {  	v14 =	vperm.xlane v13, v2;
	_ =	sdelay $0x1  }
0xe2: {  	v13 =	vadd.f32 v13, v14;
	_ =	sdelay $0x1  }
0xe3: {  	v14 =	vperm.xlane v13, v4;
	_ =	sdelay $0x1  }
0xe4: {  	v13 =	vadd.f32 v13, v14;
	_ =	sdelay $0x1  }
0xe5: {  	v13 =	vmul.f32 $1.442695020e+00, v13;
	_ =	sdelay $0x1  }
0xe6: {  	(erf) = vpow2.f32 v13;
	_ =	sdelay $0x7  }
0xe7: {  	s22 =	sadd.s32 s2, s22  }
0xe8: {  	s23 =	sadd.s32 $0x10, s23;
	s22 =	sshll.u32 s22, $0x1;
	v13 =	vpop (erf)  }
0xe9: {  	s22 =	sadd.s32 s16, s22;
	[tilespmem:s23+$0x0] =	vst v13  }
0xea: {  	[hbm4b:s22+s1] =	stream.linear.scatter [tilespmem:s18], [sflag:$0x3], $0x500, $0x38;
	[tilespmem:$0xCFB0] =	vst v63  }
0xeb: {  	s20 =	sadd.s32 $0x1, s20;
	_ =	swait.ge [sflag:s6], $0x500  }
0xec: {  	p1 =	sne.s32 s20, $0x7D;
	[sflag:s6] =	ssyncset.done $0x0  }
.Ltmp2:
0xed: {  	[sflag:s6] =	ssyncadd.s32 $0xFFFFFB00;
	(pc) =	sbr.rel @p1 .LBB2_4-.Ltmp2, $4  }
0xee: {  	[spmem:s12] =	stream.indirect.scatter.add.f32 [tilespmem:s18], [sflag:$0x3], $0x10, s21, s7, $0xb8;
	[tilespmem:$0xCFB0] =	vst v63  }
0xef: {  	_ =	swait.ge [sflag:s6], $0x500  }
0xf0: {  	[sflag:s6] =	ssyncset.done $0x0  }
0xf1: {  	[sflag:s6] =	ssyncadd.s32 $0xFFFFFB00  }
0xf2: {  	s20 =	stileid.u32  }
0xf3: {  	[bflag:$0x0] =	sbarrier.arrive $0xFFFF;
	s20 =	sshll.u32 s20, $0x6  }
0xf4: {  	s21 =	rddreg [dreg:$0x4];
	s20 =	sor.u32 $0x1C03, s20  }
0xf5: {  	[hbm:s21], [sflag:s20] =	dma.local [spmem:s29], $0xA0  }
0xf6: {  	_ =	swait.ge [sflag:s6], $0xA0  }
0xf7: {  	[sflag:s6] =	ssyncset.done $0x0  }
0xf8: {  	s23 =	rddreg [dreg:$0x5];
	[sflag:s6] =	ssyncadd.s32 $0xFFFFFF60  }
0xf9: {  	[hbm:s23], [sflag:s20] =	dma.local [spmem:s30], $0xA0  }
0xfa: {  	_ =	swait.ge [sflag:s6], $0xA0  }
0xfb: {  	[sflag:s6] =	ssyncset.done $0x0  }
0xfc: {  	s24 =	rddreg [dreg:$0x6];
	[sflag:s6] =	ssyncadd.s32 $0xFFFFFF60  }
0xfd: {  	[hbm:s24], [sflag:s20] =	dma.local [spmem:s31], $0xA0  }
0xfe: {  	_ =	swait.ge [sflag:s6], $0xA0  }
0xff: {  	[sflag:s6] =	ssyncset.done $0x0  }
0x100: {  	s25 =	rddreg [dreg:$0x7];
	[sflag:s6] =	ssyncadd.s32 $0xFFFFFF60  }
0x101: {  	[hbm:s25], [sflag:s20] =	dma.local [spmem:s9], $0xA0  }
0x102: {  	_ =	swait.ge [sflag:s6], $0xA0  }
0x103: {  	[sflag:s6] =	ssyncset.done $0x0  }
0x104: {  	s22 =	rddreg [dreg:$0x8];
	[sflag:s6] =	ssyncadd.s32 $0xFFFFFF60  }
0x105: {  	[hbm:s22], [sflag:s20] =	dma.local [spmem:s10], $0xA0  }
0x106: {  	_ =	swait.ge [sflag:s6], $0xA0  }
0x107: {  	[sflag:s6] =	ssyncset.done $0x0  }
0x108: {  	s23 =	rddreg [dreg:$0x9];
	[sflag:s6] =	ssyncadd.s32 $0xFFFFFF60  }
0x109: {  	[hbm:s23], [sflag:s20] =	dma.local [spmem:s0], $0xA0  }
0x10a: {  	_ =	swait.ge [sflag:s6], $0xA0  }
0x10b: {  	[sflag:s6] =	ssyncset.done $0x0  }
0x10c: {  	s24 =	rddreg [dreg:$0xa];
	[sflag:s6] =	ssyncadd.s32 $0xFFFFFF60  }
0x10d: {  	[hbm:s24], [sflag:s20] =	dma.local [spmem:s3], $0xA0  }
0x10e: {  	_ =	swait.ge [sflag:s6], $0xA0  }
0x10f: {  	[sflag:s6] =	ssyncset.done $0x0  }
0x110: {  	s21 =	rddreg [dreg:$0xb];
	[sflag:s6] =	ssyncadd.s32 $0xFFFFFF60  }
0x111: {  	[hbm:s21], [sflag:s20] =	dma.local @!p0 [spmem:s4], $0xA0  }
0x112: {  	s20 =	simm.s32 @!p0 $0x3  }
0x113: {  	_ =	swait.ge @!p0 [sflag:s20], $0xA0  }
0x114: {  	s19 =	sadd.s32 $0x1, s19;
	s25 =	rddreg [dreg:$0xe]  }
0x115: {  	p1 =	sne.s32 s19, s25  }
.Ltmp3:
0x116: {  	_ = 	snop;
	(pc) =	sbr.rel @p1 .LBB2_1-.Ltmp3, $3  }
0x117: {  	_ =	sdelay $0x1  }
0x118: {  	[sflag:s20] =	ssyncset.done @!p0 $0x0  }
0x119: {  	[sflag:s20] =	ssyncadd.s32 @!p0 $0xFFFFFF60  }
0x11a: {  	_ =	sfence.sel $0x180000  }
0x11b: {  	[bflag:$0x0] =	sbarrier.arrive $0xFFFF  }
0x11c: {  	_ =	strace $0x90000047  }
0x11d: {  	s0 =	stileid.u32;
	[bflag:$0x2] =	sbarrier.arrive $0xFFFF  }
0x11e: {  	p0 =	sne.s32 s0, $0x0;
	s0 =	rddreg [dreg:$0x3]  }
0x11f: {  	s0 =	sadd.s32 @!p0 $0x100000, s0  }
0x120: {  	[sflag:s0] =	ssyncadd.tile.s32 @!p0 $0x1;
	_ =	shalt  }
.Lfunc_end2:
_tile_overlayer_lowered:
.L_overlay_start_2:
0x121: {  	(tag) =	ssettag $0x2  }
0x122: {  	s0 =	rddreg [dreg:$0x0];
	s2 =	stileid.u32  }
0x123: {  	s1 =	rddreg [dreg:$0x1];
	p0 =	sne.s32 s2, $0x0  }
0x124: {  	s3 =	rddreg [dreg:$0x2];
	[bflag:$0x3] =	sbarrier.arrive $0xFFFF;
	s2 =	simm.s32 @!p0 $0x1C03  }
0x125: {  	[timem:s3], [sflag:s2] =	dma.local @!p0 [hbm:s0], s1  }
0x126: {  	s0 =	simm.s32 @!p0 $0x3  }
0x127: {  	_ =	swait.ge @!p0 [sflag:s0], s1  }
0x128: {  	s1 =	ssub.s32 @!p0 $0x0, s1;
	[sflag:s0] =	ssyncset.done @!p0 $0x0  }
0x129: {  	[sflag:s0] =	ssyncadd.s32 @!p0 s1  }
0x12a: {  	[bflag:$0x3] =	sbarrier.arrive $0xFFFF  }
0x12b: {  	_ =	shalt  }

// kernel: kernel.14.cloned.1.call-start
scs
__scs_entry_jumppad:
0x0: {  	(pc) =	sbr.rel $0x88, $3  }
0x1: {  	(tag) =	ssettag $0x0;
	lr =	simm.s32 $0x1  }
0x2: {  	[smem:$0x3F84] =	sst lr;
	_ =	strace $0xD0000000  }
0x3: {  	_ = 	snop  }
0x4: {  	_ = 	snop  }
0x5: {  	_ = 	snop  }
0x6: {  	_ = 	snop  }
0x7: {  	_ = 	snop  }
__scs_overlays_trampoline_lowered:
0x8: {  	[smem:$0x3F93] =	sst s0  }
0x9: {  	[smem:$0x3F94] =	sst s1  }
0xa: {  	[smem:$0x3F95] =	sst s2  }
0xb: {  	[smem:$0x3F96] =	sst s3  }
0xc: {  	[smem:$0x3F97] =	sst s4  }
0xd: {  	[smem:$0x3F98] =	sst s5  }
0xe: {  	[smem:$0x3F99] =	sst s6  }
0xf: {  	[smem:$0x3F9A] =	sst s7  }
0x10: {  	[smem:$0x3F9B] =	sst s8  }
0x11: {  	[smem:$0x3F9C] =	sst s9;
	s0 =	simm.s32 @!p0 $0x0  }
0x12: {  	s1 =	sld [smem:$0x3F82];
	s0 =	simm.s32 @p0 $0x1  }
0x13: {  	[smem:$0x3F9D] =	sst s0;
	s0 =	simm.s32 @!p1 $0x0  }
0x14: {  	s2 =	sld [smem:$0x3F81];
	s0 =	simm.s32 @p1 $0x1  }
0x15: {  	[smem:$0x3F9E] =	sst s0;
	s0 =	simm.s32 @!p2 $0x0  }
0x16: {  	s3 =	sld [smem:$0x3FDB];
	s0 =	simm.s32 @p2 $0x1  }
0x17: {  	s4 =	simm.s32 $0x1BF5;
	[smem:$0x3FA0] =	sst s0  }
0x18: {  	s0 =	sld [smem:$0x3F83];
	_ =	swait.ge [sflag:s4], $0x0  }
0x19: {  	s7 =	sld [smem:$0x3F84]  }
0x1a: {  	s8 =	sadd.s32 $0xFFFFE003, lr  }
0x1b: {  	s9 =	sadd.s32 $0xFFFFFEF7, lr;
	s5 =	simm.s32 $0xFFFFFFFF;
	p2 =	slt.u32 s8, $0xFFFFF086  }
0x1c: {  	p1 =	slt.u32 s9, $0xF7A;
	s5 =	simm.s32 @!p2 $0x0  }
0x1d: {  	s5 =	simm.s32 @p1 $0x1;
	p0 =	seq.s32 s7, s2  }
0x1e: {  	s7 =	smul.u32 @!p0 $0xF7A, s2;
	p2 =	seq.s32 @!p0 s5, $0x0  }
0x1f: {  	s9 =	smul.u32 $0xF7A, s1;
	s8 =	simm.s32 @!p0 $0x1BF5;
	p2 =	por !p2, p0  }
0x20: {  	[sflag:s8] =	ssyncset.s32 @!p0 $0xFFFFF086;
	s6 =	sadd.s32 @!p0 s3, s7;
	s7 =	simm.s32 @!p0 $0x108  }
0x21: {  	s3 =	sadd.s32 s3, s9;
	s6 =	sadd.s32 @!p0 $0x88, s6;
	s7 =	simm.s32 @p2 $0x1082  }
0x22: {  	[simem:s7], [sflag:s8] =	dma.local @!p0 [hbm:s6], $0xF7A  }
0x23: {  	s9 =	sor.u32 $0xD0000000, s2;
	s6 =	simm.s32 $0x108;
	_ =	swait.ge @!p0 [sflag:s8], $0x0  }
0x24: {  	s3 =	sadd.s32 $0x88, s3;
	s6 =	simm.s32 @!p1 $0x1082;
	[sflag:s4] =	ssyncset.s32 $0xFFFFF086  }
0x25: {  	[simem:s6], [sflag:s4] =	dma.local [hbm:s3], $0xF7A  }
0x26: {  	[smem:$0x3F84] =	sst s1;
	(tag) =	ssettag s2;
	_ =	strace s9  }
0x27: {  	s1 =	sld [smem:$0x3F94]  }
0x28: {  	s2 =	sld [smem:$0x3F95]  }
0x29: {  	s4 =	sld [smem:$0x3F97]  }
0x2a: {  	p0 =	seq.s32 s5, $0x0;
	s5 =	sld [smem:$0x3F98]  }
0x2b: {  	s6 =	sld [smem:$0x3F99]  }
0x2c: {  	s7 =	sld [smem:$0x3F9A]  }
0x2d: {  	s3 =	simm.s32 $0x108;
	s8 =	sld [smem:$0x3F9B]  }
0x2e: {  	s3 =	simm.s32 @!p0 $0x1082;
	s9 =	sld [smem:$0x3F9C]  }
0x2f: {  	lr =	sadd.s32 s0, s3;
	s0 =	sld [smem:$0x3F93]  }
0x30: {  	s3 =	sld [smem:$0x3F96]  }
0x31: {  	[smem:$0x3F9F] =	sst s10  }
0x32: {  	s10 =	sld [smem:$0x3F9D];
	_ =	sdelay $0x3  }
0x33: {  	p0 =	seq.s32 s10, $0x1;
	s10 =	sld [smem:$0x3F9F];
	_ =	sdelay $0x3  }
0x34: {  	[smem:$0x3F9F] =	sst s10  }
0x35: {  	s10 =	sld [smem:$0x3F9E];
	_ =	sdelay $0x3  }
0x36: {  	p1 =	seq.s32 s10, $0x1;
	s10 =	sld [smem:$0x3F9F];
	_ =	sdelay $0x3  }
0x37: {  	[smem:$0x3F9F] =	sst s10  }
0x38: {  	s10 =	sld [smem:$0x3FA0]  }
0x39: {  	_ = 	snop;
	(pc) =	sbr.ind lr, $3  }
0x3a: {  	_ = 	snop  }
0x3b: {  	_ = 	snop  }
0x3c: {  	p2 =	seq.s32 s10, $0x1;
	s10 =	sld [smem:$0x3F9F]  }
0x3d: {  	_ =	shalt  }
0x3e: {  	_ =	shalt  }
0x3f: {  	_ =	shalt  }
0x40: {  	_ =	shalt  }
0x41: {  	_ =	shalt  }
0x42: {  	_ =	shalt  }
0x43: {  	_ =	shalt  }
0x44: {  	_ =	shalt  }
0x45: {  	_ =	shalt  }
0x46: {  	_ =	shalt  }
0x47: {  	_ =	shalt  }
0x48: {  	_ =	shalt  }
0x49: {  	_ =	shalt  }
0x4a: {  	_ =	shalt  }
0x4b: {  	_ =	shalt  }
0x4c: {  	_ =	shalt  }
0x4d: {  	_ =	shalt  }
0x4e: {  	_ =	shalt  }
0x4f: {  	_ =	shalt  }
0x50: {  	_ =	shalt  }
0x51: {  	_ =	shalt  }
0x52: {  	_ =	shalt  }
0x53: {  	_ =	shalt  }
0x54: {  	_ =	shalt  }
0x55: {  	_ =	shalt  }
0x56: {  	_ =	shalt  }
0x57: {  	_ =	shalt  }
0x58: {  	_ =	shalt  }
0x59: {  	_ =	shalt  }
0x5a: {  	_ =	shalt  }
0x5b: {  	_ =	shalt  }
0x5c: {  	_ =	shalt  }
0x5d: {  	_ =	shalt  }
0x5e: {  	_ =	shalt  }
0x5f: {  	_ =	shalt  }
0x60: {  	_ =	shalt  }
0x61: {  	_ =	shalt  }
0x62: {  	_ =	shalt  }
0x63: {  	_ =	shalt  }
0x64: {  	_ =	shalt  }
0x65: {  	_ =	shalt  }
0x66: {  	_ =	shalt  }
0x67: {  	_ =	shalt  }
0x68: {  	_ =	shalt  }
0x69: {  	_ =	shalt  }
0x6a: {  	_ =	shalt  }
0x6b: {  	_ =	shalt  }
0x6c: {  	_ =	shalt  }
0x6d: {  	_ =	shalt  }
0x6e: {  	_ =	shalt  }
0x6f: {  	_ =	shalt  }
0x70: {  	_ =	shalt  }
0x71: {  	_ =	shalt  }
0x72: {  	_ =	shalt  }
0x73: {  	_ =	shalt  }
0x74: {  	_ =	shalt  }
0x75: {  	_ =	shalt  }
0x76: {  	_ =	shalt  }
0x77: {  	_ =	shalt  }
0x78: {  	_ =	shalt  }
0x79: {  	_ =	shalt  }
0x7a: {  	_ =	shalt  }
0x7b: {  	_ =	shalt  }
0x7c: {  	_ =	shalt  }
0x7d: {  	_ =	shalt  }
0x7e: {  	_ =	shalt  }
0x7f: {  	_ =	shalt  }
0x80: {  	_ =	shalt  }
0x81: {  	_ =	shalt  }
0x82: {  	_ =	shalt  }
0x83: {  	_ =	shalt  }
0x84: {  	_ =	shalt  }
0x85: {  	_ =	shalt  }
0x86: {  	_ =	shalt  }
0x87: {  	_ =	shalt  }
.Lfunc_end0:
.L_simem_size_0:
called_computation.1_lowered:
.L_overlay_start_0:
0x88: {  	s2 =	sld [smem:$0x3FD9]  }
0x89: {  	s3 =	sld [smem:$0x3FFE];
	_ =	sdelay $0x1  }
0x8a: {  	s1 =	srdreg.scid  }
0x8b: {  	s0 =	sand.u32 $0x1, s1  }
0x8c: {  	s16 =	sshll.u32 s0, $0xA;
	s2 =	sadd.s32 s3, s2  }
0x8d: {  	s2 =	sadd.s32 s2, s16  }
0x8e: {  	[smem:$0x3FAB] =	sst s2  }
0x8f: {  	_ = 	snop  }
0x90: {  	(tm) =	ssettm $0x1  }
0x91: {  	s17 =	sld [smem:$0x3FFB];
	_ =	sdelay $0x3  }
0x92: {  	_ =	strace s17  }
0x93: {  	s2 =	sld [smem:$0x3FFC];
	_ =	sdelay $0x3  }
0x94: {  	_ =	strace s2  }
0x95: {  	s2 =	sld [smem:$0x3FFD];
	_ =	sdelay $0x3  }
0x96: {  	_ =	strace s2  }
0x97: {  	_ =	strace $0x8FFFFFFF  }
0x98: {  	s18 =	sld [smem:$0x3FDB];
	_ =	sdelay $0x1  }
0x99: {  	s19 =	simm.s32 $_scs_section_size  }
0x9a: {  	s4 =	simm.s32 $_size__tile_overlayer_lowered;
	s5 =	simm.s32 $_tile_overlayer_lowered  }
0x9b: {  	s22 =	simm.s32 $0x1BFF;
	s21 =	sshll.u32 s5, $0x1;
	s2 =	sadd.s32 s19, s18  }
0x9c: {  	s6 =	simm.s32 $0x0;
	s20 =	sshll.u32 s4, $0x1;
	s4 =	sadd.s32 s21, s2  }
0x9d: {  	[timem:s6], [sflag:s22] =	dma.local [hbm:s4], s20  }
0x9e: {  	_ =	swait.ge [sflag:s22], s20  }
0x9f: {  	s3 =	ssub.s32 $0x0, s20;
	[sflag:s22] =	ssyncset.done $0x0  }
0xa0: {  	[sflag:s22] =	ssyncadd.s32 s3;
	_ =	sdelay $0x1  }
0xa1: {  	s23 =	simm.s32 $0x1B8B  }
0xa2: {  	_ =	swait.ge [sflag:s23], $0x1  }
0xa3: {  	[sflag:s23] =	ssyncset.done $0x0  }
0xa4: {  	s25 =	simm.s32 $0x1B8E;
	s24 =	sld [smem:$0x3FFE];
	[sflag:s23] =	ssyncadd.s32 $0xFFFFFFFF  }
0xa5: {  	s26 =	simm.s32 $execute0_lowered;
	[smem:$0x3FD2] =	sst s25  }
0xa6: {  	s4 =	sshll.u32 s26, $0x1;
	_ =	strace $0x80000049;
	[dreg:$0x1] =	wrdreg $0xFFFFFFFF  }
0xa7: {  	s28 =	simm.s32 $_size_execute0_lowered;
	s2 =	sadd.s32 s2, s4;
	[dreg:$0x0] =	wrdreg $0x0  }
0xa8: {  	s4 =	sshll.u32 s28, $0x1;
	[dreg:$0x2] =	wrdreg s2  }
0xa9: {  	[dreg:$0x3] =	wrdreg s4  }
0xaa: {  	[dreg:$0x4] =	wrdreg $0xC0  }
0xab: {  	_ =	task [dreg:s6], $0x5FFFF  }
0xac: {  	[dreg:$0x1] =	wrdreg $0xFFFFFFFF  }
0xad: {  	[dreg:$0x0] =	wrdreg $0x60  }
0xae: {  	[dreg:$0x2] =	wrdreg s24  }
0xaf: {  	[dreg:$0x3] =	wrdreg $0xDD400  }
0xb0: {  	[dreg:$0x4] =	wrdreg $0x9  }
0xb1: {  	_ =	task.clear_ibuf [dreg:s6], $0x5FFFF;
	_ =	strace $0x90000049  }
0xb2: {  	s29 =	simm.s32 $0x9;
	_ =	strace $0x8000004B  }
0xb3: {  	_ =	swait.ge [sflag:s29], $0x1  }
0xb4: {  	[sflag:s29] =	ssyncadd.s32 $0xFFFFFFFF  }
0xb5: {  	_ =	strace $0x9000004B  }
0xb6: {  	_ =	sfence  }
0xb7: {  	s30 =	sld [smem:$0x0];
	_ =	sdelay $0x2  }
0xb8: {  	s31 =	sshll.u32 s1, $0xD;
	s1 =	sshrl.u32 s1, $0x2  }
0xb9: {  	s3 =	sand.u32 $0x4000, s31;
	s1 =	sadd.s32 s1, s30  }
0xba: {  	s0 =	sor.u32 s3, s0;
	s1 =	sshll.u32 s1, $0x11  }
0xbb: {  	s0 =	sor.u32 s1, s0  }
0xbc: {  	s0 =	sadd.s32 $0x8F2B, s0  }
0xbd: {  	[sflag:s0] =	ssyncadd.remote.s32 $0x1  }
0xbe: {  	_ =	sfence.sel $0xFFFF  }
0xbf: {  	[dreg:$0x0] =	wrdreg $0xFFFFFFFF;
	(pc) =	sbr.abs _section_cstart, $3  }
0xc0: {  	[dreg:$0x1] =	wrdreg $0xFFFFFFFF  }
0xc1: {  	_ =	task.clear_ibuf [dreg:s6], $0x2FFFF;
	_ =	strace $0x9FFFFFFF  }
0xc2: {  	(tm) =	ssettm $0x7FFFFFFF  }
0xc3: {  	_ =	shalt  }
tec
execute0_lowered:
.L_overlay_start_1:
0x0: {  	(tag) =	ssettag $0x1  }
0x1: {  	s1 =	srdreg.scid  }
0x2: {  	s5 =	rddreg [dreg:$0x0];
	s1 =	sand.u32 $0x1, s1  }
0x3: {  	s0 =	simm.s32 $0x0;
	s20 =	stileid.u32;
	s6 =	smul.u32 $0x13880, s1  }
0x4: {  	[smem:$0x7FF] =	sst s0;
	s7 =	sadd.s32 $0x42000, s5;
	s9 =	smul.u32 $0x9C400, s1  }
0x5: {  	s15 =	sor.u32 $0x40, s20;
	s2 =	ssub.s32 $0x2, s1;
	s1 =	smul.u32 $0x1400, s20  }
0x6: {  	s11 =	sor.u32 $0x10, s20;
	s17 =	sor.u32 $0x50, s20;
	s26 =	smul.u32 $0x1400, s15  }
0x7: {  	s12 =	sor.u32 $0x20, s20;
	s18 =	sor.u32 $0x60, s20;
	s28 =	smul.u32 $0x1400, s17  }
0x8: {  	s14 =	sor.u32 $0x30, s20;
	s19 =	sor.u32 $0x70, s20;
	s29 =	smul.u32 $0x1400, s18  }
0x9: {  	s30 =	smul.u32 $0x1400, s19;
	p0 =	sgt.u32 s19, $0x7C;
	s3 =	sshrl.u32 s2, $0x1  }
0xa: {  	s8 =	ssub.s32 s2, s3;
	s2 =	smul.u32 $0x1400, s11;
	s4 =	sadd.s32 s9, s1  }
0xb: {  	s3 =	smul.u32 $0x1400, s12;
	s16 =	sadd.s32 s9, s26;
	s21 =	sadd.s32 s9, s28  }
0xc: {  	s23 =	sadd.s32 s9, s29;
	s6 =	sadd.s32 s6, s5;
	s13 =	sshrl.u32 s4, $0x3  }
0xd: {  	s4 =	smul.u32 $0x1400, s14;
	s22 =	sshrl.u32 s21, $0x3;
	s10 =	sadd.s32 s9, s2  }
0xe: {  	s21 =	smul.u32 $0x5000, s20;
	s13 =	sadd.s32 s7, s13;
	s10 =	sshrl.u32 s10, $0x3  }
0xf: {  	s24 =	sadd.s32 s9, s3;
	[dreg:$0x3] =	wrdreg s13;
	s10 =	sadd.s32 s7, s10  }
0x10: {  	s25 =	sadd.s32 s9, s4;
	[dreg:$0x4] =	wrdreg s10;
	s10 =	sshrl.u32 s24, $0x3  }
0x11: {  	s13 =	sshrl.u32 s25, $0x3;
	s25 =	smul.u32 $0x5000, s11;
	s10 =	sadd.s32 s7, s10  }
0x12: {  	s9 =	sadd.s32 s9, s30;
	s11 =	smul.u32 $0x5000, s17;
	[dreg:$0x5] =	wrdreg s10  }
0x13: {  	s10 =	sadd.s32 s7, s13;
	s13 =	sshrl.u32 s23, $0x3;
	s23 =	smul.u32 $0x5000, s12  }
0x14: {  	s12 =	smul.u32 $0x5000, s18;
	[dreg:$0x6] =	wrdreg s10;
	s10 =	sshrl.u32 s16, $0x3  }
0x15: {  	s16 =	sshrl.u32 s9, $0x3;
	s9 =	rddreg [dreg:$0x1];
	s13 =	sadd.s32 s7, s13  }
0x16: {  	s10 =	sadd.s32 s7, s10;
	[dreg:$0x9] =	wrdreg s13;
	s13 =	sadd.s32 $0xC1200, s5  }
0x17: {  	s1 =	sadd.s32 s1, s9;
	s2 =	sadd.s32 s2, s9;
	s3 =	sadd.s32 s3, s9  }
0x18: {  	s4 =	sadd.s32 s4, s9;
	s18 =	sadd.s32 s26, s9;
	[dreg:$0x7] =	wrdreg s10  }
0x19: {  	s10 =	sadd.s32 s7, s22;
	s7 =	sadd.s32 s7, s16;
	s22 =	smax.u32 s8, $0x1  }
0x1a: {  	s26 =	sshrl.u32 s1, $0x3;
	[dreg:$0x8] =	wrdreg s10;
	s10 =	smul.u32 $0x4E20, s20  }
0x1b: {  	s31 =	sshrl.u32 s18, $0x3;
	[dreg:$0xa] =	wrdreg s7;
	s20 =	sadd.s32 s29, s9  }
0x1c: {  	s29 =	sshrl.u32 s3, $0x3;
	s3 =	simm.s32 $0xC940;
	s24 =	sshrl.u32 s10, $0x3  }
0x1d: {  	_ =	strace $0x8000004A;
	s7 =	sadd.s32 s24, s5;
	s24 =	smul.u32 $0x5000, s14  }
0x1e: {  	[dreg:$0xd] =	wrdreg s22;
	s5 =	sshrl.u32 s25, $0x2;
	s25 =	smul.u32 $0x5000, s15  }
0x1f: {  	s1 =	sshrl.u32 s20, $0x3;
	s14 =	smul.u32 $0x5000, s19;
	s15 =	sshrl.u32 s11, $0x2  }
0x20: {  	s19 =	sadd.s32 s28, s9;
	s11 =	sadd.s32 s30, s9;
	s28 =	sshrl.u32 s2, $0x3  }
0x21: {  	s30 =	sshrl.u32 s4, $0x3;
	s4 =	simm.s32 $0x2;
	s16 =	sadd.s32 $0x11000, s7  }
0x22: {  	s7 =	sadd.s32 $0x7200, s7;
	s5 =	sadd.s32 s5, s9;
	[dreg:$0xb] =	wrdreg s16  }
0x23: {  	s2 =	sshrl.u32 @!p0 s11, $0x3;
	s11 =	simm.s32 $0xB540;
	[dreg:$0xc] =	wrdreg s7  }
0x24: {  	s16 =	sadd.s32 $0x1AE00, s6;
	s7 =	sshrl.u32 s21, $0x2;
	[dreg:$0xf] =	wrdreg s5  }
0x25: {  	s6 =	sshrl.u32 s23, $0x2;
	s8 =	sshrl.u32 s24, $0x2;
	s5 =	sshrl.u32 s25, $0x2  }
0x26: {  	s23 =	sadd.s32 s15, s9;
	s17 =	sshrl.u32 s14, $0x2;
	s7 =	sadd.s32 s7, s9  }
0x27: {  	s6 =	sadd.s32 s6, s9;
	s21 =	sadd.s32 s8, s9;
	s22 =	sadd.s32 s5, s9  }
0x28: {  	s25 =	sadd.s32 s17, s9;
	s8 =	sshrl.u32 s19, $0x3;
	[dreg:$0xe] =	wrdreg s7  }
0x29: {  	s5 =	simm.s32 $0x50;
	[dreg:$0x10] =	wrdreg s6;
	s6 =	sshrl.u32 s12, $0x2  }
0x2a: {  	v0 =	vimm.f32 $0.0e+00;
	s7 =	simm.s32 $0x1;
	s24 =	sadd.s32 s6, s9;
	s6 =	simm.s32 $0x9C40  }
.LBB2_1:
0x2b: {  	s14 =	simm.s32 $0x100;
	s12 =	simm.s32 $0x0  }
.LBB2_2:
0x2c: {  	p1 =	sne.s32 s14, $0x4F00;
	[tilespmem:s12+$0xC970] =	vst v0;
	s15 =	smov.u32 s14;
	s14 =	sadd.s32 $0x100, s14  }
.Ltmp0:
0x2d: {  	[tilespmem:s12+$0xC960] =	vst v0;
	(pc) =	sbr.rel @p1 .LBB2_2-.Ltmp0, $3  }
0x2e: {  	[tilespmem:s12+$0xC940] =	vst v0  }
0x2f: {  	[tilespmem:s12+$0xC950] =	vst v0;
	_ =	sdelay $0x1  }
0x30: {  	s12 =	sshra.s32 s15, $0x2  }
0x31: {  	[tilespmem:s12+$0xC970] =	vst v0  }
0x32: {  	[tilespmem:s12+$0xC960] =	vst v0  }
0x33: {  	[tilespmem:s12+$0xC940] =	vst v0  }
0x34: {  	[tilespmem:s12+$0xC950] =	vst v0;
	s17 =	rddreg [dreg:$0xe]  }
0x35: {  	[spmem:s17] =	stream.linear.scatter [tilespmem:s3], [sflag:$0x2], $0x1400, $0x38;
	[tilespmem:$0x17980] =	vst v63  }
0x36: {  	_ =	swait.ge [sflag:s4], $0x1400  }
0x37: {  	[sflag:s4] =	ssyncset.done $0x0  }
0x38: {  	s18 =	rddreg [dreg:$0xf];
	[sflag:s4] =	ssyncadd.s32 $0xFFFFEC00  }
0x39: {  	[spmem:s18] =	stream.linear.scatter [tilespmem:s3], [sflag:$0x2], $0x1400, $0x38;
	[tilespmem:$0x17980] =	vst v63  }
0x3a: {  	_ =	swait.ge [sflag:s4], $0x1400  }
0x3b: {  	[sflag:s4] =	ssyncset.done $0x0  }
0x3c: {  	s19 =	rddreg [dreg:$0x10];
	[sflag:s4] =	ssyncadd.s32 $0xFFFFEC00  }
0x3d: {  	[spmem:s19] =	stream.linear.scatter [tilespmem:s3], [sflag:$0x2], $0x1400, $0x38;
	[tilespmem:$0x17980] =	vst v63  }
0x3e: {  	_ =	swait.ge [sflag:s4], $0x1400  }
0x3f: {  	[sflag:s4] =	ssyncset.done $0x0  }
0x40: {  	[sflag:s4] =	ssyncadd.s32 $0xFFFFEC00  }
0x41: {  	[spmem:s21] =	stream.linear.scatter [tilespmem:s3], [sflag:$0x2], $0x1400, $0x38;
	[tilespmem:$0x17980] =	vst v63  }
0x42: {  	_ =	swait.ge [sflag:s4], $0x1400  }
0x43: {  	[sflag:s4] =	ssyncset.done $0x0  }
0x44: {  	[sflag:s4] =	ssyncadd.s32 $0xFFFFEC00  }
0x45: {  	[spmem:s22] =	stream.linear.scatter [tilespmem:s3], [sflag:$0x2], $0x1400, $0x38;
	[tilespmem:$0x17980] =	vst v63  }
0x46: {  	_ =	swait.ge [sflag:s4], $0x1400  }
0x47: {  	[sflag:s4] =	ssyncset.done $0x0  }
0x48: {  	[sflag:s4] =	ssyncadd.s32 $0xFFFFEC00  }
0x49: {  	[spmem:s23] =	stream.linear.scatter [tilespmem:s3], [sflag:$0x2], $0x1400, $0x38;
	[tilespmem:$0x17980] =	vst v63  }
0x4a: {  	_ =	swait.ge [sflag:s4], $0x1400  }
0x4b: {  	[sflag:s4] =	ssyncset.done $0x0  }
0x4c: {  	[sflag:s4] =	ssyncadd.s32 $0xFFFFEC00  }
0x4d: {  	[spmem:s24] =	stream.linear.scatter [tilespmem:s3], [sflag:$0x2], $0x1400, $0x38;
	[tilespmem:$0x17980] =	vst v63  }
0x4e: {  	_ =	swait.ge [sflag:s4], $0x1400  }
0x4f: {  	[sflag:s4] =	ssyncset.done $0x0  }
0x50: {  	s12 =	simm.s32 @!p0 $0xC940;
	[sflag:s4] =	ssyncadd.s32 $0xFFFFEC00  }
0x51: {  	[spmem:s25] =	stream.linear.scatter @!p0 [tilespmem:s12], [sflag:$0x2], $0x1400, $0x38;
	[tilespmem:$0x17980] =	vst v63  }
0x52: {  	s12 =	simm.s32 @!p0 $0x2  }
0x53: {  	_ =	swait.ge @!p0 [sflag:s12], $0x1400  }
0x54: {  	[sflag:s12] =	ssyncset.done @!p0 $0x0  }
0x55: {  	s14 =	rddreg [dreg:$0xb];
	[sflag:s12] =	ssyncadd.s32 @!p0 $0xFFFFEC00;
	s12 =	simm.s32 $0x0  }
0x56: {  	[tilespmem:s12], [sflag:$0x2] =	stream.linear.gather [hbm4b:s14+s12], $0x4E20, $0x38;
	[tilespmem:$0x17980] =	vst v63  }
0x57: {  	_ =	swait.ge [sflag:s4], $0x4E20  }
0x58: {  	[sflag:s4] =	ssyncset.done $0x0  }
0x59: {  	s15 =	simm.s32 $0x4E20;
	s20 =	rddreg [dreg:$0xc];
	[sflag:s4] =	ssyncadd.s32 $0xFFFFB1E0  }
0x5a: {  	[tilespmem:s15], [sflag:$0x2] =	stream.linear.gather [hbm4b:s20+s12], $0x4E20, $0x38;
	[tilespmem:$0x17980] =	vst v63  }
0x5b: {  	_ =	swait.ge [sflag:s4], $0x4E20  }
0x5c: {  	[sflag:s4] =	ssyncset.done $0x0  }
0x5d: {  	[sflag:s4] =	ssyncadd.s32 $0xFFFFB1E0  }
0x5e: {  	s14 =	simm.s32 $0x0;
	[bflag:$0x0] =	sbarrier.arrive $0xFFFF  }
.LBB2_4:
0x5f: {  	s15 =	smul.u32 $0x50, s14;
	_ =	sdelay $0x1  }
0x60: {  	[tilespmem:s6], [sflag:$0x1] =	stream.indirect.gather [hbm4b:s16+s5], $0x40, s15, s5, $0xb8;
	[tilespmem:$0x17980] =	vst v63  }
0x61: {  	s17 =	sadd.s32 s10, s15  }
0x62: {  	s17 =	sshll.u32 s17, $0x1  }
0x63: {  	s18 =	sadd.s32 s13, s17;
	s17 =	simm.s32 $0xB040  }
0x64: {  	[tilespmem:s17], [sflag:$0x2] =	stream.linear.gather [hbm4b:s18+s12], $0x500, $0x38;
	[tilespmem:$0x17980] =	vst v63  }
0x65: {  	_ =	swait.ge [sflag:s4], $0x500  }
0x66: {  	[sflag:s4] =	ssyncset.done $0x0  }
0x67: {  	[sflag:s4] =	ssyncadd.s32 $0xFFFFFB00  }
0x68: {  	_ =	swait.ge [sflag:s7], $0x1400  }
0x69: {  	[sflag:s7] =	ssyncset.done $0x0  }
0x6a: {  	s18 =	simm.s32 $0x0;
	[sflag:s7] =	ssyncadd.s32 $0xFFFFEC00  }
0x6b: {  	v1 =	vld [tilespmem:s18+$0x9C40]  }
0x6c: {  	v2 =	vld [tilespmem:s18+$0x9C50]  }
0x6d: {  	s19 =	simm.s32 $0x100;
	v3 =	vld [tilespmem:s18+$0x9C60]  }
.LBB2_5:
0x6e: {  	p1 =	sne.s32 s19, $0x4F00;
	v4 =	vld [tilespmem:s17+$0x0]  }
0x6f: {  	v5 =	vld [tilespmem:s18+$0x9C70];
	_ =	sdelay $0x3  }
0x70: {  	v1 =	vmul.f32 v1, v4;
	v2 =	vmul.f32 v2, v4  }
.Ltmp1:
0x71: {  	v3 =	vmul.f32 v3, v4;
	v4 =	vmul.f32 v5, v4;
	(pc) =	sbr.rel @p1 .LBB2_5-.Ltmp1, $4  }
0x72: {  	s20 =	sshra.s32 s19, $0x2;
	[tilespmem:s18+$0xB540] =	vst v1  }
0x73: {  	v1 =	vld [tilespmem:s20+$0x9C40];
	[tilespmem:s18+$0xB550] =	vst v2  }
0x74: {  	v2 =	vld [tilespmem:s20+$0x9C50];
	[tilespmem:s18+$0xB560] =	vst v3  }
0x75: {  	s19 =	sadd.s32 $0x100, s19;
	s17 =	sadd.s32 $0x10, s17;
	v3 =	vld [tilespmem:s20+$0x9C60];
	[tilespmem:s18+$0xB570] =	vst v4;
	s18 =	smov.u32 s20  }
0x76: {  	v4 =	vld [tilespmem:s17+$0x0];
	_ =	sdelay $0x2  }
0x77: {  	v5 =	vld [tilespmem:s18+$0x9C70];
	_ =	sdelay $0x1  }
0x78: {  	v1 =	vmul.f32 v1, v4  }
0x79: {  	v2 =	vmul.f32 v2, v4  }
0x7a: {  	v3 =	vmul.f32 v3, v4;
	[tilespmem:s18+$0xB540] =	vst v1  }
0x7b: {  	s14 =	sadd.s32 $0x1, s14;
	v1 =	vmul.f32 v5, v4;
	[tilespmem:s18+$0xB550] =	vst v2  }
0x7c: {  	p1 =	sne.s32 s14, $0xFA;
	[tilespmem:s18+$0xB560] =	vst v3  }
.Ltmp2:
0x7d: {  	s15 =	sadd.s32 $0x4E20, s15;
	[tilespmem:s18+$0xB570] =	vst v1;
	(pc) =	sbr.rel @p1 .LBB2_4-.Ltmp2, $4  }
0x7e: {  	[spmem:s9] =	stream.indirect.scatter.add.f32 [tilespmem:s11], [sflag:$0x2], $0x40, s15, s5, $0xb8;
	[tilespmem:$0x17980] =	vst v63  }
0x7f: {  	_ =	swait.ge [sflag:s4], $0x1400  }
0x80: {  	[sflag:s4] =	ssyncset.done $0x0  }
0x81: {  	[sflag:s4] =	ssyncadd.s32 $0xFFFFEC00  }
0x82: {  	s12 =	stileid.u32  }
0x83: {  	[bflag:$0x0] =	sbarrier.arrive $0xFFFF;
	s12 =	sshll.u32 s12, $0x6  }
0x84: {  	s14 =	rddreg [dreg:$0x3];
	s12 =	sor.u32 $0x1C02, s12  }
0x85: {  	[hbm:s14], [sflag:s12] =	dma.local [spmem:s26], $0x280  }
0x86: {  	_ =	swait.ge [sflag:s4], $0x280  }
0x87: {  	[sflag:s4] =	ssyncset.done $0x0  }
0x88: {  	s19 =	rddreg [dreg:$0x4];
	[sflag:s4] =	ssyncadd.s32 $0xFFFFFD80  }
0x89: {  	[hbm:s19], [sflag:s12] =	dma.local [spmem:s28], $0x280  }
0x8a: {  	_ =	swait.ge [sflag:s4], $0x280  }
0x8b: {  	[sflag:s4] =	ssyncset.done $0x0  }
0x8c: {  	s20 =	rddreg [dreg:$0x5];
	[sflag:s4] =	ssyncadd.s32 $0xFFFFFD80  }
0x8d: {  	[hbm:s20], [sflag:s12] =	dma.local [spmem:s29], $0x280  }
0x8e: {  	_ =	swait.ge [sflag:s4], $0x280  }
0x8f: {  	[sflag:s4] =	ssyncset.done $0x0  }
0x90: {  	s15 =	rddreg [dreg:$0x6];
	[sflag:s4] =	ssyncadd.s32 $0xFFFFFD80  }
0x91: {  	[hbm:s15], [sflag:s12] =	dma.local [spmem:s30], $0x280  }
0x92: {  	_ =	swait.ge [sflag:s4], $0x280  }
0x93: {  	[sflag:s4] =	ssyncset.done $0x0  }
0x94: {  	s17 =	rddreg [dreg:$0x7];
	[sflag:s4] =	ssyncadd.s32 $0xFFFFFD80  }
0x95: {  	[hbm:s17], [sflag:s12] =	dma.local [spmem:s31], $0x280  }
0x96: {  	_ =	swait.ge [sflag:s4], $0x280  }
0x97: {  	[sflag:s4] =	ssyncset.done $0x0  }
0x98: {  	s18 =	rddreg [dreg:$0x8];
	[sflag:s4] =	ssyncadd.s32 $0xFFFFFD80  }
0x99: {  	[hbm:s18], [sflag:s12] =	dma.local [spmem:s8], $0x280  }
0x9a: {  	_ =	swait.ge [sflag:s4], $0x280  }
0x9b: {  	[sflag:s4] =	ssyncset.done $0x0  }
0x9c: {  	s19 =	rddreg [dreg:$0x9];
	[sflag:s4] =	ssyncadd.s32 $0xFFFFFD80  }
0x9d: {  	[hbm:s19], [sflag:s12] =	dma.local [spmem:s1], $0x280  }
0x9e: {  	_ =	swait.ge [sflag:s4], $0x280  }
0x9f: {  	[sflag:s4] =	ssyncset.done $0x0  }
0xa0: {  	s14 =	rddreg [dreg:$0xa];
	[sflag:s4] =	ssyncadd.s32 $0xFFFFFD80  }
0xa1: {  	[hbm:s14], [sflag:s12] =	dma.local @!p0 [spmem:s2], $0x280  }
0xa2: {  	s12 =	simm.s32 @!p0 $0x2  }
0xa3: {  	_ =	swait.ge @!p0 [sflag:s12], $0x280  }
0xa4: {  	s0 =	sadd.s32 $0x1, s0;
	s20 =	rddreg [dreg:$0xd]  }
0xa5: {  	p1 =	sne.s32 s0, s20  }
.Ltmp3:
0xa6: {  	_ = 	snop;
	(pc) =	sbr.rel @p1 .LBB2_1-.Ltmp3, $3  }
0xa7: {  	_ =	sdelay $0x1  }
0xa8: {  	[sflag:s12] =	ssyncset.done @!p0 $0x0  }
0xa9: {  	[sflag:s12] =	ssyncadd.s32 @!p0 $0xFFFFFD80  }
0xaa: {  	_ =	sfence.sel $0x180000  }
0xab: {  	[bflag:$0x0] =	sbarrier.arrive $0xFFFF  }
0xac: {  	_ =	strace $0x9000004A  }
0xad: {  	s0 =	stileid.u32;
	[bflag:$0x2] =	sbarrier.arrive $0xFFFF  }
0xae: {  	p0 =	sne.s32 s0, $0x0;
	s0 =	rddreg [dreg:$0x2]  }
0xaf: {  	s0 =	sadd.s32 @!p0 $0x100000, s0  }
0xb0: {  	[sflag:s0] =	ssyncadd.tile.s32 @!p0 $0x1;
	_ =	shalt  }
.Lfunc_end2:
_tile_overlayer_lowered:
.L_overlay_start_2:
0xb1: {  	(tag) =	ssettag $0x2  }
0xb2: {  	s0 =	rddreg [dreg:$0x0];
	s2 =	stileid.u32  }
0xb3: {  	s1 =	rddreg [dreg:$0x1];
	p0 =	sne.s32 s2, $0x0  }
0xb4: {  	s3 =	rddreg [dreg:$0x2];
	[bflag:$0x3] =	sbarrier.arrive $0xFFFF;
	s2 =	simm.s32 @!p0 $0x1C02  }
0xb5: {  	[timem:s3], [sflag:s2] =	dma.local @!p0 [hbm:s0], s1  }
0xb6: {  	s0 =	simm.s32 @!p0 $0x2  }
0xb7: {  	_ =	swait.ge @!p0 [sflag:s0], s1  }
0xb8: {  	s1 =	ssub.s32 @!p0 $0x0, s1;
	[sflag:s0] =	ssyncset.done @!p0 $0x0  }
0xb9: {  	[sflag:s0] =	ssyncadd.s32 @!p0 s1  }
0xba: {  	[bflag:$0x3] =	sbarrier.arrive $0xFFFF  }
0xbb: {  	_ =	shalt  }

// kernel: kernel.17.cloned.1.call-start
scs
__scs_entry_jumppad:
0x0: {  	(pc) =	sbr.rel $0x88, $3  }
0x1: {  	(tag) =	ssettag $0x0;
	lr =	simm.s32 $0x1  }
0x2: {  	[smem:$0x3F84] =	sst lr;
	_ =	strace $0xD0000000  }
0x3: {  	_ = 	snop  }
0x4: {  	_ = 	snop  }
0x5: {  	_ = 	snop  }
0x6: {  	_ = 	snop  }
0x7: {  	_ = 	snop  }
__scs_overlays_trampoline_lowered:
0x8: {  	[smem:$0x3F93] =	sst s0  }
0x9: {  	[smem:$0x3F94] =	sst s1  }
0xa: {  	[smem:$0x3F95] =	sst s2  }
0xb: {  	[smem:$0x3F96] =	sst s3  }
0xc: {  	[smem:$0x3F97] =	sst s4  }
0xd: {  	[smem:$0x3F98] =	sst s5  }
0xe: {  	[smem:$0x3F99] =	sst s6  }
0xf: {  	[smem:$0x3F9A] =	sst s7  }
0x10: {  	[smem:$0x3F9B] =	sst s8  }
0x11: {  	[smem:$0x3F9C] =	sst s9;
	s0 =	simm.s32 @!p0 $0x0  }
0x12: {  	s1 =	sld [smem:$0x3F82];
	s0 =	simm.s32 @p0 $0x1  }
0x13: {  	[smem:$0x3F9D] =	sst s0;
	s0 =	simm.s32 @!p1 $0x0  }
0x14: {  	s2 =	sld [smem:$0x3F81];
	s0 =	simm.s32 @p1 $0x1  }
0x15: {  	[smem:$0x3F9E] =	sst s0;
	s0 =	simm.s32 @!p2 $0x0  }
0x16: {  	s3 =	sld [smem:$0x3FDB];
	s0 =	simm.s32 @p2 $0x1  }
0x17: {  	s4 =	simm.s32 $0x1BF5;
	[smem:$0x3FA0] =	sst s0  }
0x18: {  	s0 =	sld [smem:$0x3F83];
	_ =	swait.ge [sflag:s4], $0x0  }
0x19: {  	s7 =	sld [smem:$0x3F84]  }
0x1a: {  	s8 =	sadd.s32 $0xFFFFE003, lr  }
0x1b: {  	s9 =	sadd.s32 $0xFFFFFEF7, lr;
	s5 =	simm.s32 $0xFFFFFFFF;
	p2 =	slt.u32 s8, $0xFFFFF086  }
0x1c: {  	p1 =	slt.u32 s9, $0xF7A;
	s5 =	simm.s32 @!p2 $0x0  }
0x1d: {  	s5 =	simm.s32 @p1 $0x1;
	p0 =	seq.s32 s7, s2  }
0x1e: {  	s7 =	smul.u32 @!p0 $0xF7A, s2;
	p2 =	seq.s32 @!p0 s5, $0x0  }
0x1f: {  	s9 =	smul.u32 $0xF7A, s1;
	s8 =	simm.s32 @!p0 $0x1BF5;
	p2 =	por !p2, p0  }
0x20: {  	[sflag:s8] =	ssyncset.s32 @!p0 $0xFFFFF086;
	s6 =	sadd.s32 @!p0 s3, s7;
	s7 =	simm.s32 @!p0 $0x108  }
0x21: {  	s3 =	sadd.s32 s3, s9;
	s6 =	sadd.s32 @!p0 $0x88, s6;
	s7 =	simm.s32 @p2 $0x1082  }
0x22: {  	[simem:s7], [sflag:s8] =	dma.local @!p0 [hbm:s6], $0xF7A  }
0x23: {  	s9 =	sor.u32 $0xD0000000, s2;
	s6 =	simm.s32 $0x108;
	_ =	swait.ge @!p0 [sflag:s8], $0x0  }
0x24: {  	s3 =	sadd.s32 $0x88, s3;
	s6 =	simm.s32 @!p1 $0x1082;
	[sflag:s4] =	ssyncset.s32 $0xFFFFF086  }
0x25: {  	[simem:s6], [sflag:s4] =	dma.local [hbm:s3], $0xF7A  }
0x26: {  	[smem:$0x3F84] =	sst s1;
	(tag) =	ssettag s2;
	_ =	strace s9  }
0x27: {  	s1 =	sld [smem:$0x3F94]  }
0x28: {  	s2 =	sld [smem:$0x3F95]  }
0x29: {  	s4 =	sld [smem:$0x3F97]  }
0x2a: {  	p0 =	seq.s32 s5, $0x0;
	s5 =	sld [smem:$0x3F98]  }
0x2b: {  	s6 =	sld [smem:$0x3F99]  }
0x2c: {  	s7 =	sld [smem:$0x3F9A]  }
0x2d: {  	s3 =	simm.s32 $0x108;
	s8 =	sld [smem:$0x3F9B]  }
0x2e: {  	s3 =	simm.s32 @!p0 $0x1082;
	s9 =	sld [smem:$0x3F9C]  }
0x2f: {  	lr =	sadd.s32 s0, s3;
	s0 =	sld [smem:$0x3F93]  }
0x30: {  	s3 =	sld [smem:$0x3F96]  }
0x31: {  	[smem:$0x3F9F] =	sst s10  }
0x32: {  	s10 =	sld [smem:$0x3F9D];
	_ =	sdelay $0x3  }
0x33: {  	p0 =	seq.s32 s10, $0x1;
	s10 =	sld [smem:$0x3F9F];
	_ =	sdelay $0x3  }
0x34: {  	[smem:$0x3F9F] =	sst s10  }
0x35: {  	s10 =	sld [smem:$0x3F9E];
	_ =	sdelay $0x3  }
0x36: {  	p1 =	seq.s32 s10, $0x1;
	s10 =	sld [smem:$0x3F9F];
	_ =	sdelay $0x3  }
0x37: {  	[smem:$0x3F9F] =	sst s10  }
0x38: {  	s10 =	sld [smem:$0x3FA0]  }
0x39: {  	_ = 	snop;
	(pc) =	sbr.ind lr, $3  }
0x3a: {  	_ = 	snop  }
0x3b: {  	_ = 	snop  }
0x3c: {  	p2 =	seq.s32 s10, $0x1;
	s10 =	sld [smem:$0x3F9F]  }
0x3d: {  	_ =	shalt  }
0x3e: {  	_ =	shalt  }
0x3f: {  	_ =	shalt  }
0x40: {  	_ =	shalt  }
0x41: {  	_ =	shalt  }
0x42: {  	_ =	shalt  }
0x43: {  	_ =	shalt  }
0x44: {  	_ =	shalt  }
0x45: {  	_ =	shalt  }
0x46: {  	_ =	shalt  }
0x47: {  	_ =	shalt  }
0x48: {  	_ =	shalt  }
0x49: {  	_ =	shalt  }
0x4a: {  	_ =	shalt  }
0x4b: {  	_ =	shalt  }
0x4c: {  	_ =	shalt  }
0x4d: {  	_ =	shalt  }
0x4e: {  	_ =	shalt  }
0x4f: {  	_ =	shalt  }
0x50: {  	_ =	shalt  }
0x51: {  	_ =	shalt  }
0x52: {  	_ =	shalt  }
0x53: {  	_ =	shalt  }
0x54: {  	_ =	shalt  }
0x55: {  	_ =	shalt  }
0x56: {  	_ =	shalt  }
0x57: {  	_ =	shalt  }
0x58: {  	_ =	shalt  }
0x59: {  	_ =	shalt  }
0x5a: {  	_ =	shalt  }
0x5b: {  	_ =	shalt  }
0x5c: {  	_ =	shalt  }
0x5d: {  	_ =	shalt  }
0x5e: {  	_ =	shalt  }
0x5f: {  	_ =	shalt  }
0x60: {  	_ =	shalt  }
0x61: {  	_ =	shalt  }
0x62: {  	_ =	shalt  }
0x63: {  	_ =	shalt  }
0x64: {  	_ =	shalt  }
0x65: {  	_ =	shalt  }
0x66: {  	_ =	shalt  }
0x67: {  	_ =	shalt  }
0x68: {  	_ =	shalt  }
0x69: {  	_ =	shalt  }
0x6a: {  	_ =	shalt  }
0x6b: {  	_ =	shalt  }
0x6c: {  	_ =	shalt  }
0x6d: {  	_ =	shalt  }
0x6e: {  	_ =	shalt  }
0x6f: {  	_ =	shalt  }
0x70: {  	_ =	shalt  }
0x71: {  	_ =	shalt  }
0x72: {  	_ =	shalt  }
0x73: {  	_ =	shalt  }
0x74: {  	_ =	shalt  }
0x75: {  	_ =	shalt  }
0x76: {  	_ =	shalt  }
0x77: {  	_ =	shalt  }
0x78: {  	_ =	shalt  }
0x79: {  	_ =	shalt  }
0x7a: {  	_ =	shalt  }
0x7b: {  	_ =	shalt  }
0x7c: {  	_ =	shalt  }
0x7d: {  	_ =	shalt  }
0x7e: {  	_ =	shalt  }
0x7f: {  	_ =	shalt  }
0x80: {  	_ =	shalt  }
0x81: {  	_ =	shalt  }
0x82: {  	_ =	shalt  }
0x83: {  	_ =	shalt  }
0x84: {  	_ =	shalt  }
0x85: {  	_ =	shalt  }
0x86: {  	_ =	shalt  }
0x87: {  	_ =	shalt  }
.Lfunc_end0:
.L_simem_size_0:
called_computation.2_lowered:
.L_overlay_start_0:
0x88: {  	s2 =	sld [smem:$0x3FD9]  }
0x89: {  	s3 =	sld [smem:$0x3FFE];
	_ =	sdelay $0x1  }
0x8a: {  	s1 =	srdreg.scid  }
0x8b: {  	s0 =	sand.u32 $0x1, s1  }
0x8c: {  	s17 =	sshll.u32 s0, $0xA;
	s2 =	sadd.s32 s3, s2  }
0x8d: {  	s2 =	sadd.s32 s2, s17  }
0x8e: {  	[smem:$0x3FAB] =	sst s2  }
0x8f: {  	_ = 	snop  }
0x90: {  	s2 =	sld [smem:$0x3FB7];
	(tm) =	ssettm $0x1  }
0x91: {  	s18 =	sld [smem:$0x3FFB];
	_ =	sdelay $0x3  }
0x92: {  	_ =	strace s18  }
0x93: {  	s3 =	sld [smem:$0x3FFC];
	_ =	sdelay $0x3  }
0x94: {  	_ =	strace s3  }
0x95: {  	s3 =	sld [smem:$0x3FFD];
	_ =	sdelay $0x3  }
0x96: {  	_ =	strace s3  }
0x97: {  	_ =	strace $0x8FFFFFFF  }
0x98: {  	s19 =	sld [smem:$0x3FDB];
	_ =	sdelay $0x1  }
0x99: {  	s4 =	simm.s32 $_scs_section_size  }
0x9a: {  	s5 =	simm.s32 $_size__tile_overlayer_lowered;
	s6 =	simm.s32 $_tile_overlayer_lowered  }
0x9b: {  	s22 =	simm.s32 $0x1BFF;
	s21 =	sshll.u32 s6, $0x1;
	s3 =	sadd.s32 s4, s19  }
0x9c: {  	s7 =	simm.s32 $0x0;
	s20 =	sshll.u32 s5, $0x1;
	s5 =	sadd.s32 s21, s3  }
0x9d: {  	[timem:s7], [sflag:s22] =	dma.local [hbm:s5], s20  }
0x9e: {  	_ =	swait.ge [sflag:s22], s20  }
0x9f: {  	s4 =	ssub.s32 $0x0, s20;
	[sflag:s22] =	ssyncset.done $0x0  }
0xa0: {  	[sflag:s22] =	ssyncadd.s32 s4;
	_ =	sdelay $0x1  }
0xa1: {  	s23 =	simm.s32 $0x1B8B  }
0xa2: {  	_ =	swait.ge [sflag:s23], $0x1  }
0xa3: {  	[sflag:s23] =	ssyncset.done $0x0  }
0xa4: {  	s25 =	simm.s32 $0x1B8E;
	s24 =	sld [smem:$0x3FFE];
	[sflag:s23] =	ssyncadd.s32 $0xFFFFFFFF  }
0xa5: {  	s26 =	simm.s32 $execute0_lowered;
	[smem:$0x3FD2] =	sst s25  }
0xa6: {  	s5 =	sshll.u32 s26, $0x1;
	_ =	strace $0x8000004C;
	[dreg:$0x1] =	wrdreg $0xFFFFFFFF  }
0xa7: {  	s28 =	simm.s32 $_size_execute0_lowered;
	s3 =	sadd.s32 s3, s5;
	[dreg:$0x0] =	wrdreg $0x0  }
0xa8: {  	s5 =	sshll.u32 s28, $0x1;
	[dreg:$0x2] =	wrdreg s3  }
0xa9: {  	[dreg:$0x3] =	wrdreg s5  }
0xaa: {  	[dreg:$0x4] =	wrdreg $0xC0  }
0xab: {  	_ =	task [dreg:s7], $0x5FFFF  }
0xac: {  	[dreg:$0x1] =	wrdreg $0xFFFFFFFF  }
0xad: {  	[dreg:$0x0] =	wrdreg $0x60  }
0xae: {  	[dreg:$0x2] =	wrdreg s24  }
0xaf: {  	[dreg:$0x3] =	wrdreg s2  }
0xb0: {  	[dreg:$0x4] =	wrdreg $0xA8A00  }
0xb1: {  	[dreg:$0x5] =	wrdreg $0x9  }
0xb2: {  	_ =	task.clear_ibuf [dreg:s7], $0x6FFFF;
	_ =	strace $0x9000004C  }
0xb3: {  	s29 =	simm.s32 $0x9;
	_ =	strace $0x8000004E  }
0xb4: {  	_ =	swait.ge [sflag:s29], $0x1  }
0xb5: {  	[sflag:s29] =	ssyncadd.s32 $0xFFFFFFFF  }
0xb6: {  	_ =	strace $0x9000004E  }
0xb7: {  	_ =	sfence  }
0xb8: {  	s30 =	sld [smem:$0x0];
	_ =	sdelay $0x2  }
0xb9: {  	s31 =	sshll.u32 s1, $0xD;
	s1 =	sshrl.u32 s1, $0x2  }
0xba: {  	s3 =	sand.u32 $0x4000, s31;
	s1 =	sadd.s32 s1, s30  }
0xbb: {  	s0 =	sor.u32 s3, s0;
	s1 =	sshll.u32 s1, $0x11  }
0xbc: {  	s0 =	sor.u32 s1, s0  }
0xbd: {  	s0 =	sadd.s32 $0x8F2B, s0  }
0xbe: {  	[sflag:s0] =	ssyncadd.remote.s32 $0x1  }
0xbf: {  	_ =	sfence.sel $0xFFFF  }
0xc0: {  	[dreg:$0x0] =	wrdreg $0xFFFFFFFF;
	(pc) =	sbr.abs _section_cstart, $3  }
0xc1: {  	[dreg:$0x1] =	wrdreg $0xFFFFFFFF  }
0xc2: {  	_ =	task.clear_ibuf [dreg:s7], $0x2FFFF;
	_ =	strace $0x9FFFFFFF  }
0xc3: {  	(tm) =	ssettm $0x7FFFFFFF  }
tec
execute0_lowered:
.L_overlay_start_1:
0x0: {  	(tag) =	ssettag $0x1  }
0x1: {  	s9 =	rddreg [dreg:$0x0]  }
0x2: {  	s0 =	srdreg.scid;
	s24 =	stileid.u32;
	s1 =	simm.s32 $0x0  }
0x3: {  	s0 =	sand.u32 $0x1, s0;
	s2 =	sshll.u32 s24, $0x1;
	[smem:$0x7FF] =	sst s1  }
0x4: {  	s11 =	sadd.s32 $0xB7400, s9;
	s14 =	sor.u32 $0x10, s24;
	s15 =	sor.u32 $0x20, s24  }
0x5: {  	s17 =	sor.u32 $0x30, s24;
	s18 =	sor.u32 $0x40, s24;
	s12 =	smul.u32 $0x27100, s0  }
0x6: {  	s2 =	sor.u32 s0, s2;
	s3 =	ssub.s32 $0x2, s0;
	s0 =	smul.u32 $0x500, s24  }
0x7: {  	s19 =	sor.u32 $0x50, s24;
	s2 =	smul.u32 $0x2710, s2;
	s4 =	sshrl.u32 s3, $0x1  }
0x8: {  	s20 =	sor.u32 $0x60, s24;
	s13 =	ssub.s32 s3, s4;
	s3 =	smul.u32 $0x500, s14  }
0x9: {  	s21 =	sor.u32 $0x70, s24;
	s5 =	sadd.s32 s12, s0;
	s4 =	smul.u32 $0x500, s15  }
0xa: {  	p0 =	sgt.u32 s21, $0x7C;
	s6 =	sshrl.u32 s5, $0x3;
	s5 =	smul.u32 $0x500, s17  }
0xb: {  	s13 =	smax.u32 s13, $0x1;
	s7 =	sadd.s32 s12, s3;
	s6 =	sadd.s32 s11, s6  }
0xc: {  	s26 =	sadd.s32 s12, s4;
	[dreg:$0x4] =	wrdreg s6;
	s8 =	sshrl.u32 s7, $0x3  }
0xd: {  	s10 =	sadd.s32 s12, s5;
	s6 =	smul.u32 $0x500, s18;
	s16 =	sshrl.u32 s26, $0x3  }
0xe: {  	s7 =	smul.u32 $0x500, s19;
	s10 =	sshrl.u32 s10, $0x3;
	s8 =	sadd.s32 s11, s8  }
0xf: {  	s16 =	sadd.s32 s11, s16;
	[dreg:$0x5] =	wrdreg s8;
	s8 =	smul.u32 $0x500, s20  }
0x10: {  	[dreg:$0x6] =	wrdreg s16;
	s22 =	sadd.s32 s11, s10;
	s10 =	smul.u32 $0x500, s21  }
0x11: {  	s23 =	sadd.s32 s12, s6;
	s25 =	sadd.s32 s12, s7;
	s20 =	smul.u32 $0x1400, s20  }
0x12: {  	[dreg:$0x7] =	wrdreg s22;
	s22 =	sshrl.u32 s23, $0x3;
	s16 =	sshrl.u32 s25, $0x3  }
0x13: {  	s23 =	sshrl.u32 s2, $0x3;
	s22 =	sadd.s32 s11, s22;
	s16 =	sadd.s32 s11, s16  }
0x14: {  	s26 =	sadd.s32 s12, s8;
	s12 =	sadd.s32 s12, s10;
	[dreg:$0x8] =	wrdreg s22  }
0x15: {  	[dreg:$0x9] =	wrdreg s16;
	s16 =	sshrl.u32 s26, $0x3;
	s26 =	smul.u32 $0x1400, s24  }
0x16: {  	s22 =	sshrl.u32 s12, $0x3;
	s12 =	rddreg [dreg:$0x2];
	s24 =	smul.u32 $0x1400, s17  }
0x17: {  	s16 =	sadd.s32 s11, s16;
	s11 =	sadd.s32 s11, s22;
	s22 =	smul.u32 $0x1400, s14  }
0x18: {  	s14 =	sadd.s32 $0x69000, s9;
	s0 =	sadd.s32 s0, s12;
	s3 =	sadd.s32 s3, s12  }
0x19: {  	s4 =	sadd.s32 s4, s12;
	s5 =	sadd.s32 s5, s12;
	[dreg:$0xa] =	wrdreg s16  }
0x1a: {  	s6 =	sadd.s32 s6, s12;
	s7 =	sadd.s32 s7, s12;
	[dreg:$0xb] =	wrdreg s11  }
0x1b: {  	s11 =	sadd.s32 s23, s9;
	s23 =	smul.u32 $0x1400, s15;
	s15 =	sadd.s32 $0x90200, s9  }
0x1c: {  	s16 =	sadd.s32 $0xC1200, s9;
	s9 =	sshrl.u32 s26, $0x2;
	s26 =	smul.u32 $0x1400, s18  }
0x1d: {  	s8 =	sadd.s32 s8, s12;
	s18 =	smul.u32 $0x1400, s19;
	s29 =	sshrl.u32 s0, $0x3  }
0x1e: {  	s30 =	sshrl.u32 s3, $0x3;
	s31 =	sshrl.u32 s4, $0x3;
	s0 =	sshrl.u32 s7, $0x3  }
0x1f: {  	_ =	strace $0x8000004D;
	s25 =	sadd.s32 $0x7200, s11;
	[dreg:$0xe] =	wrdreg s13  }
0x20: {  	s3 =	sshrl.u32 s8, $0x3;
	s11 =	sadd.s32 $0x11000, s11;
	[dreg:$0xc] =	wrdreg s25  }
0x21: {  	s7 =	simm.s32 $0x50;
	s9 =	sadd.s32 s9, s12;
	[dreg:$0xd] =	wrdreg s11  }
0x22: {  	v0 =	vimm.s32 $0xFEDCBA98;
	v1 =	vimm.s32 $0x76543210;
	s8 =	simm.s32 $0x4E20;
	s25 =	sshrl.u32 s22, $0x2;
	[dreg:$0xf] =	wrdreg s9  }
0x23: {  	v2 =	vimm.s32 $0xBA98FEDC;
	v3 =	vimm.s32 $0x32107654;
	v4 =	vimm.s32 $0xDCFE98BA;
	s19 =	sshrl.u32 s23, $0x2;
	s11 =	sshrl.u32 s24, $0x2;
	s17 =	sshrl.u32 s26, $0x2  }
0x24: {  	v5 =	vimm.s32 $0x54761032;
	v6 =	vimm.s32 $0xEFCDAB89;
	s22 =	smul.u32 $0x1400, s21;
	s9 =	sshrl.u32 s18, $0x2;
	s24 =	sshrl.u32 s20, $0x2  }
0x25: {  	v7 =	vimm.s32 $0x67452301;
	v0 =	vunpack.c.l.s4.s8 v0;
	v1 =	vunpack.c.l.s4.s8 v1;
	s18 =	simm.s32 $0x9E20;
	s13 =	sadd.s32 s25, s12;
	s11 =	sadd.s32 s11, s12  }
0x26: {  	v2 =	vunpack.c.l.s4.s8 v2;
	v3 =	vunpack.c.l.s4.s8 v3;
	v4 =	vunpack.c.l.s4.s8 v4;
	s23 =	sadd.s32 s17, s12;
	s9 =	sadd.s32 s9, s12;
	[dreg:$0x10] =	wrdreg s13  }
0x27: {  	v5 =	vunpack.c.l.s4.s8 v5;
	v6 =	vunpack.c.l.s4.s8 v6;
	v7 =	vunpack.c.l.s4.s8 v7;
	s26 =	sadd.s32 s24, s12;
	s17 =	simm.s32 $0x2;
	[dreg:$0x12] =	wrdreg s11  }
0x28: {  	v0 =	vunpack.c.0.s8.s32 v0;
	v1 =	vunpack.c.0.s8.s32 v1;
	v2 =	vunpack.c.0.s8.s32 v2;
	s13 =	sadd.s32 s19, s12;
	[dreg:$0x13] =	wrdreg s23;
	s25 =	sshrl.u32 s22, $0x2  }
0x29: {  	v3 =	vunpack.c.0.s8.s32 v3;
	v4 =	vunpack.c.0.s8.s32 v4;
	v5 =	vunpack.c.0.s8.s32 v5;
	[dreg:$0x14] =	wrdreg s9;
	s11 =	sadd.s32 s10, s12;
	s9 =	sshrl.u32 s5, $0x3  }
0x2a: {  	v6 =	vunpack.c.0.s8.s32 v6;
	v7 =	vunpack.c.0.s8.s32 v7;
	v0 =	vand.u32 $0xF, v0;
	s10 =	sshrl.u32 s6, $0x3;
	s5 =	simm.s32 $0xA3A0;
	s6 =	simm.s32 $0x3  }
0x2b: {  	v0 =	vcombine.low v0, v1;
	v1 =	vcombine.low v3, v2;
	s19 =	simm.s32 $0x0;
	[dreg:$0x11] =	wrdreg s13;
	s28 =	sadd.s32 s25, s12  }
0x2c: {  	v2 =	vcombine.low v5, v4;
	v3 =	vimm.f32 $0.0e+00;
	v4 =	vcombine.low v7, v6;
	s4 =	sshrl.u32 @!p0 s11, $0x3;
	s11 =	simm.s32 $0x7620;
	s13 =	simm.s32 $0x1  }
.LBB2_1:
0x2d: {  	s20 =	simm.s32 $0x40;
	s21 =	simm.s32 $0x0  }
.LBB2_2:
0x2e: {  	p1 =	sne.s32 s20, $0x13C0;
	[tilespmem:s21+$0xA3A0] =	vst v3;
	s21 =	smov.u32 s20;
	s20 =	sadd.s32 $0x40, s20  }
.Ltmp0:
0x2f: {  	(pc) =	sbr.rel @p1 .LBB2_2-.Ltmp0, $2  }
0x30: {  	_ =	sdelay $0x2  }
0x31: {  	s21 =	sshra.s32 s21, $0x2  }
0x32: {  	[tilespmem:s21+$0xA3A0] =	vst v3;
	s20 =	rddreg [dreg:$0xf]  }
0x33: {  	[spmem:s20] =	stream.linear.scatter [tilespmem:s5], [sflag:$0x3], $0x500, $0x38;
	[tilespmem:$0xCFB0] =	vst v63  }
0x34: {  	_ =	swait.ge [sflag:s6], $0x500  }
0x35: {  	[sflag:s6] =	ssyncset.done $0x0  }
0x36: {  	s25 =	rddreg [dreg:$0x10];
	[sflag:s6] =	ssyncadd.s32 $0xFFFFFB00  }
0x37: {  	[spmem:s25] =	stream.linear.scatter [tilespmem:s5], [sflag:$0x3], $0x500, $0x38;
	[tilespmem:$0xCFB0] =	vst v63  }
0x38: {  	_ =	swait.ge [sflag:s6], $0x500  }
0x39: {  	[sflag:s6] =	ssyncset.done $0x0  }
0x3a: {  	s21 =	rddreg [dreg:$0x11];
	[sflag:s6] =	ssyncadd.s32 $0xFFFFFB00  }
0x3b: {  	[spmem:s21] =	stream.linear.scatter [tilespmem:s5], [sflag:$0x3], $0x500, $0x38;
	[tilespmem:$0xCFB0] =	vst v63  }
0x3c: {  	_ =	swait.ge [sflag:s6], $0x500  }
0x3d: {  	[sflag:s6] =	ssyncset.done $0x0  }
0x3e: {  	s22 =	rddreg [dreg:$0x12];
	[sflag:s6] =	ssyncadd.s32 $0xFFFFFB00  }
0x3f: {  	[spmem:s22] =	stream.linear.scatter [tilespmem:s5], [sflag:$0x3], $0x500, $0x38;
	[tilespmem:$0xCFB0] =	vst v63  }
0x40: {  	_ =	swait.ge [sflag:s6], $0x500  }
0x41: {  	[sflag:s6] =	ssyncset.done $0x0  }
0x42: {  	s23 =	rddreg [dreg:$0x13];
	[sflag:s6] =	ssyncadd.s32 $0xFFFFFB00  }
0x43: {  	[spmem:s23] =	stream.linear.scatter [tilespmem:s5], [sflag:$0x3], $0x500, $0x38;
	[tilespmem:$0xCFB0] =	vst v63  }
0x44: {  	_ =	swait.ge [sflag:s6], $0x500  }
0x45: {  	[sflag:s6] =	ssyncset.done $0x0  }
0x46: {  	s24 =	rddreg [dreg:$0x14];
	[sflag:s6] =	ssyncadd.s32 $0xFFFFFB00  }
0x47: {  	[spmem:s24] =	stream.linear.scatter [tilespmem:s5], [sflag:$0x3], $0x500, $0x38;
	[tilespmem:$0xCFB0] =	vst v63  }
0x48: {  	_ =	swait.ge [sflag:s6], $0x500  }
0x49: {  	[sflag:s6] =	ssyncset.done $0x0  }
0x4a: {  	[sflag:s6] =	ssyncadd.s32 $0xFFFFFB00  }
0x4b: {  	[spmem:s26] =	stream.linear.scatter [tilespmem:s5], [sflag:$0x3], $0x500, $0x38;
	[tilespmem:$0xCFB0] =	vst v63  }
0x4c: {  	_ =	swait.ge [sflag:s6], $0x500  }
0x4d: {  	[sflag:s6] =	ssyncset.done $0x0  }
0x4e: {  	s20 =	simm.s32 @!p0 $0xA3A0;
	[sflag:s6] =	ssyncadd.s32 $0xFFFFFB00  }
0x4f: {  	[spmem:s28] =	stream.linear.scatter @!p0 [tilespmem:s20], [sflag:$0x3], $0x500, $0x38;
	[tilespmem:$0xCFB0] =	vst v63  }
0x50: {  	s20 =	simm.s32 @!p0 $0x3  }
0x51: {  	_ =	swait.ge @!p0 [sflag:s20], $0x500  }
0x52: {  	[sflag:s20] =	ssyncset.done @!p0 $0x0  }
0x53: {  	[sflag:s20] =	ssyncadd.s32 @!p0 $0xFFFFFB00  }
0x54: {  	s22 =	simm.s32 $0xA320;
	s20 =	simm.s32 $0x0;
	s25 =	rddreg [dreg:$0x1]  }
0x55: {  	[tilespmem:s22], [sflag:$0x3] =	stream.linear.gather [hbm4b:s25+s20], $0x80, $0x38;
	[tilespmem:$0xCFB0] =	vst v63  }
0x56: {  	_ =	swait.ge [sflag:s6], $0x80  }
0x57: {  	[sflag:s6] =	ssyncset.done $0x0  }
0x58: {  	s23 =	rddreg [dreg:$0xc];
	[sflag:s6] =	ssyncadd.s32 $0xFFFFFF80  }
0x59: {  	[tilespmem:s20], [sflag:$0x3] =	stream.linear.gather [hbm4b:s23+s20], $0x2710, $0x38;
	[tilespmem:$0xCFB0] =	vst v63  }
0x5a: {  	_ =	swait.ge [sflag:s6], $0x2710  }
0x5b: {  	[sflag:s6] =	ssyncset.done $0x0  }
0x5c: {  	s25 =	simm.s32 $0x2710;
	s24 =	rddreg [dreg:$0xd];
	[sflag:s6] =	ssyncadd.s32 $0xFFFFD8F0  }
0x5d: {  	[tilespmem:s25], [sflag:$0x3] =	stream.linear.gather [hbm4b:s24+s20], $0x2710, $0x38;
	[tilespmem:$0xCFB0] =	vst v63  }
0x5e: {  	_ =	swait.ge [sflag:s6], $0x2710  }
0x5f: {  	[sflag:s6] =	ssyncset.done $0x0  }
0x60: {  	[sflag:s6] =	ssyncadd.s32 $0xFFFFD8F0  }
0x61: {  	[bflag:$0x0] =	sbarrier.arrive $0xFFFF  }
0x62: {  	v5 =	vld [tilespmem:$0xA320]  }
0x63: {  	v6 =	vld [tilespmem:$0xA330]  }
0x64: {  	v7 =	vld [tilespmem:$0xA340]  }
0x65: {  	v8 =	vld [tilespmem:$0xA350]  }
0x66: {  	v9 =	vld [tilespmem:$0xA360]  }
0x67: {  	v10 =	vld [tilespmem:$0xA370]  }
0x68: {  	v11 =	vld [tilespmem:$0xA380]  }
0x69: {  	v12 =	vld [tilespmem:$0xA390]  }
.LBB2_4:
0x6a: {  	s22 =	smul.u32 $0x50, s20;
	_ =	sdelay $0x1  }
0x6b: {  	[tilespmem:s8], [sflag:$0x1] =	stream.indirect.gather [hbm4b:s14+s7], $0x80, s22, s7, $0xb8;
	[tilespmem:$0xCFB0] =	vst v63  }
0x6c: {  	s21 =	sadd.s32 $0x2710, s22  }
0x6d: {  	[tilespmem:s11], [sflag:$0x2] =	stream.indirect.gather [hbm4b:s15+s7], $0x80, s21, s7, $0xb8;
	[tilespmem:$0xCFB0] =	vst v63  }
0x6e: {  	_ =	swait.ge [sflag:s13], $0x2800  }
0x6f: {  	[sflag:s13] =	ssyncset.done $0x0  }
0x70: {  	[sflag:s13] =	ssyncadd.s32 $0xFFFFD800  }
0x71: {  	_ =	swait.ge [sflag:s17], $0x2800  }
0x72: {  	[sflag:s17] =	ssyncset.done $0x0  }
0x73: {  	s23 =	simm.s32 $0x0;
	[sflag:s17] =	ssyncadd.s32 $0xFFFFD800  }
0x74: {  	v13 =	vld [tilespmem:s23+$0x7650]  }
0x75: {  	v14 =	vld [tilespmem:s23+$0x7620]  }
0x76: {  	v15 =	vld [tilespmem:s23+$0x4E20]  }
0x77: {  	v16 =	vld [tilespmem:s23+$0x7630]  }
0x78: {  	v17 =	vld [tilespmem:s23+$0x4E30]  }
0x79: {  	v18 =	vld [tilespmem:s23+$0x7640]  }
0x7a: {  	v19 =	vld [tilespmem:s23+$0x4E40]  }
0x7b: {  	v20 =	vld [tilespmem:s23+$0x4E50];
	_ =	sdelay $0x1  }
0x7c: {  	v14 =	vadd.f32 v14, v15;
	v15 =	vadd.f32 v16, v17;
	v16 =	vld [tilespmem:s23+$0x7660]  }
0x7d: {  	v17 =	vld [tilespmem:s23+$0x4E60]  }
0x7e: {  	v58 =	vld [tilespmem:s23+$0x4E70];
	v18 =	vadd.f32 v18, v19;
	v21 =	vmul.f32 $2.000000030e-01, v14;
	v22 =	vmul.f32 $2.000000030e-01, v15  }
0x7f: {  	v19 =	vld [tilespmem:s23+$0x7670];
	v13 =	vadd.f32 v13, v20;
	vm0 =	vgt.f32 v14, $0.0e+00;
	vm1 =	vgt.f32 v15, $0.0e+00  }
0x80: {  	v60 =	vld [tilespmem:s23+$0x7680];
	v59 =	vmul.f32 $2.000000030e-01, v18;
	v14 =	vsel vm0, v14, v21;
	v15 =	vsel vm1, v15, v22  }
0x81: {  	v23 =	vld [tilespmem:s23+$0x4E80];
	vm10 =	vgt.f32 v18, $0.0e+00;
	v14 =	vmul.f32 v14, v5;
	v15 =	vmul.f32 v15, v6  }
0x82: {  	v61 =	vmul.f32 $2.000000030e-01, v13;
	v18 =	vsel vm10, v18, v59;
	v16 =	vadd.f32 v16, v17;
	v17 =	vld [tilespmem:s23+$0x7690]  }
0x83: {  	vm11 =	vgt.f32 v13, $0.0e+00;
	v14 =	vadd.f32 v15, v14;
	v15 =	vmul.f32 v18, v7;
	v18 =	vld [tilespmem:s23+$0x4E90]  }
0x84: {  	v13 =	vsel vm11, v13, v61;
	v19 =	vadd.f32 v19, v58;
	v62 =	vmul.f32 $2.000000030e-01, v16  }
0x85: {  	v13 =	vmul.f32 v13, v8;
	vm12 =	vgt.f32 v16, $0.0e+00;
	v14 =	vadd.f32 v15, v14  }
0x86: {  	v63 =	vadd.f32 v60, v23;
	v15 =	vsel vm12, v16, v62;
	v16 =	vmul.f32 $2.000000030e-01, v19  }
0x87: {  	vm13 =	vgt.f32 v19, $0.0e+00;
	v13 =	vadd.f32 v13, v14;
	v14 =	vmul.f32 v15, v9  }
0x88: {  	v15 =	vsel vm13, v19, v16;
	v16 =	vmul.f32 $2.000000030e-01, v63;
	v17 =	vadd.f32 v17, v18  }
0x89: {  	vm14 =	vgt.f32 v63, $0.0e+00;
	v13 =	vadd.f32 v14, v13;
	v14 =	vmul.f32 v15, v10  }
0x8a: {  	v15 =	vsel vm14, v63, v16;
	v16 =	vmul.f32 $2.000000030e-01, v17  }
0x8b: {  	vm15 =	vgt.f32 v17, $0.0e+00;
	v13 =	vadd.f32 v14, v13;
	v14 =	vmul.f32 v15, v11  }
0x8c: {  	v15 =	vsel vm15, v17, v16  }
0x8d: {  	v13 =	vadd.f32 v14, v13;
	v14 =	vmul.f32 v15, v12;
	_ =	sdelay $0x1  }
0x8e: {  	v13 =	vadd.f32 v14, v13;
	_ =	sdelay $0x1  }
0x8f: {  	v14 =	vperm.xlane v13, v0;
	_ =	sdelay $0x1  }
0x90: {  	v13 =	vadd.f32 v13, v14;
	_ =	sdelay $0x1  }
0x91: {  	v14 =	vperm.xlane v13, v1;
	_ =	sdelay $0x1  }
0x92: {  	v13 =	vadd.f32 v13, v14;
	_ =	sdelay $0x1  }
0x93: {  	v14 =	vperm.xlane v13, v2;
	_ =	sdelay $0x1  }
0x94: {  	v13 =	vadd.f32 v13, v14;
	_ =	sdelay $0x1  }
0x95: {  	v14 =	vperm.xlane v13, v4;
	_ =	sdelay $0x1  }
0x96: {  	v13 =	vadd.f32 v13, v14;
	_ =	sdelay $0x1  }
0x97: {  	v13 =	vmul.f32 $1.442695020e+00, v13;
	_ =	sdelay $0x1  }
0x98: {  	(erf) = vpow2.f32 v13;
	_ =	sdelay $0x8  }
0x99: {  	s23 =	simm.s32 $0x9E20;
	v13 =	vpop (erf)  }
0x9a: {  	s25 =	simm.s32 $0x80;
	[tilespmem:s23+$0x0] =	vst v13  }
0x9b: {  	v13 =	vld [tilespmem:s25+$0x7650]  }
0x9c: {  	v14 =	vld [tilespmem:s25+$0x7620]  }
0x9d: {  	v15 =	vld [tilespmem:s25+$0x4E20]  }
0x9e: {  	s24 =	simm.s32 $0x400;
	v16 =	vld [tilespmem:s25+$0x7630]  }
.LBB2_5:
0x9f: {  	p1 =	sne.s32 s24, $0x9E00;
	v17 =	vld [tilespmem:s25+$0x4E30]  }
0xa0: {  	v18 =	vld [tilespmem:s25+$0x7640]  }
0xa1: {  	v19 =	vld [tilespmem:s25+$0x4E40]  }
0xa2: {  	v20 =	vld [tilespmem:s25+$0x4E50];
	_ =	sdelay $0x1  }
0xa3: {  	v14 =	vadd.f32 v14, v15;
	v15 =	vadd.f32 v16, v17;
	v16 =	vld [tilespmem:s25+$0x7660]  }
0xa4: {  	v17 =	vld [tilespmem:s25+$0x4E60]  }
0xa5: {  	v21 =	vmul.f32 $2.000000030e-01, v14;
	v22 =	vmul.f32 $2.000000030e-01, v15;
	v18 =	vadd.f32 v18, v19;
	v19 =	vld [tilespmem:s25+$0x7670]  }
0xa6: {  	vm0 =	vgt.f32 v14, $0.0e+00;
	vm1 =	vgt.f32 v15, $0.0e+00;
	v13 =	vadd.f32 v13, v20;
	v20 =	vld [tilespmem:s25+$0x4E70]  }
0xa7: {  	v14 =	vsel vm0, v14, v21;
	v15 =	vsel vm1, v15, v22;
	v21 =	vmul.f32 $2.000000030e-01, v18;
	v22 =	vld [tilespmem:s25+$0x7680]  }
0xa8: {  	v14 =	vmul.f32 v14, v5;
	vm0 =	vgt.f32 v18, $0.0e+00;
	v15 =	vmul.f32 v15, v6;
	v23 =	vld [tilespmem:s25+$0x4E80]  }
0xa9: {  	v18 =	vsel vm0, v18, v21;
	v21 =	vmul.f32 $2.000000030e-01, v13;
	v16 =	vadd.f32 v16, v17;
	v17 =	vld [tilespmem:s25+$0x7690]  }
0xaa: {  	vm0 =	vgt.f32 v13, $0.0e+00;
	v14 =	vadd.f32 v15, v14;
	v15 =	vmul.f32 v18, v7;
	v18 =	vld [tilespmem:s25+$0x4E90]  }
0xab: {  	v13 =	vsel vm0, v13, v21;
	v21 =	vmul.f32 $2.000000030e-01, v16;
	v19 =	vadd.f32 v19, v20  }
0xac: {  	vm0 =	vgt.f32 v16, $0.0e+00;
	v14 =	vadd.f32 v15, v14;
	v13 =	vmul.f32 v13, v8  }
0xad: {  	v15 =	vsel vm0, v16, v21;
	v16 =	vmul.f32 $2.000000030e-01, v19;
	v20 =	vadd.f32 v22, v23  }
0xae: {  	vm0 =	vgt.f32 v19, $0.0e+00;
	v13 =	vadd.f32 v13, v14;
	v14 =	vmul.f32 v15, v9  }
0xaf: {  	v15 =	vsel vm0, v19, v16;
	v16 =	vmul.f32 $2.000000030e-01, v20;
	v17 =	vadd.f32 v17, v18  }
0xb0: {  	vm0 =	vgt.f32 v20, $0.0e+00;
	v13 =	vadd.f32 v14, v13;
	v14 =	vmul.f32 v15, v10  }
0xb1: {  	v15 =	vsel vm0, v20, v16;
	v16 =	vmul.f32 $2.000000030e-01, v17  }
0xb2: {  	vm0 =	vgt.f32 v17, $0.0e+00;
	v13 =	vadd.f32 v14, v13;
	v14 =	vmul.f32 v15, v11  }
0xb3: {  	v15 =	vsel vm0, v17, v16  }
0xb4: {  	v13 =	vadd.f32 v14, v13;
	v14 =	vmul.f32 v15, v12;
	_ =	sdelay $0x1  }
0xb5: {  	v13 =	vadd.f32 v14, v13;
	_ =	sdelay $0x1  }
0xb6: {  	v14 =	vperm.xlane v13, v0;
	_ =	sdelay $0x1  }
0xb7: {  	v13 =	vadd.f32 v13, v14;
	_ =	sdelay $0x1  }
0xb8: {  	v14 =	vperm.xlane v13, v1;
	_ =	sdelay $0x1  }
0xb9: {  	v13 =	vadd.f32 v13, v14;
	_ =	sdelay $0x1  }
0xba: {  	v14 =	vperm.xlane v13, v2;
	_ =	sdelay $0x1  }
0xbb: {  	v13 =	vadd.f32 v13, v14;
	_ =	sdelay $0x1  }
0xbc: {  	v14 =	vperm.xlane v13, v4;
	_ =	sdelay $0x1  }
0xbd: {  	v13 =	vadd.f32 v13, v14;
	_ =	sdelay $0x1  }
0xbe: {  	v13 =	vmul.f32 $1.442695020e+00, v13;
	_ =	sdelay $0x1  }
0xbf: {  	(erf) = vpow2.f32 v13;
	_ =	sdelay $0x8  }
0xc0: {  	s23 =	sadd.s32 $0x10, s23;
	v13 =	vpop (erf)  }
.Ltmp1:
0xc1: {  	s25 =	sshra.s32 s24, $0x2;
	[tilespmem:s23+$0x0] =	vst v13;
	(pc) =	sbr.rel @p1 .LBB2_5-.Ltmp1, $4  }
0xc2: {  	v13 =	vld [tilespmem:s25+$0x7650]  }
0xc3: {  	v14 =	vld [tilespmem:s25+$0x7620]  }
0xc4: {  	v15 =	vld [tilespmem:s25+$0x4E20]  }
0xc5: {  	s24 =	sadd.s32 $0x200, s24;
	v16 =	vld [tilespmem:s25+$0x7630]  }
0xc6: {  	v17 =	vld [tilespmem:s25+$0x4E30]  }
0xc7: {  	v18 =	vld [tilespmem:s25+$0x7640]  }
0xc8: {  	v19 =	vld [tilespmem:s25+$0x4E40]  }
0xc9: {  	v20 =	vld [tilespmem:s25+$0x4E50];
	_ =	sdelay $0x1  }
0xca: {  	v50 =	vld [tilespmem:s25+$0x7660];
	v14 =	vadd.f32 v14, v15;
	v15 =	vadd.f32 v16, v17  }
0xcb: {  	v51 =	vld [tilespmem:s25+$0x4E60]  }
0xcc: {  	v52 =	vld [tilespmem:s25+$0x7670];
	v21 =	vmul.f32 $2.000000030e-01, v14;
	v18 =	vadd.f32 v18, v19;
	v22 =	vmul.f32 $2.000000030e-01, v15  }
0xcd: {  	v53 =	vld [tilespmem:s25+$0x4E70];
	vm0 =	vgt.f32 v14, $0.0e+00;
	v13 =	vadd.f32 v13, v20;
	vm1 =	vgt.f32 v15, $0.0e+00  }
0xce: {  	v55 =	vld [tilespmem:s25+$0x7680];
	v14 =	vsel vm0, v14, v21;
	v54 =	vmul.f32 $2.000000030e-01, v18;
	v15 =	vsel vm1, v15, v22  }
0xcf: {  	v23 =	vld [tilespmem:s25+$0x4E80];
	vm10 =	vgt.f32 v18, $0.0e+00;
	v14 =	vmul.f32 v14, v5;
	v15 =	vmul.f32 v15, v6  }
0xd0: {  	v57 =	vld [tilespmem:s25+$0x7690];
	v16 =	vadd.f32 v50, v51;
	v56 =	vmul.f32 $2.000000030e-01, v13;
	v18 =	vsel vm10, v18, v54  }
0xd1: {  	v58 =	vld [tilespmem:s25+$0x4E90];
	vm11 =	vgt.f32 v13, $0.0e+00;
	v14 =	vadd.f32 v15, v14;
	v15 =	vmul.f32 v18, v7  }
0xd2: {  	v19 =	vadd.f32 v52, v53;
	v59 =	vmul.f32 $2.000000030e-01, v16;
	v13 =	vsel vm11, v13, v56  }
0xd3: {  	vm12 =	vgt.f32 v16, $0.0e+00;
	v13 =	vmul.f32 v13, v8;
	v14 =	vadd.f32 v15, v14  }
0xd4: {  	v61 =	vadd.f32 v55, v23;
	v60 =	vmul.f32 $2.000000030e-01, v19;
	v15 =	vsel vm12, v16, v59  }
0xd5: {  	vm13 =	vgt.f32 v19, $0.0e+00;
	v13 =	vadd.f32 v13, v14;
	v14 =	vmul.f32 v15, v9  }
0xd6: {  	v17 =	vadd.f32 v57, v58;
	v62 =	vmul.f32 $2.000000030e-01, v61;
	v15 =	vsel vm13, v19, v60  }
0xd7: {  	vm14 =	vgt.f32 v61, $0.0e+00;
	v13 =	vadd.f32 v14, v13;
	v14 =	vmul.f32 v15, v10  }
0xd8: {  	v63 =	vmul.f32 $2.000000030e-01, v17;
	v15 =	vsel vm14, v61, v62  }
0xd9: {  	vm15 =	vgt.f32 v17, $0.0e+00;
	v13 =	vadd.f32 v14, v13;
	v14 =	vmul.f32 v15, v11  }
0xda: {  	v15 =	vsel vm15, v17, v63  }
0xdb: {  	v13 =	vadd.f32 v14, v13;
	v14 =	vmul.f32 v15, v12;
	_ =	sdelay $0x1  }
0xdc: {  	v13 =	vadd.f32 v14, v13;
	_ =	sdelay $0x1  }
0xdd: {  	v14 =	vperm.xlane v13, v0;
	_ =	sdelay $0x1  }
0xde: {  	v13 =	vadd.f32 v13, v14;
	_ =	sdelay $0x1  }
0xdf: {  	v14 =	vperm.xlane v13, v1;
	_ =	sdelay $0x1  }
0xe0: {  	v13 =	vadd.f32 v13, v14;
	_ =	sdelay $0x1  }
0xe1: {  	v14 =	vperm.xlane v13, v2;
	_ =	sdelay $0x1  }
0xe2: {  	v13 =	vadd.f32 v13, v14;
	_ =	sdelay $0x1  }
0xe3: {  	v14 =	vperm.xlane v13, v4;
	_ =	sdelay $0x1  }
0xe4: {  	v13 =	vadd.f32 v13, v14;
	_ =	sdelay $0x1  }
0xe5: {  	v13 =	vmul.f32 $1.442695020e+00, v13;
	_ =	sdelay $0x1  }
0xe6: {  	(erf) = vpow2.f32 v13;
	_ =	sdelay $0x7  }
0xe7: {  	s22 =	sadd.s32 s2, s22  }
0xe8: {  	s23 =	sadd.s32 $0x10, s23;
	s22 =	sshll.u32 s22, $0x1;
	v13 =	vpop (erf)  }
0xe9: {  	s22 =	sadd.s32 s16, s22;
	[tilespmem:s23+$0x0] =	vst v13  }
0xea: {  	[hbm4b:s22+s1] =	stream.linear.scatter [tilespmem:s18], [sflag:$0x3], $0x500, $0x38;
	[tilespmem:$0xCFB0] =	vst v63  }
0xeb: {  	s20 =	sadd.s32 $0x1, s20;
	_ =	swait.ge [sflag:s6], $0x500  }
0xec: {  	p1 =	sne.s32 s20, $0x7D;
	[sflag:s6] =	ssyncset.done $0x0  }
.Ltmp2:
0xed: {  	[sflag:s6] =	ssyncadd.s32 $0xFFFFFB00;
	(pc) =	sbr.rel @p1 .LBB2_4-.Ltmp2, $4  }
0xee: {  	[spmem:s12] =	stream.indirect.scatter.add.f32 [tilespmem:s18], [sflag:$0x3], $0x10, s21, s7, $0xb8;
	[tilespmem:$0xCFB0] =	vst v63  }
0xef: {  	_ =	swait.ge [sflag:s6], $0x500  }
0xf0: {  	[sflag:s6] =	ssyncset.done $0x0  }
0xf1: {  	[sflag:s6] =	ssyncadd.s32 $0xFFFFFB00  }
0xf2: {  	s20 =	stileid.u32  }
0xf3: {  	[bflag:$0x0] =	sbarrier.arrive $0xFFFF;
	s20 =	sshll.u32 s20, $0x6  }
0xf4: {  	s21 =	rddreg [dreg:$0x4];
	s20 =	sor.u32 $0x1C03, s20  }
0xf5: {  	[hbm:s21], [sflag:s20] =	dma.local [spmem:s29], $0xA0  }
0xf6: {  	_ =	swait.ge [sflag:s6], $0xA0  }
0xf7: {  	[sflag:s6] =	ssyncset.done $0x0  }
0xf8: {  	s23 =	rddreg [dreg:$0x5];
	[sflag:s6] =	ssyncadd.s32 $0xFFFFFF60  }
0xf9: {  	[hbm:s23], [sflag:s20] =	dma.local [spmem:s30], $0xA0  }
0xfa: {  	_ =	swait.ge [sflag:s6], $0xA0  }
0xfb: {  	[sflag:s6] =	ssyncset.done $0x0  }
0xfc: {  	s24 =	rddreg [dreg:$0x6];
	[sflag:s6] =	ssyncadd.s32 $0xFFFFFF60  }
0xfd: {  	[hbm:s24], [sflag:s20] =	dma.local [spmem:s31], $0xA0  }
0xfe: {  	_ =	swait.ge [sflag:s6], $0xA0  }
0xff: {  	[sflag:s6] =	ssyncset.done $0x0  }
0x100: {  	s25 =	rddreg [dreg:$0x7];
	[sflag:s6] =	ssyncadd.s32 $0xFFFFFF60  }
0x101: {  	[hbm:s25], [sflag:s20] =	dma.local [spmem:s9], $0xA0  }
0x102: {  	_ =	swait.ge [sflag:s6], $0xA0  }
0x103: {  	[sflag:s6] =	ssyncset.done $0x0  }
0x104: {  	s22 =	rddreg [dreg:$0x8];
	[sflag:s6] =	ssyncadd.s32 $0xFFFFFF60  }
0x105: {  	[hbm:s22], [sflag:s20] =	dma.local [spmem:s10], $0xA0  }
0x106: {  	_ =	swait.ge [sflag:s6], $0xA0  }
0x107: {  	[sflag:s6] =	ssyncset.done $0x0  }
0x108: {  	s23 =	rddreg [dreg:$0x9];
	[sflag:s6] =	ssyncadd.s32 $0xFFFFFF60  }
0x109: {  	[hbm:s23], [sflag:s20] =	dma.local [spmem:s0], $0xA0  }
0x10a: {  	_ =	swait.ge [sflag:s6], $0xA0  }
0x10b: {  	[sflag:s6] =	ssyncset.done $0x0  }
0x10c: {  	s24 =	rddreg [dreg:$0xa];
	[sflag:s6] =	ssyncadd.s32 $0xFFFFFF60  }
0x10d: {  	[hbm:s24], [sflag:s20] =	dma.local [spmem:s3], $0xA0  }
0x10e: {  	_ =	swait.ge [sflag:s6], $0xA0  }
0x10f: {  	[sflag:s6] =	ssyncset.done $0x0  }
0x110: {  	s21 =	rddreg [dreg:$0xb];
	[sflag:s6] =	ssyncadd.s32 $0xFFFFFF60  }
0x111: {  	[hbm:s21], [sflag:s20] =	dma.local @!p0 [spmem:s4], $0xA0  }
0x112: {  	s20 =	simm.s32 @!p0 $0x3  }
0x113: {  	_ =	swait.ge @!p0 [sflag:s20], $0xA0  }
0x114: {  	s19 =	sadd.s32 $0x1, s19;
	s25 =	rddreg [dreg:$0xe]  }
0x115: {  	p1 =	sne.s32 s19, s25  }
.Ltmp3:
0x116: {  	_ = 	snop;
	(pc) =	sbr.rel @p1 .LBB2_1-.Ltmp3, $3  }
0x117: {  	_ =	sdelay $0x1  }
0x118: {  	[sflag:s20] =	ssyncset.done @!p0 $0x0  }
0x119: {  	[sflag:s20] =	ssyncadd.s32 @!p0 $0xFFFFFF60  }
0x11a: {  	_ =	sfence.sel $0x180000  }
0x11b: {  	[bflag:$0x0] =	sbarrier.arrive $0xFFFF  }
0x11c: {  	_ =	strace $0x9000004D  }
0x11d: {  	s0 =	stileid.u32;
	[bflag:$0x2] =	sbarrier.arrive $0xFFFF  }
0x11e: {  	p0 =	sne.s32 s0, $0x0;
	s0 =	rddreg [dreg:$0x3]  }
0x11f: {  	s0 =	sadd.s32 @!p0 $0x100000, s0  }
0x120: {  	[sflag:s0] =	ssyncadd.tile.s32 @!p0 $0x1;
	_ =	shalt  }
.Lfunc_end2:
_tile_overlayer_lowered:
.L_overlay_start_2:
0x121: {  	(tag) =	ssettag $0x2  }
0x122: {  	s0 =	rddreg [dreg:$0x0];
	s2 =	stileid.u32  }
0x123: {  	s1 =	rddreg [dreg:$0x1];
	p0 =	sne.s32 s2, $0x0  }
0x124: {  	s3 =	rddreg [dreg:$0x2];
	[bflag:$0x3] =	sbarrier.arrive $0xFFFF;
	s2 =	simm.s32 @!p0 $0x1C03  }
0x125: {  	[timem:s3], [sflag:s2] =	dma.local @!p0 [hbm:s0], s1  }
0x126: {  	s0 =	simm.s32 @!p0 $0x3  }
0x127: {  	_ =	swait.ge @!p0 [sflag:s0], s1  }
0x128: {  	s1 =	ssub.s32 @!p0 $0x0, s1;
	[sflag:s0] =	ssyncset.done @!p0 $0x0  }
0x129: {  	[sflag:s0] =	ssyncadd.s32 @!p0 s1  }
0x12a: {  	[bflag:$0x3] =	sbarrier.arrive $0xFFFF  }
0x12b: {  	_ =	shalt  }

// kernel: kernel.20.cloned.1.call-start
scs
__scs_entry_jumppad:
0x0: {  	(pc) =	sbr.rel $0x88, $3  }
0x1: {  	(tag) =	ssettag $0x0;
	lr =	simm.s32 $0x1  }
0x2: {  	[smem:$0x3F84] =	sst lr;
	_ =	strace $0xD0000000  }
0x3: {  	_ = 	snop  }
0x4: {  	_ = 	snop  }
0x5: {  	_ = 	snop  }
0x6: {  	_ = 	snop  }
0x7: {  	_ = 	snop  }
__scs_overlays_trampoline_lowered:
0x8: {  	[smem:$0x3F93] =	sst s0  }
0x9: {  	[smem:$0x3F94] =	sst s1  }
0xa: {  	[smem:$0x3F95] =	sst s2  }
0xb: {  	[smem:$0x3F96] =	sst s3  }
0xc: {  	[smem:$0x3F97] =	sst s4  }
0xd: {  	[smem:$0x3F98] =	sst s5  }
0xe: {  	[smem:$0x3F99] =	sst s6  }
0xf: {  	[smem:$0x3F9A] =	sst s7  }
0x10: {  	[smem:$0x3F9B] =	sst s8  }
0x11: {  	[smem:$0x3F9C] =	sst s9;
	s0 =	simm.s32 @!p0 $0x0  }
0x12: {  	s1 =	sld [smem:$0x3F82];
	s0 =	simm.s32 @p0 $0x1  }
0x13: {  	[smem:$0x3F9D] =	sst s0;
	s0 =	simm.s32 @!p1 $0x0  }
0x14: {  	s2 =	sld [smem:$0x3F81];
	s0 =	simm.s32 @p1 $0x1  }
0x15: {  	[smem:$0x3F9E] =	sst s0;
	s0 =	simm.s32 @!p2 $0x0  }
0x16: {  	s3 =	sld [smem:$0x3FDB];
	s0 =	simm.s32 @p2 $0x1  }
0x17: {  	s4 =	simm.s32 $0x1BF5;
	[smem:$0x3FA0] =	sst s0  }
0x18: {  	s0 =	sld [smem:$0x3F83];
	_ =	swait.ge [sflag:s4], $0x0  }
0x19: {  	s7 =	sld [smem:$0x3F84]  }
0x1a: {  	s8 =	sadd.s32 $0xFFFFE003, lr  }
0x1b: {  	s9 =	sadd.s32 $0xFFFFFEF7, lr;
	s5 =	simm.s32 $0xFFFFFFFF;
	p2 =	slt.u32 s8, $0xFFFFF086  }
0x1c: {  	p1 =	slt.u32 s9, $0xF7A;
	s5 =	simm.s32 @!p2 $0x0  }
0x1d: {  	s5 =	simm.s32 @p1 $0x1;
	p0 =	seq.s32 s7, s2  }
0x1e: {  	s7 =	smul.u32 @!p0 $0xF7A, s2;
	p2 =	seq.s32 @!p0 s5, $0x0  }
0x1f: {  	s9 =	smul.u32 $0xF7A, s1;
	s8 =	simm.s32 @!p0 $0x1BF5;
	p2 =	por !p2, p0  }
0x20: {  	[sflag:s8] =	ssyncset.s32 @!p0 $0xFFFFF086;
	s6 =	sadd.s32 @!p0 s3, s7;
	s7 =	simm.s32 @!p0 $0x108  }
0x21: {  	s3 =	sadd.s32 s3, s9;
	s6 =	sadd.s32 @!p0 $0x88, s6;
	s7 =	simm.s32 @p2 $0x1082  }
0x22: {  	[simem:s7], [sflag:s8] =	dma.local @!p0 [hbm:s6], $0xF7A  }
0x23: {  	s9 =	sor.u32 $0xD0000000, s2;
	s6 =	simm.s32 $0x108;
	_ =	swait.ge @!p0 [sflag:s8], $0x0  }
0x24: {  	s3 =	sadd.s32 $0x88, s3;
	s6 =	simm.s32 @!p1 $0x1082;
	[sflag:s4] =	ssyncset.s32 $0xFFFFF086  }
0x25: {  	[simem:s6], [sflag:s4] =	dma.local [hbm:s3], $0xF7A  }
0x26: {  	[smem:$0x3F84] =	sst s1;
	(tag) =	ssettag s2;
	_ =	strace s9  }
0x27: {  	s1 =	sld [smem:$0x3F94]  }
0x28: {  	s2 =	sld [smem:$0x3F95]  }
0x29: {  	s4 =	sld [smem:$0x3F97]  }
0x2a: {  	p0 =	seq.s32 s5, $0x0;
	s5 =	sld [smem:$0x3F98]  }
0x2b: {  	s6 =	sld [smem:$0x3F99]  }
0x2c: {  	s7 =	sld [smem:$0x3F9A]  }
0x2d: {  	s3 =	simm.s32 $0x108;
	s8 =	sld [smem:$0x3F9B]  }
0x2e: {  	s3 =	simm.s32 @!p0 $0x1082;
	s9 =	sld [smem:$0x3F9C]  }
0x2f: {  	lr =	sadd.s32 s0, s3;
	s0 =	sld [smem:$0x3F93]  }
0x30: {  	s3 =	sld [smem:$0x3F96]  }
0x31: {  	[smem:$0x3F9F] =	sst s10  }
0x32: {  	s10 =	sld [smem:$0x3F9D];
	_ =	sdelay $0x3  }
0x33: {  	p0 =	seq.s32 s10, $0x1;
	s10 =	sld [smem:$0x3F9F];
	_ =	sdelay $0x3  }
0x34: {  	[smem:$0x3F9F] =	sst s10  }
0x35: {  	s10 =	sld [smem:$0x3F9E];
	_ =	sdelay $0x3  }
0x36: {  	p1 =	seq.s32 s10, $0x1;
	s10 =	sld [smem:$0x3F9F];
	_ =	sdelay $0x3  }
0x37: {  	[smem:$0x3F9F] =	sst s10  }
0x38: {  	s10 =	sld [smem:$0x3FA0]  }
0x39: {  	_ = 	snop;
	(pc) =	sbr.ind lr, $3  }
0x3a: {  	_ = 	snop  }
0x3b: {  	_ = 	snop  }
0x3c: {  	p2 =	seq.s32 s10, $0x1;
	s10 =	sld [smem:$0x3F9F]  }
0x3d: {  	_ =	shalt  }
0x3e: {  	_ =	shalt  }
0x3f: {  	_ =	shalt  }
0x40: {  	_ =	shalt  }
0x41: {  	_ =	shalt  }
0x42: {  	_ =	shalt  }
0x43: {  	_ =	shalt  }
0x44: {  	_ =	shalt  }
0x45: {  	_ =	shalt  }
0x46: {  	_ =	shalt  }
0x47: {  	_ =	shalt  }
0x48: {  	_ =	shalt  }
0x49: {  	_ =	shalt  }
0x4a: {  	_ =	shalt  }
0x4b: {  	_ =	shalt  }
0x4c: {  	_ =	shalt  }
0x4d: {  	_ =	shalt  }
0x4e: {  	_ =	shalt  }
0x4f: {  	_ =	shalt  }
0x50: {  	_ =	shalt  }
0x51: {  	_ =	shalt  }
0x52: {  	_ =	shalt  }
0x53: {  	_ =	shalt  }
0x54: {  	_ =	shalt  }
0x55: {  	_ =	shalt  }
0x56: {  	_ =	shalt  }
0x57: {  	_ =	shalt  }
0x58: {  	_ =	shalt  }
0x59: {  	_ =	shalt  }
0x5a: {  	_ =	shalt  }
0x5b: {  	_ =	shalt  }
0x5c: {  	_ =	shalt  }
0x5d: {  	_ =	shalt  }
0x5e: {  	_ =	shalt  }
0x5f: {  	_ =	shalt  }
0x60: {  	_ =	shalt  }
0x61: {  	_ =	shalt  }
0x62: {  	_ =	shalt  }
0x63: {  	_ =	shalt  }
0x64: {  	_ =	shalt  }
0x65: {  	_ =	shalt  }
0x66: {  	_ =	shalt  }
0x67: {  	_ =	shalt  }
0x68: {  	_ =	shalt  }
0x69: {  	_ =	shalt  }
0x6a: {  	_ =	shalt  }
0x6b: {  	_ =	shalt  }
0x6c: {  	_ =	shalt  }
0x6d: {  	_ =	shalt  }
0x6e: {  	_ =	shalt  }
0x6f: {  	_ =	shalt  }
0x70: {  	_ =	shalt  }
0x71: {  	_ =	shalt  }
0x72: {  	_ =	shalt  }
0x73: {  	_ =	shalt  }
0x74: {  	_ =	shalt  }
0x75: {  	_ =	shalt  }
0x76: {  	_ =	shalt  }
0x77: {  	_ =	shalt  }
0x78: {  	_ =	shalt  }
0x79: {  	_ =	shalt  }
0x7a: {  	_ =	shalt  }
0x7b: {  	_ =	shalt  }
0x7c: {  	_ =	shalt  }
0x7d: {  	_ =	shalt  }
0x7e: {  	_ =	shalt  }
0x7f: {  	_ =	shalt  }
0x80: {  	_ =	shalt  }
0x81: {  	_ =	shalt  }
0x82: {  	_ =	shalt  }
0x83: {  	_ =	shalt  }
0x84: {  	_ =	shalt  }
0x85: {  	_ =	shalt  }
0x86: {  	_ =	shalt  }
0x87: {  	_ =	shalt  }
.Lfunc_end0:
.L_simem_size_0:
called_computation.3_lowered:
.L_overlay_start_0:
0x88: {  	s2 =	sld [smem:$0x3FD9]  }
0x89: {  	s3 =	sld [smem:$0x3FFE];
	_ =	sdelay $0x1  }
0x8a: {  	s1 =	srdreg.scid  }
0x8b: {  	s0 =	sand.u32 $0x1, s1  }
0x8c: {  	s16 =	sshll.u32 s0, $0xA;
	s2 =	sadd.s32 s3, s2  }
0x8d: {  	s2 =	sadd.s32 s2, s16  }
0x8e: {  	[smem:$0x3FAB] =	sst s2  }
0x8f: {  	_ = 	snop  }
0x90: {  	(tm) =	ssettm $0x1  }
0x91: {  	s17 =	sld [smem:$0x3FFB];
	_ =	sdelay $0x3  }
0x92: {  	_ =	strace s17  }
0x93: {  	s2 =	sld [smem:$0x3FFC];
	_ =	sdelay $0x3  }
0x94: {  	_ =	strace s2  }
0x95: {  	s2 =	sld [smem:$0x3FFD];
	_ =	sdelay $0x3  }
0x96: {  	_ =	strace s2  }
0x97: {  	_ =	strace $0x8FFFFFFF  }
0x98: {  	s18 =	sld [smem:$0x3FDB];
	_ =	sdelay $0x1  }
0x99: {  	s19 =	simm.s32 $_scs_section_size  }
0x9a: {  	s4 =	simm.s32 $_size__tile_overlayer_lowered;
	s5 =	simm.s32 $_tile_overlayer_lowered  }
0x9b: {  	s22 =	simm.s32 $0x1BFF;
	s21 =	sshll.u32 s5, $0x1;
	s2 =	sadd.s32 s19, s18  }
0x9c: {  	s6 =	simm.s32 $0x0;
	s20 =	sshll.u32 s4, $0x1;
	s4 =	sadd.s32 s21, s2  }
0x9d: {  	[timem:s6], [sflag:s22] =	dma.local [hbm:s4], s20  }
0x9e: {  	_ =	swait.ge [sflag:s22], s20  }
0x9f: {  	s3 =	ssub.s32 $0x0, s20;
	[sflag:s22] =	ssyncset.done $0x0  }
0xa0: {  	[sflag:s22] =	ssyncadd.s32 s3;
	_ =	sdelay $0x1  }
0xa1: {  	s23 =	simm.s32 $0x1B8B  }
0xa2: {  	_ =	swait.ge [sflag:s23], $0x1  }
0xa3: {  	[sflag:s23] =	ssyncset.done $0x0  }
0xa4: {  	s25 =	simm.s32 $0x1B8E;
	s24 =	sld [smem:$0x3FFE];
	[sflag:s23] =	ssyncadd.s32 $0xFFFFFFFF  }
0xa5: {  	s26 =	simm.s32 $execute0_lowered;
	[smem:$0x3FD2] =	sst s25  }
0xa6: {  	s4 =	sshll.u32 s26, $0x1;
	_ =	strace $0x8000004F;
	[dreg:$0x1] =	wrdreg $0xFFFFFFFF  }
0xa7: {  	s28 =	simm.s32 $_size_execute0_lowered;
	s2 =	sadd.s32 s2, s4;
	[dreg:$0x0] =	wrdreg $0x0  }
0xa8: {  	s4 =	sshll.u32 s28, $0x1;
	[dreg:$0x2] =	wrdreg s2  }
0xa9: {  	[dreg:$0x3] =	wrdreg s4  }
0xaa: {  	[dreg:$0x4] =	wrdreg $0xC0  }
0xab: {  	_ =	task [dreg:s6], $0x5FFFF  }
0xac: {  	[dreg:$0x1] =	wrdreg $0xFFFFFFFF  }
0xad: {  	[dreg:$0x0] =	wrdreg $0x60  }
0xae: {  	[dreg:$0x2] =	wrdreg s24  }
0xaf: {  	[dreg:$0x3] =	wrdreg $0xDD400  }
0xb0: {  	[dreg:$0x4] =	wrdreg $0x9  }
0xb1: {  	_ =	task.clear_ibuf [dreg:s6], $0x5FFFF;
	_ =	strace $0x9000004F  }
0xb2: {  	s29 =	simm.s32 $0x9;
	_ =	strace $0x80000051  }
0xb3: {  	_ =	swait.ge [sflag:s29], $0x1  }
0xb4: {  	[sflag:s29] =	ssyncadd.s32 $0xFFFFFFFF  }
0xb5: {  	_ =	strace $0x90000051  }
0xb6: {  	_ =	sfence  }
0xb7: {  	s30 =	sld [smem:$0x0];
	_ =	sdelay $0x2  }
0xb8: {  	s31 =	sshll.u32 s1, $0xD;
	s1 =	sshrl.u32 s1, $0x2  }
0xb9: {  	s3 =	sand.u32 $0x4000, s31;
	s1 =	sadd.s32 s1, s30  }
0xba: {  	s0 =	sor.u32 s3, s0;
	s1 =	sshll.u32 s1, $0x11  }
0xbb: {  	s0 =	sor.u32 s1, s0  }
0xbc: {  	s0 =	sadd.s32 $0x8F2B, s0  }
0xbd: {  	[sflag:s0] =	ssyncadd.remote.s32 $0x1  }
0xbe: {  	_ =	sfence.sel $0xFFFF  }
0xbf: {  	[dreg:$0x0] =	wrdreg $0xFFFFFFFF;
	(pc) =	sbr.abs _section_cstart, $3  }
0xc0: {  	[dreg:$0x1] =	wrdreg $0xFFFFFFFF  }
0xc1: {  	_ =	task.clear_ibuf [dreg:s6], $0x2FFFF;
	_ =	strace $0x9FFFFFFF  }
0xc2: {  	(tm) =	ssettm $0x7FFFFFFF  }
0xc3: {  	_ =	shalt  }
tec
execute0_lowered:
.L_overlay_start_1:
0x0: {  	(tag) =	ssettag $0x1  }
0x1: {  	s1 =	srdreg.scid  }
0x2: {  	s5 =	rddreg [dreg:$0x0];
	s1 =	sand.u32 $0x1, s1  }
0x3: {  	s0 =	simm.s32 $0x0;
	s20 =	stileid.u32;
	s6 =	smul.u32 $0x13880, s1  }
0x4: {  	[smem:$0x7FF] =	sst s0;
	s7 =	sadd.s32 $0x42000, s5;
	s9 =	smul.u32 $0x9C400, s1  }
0x5: {  	s15 =	sor.u32 $0x40, s20;
	s2 =	ssub.s32 $0x2, s1;
	s1 =	smul.u32 $0x1400, s20  }
0x6: {  	s11 =	sor.u32 $0x10, s20;
	s17 =	sor.u32 $0x50, s20;
	s26 =	smul.u32 $0x1400, s15  }
0x7: {  	s12 =	sor.u32 $0x20, s20;
	s18 =	sor.u32 $0x60, s20;
	s28 =	smul.u32 $0x1400, s17  }
0x8: {  	s14 =	sor.u32 $0x30, s20;
	s19 =	sor.u32 $0x70, s20;
	s29 =	smul.u32 $0x1400, s18  }
0x9: {  	s30 =	smul.u32 $0x1400, s19;
	p0 =	sgt.u32 s19, $0x7C;
	s3 =	sshrl.u32 s2, $0x1  }
0xa: {  	s8 =	ssub.s32 s2, s3;
	s2 =	smul.u32 $0x1400, s11;
	s4 =	sadd.s32 s9, s1  }
0xb: {  	s3 =	smul.u32 $0x1400, s12;
	s16 =	sadd.s32 s9, s26;
	s21 =	sadd.s32 s9, s28  }
0xc: {  	s23 =	sadd.s32 s9, s29;
	s6 =	sadd.s32 s6, s5;
	s13 =	sshrl.u32 s4, $0x3  }
0xd: {  	s4 =	smul.u32 $0x1400, s14;
	s22 =	sshrl.u32 s21, $0x3;
	s10 =	sadd.s32 s9, s2  }
0xe: {  	s21 =	smul.u32 $0x5000, s20;
	s13 =	sadd.s32 s7, s13;
	s10 =	sshrl.u32 s10, $0x3  }
0xf: {  	s24 =	sadd.s32 s9, s3;
	[dreg:$0x3] =	wrdreg s13;
	s10 =	sadd.s32 s7, s10  }
0x10: {  	s25 =	sadd.s32 s9, s4;
	[dreg:$0x4] =	wrdreg s10;
	s10 =	sshrl.u32 s24, $0x3  }
0x11: {  	s13 =	sshrl.u32 s25, $0x3;
	s25 =	smul.u32 $0x5000, s11;
	s10 =	sadd.s32 s7, s10  }
0x12: {  	s9 =	sadd.s32 s9, s30;
	s11 =	smul.u32 $0x5000, s17;
	[dreg:$0x5] =	wrdreg s10  }
0x13: {  	s10 =	sadd.s32 s7, s13;
	s13 =	sshrl.u32 s23, $0x3;
	s23 =	smul.u32 $0x5000, s12  }
0x14: {  	s12 =	smul.u32 $0x5000, s18;
	[dreg:$0x6] =	wrdreg s10;
	s10 =	sshrl.u32 s16, $0x3  }
0x15: {  	s16 =	sshrl.u32 s9, $0x3;
	s9 =	rddreg [dreg:$0x1];
	s13 =	sadd.s32 s7, s13  }
0x16: {  	s10 =	sadd.s32 s7, s10;
	[dreg:$0x9] =	wrdreg s13;
	s13 =	sadd.s32 $0xC1200, s5  }
0x17: {  	s1 =	sadd.s32 s1, s9;
	s2 =	sadd.s32 s2, s9;
	s3 =	sadd.s32 s3, s9  }
0x18: {  	s4 =	sadd.s32 s4, s9;
	s18 =	sadd.s32 s26, s9;
	[dreg:$0x7] =	wrdreg s10  }
0x19: {  	s10 =	sadd.s32 s7, s22;
	s7 =	sadd.s32 s7, s16;
	s22 =	smax.u32 s8, $0x1  }
0x1a: {  	s26 =	sshrl.u32 s1, $0x3;
	[dreg:$0x8] =	wrdreg s10;
	s10 =	smul.u32 $0x4E20, s20  }
0x1b: {  	s31 =	sshrl.u32 s18, $0x3;
	[dreg:$0xa] =	wrdreg s7;
	s20 =	sadd.s32 s29, s9  }
0x1c: {  	s29 =	sshrl.u32 s3, $0x3;
	s3 =	simm.s32 $0xC940;
	s24 =	sshrl.u32 s10, $0x3  }
0x1d: {  	_ =	strace $0x80000050;
	s7 =	sadd.s32 s24, s5;
	s24 =	smul.u32 $0x5000, s14  }
0x1e: {  	[dreg:$0xd] =	wrdreg s22;
	s5 =	sshrl.u32 s25, $0x2;
	s25 =	smul.u32 $0x5000, s15  }
0x1f: {  	s1 =	sshrl.u32 s20, $0x3;
	s14 =	smul.u32 $0x5000, s19;
	s15 =	sshrl.u32 s11, $0x2  }
0x20: {  	s19 =	sadd.s32 s28, s9;
	s11 =	sadd.s32 s30, s9;
	s28 =	sshrl.u32 s2, $0x3  }
0x21: {  	s30 =	sshrl.u32 s4, $0x3;
	s4 =	simm.s32 $0x2;
	s16 =	sadd.s32 $0x7200, s7  }
0x22: {  	s7 =	sadd.s32 $0x11000, s7;
	s5 =	sadd.s32 s5, s9;
	[dreg:$0xb] =	wrdreg s16  }
0x23: {  	s2 =	sshrl.u32 @!p0 s11, $0x3;
	s11 =	simm.s32 $0xB540;
	[dreg:$0xc] =	wrdreg s7  }
0x24: {  	s16 =	sadd.s32 $0x1AE00, s6;
	s7 =	sshrl.u32 s21, $0x2;
	[dreg:$0xf] =	wrdreg s5  }
0x25: {  	s6 =	sshrl.u32 s23, $0x2;
	s8 =	sshrl.u32 s24, $0x2;
	s5 =	sshrl.u32 s25, $0x2  }
0x26: {  	s23 =	sadd.s32 s15, s9;
	s17 =	sshrl.u32 s14, $0x2;
	s7 =	sadd.s32 s7, s9  }
0x27: {  	s6 =	sadd.s32 s6, s9;
	s21 =	sadd.s32 s8, s9;
	s22 =	sadd.s32 s5, s9  }
0x28: {  	s25 =	sadd.s32 s17, s9;
	s8 =	sshrl.u32 s19, $0x3;
	[dreg:$0xe] =	wrdreg s7  }
0x29: {  	s5 =	simm.s32 $0x50;
	[dreg:$0x10] =	wrdreg s6;
	s6 =	sshrl.u32 s12, $0x2  }
0x2a: {  	v0 =	vimm.f32 $0.0e+00;
	s7 =	simm.s32 $0x1;
	s24 =	sadd.s32 s6, s9;
	s6 =	simm.s32 $0x9C40  }
.LBB2_1:
0x2b: {  	s14 =	simm.s32 $0x100;
	s12 =	simm.s32 $0x0  }
.LBB2_2:
0x2c: {  	p1 =	sne.s32 s14, $0x4F00;
	[tilespmem:s12+$0xC970] =	vst v0;
	s15 =	smov.u32 s14;
	s14 =	sadd.s32 $0x100, s14  }
.Ltmp0:
0x2d: {  	[tilespmem:s12+$0xC960] =	vst v0;
	(pc) =	sbr.rel @p1 .LBB2_2-.Ltmp0, $3  }
0x2e: {  	[tilespmem:s12+$0xC940] =	vst v0  }
0x2f: {  	[tilespmem:s12+$0xC950] =	vst v0;
	_ =	sdelay $0x1  }
0x30: {  	s12 =	sshra.s32 s15, $0x2  }
0x31: {  	[tilespmem:s12+$0xC970] =	vst v0  }
0x32: {  	[tilespmem:s12+$0xC960] =	vst v0  }
0x33: {  	[tilespmem:s12+$0xC940] =	vst v0  }
0x34: {  	[tilespmem:s12+$0xC950] =	vst v0;
	s17 =	rddreg [dreg:$0xe]  }
0x35: {  	[spmem:s17] =	stream.linear.scatter [tilespmem:s3], [sflag:$0x2], $0x1400, $0x38;
	[tilespmem:$0x17980] =	vst v63  }
0x36: {  	_ =	swait.ge [sflag:s4], $0x1400  }
0x37: {  	[sflag:s4] =	ssyncset.done $0x0  }
0x38: {  	s18 =	rddreg [dreg:$0xf];
	[sflag:s4] =	ssyncadd.s32 $0xFFFFEC00  }
0x39: {  	[spmem:s18] =	stream.linear.scatter [tilespmem:s3], [sflag:$0x2], $0x1400, $0x38;
	[tilespmem:$0x17980] =	vst v63  }
0x3a: {  	_ =	swait.ge [sflag:s4], $0x1400  }
0x3b: {  	[sflag:s4] =	ssyncset.done $0x0  }
0x3c: {  	s19 =	rddreg [dreg:$0x10];
	[sflag:s4] =	ssyncadd.s32 $0xFFFFEC00  }
0x3d: {  	[spmem:s19] =	stream.linear.scatter [tilespmem:s3], [sflag:$0x2], $0x1400, $0x38;
	[tilespmem:$0x17980] =	vst v63  }
0x3e: {  	_ =	swait.ge [sflag:s4], $0x1400  }
0x3f: {  	[sflag:s4] =	ssyncset.done $0x0  }
0x40: {  	[sflag:s4] =	ssyncadd.s32 $0xFFFFEC00  }
0x41: {  	[spmem:s21] =	stream.linear.scatter [tilespmem:s3], [sflag:$0x2], $0x1400, $0x38;
	[tilespmem:$0x17980] =	vst v63  }
0x42: {  	_ =	swait.ge [sflag:s4], $0x1400  }
0x43: {  	[sflag:s4] =	ssyncset.done $0x0  }
0x44: {  	[sflag:s4] =	ssyncadd.s32 $0xFFFFEC00  }
0x45: {  	[spmem:s22] =	stream.linear.scatter [tilespmem:s3], [sflag:$0x2], $0x1400, $0x38;
	[tilespmem:$0x17980] =	vst v63  }
0x46: {  	_ =	swait.ge [sflag:s4], $0x1400  }
0x47: {  	[sflag:s4] =	ssyncset.done $0x0  }
0x48: {  	[sflag:s4] =	ssyncadd.s32 $0xFFFFEC00  }
0x49: {  	[spmem:s23] =	stream.linear.scatter [tilespmem:s3], [sflag:$0x2], $0x1400, $0x38;
	[tilespmem:$0x17980] =	vst v63  }
0x4a: {  	_ =	swait.ge [sflag:s4], $0x1400  }
0x4b: {  	[sflag:s4] =	ssyncset.done $0x0  }
0x4c: {  	[sflag:s4] =	ssyncadd.s32 $0xFFFFEC00  }
0x4d: {  	[spmem:s24] =	stream.linear.scatter [tilespmem:s3], [sflag:$0x2], $0x1400, $0x38;
	[tilespmem:$0x17980] =	vst v63  }
0x4e: {  	_ =	swait.ge [sflag:s4], $0x1400  }
0x4f: {  	[sflag:s4] =	ssyncset.done $0x0  }
0x50: {  	s12 =	simm.s32 @!p0 $0xC940;
	[sflag:s4] =	ssyncadd.s32 $0xFFFFEC00  }
0x51: {  	[spmem:s25] =	stream.linear.scatter @!p0 [tilespmem:s12], [sflag:$0x2], $0x1400, $0x38;
	[tilespmem:$0x17980] =	vst v63  }
0x52: {  	s12 =	simm.s32 @!p0 $0x2  }
0x53: {  	_ =	swait.ge @!p0 [sflag:s12], $0x1400  }
0x54: {  	[sflag:s12] =	ssyncset.done @!p0 $0x0  }
0x55: {  	s14 =	rddreg [dreg:$0xb];
	[sflag:s12] =	ssyncadd.s32 @!p0 $0xFFFFEC00;
	s12 =	simm.s32 $0x0  }
0x56: {  	[tilespmem:s12], [sflag:$0x2] =	stream.linear.gather [hbm4b:s14+s12], $0x4E20, $0x38;
	[tilespmem:$0x17980] =	vst v63  }
0x57: {  	_ =	swait.ge [sflag:s4], $0x4E20  }
0x58: {  	[sflag:s4] =	ssyncset.done $0x0  }
0x59: {  	s15 =	simm.s32 $0x4E20;
	s20 =	rddreg [dreg:$0xc];
	[sflag:s4] =	ssyncadd.s32 $0xFFFFB1E0  }
0x5a: {  	[tilespmem:s15], [sflag:$0x2] =	stream.linear.gather [hbm4b:s20+s12], $0x4E20, $0x38;
	[tilespmem:$0x17980] =	vst v63  }
0x5b: {  	_ =	swait.ge [sflag:s4], $0x4E20  }
0x5c: {  	[sflag:s4] =	ssyncset.done $0x0  }
0x5d: {  	[sflag:s4] =	ssyncadd.s32 $0xFFFFB1E0  }
0x5e: {  	s14 =	simm.s32 $0x0;
	[bflag:$0x0] =	sbarrier.arrive $0xFFFF  }
.LBB2_4:
0x5f: {  	s15 =	smul.u32 $0x50, s14;
	_ =	sdelay $0x1  }
0x60: {  	[tilespmem:s6], [sflag:$0x1] =	stream.indirect.gather [hbm4b:s16+s5], $0x40, s15, s5, $0xb8;
	[tilespmem:$0x17980] =	vst v63  }
0x61: {  	s17 =	sadd.s32 s10, s15  }
0x62: {  	s17 =	sshll.u32 s17, $0x1  }
0x63: {  	s18 =	sadd.s32 s13, s17;
	s17 =	simm.s32 $0xB040  }
0x64: {  	[tilespmem:s17], [sflag:$0x2] =	stream.linear.gather [hbm4b:s18+s12], $0x500, $0x38;
	[tilespmem:$0x17980] =	vst v63  }
0x65: {  	_ =	swait.ge [sflag:s4], $0x500  }
0x66: {  	[sflag:s4] =	ssyncset.done $0x0  }
0x67: {  	[sflag:s4] =	ssyncadd.s32 $0xFFFFFB00  }
0x68: {  	_ =	swait.ge [sflag:s7], $0x1400  }
0x69: {  	[sflag:s7] =	ssyncset.done $0x0  }
0x6a: {  	s18 =	simm.s32 $0x0;
	[sflag:s7] =	ssyncadd.s32 $0xFFFFEC00  }
0x6b: {  	v1 =	vld [tilespmem:s18+$0x9C40]  }
0x6c: {  	v2 =	vld [tilespmem:s18+$0x9C50]  }
0x6d: {  	s19 =	simm.s32 $0x100;
	v3 =	vld [tilespmem:s18+$0x9C60]  }
.LBB2_5:
0x6e: {  	p1 =	sne.s32 s19, $0x4F00;
	v4 =	vld [tilespmem:s17+$0x0]  }
0x6f: {  	v5 =	vld [tilespmem:s18+$0x9C70];
	_ =	sdelay $0x3  }
0x70: {  	v1 =	vmul.f32 v1, v4;
	v2 =	vmul.f32 v2, v4  }
.Ltmp1:
0x71: {  	v3 =	vmul.f32 v3, v4;
	v4 =	vmul.f32 v5, v4;
	(pc) =	sbr.rel @p1 .LBB2_5-.Ltmp1, $4  }
0x72: {  	s20 =	sshra.s32 s19, $0x2;
	[tilespmem:s18+$0xB540] =	vst v1  }
0x73: {  	v1 =	vld [tilespmem:s20+$0x9C40];
	[tilespmem:s18+$0xB550] =	vst v2  }
0x74: {  	v2 =	vld [tilespmem:s20+$0x9C50];
	[tilespmem:s18+$0xB560] =	vst v3  }
0x75: {  	s19 =	sadd.s32 $0x100, s19;
	s17 =	sadd.s32 $0x10, s17;
	v3 =	vld [tilespmem:s20+$0x9C60];
	[tilespmem:s18+$0xB570] =	vst v4;
	s18 =	smov.u32 s20  }
0x76: {  	v4 =	vld [tilespmem:s17+$0x0];
	_ =	sdelay $0x2  }
0x77: {  	v5 =	vld [tilespmem:s18+$0x9C70];
	_ =	sdelay $0x1  }
0x78: {  	v1 =	vmul.f32 v1, v4  }
0x79: {  	v2 =	vmul.f32 v2, v4  }
0x7a: {  	v3 =	vmul.f32 v3, v4;
	[tilespmem:s18+$0xB540] =	vst v1  }
0x7b: {  	s14 =	sadd.s32 $0x1, s14;
	v1 =	vmul.f32 v5, v4;
	[tilespmem:s18+$0xB550] =	vst v2  }
0x7c: {  	p1 =	sne.s32 s14, $0xFA;
	[tilespmem:s18+$0xB560] =	vst v3  }
.Ltmp2:
0x7d: {  	s15 =	sadd.s32 $0x4E20, s15;
	[tilespmem:s18+$0xB570] =	vst v1;
	(pc) =	sbr.rel @p1 .LBB2_4-.Ltmp2, $4  }
0x7e: {  	[spmem:s9] =	stream.indirect.scatter.add.f32 [tilespmem:s11], [sflag:$0x2], $0x40, s15, s5, $0xb8;
	[tilespmem:$0x17980] =	vst v63  }
0x7f: {  	_ =	swait.ge [sflag:s4], $0x1400  }
0x80: {  	[sflag:s4] =	ssyncset.done $0x0  }
0x81: {  	[sflag:s4] =	ssyncadd.s32 $0xFFFFEC00  }
0x82: {  	s12 =	stileid.u32  }
0x83: {  	[bflag:$0x0] =	sbarrier.arrive $0xFFFF;
	s12 =	sshll.u32 s12, $0x6  }
0x84: {  	s14 =	rddreg [dreg:$0x3];
	s12 =	sor.u32 $0x1C02, s12  }
0x85: {  	[hbm:s14], [sflag:s12] =	dma.local [spmem:s26], $0x280  }
0x86: {  	_ =	swait.ge [sflag:s4], $0x280  }
0x87: {  	[sflag:s4] =	ssyncset.done $0x0  }
0x88: {  	s19 =	rddreg [dreg:$0x4];
	[sflag:s4] =	ssyncadd.s32 $0xFFFFFD80  }
0x89: {  	[hbm:s19], [sflag:s12] =	dma.local [spmem:s28], $0x280  }
0x8a: {  	_ =	swait.ge [sflag:s4], $0x280  }
0x8b: {  	[sflag:s4] =	ssyncset.done $0x0  }
0x8c: {  	s20 =	rddreg [dreg:$0x5];
	[sflag:s4] =	ssyncadd.s32 $0xFFFFFD80  }
0x8d: {  	[hbm:s20], [sflag:s12] =	dma.local [spmem:s29], $0x280  }
0x8e: {  	_ =	swait.ge [sflag:s4], $0x280  }
0x8f: {  	[sflag:s4] =	ssyncset.done $0x0  }
0x90: {  	s15 =	rddreg [dreg:$0x6];
	[sflag:s4] =	ssyncadd.s32 $0xFFFFFD80  }
0x91: {  	[hbm:s15], [sflag:s12] =	dma.local [spmem:s30], $0x280  }
0x92: {  	_ =	swait.ge [sflag:s4], $0x280  }
0x93: {  	[sflag:s4] =	ssyncset.done $0x0  }
0x94: {  	s17 =	rddreg [dreg:$0x7];
	[sflag:s4] =	ssyncadd.s32 $0xFFFFFD80  }
0x95: {  	[hbm:s17], [sflag:s12] =	dma.local [spmem:s31], $0x280  }
0x96: {  	_ =	swait.ge [sflag:s4], $0x280  }
0x97: {  	[sflag:s4] =	ssyncset.done $0x0  }
0x98: {  	s18 =	rddreg [dreg:$0x8];
	[sflag:s4] =	ssyncadd.s32 $0xFFFFFD80  }
0x99: {  	[hbm:s18], [sflag:s12] =	dma.local [spmem:s8], $0x280  }
0x9a: {  	_ =	swait.ge [sflag:s4], $0x280  }
0x9b: {  	[sflag:s4] =	ssyncset.done $0x0  }
0x9c: {  	s19 =	rddreg [dreg:$0x9];
	[sflag:s4] =	ssyncadd.s32 $0xFFFFFD80  }
0x9d: {  	[hbm:s19], [sflag:s12] =	dma.local [spmem:s1], $0x280  }
0x9e: {  	_ =	swait.ge [sflag:s4], $0x280  }
0x9f: {  	[sflag:s4] =	ssyncset.done $0x0  }
0xa0: {  	s14 =	rddreg [dreg:$0xa];
	[sflag:s4] =	ssyncadd.s32 $0xFFFFFD80  }
0xa1: {  	[hbm:s14], [sflag:s12] =	dma.local @!p0 [spmem:s2], $0x280  }
0xa2: {  	s12 =	simm.s32 @!p0 $0x2  }
0xa3: {  	_ =	swait.ge @!p0 [sflag:s12], $0x280  }
0xa4: {  	s0 =	sadd.s32 $0x1, s0;
	s20 =	rddreg [dreg:$0xd]  }
0xa5: {  	p1 =	sne.s32 s0, s20  }
.Ltmp3:
0xa6: {  	_ = 	snop;
	(pc) =	sbr.rel @p1 .LBB2_1-.Ltmp3, $3  }
0xa7: {  	_ =	sdelay $0x1  }
0xa8: {  	[sflag:s12] =	ssyncset.done @!p0 $0x0  }
0xa9: {  	[sflag:s12] =	ssyncadd.s32 @!p0 $0xFFFFFD80  }
0xaa: {  	_ =	sfence.sel $0x180000  }
0xab: {  	[bflag:$0x0] =	sbarrier.arrive $0xFFFF  }
0xac: {  	_ =	strace $0x90000050  }
0xad: {  	s0 =	stileid.u32;
	[bflag:$0x2] =	sbarrier.arrive $0xFFFF  }
0xae: {  	p0 =	sne.s32 s0, $0x0;
	s0 =	rddreg [dreg:$0x2]  }
0xaf: {  	s0 =	sadd.s32 @!p0 $0x100000, s0  }
0xb0: {  	[sflag:s0] =	ssyncadd.tile.s32 @!p0 $0x1;
	_ =	shalt  }
.Lfunc_end2:
_tile_overlayer_lowered:
.L_overlay_start_2:
0xb1: {  	(tag) =	ssettag $0x2  }
0xb2: {  	s0 =	rddreg [dreg:$0x0];
	s2 =	stileid.u32  }
0xb3: {  	s1 =	rddreg [dreg:$0x1];
	p0 =	sne.s32 s2, $0x0  }
0xb4: {  	s3 =	rddreg [dreg:$0x2];
	[bflag:$0x3] =	sbarrier.arrive $0xFFFF;
	s2 =	simm.s32 @!p0 $0x1C02  }
0xb5: {  	[timem:s3], [sflag:s2] =	dma.local @!p0 [hbm:s0], s1  }
0xb6: {  	s0 =	simm.s32 @!p0 $0x2  }
0xb7: {  	_ =	swait.ge @!p0 [sflag:s0], s1  }
0xb8: {  	s1 =	ssub.s32 @!p0 $0x0, s1;
	[sflag:s0] =	ssyncset.done @!p0 $0x0  }
0xb9: {  	[sflag:s0] =	ssyncadd.s32 @!p0 s1  }
0xba: {  	[bflag:$0x3] =	sbarrier.arrive $0xFFFF  }
0xbb: {  	_ =	shalt  }

// kernel: kernel.23.cloned.1.call-start
scs
__scs_entry_jumppad:
0x0: {  	(pc) =	sbr.rel $0x88, $3  }
0x1: {  	(tag) =	ssettag $0x0;
	lr =	simm.s32 $0x1  }
0x2: {  	[smem:$0x3F84] =	sst lr;
	_ =	strace $0xD0000000  }
0x3: {  	_ = 	snop  }
0x4: {  	_ = 	snop  }
0x5: {  	_ = 	snop  }
0x6: {  	_ = 	snop  }
0x7: {  	_ = 	snop  }
__scs_overlays_trampoline_lowered:
0x8: {  	[smem:$0x3F93] =	sst s0  }
0x9: {  	[smem:$0x3F94] =	sst s1  }
0xa: {  	[smem:$0x3F95] =	sst s2  }
0xb: {  	[smem:$0x3F96] =	sst s3  }
0xc: {  	[smem:$0x3F97] =	sst s4  }
0xd: {  	[smem:$0x3F98] =	sst s5  }
0xe: {  	[smem:$0x3F99] =	sst s6  }
0xf: {  	[smem:$0x3F9A] =	sst s7  }
0x10: {  	[smem:$0x3F9B] =	sst s8  }
0x11: {  	[smem:$0x3F9C] =	sst s9;
	s0 =	simm.s32 @!p0 $0x0  }
0x12: {  	s1 =	sld [smem:$0x3F82];
	s0 =	simm.s32 @p0 $0x1  }
0x13: {  	[smem:$0x3F9D] =	sst s0;
	s0 =	simm.s32 @!p1 $0x0  }
0x14: {  	s2 =	sld [smem:$0x3F81];
	s0 =	simm.s32 @p1 $0x1  }
0x15: {  	[smem:$0x3F9E] =	sst s0;
	s0 =	simm.s32 @!p2 $0x0  }
0x16: {  	s3 =	sld [smem:$0x3FDB];
	s0 =	simm.s32 @p2 $0x1  }
0x17: {  	s4 =	simm.s32 $0x1BF5;
	[smem:$0x3FA0] =	sst s0  }
0x18: {  	s0 =	sld [smem:$0x3F83];
	_ =	swait.ge [sflag:s4], $0x0  }
0x19: {  	s7 =	sld [smem:$0x3F84]  }
0x1a: {  	s8 =	sadd.s32 $0xFFFFE003, lr  }
0x1b: {  	s9 =	sadd.s32 $0xFFFFFEF7, lr;
	s5 =	simm.s32 $0xFFFFFFFF;
	p2 =	slt.u32 s8, $0xFFFFF086  }
0x1c: {  	p1 =	slt.u32 s9, $0xF7A;
	s5 =	simm.s32 @!p2 $0x0  }
0x1d: {  	s5 =	simm.s32 @p1 $0x1;
	p0 =	seq.s32 s7, s2  }
0x1e: {  	s7 =	smul.u32 @!p0 $0xF7A, s2;
	p2 =	seq.s32 @!p0 s5, $0x0  }
0x1f: {  	s9 =	smul.u32 $0xF7A, s1;
	s8 =	simm.s32 @!p0 $0x1BF5;
	p2 =	por !p2, p0  }
0x20: {  	[sflag:s8] =	ssyncset.s32 @!p0 $0xFFFFF086;
	s6 =	sadd.s32 @!p0 s3, s7;
	s7 =	simm.s32 @!p0 $0x108  }
0x21: {  	s3 =	sadd.s32 s3, s9;
	s6 =	sadd.s32 @!p0 $0x88, s6;
	s7 =	simm.s32 @p2 $0x1082  }
0x22: {  	[simem:s7], [sflag:s8] =	dma.local @!p0 [hbm:s6], $0xF7A  }
0x23: {  	s9 =	sor.u32 $0xD0000000, s2;
	s6 =	simm.s32 $0x108;
	_ =	swait.ge @!p0 [sflag:s8], $0x0  }
0x24: {  	s3 =	sadd.s32 $0x88, s3;
	s6 =	simm.s32 @!p1 $0x1082;
	[sflag:s4] =	ssyncset.s32 $0xFFFFF086  }
0x25: {  	[simem:s6], [sflag:s4] =	dma.local [hbm:s3], $0xF7A  }
0x26: {  	[smem:$0x3F84] =	sst s1;
	(tag) =	ssettag s2;
	_ =	strace s9  }
0x27: {  	s1 =	sld [smem:$0x3F94]  }
0x28: {  	s2 =	sld [smem:$0x3F95]  }
0x29: {  	s4 =	sld [smem:$0x3F97]  }
0x2a: {  	p0 =	seq.s32 s5, $0x0;
	s5 =	sld [smem:$0x3F98]  }
0x2b: {  	s6 =	sld [smem:$0x3F99]  }
0x2c: {  	s7 =	sld [smem:$0x3F9A]  }
0x2d: {  	s3 =	simm.s32 $0x108;
	s8 =	sld [smem:$0x3F9B]  }
0x2e: {  	s3 =	simm.s32 @!p0 $0x1082;
	s9 =	sld [smem:$0x3F9C]  }
0x2f: {  	lr =	sadd.s32 s0, s3;
	s0 =	sld [smem:$0x3F93]  }
0x30: {  	s3 =	sld [smem:$0x3F96]  }
0x31: {  	[smem:$0x3F9F] =	sst s10  }
0x32: {  	s10 =	sld [smem:$0x3F9D];
	_ =	sdelay $0x3  }
0x33: {  	p0 =	seq.s32 s10, $0x1;
	s10 =	sld [smem:$0x3F9F];
	_ =	sdelay $0x3  }
0x34: {  	[smem:$0x3F9F] =	sst s10  }
0x35: {  	s10 =	sld [smem:$0x3F9E];
	_ =	sdelay $0x3  }
0x36: {  	p1 =	seq.s32 s10, $0x1;
	s10 =	sld [smem:$0x3F9F];
	_ =	sdelay $0x3  }
0x37: {  	[smem:$0x3F9F] =	sst s10  }
0x38: {  	s10 =	sld [smem:$0x3FA0]  }
0x39: {  	_ = 	snop;
	(pc) =	sbr.ind lr, $3  }
0x3a: {  	_ = 	snop  }
0x3b: {  	_ = 	snop  }
0x3c: {  	p2 =	seq.s32 s10, $0x1;
	s10 =	sld [smem:$0x3F9F]  }
0x3d: {  	_ =	shalt  }
0x3e: {  	_ =	shalt  }
0x3f: {  	_ =	shalt  }
0x40: {  	_ =	shalt  }
0x41: {  	_ =	shalt  }
0x42: {  	_ =	shalt  }
0x43: {  	_ =	shalt  }
0x44: {  	_ =	shalt  }
0x45: {  	_ =	shalt  }
0x46: {  	_ =	shalt  }
0x47: {  	_ =	shalt  }
0x48: {  	_ =	shalt  }
0x49: {  	_ =	shalt  }
0x4a: {  	_ =	shalt  }
0x4b: {  	_ =	shalt  }
0x4c: {  	_ =	shalt  }
0x4d: {  	_ =	shalt  }
0x4e: {  	_ =	shalt  }
0x4f: {  	_ =	shalt  }
0x50: {  	_ =	shalt  }
0x51: {  	_ =	shalt  }
0x52: {  	_ =	shalt  }
0x53: {  	_ =	shalt  }
0x54: {  	_ =	shalt  }
0x55: {  	_ =	shalt  }
0x56: {  	_ =	shalt  }
0x57: {  	_ =	shalt  }
0x58: {  	_ =	shalt  }
0x59: {  	_ =	shalt  }
0x5a: {  	_ =	shalt  }
0x5b: {  	_ =	shalt  }
0x5c: {  	_ =	shalt  }
0x5d: {  	_ =	shalt  }
0x5e: {  	_ =	shalt  }
0x5f: {  	_ =	shalt  }
0x60: {  	_ =	shalt  }
0x61: {  	_ =	shalt  }
0x62: {  	_ =	shalt  }
0x63: {  	_ =	shalt  }
0x64: {  	_ =	shalt  }
0x65: {  	_ =	shalt  }
0x66: {  	_ =	shalt  }
0x67: {  	_ =	shalt  }
0x68: {  	_ =	shalt  }
0x69: {  	_ =	shalt  }
0x6a: {  	_ =	shalt  }
0x6b: {  	_ =	shalt  }
0x6c: {  	_ =	shalt  }
0x6d: {  	_ =	shalt  }
0x6e: {  	_ =	shalt  }
0x6f: {  	_ =	shalt  }
0x70: {  	_ =	shalt  }
0x71: {  	_ =	shalt  }
0x72: {  	_ =	shalt  }
0x73: {  	_ =	shalt  }
0x74: {  	_ =	shalt  }
0x75: {  	_ =	shalt  }
0x76: {  	_ =	shalt  }
0x77: {  	_ =	shalt  }
0x78: {  	_ =	shalt  }
0x79: {  	_ =	shalt  }
0x7a: {  	_ =	shalt  }
0x7b: {  	_ =	shalt  }
0x7c: {  	_ =	shalt  }
0x7d: {  	_ =	shalt  }
0x7e: {  	_ =	shalt  }
0x7f: {  	_ =	shalt  }
0x80: {  	_ =	shalt  }
0x81: {  	_ =	shalt  }
0x82: {  	_ =	shalt  }
0x83: {  	_ =	shalt  }
0x84: {  	_ =	shalt  }
0x85: {  	_ =	shalt  }
0x86: {  	_ =	shalt  }
0x87: {  	_ =	shalt  }
.Lfunc_end0:
.L_simem_size_0:
called_computation.4_lowered:
.L_overlay_start_0:
0x88: {  	s2 =	sld [smem:$0x3FD9]  }
0x89: {  	s3 =	sld [smem:$0x3FFE];
	_ =	sdelay $0x1  }
0x8a: {  	s1 =	srdreg.scid  }
0x8b: {  	s0 =	sand.u32 $0x1, s1  }
0x8c: {  	s17 =	sshll.u32 s0, $0xA;
	s2 =	sadd.s32 s3, s2  }
0x8d: {  	s2 =	sadd.s32 s2, s17  }
0x8e: {  	[smem:$0x3FAB] =	sst s2  }
0x8f: {  	_ = 	snop  }
0x90: {  	s2 =	sld [smem:$0x3FC6]  }
0x91: {  	s18 =	sld [smem:$0x3FC4]  }
0x92: {  	s4 =	sld [smem:$0x3FB5]  }
0x93: {  	s5 =	sld [smem:$0x3FD0];
	(tm) =	ssettm $0x1  }
0x94: {  	s6 =	sld [smem:$0x3FFB];
	_ =	sdelay $0x3  }
0x95: {  	_ =	strace s6  }
0x96: {  	s6 =	sld [smem:$0x3FFC];
	_ =	sdelay $0x3  }
0x97: {  	_ =	strace s6  }
0x98: {  	s6 =	sld [smem:$0x3FFD];
	_ =	sdelay $0x3  }
0x99: {  	_ =	strace s6  }
0x9a: {  	_ =	strace $0x8FFFFFFF  }
0x9b: {  	s19 =	sld [smem:$0x3FDB];
	_ =	sdelay $0x1  }
0x9c: {  	s7 =	simm.s32 $_scs_section_size  }
0x9d: {  	s8 =	simm.s32 $_size__tile_overlayer_lowered;
	s9 =	simm.s32 $_tile_overlayer_lowered  }
0x9e: {  	s22 =	simm.s32 $0x1BFF;
	s21 =	sshll.u32 s9, $0x1;
	s6 =	sadd.s32 s7, s19  }
0x9f: {  	s10 =	simm.s32 $0x0;
	s20 =	sshll.u32 s8, $0x1;
	s8 =	sadd.s32 s21, s6  }
0xa0: {  	[timem:s10], [sflag:s22] =	dma.local [hbm:s8], s20  }
0xa1: {  	_ =	swait.ge [sflag:s22], s20  }
0xa2: {  	s7 =	ssub.s32 $0x0, s20;
	[sflag:s22] =	ssyncset.done $0x0  }
0xa3: {  	[sflag:s22] =	ssyncadd.s32 s7;
	_ =	sdelay $0x1  }
0xa4: {  	s23 =	simm.s32 $0x1B8B  }
0xa5: {  	_ =	swait.ge [sflag:s23], $0x1  }
0xa6: {  	[sflag:s23] =	ssyncset.done $0x0  }
0xa7: {  	s25 =	simm.s32 $0x1B8E;
	s24 =	sld [smem:$0x3FFE];
	[sflag:s23] =	ssyncadd.s32 $0xFFFFFFFF  }
0xa8: {  	s26 =	simm.s32 $execute0_lowered;
	[smem:$0x3FD2] =	sst s25  }
0xa9: {  	s8 =	sshll.u32 s26, $0x1;
	_ =	strace $0x80000052;
	[dreg:$0x1] =	wrdreg $0xFFFFFFFF  }
0xaa: {  	s28 =	simm.s32 $_size_execute0_lowered;
	s6 =	sadd.s32 s6, s8;
	[dreg:$0x0] =	wrdreg $0x0  }
0xab: {  	s8 =	sshll.u32 s28, $0x1;
	[dreg:$0x2] =	wrdreg s6  }
0xac: {  	[dreg:$0x3] =	wrdreg s8  }
0xad: {  	[dreg:$0x4] =	wrdreg $0xC0  }
0xae: {  	_ =	task [dreg:s10], $0x5FFFF  }
0xaf: {  	[dreg:$0x1] =	wrdreg $0xFFFFFFFF  }
0xb0: {  	[dreg:$0x0] =	wrdreg $0x60  }
0xb1: {  	[dreg:$0x2] =	wrdreg s24  }
0xb2: {  	[dreg:$0x3] =	wrdreg s4  }
0xb3: {  	[dreg:$0x4] =	wrdreg s2  }
0xb4: {  	[dreg:$0x5] =	wrdreg s5  }
0xb5: {  	[dreg:$0x6] =	wrdreg s18  }
0xb6: {  	[dreg:$0x7] =	wrdreg $0x9  }
0xb7: {  	_ =	task.clear_ibuf [dreg:s10], $0x8FFFF;
	_ =	strace $0x90000052  }
0xb8: {  	s29 =	simm.s32 $0x9;
	_ =	strace $0x80000054  }
0xb9: {  	_ =	swait.ge [sflag:s29], $0x1  }
0xba: {  	[sflag:s29] =	ssyncadd.s32 $0xFFFFFFFF  }
0xbb: {  	_ =	strace $0x90000054  }
0xbc: {  	_ =	sfence  }
0xbd: {  	s30 =	sld [smem:$0x0];
	_ =	sdelay $0x2  }
0xbe: {  	s31 =	sshll.u32 s1, $0xD;
	s1 =	sshrl.u32 s1, $0x2  }
0xbf: {  	s3 =	sand.u32 $0x4000, s31;
	s1 =	sadd.s32 s1, s30  }
0xc0: {  	s0 =	sor.u32 s3, s0;
	s1 =	sshll.u32 s1, $0x11  }
0xc1: {  	s0 =	sor.u32 s1, s0  }
0xc2: {  	s0 =	sadd.s32 $0x8F2B, s0  }
0xc3: {  	[sflag:s0] =	ssyncadd.remote.s32 $0x1  }
0xc4: {  	_ =	sfence.sel $0xFFFF  }
0xc5: {  	[dreg:$0x0] =	wrdreg $0xFFFFFFFF;
	(pc) =	sbr.abs _section_cstart, $3  }
0xc6: {  	[dreg:$0x1] =	wrdreg $0xFFFFFFFF  }
0xc7: {  	_ =	task.clear_ibuf [dreg:s10], $0x2FFFF;
	_ =	strace $0x9FFFFFFF  }
0xc8: {  	(tm) =	ssettm $0x7FFFFFFF  }
0xc9: {  	_ =	shalt  }
tec
execute0_lowered:
.L_overlay_start_1:
0x0: {  	(tag) =	ssettag $0x1  }
0x1: {  	s17 =	rddreg [dreg:$0x0]  }
0x2: {  	s1 =	rddreg [dreg:$0x1]  }
0x3: {  	s4 =	rddreg [dreg:$0x2];
	s2 =	srdreg.scid  }
0x4: {  	s6 =	rddreg [dreg:$0x3];
	s0 =	stileid.u32;
	s18 =	sand.u32 $0x1, s2  }
0x5: {  	s8 =	rddreg [dreg:$0x4];
	s5 =	sshll.u32 s0, $0x6;
	s7 =	sshll.u32 s18, $0x5  }
0x6: {  	s3 =	simm.s32 $0x0;
	s2 =	rddreg [dreg:$0x5];
	s19 =	sor.u32 s7, s5  }
0x7: {  	[smem:$0x7FF] =	sst s3;
	s9 =	sshrl.u32 s19, $0x3  }
0x8: {  	_ =	strace $0x80000053;
	s5 =	sadd.s32 s4, s9;
	s4 =	simm.s32 $0x4  }
0x9: {  	[tilespmem:s3], [sflag:$0x4] =	stream.linear.gather [hbm4b:s5+s3], $0x20, $0x38;
	[tilespmem:$0x3060] =	vst v63  }
0xa: {  	_ =	swait.ge [sflag:s4], $0x20  }
0xb: {  	[sflag:s4] =	ssyncset.done $0x0  }
0xc: {  	s7 =	simm.s32 $0x20;
	s6 =	sadd.s32 s6, s9;
	[sflag:s4] =	ssyncadd.s32 $0xFFFFFFE0  }
0xd: {  	[tilespmem:s7], [sflag:$0x4] =	stream.linear.gather [hbm4b:s6+s3], $0x20, $0x38;
	[tilespmem:$0x3060] =	vst v63  }
0xe: {  	_ =	swait.ge [sflag:s4], $0x20  }
0xf: {  	[sflag:s4] =	ssyncset.done $0x0  }
0x10: {  	s8 =	sadd.s32 s8, s9;
	s9 =	simm.s32 $0x40;
	[sflag:s4] =	ssyncadd.s32 $0xFFFFFFE0  }
0x11: {  	[tilespmem:s9], [sflag:$0x4] =	stream.linear.gather [hbm4b:s8+s3], $0x20, $0x38;
	[tilespmem:$0x3060] =	vst v63  }
0x12: {  	_ =	swait.ge [sflag:s4], $0x20  }
0x13: {  	[sflag:s4] =	ssyncset.done $0x0  }
0x14: {  	s11 =	simm.s32 $0x60;
	s10 =	sadd.s32 $0x7200, s17;
	[sflag:s4] =	ssyncadd.s32 $0xFFFFFFE0  }
0x15: {  	[tilespmem:s11], [sflag:$0x1] =	stream.indirect.gather [hbm4b:s10+s7], $0x80, s3, s7, $0xb8;
	[tilespmem:$0x3060] =	vst v63  }
0x16: {  	s12 =	simm.s32 $0x1060  }
0x17: {  	[tilespmem:s12], [sflag:$0x2] =	stream.indirect.gather [hbm4b:s10+s7], $0x80, s7, s7, $0xb8;
	[tilespmem:$0x3060] =	vst v63  }
0x18: {  	s13 =	simm.s32 $0x2060;
	s14 =	simm.s32 $0x1  }
0x19: {  	[tilespmem:s13], [sflag:$0x3] =	stream.indirect.gather [hbm4b:s1+s7], $0x80, s9, s7, $0xb8;
	[tilespmem:$0x3060] =	vst v63  }
0x1a: {  	_ =	swait.ge [sflag:s14], $0x1000  }
0x1b: {  	[sflag:s14] =	ssyncset.done $0x0  }
0x1c: {  	s15 =	simm.s32 $0x2;
	[sflag:s14] =	ssyncadd.s32 $0xFFFFF000  }
0x1d: {  	_ =	swait.ge [sflag:s15], $0x1000  }
0x1e: {  	[sflag:s15] =	ssyncset.done $0x0  }
0x1f: {  	s16 =	simm.s32 $0x3;
	[sflag:s15] =	ssyncadd.s32 $0xFFFFF000  }
0x20: {  	s19 =	sshll.u32 s19, $0x4;
	_ =	swait.ge [sflag:s16], $0x1000  }
0x21: {  	s19 =	sadd.s32 s19, s17;
	[sflag:s16] =	ssyncset.done $0x0  }
0x22: {  	s20 =	ssub.s32 $0x2, s18;
	s17 =	sadd.s32 $0x2E400, s19;
	[sflag:s16] =	ssyncadd.s32 $0xFFFFF000  }
0x23: {  	[hbm4b:s17+s3] =	stream.linear.scatter [tilespmem:s11], [sflag:$0x4], $0x1000, $0x38;
	[tilespmem:$0x3060] =	vst v63  }
0x24: {  	s21 =	sshrl.u32 s20, $0x1;
	_ =	swait.ge [sflag:s4], $0x1000  }
0x25: {  	s20 =	ssub.s32 s20, s21;
	[sflag:s4] =	ssyncset.done $0x0  }
0x26: {  	s20 =	smax.u32 s20, $0x1;
	s18 =	sadd.s32 $0x32400, s19;
	[sflag:s4] =	ssyncadd.s32 $0xFFFFF000  }
0x27: {  	[hbm4b:s18+s3] =	stream.linear.scatter [tilespmem:s12], [sflag:$0x4], $0x1000, $0x38;
	[tilespmem:$0x3060] =	vst v63  }
0x28: {  	p0 =	sne.s32 s20, $0x1;
	_ =	swait.ge [sflag:s4], $0x1000  }
.Ltmp0:
0x29: {  	[sflag:s4] =	ssyncset.done $0x0;
	(pc) =	sbr.rel @!p0 .LBB2_2-.Ltmp0, $4  }
0x2a: {  	s19 =	sadd.s32 $0x36400, s19;
	[sflag:s4] =	ssyncadd.s32 $0xFFFFF000  }
0x2b: {  	[hbm4b:s19+s3] =	stream.linear.scatter [tilespmem:s13], [sflag:$0x4], $0x1000, $0x38;
	[tilespmem:$0x3060] =	vst v63  }
0x2c: {  	_ =	swait.ge [sflag:s4], $0x1000  }
0x2d: {  	s20 =	sadd.s32 $0xFFFFFFFF, s20;
	[sflag:s4] =	ssyncset.done $0x0  }
.LBB2_1:
0x2e: {  	p0 =	sne.s32 s20, $0x1;
	s20 =	sadd.s32 $0xFFFFFFFF, s20;
	[sflag:s4] =	ssyncadd.s32 $0xFFFFF000  }
0x2f: {  	[tilespmem:s3], [sflag:$0x4] =	stream.linear.gather [hbm4b:s5+s3], $0x20, $0x38;
	[tilespmem:$0x3060] =	vst v63  }
0x30: {  	_ =	swait.ge [sflag:s4], $0x20  }
0x31: {  	[sflag:s4] =	ssyncset.done $0x0  }
0x32: {  	[sflag:s4] =	ssyncadd.s32 $0xFFFFFFE0  }
0x33: {  	[tilespmem:s7], [sflag:$0x4] =	stream.linear.gather [hbm4b:s6+s3], $0x20, $0x38;
	[tilespmem:$0x3060] =	vst v63  }
0x34: {  	_ =	swait.ge [sflag:s4], $0x20  }
0x35: {  	[sflag:s4] =	ssyncset.done $0x0  }
0x36: {  	[sflag:s4] =	ssyncadd.s32 $0xFFFFFFE0  }
0x37: {  	[tilespmem:s9], [sflag:$0x4] =	stream.linear.gather [hbm4b:s8+s3], $0x20, $0x38;
	[tilespmem:$0x3060] =	vst v63  }
0x38: {  	_ =	swait.ge [sflag:s4], $0x20  }
0x39: {  	[sflag:s4] =	ssyncset.done $0x0  }
0x3a: {  	[sflag:s4] =	ssyncadd.s32 $0xFFFFFFE0  }
0x3b: {  	[tilespmem:s11], [sflag:$0x1] =	stream.indirect.gather [hbm4b:s10+s7], $0x80, s3, s7, $0xb8;
	[tilespmem:$0x3060] =	vst v63  }
0x3c: {  	_ = 	snop  }
0x3d: {  	[tilespmem:s12], [sflag:$0x2] =	stream.indirect.gather [hbm4b:s10+s7], $0x80, s7, s7, $0xb8;
	[tilespmem:$0x3060] =	vst v63  }
0x3e: {  	_ = 	snop  }
0x3f: {  	[tilespmem:s13], [sflag:$0x3] =	stream.indirect.gather [hbm4b:s1+s7], $0x80, s9, s7, $0xb8;
	[tilespmem:$0x3060] =	vst v63  }
0x40: {  	_ =	swait.ge [sflag:s14], $0x1000  }
0x41: {  	[sflag:s14] =	ssyncset.done $0x0  }
0x42: {  	[sflag:s14] =	ssyncadd.s32 $0xFFFFF000  }
0x43: {  	_ =	swait.ge [sflag:s15], $0x1000  }
0x44: {  	[sflag:s15] =	ssyncset.done $0x0  }
0x45: {  	[sflag:s15] =	ssyncadd.s32 $0xFFFFF000  }
0x46: {  	_ =	swait.ge [sflag:s16], $0x1000  }
0x47: {  	[sflag:s16] =	ssyncset.done $0x0  }
0x48: {  	[sflag:s16] =	ssyncadd.s32 $0xFFFFF000  }
0x49: {  	[hbm4b:s17+s3] =	stream.linear.scatter [tilespmem:s11], [sflag:$0x4], $0x1000, $0x38;
	[tilespmem:$0x3060] =	vst v63  }
0x4a: {  	_ =	swait.ge [sflag:s4], $0x1000  }
0x4b: {  	[sflag:s4] =	ssyncset.done $0x0  }
0x4c: {  	[sflag:s4] =	ssyncadd.s32 $0xFFFFF000  }
0x4d: {  	[hbm4b:s18+s3] =	stream.linear.scatter [tilespmem:s12], [sflag:$0x4], $0x1000, $0x38;
	[tilespmem:$0x3060] =	vst v63  }
0x4e: {  	_ =	swait.ge [sflag:s4], $0x1000  }
.Ltmp1:
0x4f: {  	[sflag:s4] =	ssyncset.done $0x0;
	(pc) =	sbr.rel @p0 .LBB2_1-.Ltmp1, $4  }
0x50: {  	[sflag:s4] =	ssyncadd.s32 $0xFFFFF000  }
0x51: {  	[hbm4b:s19+s3] =	stream.linear.scatter [tilespmem:s13], [sflag:$0x4], $0x1000, $0x38;
	[tilespmem:$0x3060] =	vst v63  }
0x52: {  	_ =	swait.ge [sflag:s4], $0x1000  }
0x53: {  	[sflag:s4] =	ssyncset.done $0x0  }
.LBB2_2:
0x54: {  	[sflag:s4] =	ssyncadd.s32 $0xFFFFF000  }
0x55: {  	_ =	sfence.sel $0x180000  }
0x56: {  	[bflag:$0x0] =	sbarrier.arrive $0xFFFF  }
0x57: {  	p0 =	sne.s32 s0, $0x0;
	_ =	strace $0x90000053  }
0x58: {  	s0 =	sadd.s32 @!p0 $0x100000, s2;
	[bflag:$0x2] =	sbarrier.arrive $0xFFFF  }
0x59: {  	[sflag:s0] =	ssyncadd.tile.s32 @!p0 $0x1;
	_ =	shalt  }
.Lfunc_end2:
_tile_overlayer_lowered:
.L_overlay_start_2:
0x5a: {  	(tag) =	ssettag $0x2  }
0x5b: {  	s0 =	rddreg [dreg:$0x0];
	s2 =	stileid.u32  }
0x5c: {  	s1 =	rddreg [dreg:$0x1];
	p0 =	sne.s32 s2, $0x0  }
0x5d: {  	s3 =	rddreg [dreg:$0x2];
	[bflag:$0x3] =	sbarrier.arrive $0xFFFF;
	s2 =	simm.s32 @!p0 $0x1C04  }
0x5e: {  	[timem:s3], [sflag:s2] =	dma.local @!p0 [hbm:s0], s1  }
0x5f: {  	s0 =	simm.s32 @!p0 $0x4  }
0x60: {  	_ =	swait.ge @!p0 [sflag:s0], s1  }
0x61: {  	s1 =	ssub.s32 @!p0 $0x0, s1;
	[sflag:s0] =	ssyncset.done @!p0 $0x0  }
0x62: {  	[sflag:s0] =	ssyncadd.s32 @!p0 s1  }
0x63: {  	[bflag:$0x3] =	sbarrier.arrive $0xFFFF  }
0x64: {  	_ =	shalt  }

</sc_bundles>
